<compile_context>
chip_gen: v7x
topology: tpu7x:2x2x1
jax: 0.10.2.dev20260603
libtpu: 0.0.44.dev20260713+nightly
codegen_flags: <defaults>
</compile_context>

<pallas_src>
import jax
import jax.numpy as jnp
from jax import lax
from jax.experimental import pallas as pl
from jax.experimental.pallas import tpu as pltpu
from jax.experimental.pallas import tpu_sc as plsc

N = 10000
E = 320000
D = 128
H = 128
LDIM = 64
G = 64
MAXN = 160

NC = 2
NS = 16
E2 = E // NC
CH = 1280
NCHUNK = E2 // CH
HEPT = E // (NC * NS)

NB = 2000
GRID = N // NB


def _mesh():
    return plsc.VectorSubcoreMesh(
        core_axis_name="c", subcore_axis_name="s", num_cores=NC, num_subcores=NS
    )


def _sc_hist_body(dst_hbm, hist_hbm, tbl, dbuf):
    c = lax.axis_index("c")
    s = lax.axis_index("s")
    wid = c * NS + s
    lane = lax.iota(jnp.int32, 16)
    one = jnp.ones((16,), jnp.float32)
    zv = jnp.zeros((16,), jnp.float32)

    def zloop(i, _):
        tbl[i, :] = zv
        return 0

    lax.fori_loop(0, N // 16, zloop, 0, unroll=4)
    pltpu.sync_copy(dst_hbm.at[pl.ds(wid * HEPT, HEPT)], dbuf)

    def grp(jj, _):
        dv = dbuf[pl.ds(jj * 16, 16)]
        for k in range(16):
            plsc.addupdate_scatter(tbl, [dv >> 4, dv & 15], one, mask=lane == k)
        return 0

    lax.fori_loop(0, HEPT // 16, grp, 0)
    pltpu.sync_copy(tbl, hist_hbm.at[wid])


_hist = pl.kernel(
    _sc_hist_body,
    out_type=jax.ShapeDtypeStruct((NC * NS, N // 16, 16), jnp.float32),
    mesh=_mesh(),
    compiler_params=pltpu.CompilerParams(needs_layout_passes=False, use_tc_tiling_on_sc=False),
    scratch_types=[
        pltpu.VMEM((N // 16, 16), jnp.float32),
        pltpu.VMEM((HEPT,), jnp.int32),
    ],
)


def _sc_scatter_body(g_hbm, src_hbm, dst_hbm, out_hbm, tbl, srcb, dstb, idxb,
                     rows, semg):
    c = lax.axis_index("c")
    s = lax.axis_index("s")
    lane = lax.iota(jnp.int32, 16)
    lane07 = lane & 7
    half = lane >> 3
    masklo = lane < 8
    maskhi = lane >= 8
    zv = jnp.zeros((16,), jnp.float32)

    def zloop(i, _):
        plsc.store_scatter(tbl, [2 * i + half, lane07], zv)
        return 0

    lax.fori_loop(0, N // 2, zloop, 0, unroll=4)

    ebase = c * E2

    def chunk(bk, _):
        e0 = ebase + bk * CH
        pltpu.sync_copy(src_hbm.at[pl.ds(e0, CH)], srcb)
        pltpu.sync_copy(dst_hbm.at[pl.ds(e0, CH)], dstb)

        def mkidx(k, __):
            idxb[pl.ds(k * 16, 16)] = srcb[pl.ds(k * 16, 16)] * NS + s
            return 0

        lax.fori_loop(0, CH // 16, mkidx, 0, unroll=4)

        cps = [
            pltpu.async_copy(
                g_hbm.at[idxb.at[pl.ds(r * 128, 128)]],
                rows.at[pl.ds(r * 128, 128)],
                semg,
            )
            for r in range(CH // 128)
        ]
        for cp in cps:
            cp.wait()

        def grp(jj, __):
            eb = jj * 16
            for p in range(8):
                eidx = eb + 2 * p + half
                vals = plsc.load_gather(rows, [eidx, lane07])
                dv = plsc.load_gather(dstb, [eidx])
                plsc.addupdate_scatter(tbl, [dv, lane07], vals, mask=masklo)
                plsc.addupdate_scatter(tbl, [dv, lane07], vals, mask=maskhi)
            return 0

        lax.fori_loop(0, CH // 16, grp, 0)
        return 0

    lax.fori_loop(0, NCHUNK, chunk, 0)
    pltpu.sync_copy(tbl, out_hbm.at[c, :, s, :])


_scatter = pl.kernel(
    _sc_scatter_body,
    out_type=jax.ShapeDtypeStruct((NC, N, NS, 8), jnp.float32),
    mesh=_mesh(),
    compiler_params=pltpu.CompilerParams(needs_layout_passes=False, use_tc_tiling_on_sc=False),
    scratch_types=[
        pltpu.VMEM((N, 8), jnp.float32),
        pltpu.VMEM((CH,), jnp.int32),
        pltpu.VMEM((CH,), jnp.int32),
        pltpu.VMEM((CH,), jnp.int32),
        pltpu.VMEM((CH, 8), jnp.float32),
        pltpu.SemaphoreType.DMA,
    ],
)


def _tc_dis_body(hist_ref, dis_ref):
    ones = jnp.ones((NC * NS, 1), jnp.float32)
    deg = lax.dot_general(hist_ref[...], ones, (((0,), (0,)), ((), ())),
                          preferred_element_type=jnp.float32) + 1.0
    dis_ref[...] = lax.rsqrt(deg)


def _tc_dis(hist):
    return pl.pallas_call(
        _tc_dis_body,
        out_shape=jax.ShapeDtypeStruct((N, 1), jnp.float32),
    )(hist)


def _tc_first_body(dis_ref, x_ref, w1_ref, g_ref):
    t = jnp.dot(x_ref[...], w1_ref[...], preferred_element_type=jnp.float32)
    g_ref[...] = t * dis_ref[...]


def _tc_first(dis, x, W1):
    return pl.pallas_call(
        _tc_first_body,
        grid=(GRID,),
        in_specs=[
            pl.BlockSpec((NB, 1), lambda i: (i, 0)),
            pl.BlockSpec((NB, D), lambda i: (i, 0)),
            pl.BlockSpec((D, H), lambda i: (0, 0)),
        ],
        out_specs=pl.BlockSpec((NB, H), lambda i: (i, 0)),
        out_shape=jax.ShapeDtypeStruct((N, H), jnp.float32),
    )(dis, x, W1)


def _tc_mid_body(pp_ref, gprev_ref, dis_ref, b_ref, w_ref, gout_ref):
    a = pp_ref[...]
    dis = dis_ref[...]
    h = jnp.maximum((a[0] + a[1] + gprev_ref[...]) * dis + b_ref[...], 0.0)
    t = jnp.dot(h, w_ref[...], preferred_element_type=jnp.float32)
    gout_ref[...] = t * dis


def _tc_mid(pp, gprev, dis, b, W):
    return pl.pallas_call(
        _tc_mid_body,
        grid=(GRID,),
        in_specs=[
            pl.BlockSpec((NC, NB, H), lambda i: (0, i, 0)),
            pl.BlockSpec((NB, H), lambda i: (i, 0)),
            pl.BlockSpec((NB, 1), lambda i: (i, 0)),
            pl.BlockSpec((1, H), lambda i: (0, 0)),
            pl.BlockSpec((H, H), lambda i: (0, 0)),
        ],
        out_specs=pl.BlockSpec((NB, H), lambda i: (i, 0)),
        out_shape=jax.ShapeDtypeStruct((N, H), jnp.float32),
    )(pp, gprev, dis, b, W)


def _tc_enc_body(pp_ref, g4_ref, dis_ref, b4_ref, batch_ref, muW_ref, mub_ref,
                 lvW_ref, lvb_ref, d1W_ref, d1b_ref, eps_ref, mu_ref, lv_ref,
                 xd_ref, acc_ref):
    i = pl.program_id(0)
    a = pp_ref[...]
    dis = dis_ref[...]
    h = jnp.maximum((a[0] + a[1] + g4_ref[...]) * dis + b4_ref[...], 0.0)
    gid = lax.broadcasted_iota(jnp.int32, (NB, G), 1).astype(jnp.float32)
    onehot = (gid == batch_ref[...]).astype(jnp.float32)
    seg = lax.dot_general(onehot, h, (((0,), (0,)), ((), ())),
                          preferred_element_type=jnp.float32)

    @pl.when(i == 0)
    def _():
        acc_ref[...] = seg

    @pl.when(i > 0)
    def _():
        acc_ref[...] = acc_ref[...] + seg

    @pl.when(i == GRID - 1)
    def _():
        pooled = acc_ref[...]
        mu = jnp.dot(pooled, muW_ref[...],
                     preferred_element_type=jnp.float32) + mub_ref[...]
        lv = jnp.dot(pooled, lvW_ref[...],
                     preferred_element_type=jnp.float32) + lvb_ref[...]
        std = jnp.exp(0.5 * lv)
        z = mu + eps_ref[...] * std
        xd = jnp.maximum(
            jnp.dot(z, d1W_ref[...], preferred_element_type=jnp.float32)
            + d1b_ref[...], 0.0)
        mu_ref[...] = mu
        lv_ref[...] = lv
        xd_ref[...] = xd


def _tc_enc(pp, g4, dis, b4, batchf, muW, mub, lvW, lvb, d1W, d1b, eps):
    full = lambda shape: pl.BlockSpec(shape, lambda i: tuple(0 for _ in shape))
    return pl.pallas_call(
        _tc_enc_body,
        grid=(GRID,),
        in_specs=[
            pl.BlockSpec((NC, NB, H), lambda i: (0, i, 0)),
            pl.BlockSpec((NB, H), lambda i: (i, 0)),
            pl.BlockSpec((NB, 1), lambda i: (i, 0)),
            full((1, H)),
            pl.BlockSpec((NB, 1), lambda i: (i, 0)),
            full((H, LDIM)),
            full((1, LDIM)),
            full((H, LDIM)),
            full((1, LDIM)),
            full((LDIM, 256)),
            full((1, 256)),
            full((G, LDIM)),
        ],
        out_specs=[full((G, LDIM)), full((G, LDIM)), full((G, 256))],
        out_shape=[
            jax.ShapeDtypeStruct((G, LDIM), jnp.float32),
            jax.ShapeDtypeStruct((G, LDIM), jnp.float32),
            jax.ShapeDtypeStruct((G, 256), jnp.float32),
        ],
        scratch_shapes=[pltpu.VMEM((G, H), jnp.float32)],
    )(pp, g4, dis, b4, batchf, muW, mub, lvW, lvb, d1W, d1b, eps)


ABLK = MAXN * MAXN // 8
NBLK = MAXN * D // 8


def _tc_dec_body(xd_ref, aW_ref, ab_ref, nW_ref, nb_ref, adj_ref, node_ref):
    xd = xd_ref[...]
    adj_ref[...] = jax.nn.sigmoid(
        jnp.dot(xd, aW_ref[...], preferred_element_type=jnp.float32)
        + ab_ref[...])
    node_ref[...] = jnp.dot(
        xd, nW_ref[...], preferred_element_type=jnp.float32) + nb_ref[...]


def _tc_dec(xd, aW, ab, nW, nb):
    return pl.pallas_call(
        _tc_dec_body,
        grid=(8,),
        in_specs=[
            pl.BlockSpec((G, 256), lambda i: (0, 0)),
            pl.BlockSpec((256, ABLK), lambda i: (0, i)),
            pl.BlockSpec((1, ABLK), lambda i: (0, i)),
            pl.BlockSpec((256, NBLK), lambda i: (0, i)),
            pl.BlockSpec((1, NBLK), lambda i: (0, i)),
        ],
        out_specs=[
            pl.BlockSpec((G, ABLK), lambda i: (0, i)),
            pl.BlockSpec((G, NBLK), lambda i: (0, i)),
        ],
        out_shape=[
            jax.ShapeDtypeStruct((G, MAXN * MAXN), jnp.float32),
            jax.ShapeDtypeStruct((G, MAXN * D), jnp.float32),
        ],
    )(xd, aW, ab, nW, nb)


def kernel(x, edge_index, batch, W1, b1, W2, b2, W3, b3, W4, b4, mu_W, mu_b,
           lv_W, lv_b, dec1_W, dec1_b, adj_W, adj_b, node_W, node_b):
    src = edge_index[0]
    dst = edge_index[1]

    hist = _hist(dst).reshape(NC * NS, N)
    dis = _tc_dis(hist)
    g1 = _tc_first(dis, x, W1)

    p = _scatter(g1.reshape(N * NS, 8), src, dst).reshape(NC, N, H)
    g2 = _tc_mid(p, g1, dis, b1.reshape(1, H), W2)
    p = _scatter(g2.reshape(N * NS, 8), src, dst).reshape(NC, N, H)
    g3 = _tc_mid(p, g2, dis, b2.reshape(1, H), W3)
    p = _scatter(g3.reshape(N * NS, 8), src, dst).reshape(NC, N, H)
    g4 = _tc_mid(p, g3, dis, b3.reshape(1, H), W4)
    p = _scatter(g4.reshape(N * NS, 8), src, dst).reshape(NC, N, H)

    eps = jax.random.normal(jax.random.key(42), (G, LDIM), jnp.float32)
    batchf = batch.astype(jnp.float32).reshape(N, 1)
    mu, logvar, xd = _tc_enc(p, g4, dis, b4.reshape(1, H), batchf, mu_W,
                             mu_b.reshape(1, LDIM), lv_W, lv_b.reshape(1, LDIM),
                             dec1_W, dec1_b.reshape(1, 256), eps)
    adj, node = _tc_dec(xd, adj_W, adj_b.reshape(1, MAXN * MAXN), node_W,
                        node_b.reshape(1, MAXN * D))
    return (adj.reshape(G, MAXN, MAXN), node.reshape(G, MAXN, D), mu, logvar)

# --- scband reference (transcript-rebuilt; emitter-appended) ---
"""Pipeline reference for scband-graph-vae-27367531610237 (READ-ONLY COPY).

The authoritative reference and input builder live on the scoring server;
editing this copy changes nothing except your own understanding.
"""

import jax, jax.numpy as jnp
import numpy as np

N = 10000
E = 320000
D = 128
H = 128
L = 64
G = 64
MAXN = 160


def _p(k, shape):
    fan_in = shape[0] if len(shape) > 1 else shape[0]
    return jax.random.normal(k, shape, dtype=jnp.float32) * (1.0 / np.sqrt(fan_in))


def setup_inputs(seed: int = 0) -> dict:
    key = jax.random.key(seed)
    ks = jax.random.split(key, 24)
    x = jax.random.normal(ks[0], (N, D), dtype=jnp.float32)
    edge_index = jax.random.randint(ks[1], (2, E), 0, N, dtype=jnp.int32)
    batch = jnp.sort(jax.random.randint(ks[2], (N,), 0, G, dtype=jnp.int32))
    inp = {"x": x, "edge_index": edge_index, "batch": batch}
    inp["W1"] = _p(ks[3], (D, H)); inp["b1"] = jnp.zeros((H,), jnp.float32)
    inp["W2"] = _p(ks[4], (H, H)); inp["b2"] = jnp.zeros((H,), jnp.float32)
    inp["W3"] = _p(ks[5], (H, H)); inp["b3"] = jnp.zeros((H,), jnp.float32)
    inp["W4"] = _p(ks[6], (H, H)); inp["b4"] = jnp.zeros((H,), jnp.float32)
    inp["mu_W"] = _p(ks[7], (H, L)); inp["mu_b"] = jnp.zeros((L,), jnp.float32)
    inp["lv_W"] = _p(ks[8], (H, L)); inp["lv_b"] = jnp.zeros((L,), jnp.float32)
    inp["dec1_W"] = _p(ks[9], (L, 256)); inp["dec1_b"] = jnp.zeros((256,), jnp.float32)
    inp["adj_W"] = _p(ks[10], (256, MAXN * MAXN)); inp["adj_b"] = jnp.zeros((MAXN * MAXN,), jnp.float32)
    inp["node_W"] = _p(ks[11], (256, MAXN * D)); inp["node_b"] = jnp.zeros((MAXN * D,), jnp.float32)
    return inp


def _gcn_conv(x, src, dst, W, b):
    # GCNConv: linear transform, add self loops, symmetric deg normalization, scatter-add aggregate
    h = x @ W
    loop = jnp.arange(N, dtype=src.dtype)
    s = jnp.concatenate([src, loop])
    d = jnp.concatenate([dst, loop])
    deg = jnp.zeros((N,), jnp.float32).at[d].add(1.0)
    dis = jax.lax.rsqrt(jnp.maximum(deg, 1.0))
    norm = dis[s] * dis[d]
    msg = h[s] * norm[:, None]
    out = jnp.zeros((N, h.shape[1]), jnp.float32).at[d].add(msg)
    return out + b


def reference(x, edge_index, batch, W1, b1, W2, b2, W3, b3, W4, b4, mu_W, mu_b, lv_W, lv_b, dec1_W, dec1_b, adj_W, adj_b, node_W, node_b):
    src = edge_index[0]
    dst = edge_index[1]
    h = jax.nn.relu(_gcn_conv(x, src, dst, W1, b1))
    h = jax.nn.relu(_gcn_conv(h, src, dst, W2, b2))
    h = jax.nn.relu(_gcn_conv(h, src, dst, W3, b3))
    h = jax.nn.relu(_gcn_conv(h, src, dst, W4, b4))
    pooled = jax.ops.segment_sum(h, batch, num_segments=G)
    mu = pooled @ mu_W + mu_b
    logvar = pooled @ lv_W + lv_b
    std = jnp.exp(0.5 * logvar)
    eps = jax.random.normal(jax.random.key(42), std.shape, dtype=jnp.float32)
    z = mu + eps * std
    xd = jax.nn.relu(z @ dec1_W + dec1_b)
    adj_recon = jax.nn.sigmoid(xd @ adj_W + adj_b).reshape(-1, MAXN, MAXN)
    node_features = (xd @ node_W + node_b).reshape(-1, MAXN, D)
    return (adj_recon, node_features, mu, logvar)

if __name__ == "__main__":
    import jax
    _d = setup_inputs()
    print(jax.jit(kernel)(*tuple(_d.values())))

</pallas_src>

<mosaic_0001>
#map = affine_map<(d0, d1) -> (0, 0)>
#map1 = affine_map<(d0, d1) -> (0)>
#map2 = affine_map<(d0, d1) -> (0, 0, 0, 0)>
module attributes {stable_mosaic.version = 14 : i64} {
  func.func @_sc_scatter_body(%arg0: i32, %arg1: i32, %arg2: memref<160000x8xf32, #tpu.memory_space<hbm>>, %arg3: memref<320000xi32, #tpu.memory_space<hbm>>, %arg4: memref<320000xi32, #tpu.memory_space<hbm>>, %arg5: memref<2x10000x16x8xf32, #tpu.memory_space<hbm>>, %arg6: memref<10000x8xf32, #tpu.memory_space<vmem>>, %arg7: memref<1280xi32, #tpu.memory_space<vmem>>, %arg8: memref<1280xi32, #tpu.memory_space<vmem>>, %arg9: memref<1280xi32, #tpu.memory_space<vmem>>, %arg10: memref<1280x8xf32, #tpu.memory_space<vmem>>, %arg11: memref<!tpu.dma_semaphore, #tpu.memory_space<semaphore_mem>>) attributes {dimension_semantics = [#tpu.dimension_semantics<core_parallel>, #tpu.dimension_semantics<subcore_parallel>], iteration_bounds = array<i64: 2, 16>, scalar_prefetch = 0 : i64, scratch_operands = 6 : i64, tpu.core_type = #tpu.core_type<sc_vector_subcore>, window_params = [{transform_indices = #map}, {transform_indices = #map1}, {transform_indices = #map1}, {transform_indices = #map2}]} {
    %iota3A = tpu.iota {dimensions = array<i32: 0>} : vector<16xi32>
    %and3A = arith.constant 7 : i32
    %and3A_0 = vector.broadcast %and3A : i32 to vector<16xi32>
    %and3A_1 = arith.andi %iota3A, %and3A_0 : vector<16xi32>
    %shift_right_arithmetic3A = arith.constant 3 : i32
    %shift_right_arithmetic3A_2 = vector.broadcast %shift_right_arithmetic3A : i32 to vector<16xi32>
    %shift_right_arithmetic3A_3 = arith.shrsi %iota3A, %shift_right_arithmetic3A_2 : vector<16xi32>
    %lt3A = arith.constant 8 : i32
    %lt3A_4 = vector.broadcast %lt3A : i32 to vector<16xi32>
    %lt3A_5 = arith.cmpi slt, %iota3A, %lt3A_4 : vector<16xi32>
    %ge3A = arith.constant 8 : i32
    %ge3A_6 = vector.broadcast %ge3A : i32 to vector<16xi32>
    %ge3A_7 = arith.cmpi sge, %iota3A, %ge3A_6 : vector<16xi32>
    %broadcast_in_dim3A = arith.constant 0.000000e+00 : f32
    %broadcast_in_dim3A_8 = vector.broadcast %broadcast_in_dim3A : f32 to vector<16xf32>
    %scan3A = arith.constant 0 : i32
    %scan3A_9 = arith.constant 0 : i32
    %scan3A_10 = arith.constant 5000 : i32
    %scan3A_11 = arith.addi %scan3A_9, %scan3A_10 : i32
    %scan3A_12 = arith.constant 4 : i32
    %scan3A_13 = scf.for %scan3A_23 = %scan3A_9 to %scan3A_11 step %scan3A_12 iter_args(%scan3A_24 = %scan3A) -> (i32)  : i32 {
      %mul3A_25 = arith.constant 2 : i32
      %mul3A_26 = arith.muli %mul3A_25, %scan3A_23 : i32
      %add3A = vector.broadcast %mul3A_26 : i32 to vector<16xi32>
      %add3A_27 = arith.addi %add3A, %shift_right_arithmetic3A_3 : vector<16xi32>
      tpu.vector_store_idx %arg6[%add3A_27, %and3A_1], %broadcast_in_dim3A_8 : memref<10000x8xf32, #tpu.memory_space<vmem>>[vector<16xi32>, vector<16xi32>], vector<16xf32>,
      %scan3A_28 = arith.constant 0 : i32
      %scan3A_29 = arith.constant 1 : i32
      %scan3A_30 = arith.addi %scan3A_23, %scan3A_29 : i32
      %mul3A_31 = arith.constant 2 : i32
      %mul3A_32 = arith.muli %mul3A_31, %scan3A_30 : i32
      %add3A_33 = vector.broadcast %mul3A_32 : i32 to vector<16xi32>
      %add3A_34 = arith.addi %add3A_33, %shift_right_arithmetic3A_3 : vector<16xi32>
      tpu.vector_store_idx %arg6[%add3A_34, %and3A_1], %broadcast_in_dim3A_8 : memref<10000x8xf32, #tpu.memory_space<vmem>>[vector<16xi32>, vector<16xi32>], vector<16xf32>,
      %scan3A_35 = arith.constant 0 : i32
      %scan3A_36 = arith.constant 2 : i32
      %scan3A_37 = arith.addi %scan3A_23, %scan3A_36 : i32
      %mul3A_38 = arith.constant 2 : i32
      %mul3A_39 = arith.muli %mul3A_38, %scan3A_37 : i32
      %add3A_40 = vector.broadcast %mul3A_39 : i32 to vector<16xi32>
      %add3A_41 = arith.addi %add3A_40, %shift_right_arithmetic3A_3 : vector<16xi32>
      tpu.vector_store_idx %arg6[%add3A_41, %and3A_1], %broadcast_in_dim3A_8 : memref<10000x8xf32, #tpu.memory_space<vmem>>[vector<16xi32>, vector<16xi32>], vector<16xf32>,
      %scan3A_42 = arith.constant 0 : i32
      %scan3A_43 = arith.constant 3 : i32
      %scan3A_44 = arith.addi %scan3A_23, %scan3A_43 : i32
      %mul3A_45 = arith.constant 2 : i32
      %mul3A_46 = arith.muli %mul3A_45, %scan3A_44 : i32
      %add3A_47 = vector.broadcast %mul3A_46 : i32 to vector<16xi32>
      %add3A_48 = arith.addi %add3A_47, %shift_right_arithmetic3A_3 : vector<16xi32>
      tpu.vector_store_idx %arg6[%add3A_48, %and3A_1], %broadcast_in_dim3A_8 : memref<10000x8xf32, #tpu.memory_space<vmem>>[vector<16xi32>, vector<16xi32>], vector<16xf32>,
      %scan3A_49 = arith.constant 0 : i32
      scf.yield %scan3A_49 : i32
    }
    %scan3A_14 = arith.constant 5000 : i32
    %mul3A = arith.constant 160000 : i32
    %mul3A_15 = arith.muli %arg0, %mul3A : i32
    %scan3A_16 = arith.constant 0 : i32
    %scan3A_17 = arith.constant 0 : i32
    %scan3A_18 = arith.constant 125 : i32
    %scan3A_19 = arith.addi %scan3A_17, %scan3A_18 : i32
    %scan3A_20 = arith.constant 1 : i32
    %scan3A_21 = scf.for %scan3A_23 = %scan3A_17 to %scan3A_19 step %scan3A_20 iter_args(%scan3A_24 = %scan3A_16) -> (i32)  : i32 {
      %mul3A_25 = arith.constant 1280 : i32
      %mul3A_26 = arith.muli %scan3A_23, %mul3A_25 : i32
      %add3A = arith.addi %mul3A_15, %mul3A_26 : i32
      "tpu.region"() ({
        %run_scoped3A = tpu.sem_alloc : memref<!tpu.dma_semaphore, #tpu.memory_space<semaphore_mem>>
        %dma_start3A_200 = tpu.memref_slice %arg3[%add3A] : memref<320000xi32, #tpu.memory_space<hbm>> -> memref<1280xi32, #tpu.memory_space<hbm>>
        %dma_start3A_201 = tpu.memref_slice %arg3[%add3A] : memref<320000xi32, #tpu.memory_space<hbm>> -> memref<1280xi32, #tpu.memory_space<hbm>>
        tpu.enqueue_dma source(%dma_start3A_201 : memref<1280xi32, #tpu.memory_space<hbm>>) target(%arg7 : memref<1280xi32, #tpu.memory_space<vmem>>) target_semaphore(%run_scoped3A : memref<!tpu.dma_semaphore, #tpu.memory_space<semaphore_mem>>)
        %dma_wait3A_202 = tpu.memref_slice %arg3[%add3A] : memref<320000xi32, #tpu.memory_space<hbm>> -> memref<1280xi32, #tpu.memory_space<hbm>>
        %dma_wait3A_203 = tpu.memref_slice %arg3[%add3A] : memref<320000xi32, #tpu.memory_space<hbm>> -> memref<1280xi32, #tpu.memory_space<hbm>>
        tpu.wait_dma2 semaphore(%run_scoped3A : memref<!tpu.dma_semaphore, #tpu.memory_space<semaphore_mem>>) src(%dma_wait3A_203 : memref<1280xi32, #tpu.memory_space<hbm>>) dst(%arg7 : memref<1280xi32, #tpu.memory_space<vmem>>)
        tpu.yield
      }) : () -> ()
      "tpu.region"() ({
        %run_scoped3A = tpu.sem_alloc : memref<!tpu.dma_semaphore, #tpu.memory_space<semaphore_mem>>
        %dma_start3A_200 = tpu.memref_slice %arg4[%add3A] : memref<320000xi32, #tpu.memory_space<hbm>> -> memref<1280xi32, #tpu.memory_space<hbm>>
        %dma_start3A_201 = tpu.memref_slice %arg4[%add3A] : memref<320000xi32, #tpu.memory_space<hbm>> -> memref<1280xi32, #tpu.memory_space<hbm>>
        tpu.enqueue_dma source(%dma_start3A_201 : memref<1280xi32, #tpu.memory_space<hbm>>) target(%arg8 : memref<1280xi32, #tpu.memory_space<vmem>>) target_semaphore(%run_scoped3A : memref<!tpu.dma_semaphore, #tpu.memory_space<semaphore_mem>>)
        %dma_wait3A_202 = tpu.memref_slice %arg4[%add3A] : memref<320000xi32, #tpu.memory_space<hbm>> -> memref<1280xi32, #tpu.memory_space<hbm>>
        %dma_wait3A_203 = tpu.memref_slice %arg4[%add3A] : memref<320000xi32, #tpu.memory_space<hbm>> -> memref<1280xi32, #tpu.memory_space<hbm>>
        tpu.wait_dma2 semaphore(%run_scoped3A : memref<!tpu.dma_semaphore, #tpu.memory_space<semaphore_mem>>) src(%dma_wait3A_203 : memref<1280xi32, #tpu.memory_space<hbm>>) dst(%arg8 : memref<1280xi32, #tpu.memory_space<vmem>>)
        tpu.yield
      }) : () -> ()
      %scan3A_27 = arith.constant 0 : i32
      %scan3A_28 = arith.constant 0 : i32
      %scan3A_29 = arith.constant 80 : i32
      %scan3A_30 = arith.addi %scan3A_28, %scan3A_29 : i32
      %scan3A_31 = arith.constant 4 : i32
      %scan3A_32 = scf.for %scan3A_200 = %scan3A_28 to %scan3A_30 step %scan3A_31 iter_args(%scan3A_201 = %scan3A_27) -> (i32)  : i32 {
        %mul3A_202 = arith.constant 16 : i32
        %mul3A_203 = arith.muli %scan3A_200, %mul3A_202 : i32
        %get3A = arith.index_cast %mul3A_203 : i32 to index
        %get3A_204 = tpu.vector_load %arg7[%get3A] {strides = array<i32>} : memref<1280xi32, #tpu.memory_space<vmem>>, vector<16xi32>,
        %mul3A_205 = arith.constant 16 : i32
        %mul3A_206 = vector.broadcast %mul3A_205 : i32 to vector<16xi32>
        %mul3A_207 = arith.muli %get3A_204, %mul3A_206 : vector<16xi32>
        %add3A_208 = vector.broadcast %arg1 : i32 to vector<16xi32>
        %add3A_209 = arith.addi %mul3A_207, %add3A_208 : vector<16xi32>
        %mul3A_210 = arith.constant 16 : i32
        %mul3A_211 = arith.muli %scan3A_200, %mul3A_210 : i32
        %swap3A = arith.index_cast %mul3A_211 : i32 to index
        %swap3A_212 = tpu.vector_load %arg9[%swap3A] {strides = array<i32>} : memref<1280xi32, #tpu.memory_space<vmem>>, vector<16xi32>,
        tpu.vector_store %arg9[%swap3A], %add3A_209 {strides = array<i32>} : memref<1280xi32, #tpu.memory_space<vmem>>, vector<16xi32>,
        %scan3A_213 = arith.constant 0 : i32
        %scan3A_214 = arith.constant 1 : i32
        %scan3A_215 = arith.addi %scan3A_200, %scan3A_214 : i32
        %mul3A_216 = arith.constant 16 : i32
        %mul3A_217 = arith.muli %scan3A_215, %mul3A_216 : i32
        %get3A_218 = arith.index_cast %mul3A_217 : i32 to index
        %get3A_219 = tpu.vector_load %arg7[%get3A_218] {strides = array<i32>} : memref<1280xi32, #tpu.memory_space<vmem>>, vector<16xi32>,
        %mul3A_220 = arith.constant 16 : i32
        %mul3A_221 = vector.broadcast %mul3A_220 : i32 to vector<16xi32>
        %mul3A_222 = arith.muli %get3A_219, %mul3A_221 : vector<16xi32>
        %add3A_223 = vector.broadcast %arg1 : i32 to vector<16xi32>
        %add3A_224 = arith.addi %mul3A_222, %add3A_223 : vector<16xi32>
        %mul3A_225 = arith.constant 16 : i32
        %mul3A_226 = arith.muli %scan3A_215, %mul3A_225 : i32
        %swap3A_227 = arith.index_cast %mul3A_226 : i32 to index
        %swap3A_228 = tpu.vector_load %arg9[%swap3A_227] {strides = array<i32>} : memref<1280xi32, #tpu.memory_space<vmem>>, vector<16xi32>,
        tpu.vector_store %arg9[%swap3A_227], %add3A_224 {strides = array<i32>} : memref<1280xi32, #tpu.memory_space<vmem>>, vector<16xi32>,
        %scan3A_229 = arith.constant 0 : i32
        %scan3A_230 = arith.constant 2 : i32
        %scan3A_231 = arith.addi %scan3A_200, %scan3A_230 : i32
        %mul3A_232 = arith.constant 16 : i32
        %mul3A_233 = arith.muli %scan3A_231, %mul3A_232 : i32
        %get3A_234 = arith.index_cast %mul3A_233 : i32 to index
        %get3A_235 = tpu.vector_load %arg7[%get3A_234] {strides = array<i32>} : memref<1280xi32, #tpu.memory_space<vmem>>, vector<16xi32>,
        %mul3A_236 = arith.constant 16 : i32
        %mul3A_237 = vector.broadcast %mul3A_236 : i32 to vector<16xi32>
        %mul3A_238 = arith.muli %get3A_235, %mul3A_237 : vector<16xi32>
        %add3A_239 = vector.broadcast %arg1 : i32 to vector<16xi32>
        %add3A_240 = arith.addi %mul3A_238, %add3A_239 : vector<16xi32>
        %mul3A_241 = arith.constant 16 : i32
        %mul3A_242 = arith.muli %scan3A_231, %mul3A_241 : i32
        %swap3A_243 = arith.index_cast %mul3A_242 : i32 to index
        %swap3A_244 = tpu.vector_load %arg9[%swap3A_243] {strides = array<i32>} : memref<1280xi32, #tpu.memory_space<vmem>>, vector<16xi32>,
        tpu.vector_store %arg9[%swap3A_243], %add3A_240 {strides = array<i32>} : memref<1280xi32, #tpu.memory_space<vmem>>, vector<16xi32>,
        %scan3A_245 = arith.constant 0 : i32
        %scan3A_246 = arith.constant 3 : i32
        %scan3A_247 = arith.addi %scan3A_200, %scan3A_246 : i32
        %mul3A_248 = arith.constant 16 : i32
        %mul3A_249 = arith.muli %scan3A_247, %mul3A_248 : i32
        %get3A_250 = arith.index_cast %mul3A_249 : i32 to index
        %get3A_251 = tpu.vector_load %arg7[%get3A_250] {strides = array<i32>} : memref<1280xi32, #tpu.memory_space<vmem>>, vector<16xi32>,
        %mul3A_252 = arith.constant 16 : i32
        %mul3A_253 = vector.broadcast %mul3A_252 : i32 to vector<16xi32>
        %mul3A_254 = arith.muli %get3A_251, %mul3A_253 : vector<16xi32>
        %add3A_255 = vector.broadcast %arg1 : i32 to vector<16xi32>
        %add3A_256 = arith.addi %mul3A_254, %add3A_255 : vector<16xi32>
        %mul3A_257 = arith.constant 16 : i32
        %mul3A_258 = arith.muli %scan3A_247, %mul3A_257 : i32
        %swap3A_259 = arith.index_cast %mul3A_258 : i32 to index
        %swap3A_260 = tpu.vector_load %arg9[%swap3A_259] {strides = array<i32>} : memref<1280xi32, #tpu.memory_space<vmem>>, vector<16xi32>,
        tpu.vector_store %arg9[%swap3A_259], %add3A_256 {strides = array<i32>} : memref<1280xi32, #tpu.memory_space<vmem>>, vector<16xi32>,
        %scan3A_261 = arith.constant 0 : i32
        scf.yield %scan3A_261 : i32
      }
      %scan3A_33 = arith.constant 80 : i32
      %dma_start3A = arith.constant 0 : i32
      %dma_start3A_34 = arith.constant 0 : i32
      %dma_start3A_35 = tpu.memref_slice %arg10[%dma_start3A, %dma_start3A_34] : memref<1280x8xf32, #tpu.memory_space<vmem>> -> memref<128x8xf32, #tpu.memory_space<vmem>>
      %dma_start3A_36 = arith.constant 0 : i32
      %dma_start3A_37 = tpu.memref_slice %arg9[%dma_start3A_36] : memref<1280xi32, #tpu.memory_space<vmem>> -> memref<128xi32, #tpu.memory_space<vmem>>
      %dma_start3A_38 = arith.constant 0 : i32
      %dma_start3A_39 = arith.constant 0 : i32
      %dma_start3A_40 = tpu.memref_slice %arg2[%dma_start3A_38, %dma_start3A_39] : memref<160000x8xf32, #tpu.memory_space<hbm>> -> memref<160000x8xf32, #tpu.memory_space<hbm>>
      tpu.enqueue_indirect_dma source(%dma_start3A_40 : memref<160000x8xf32, #tpu.memory_space<hbm>>) target(%dma_start3A_35 : memref<128x8xf32, #tpu.memory_space<vmem>>) offsets(%dma_start3A_37 : memref<128xi32, #tpu.memory_space<vmem>>) semaphore(%arg11 : memref<!tpu.dma_semaphore, #tpu.memory_space<semaphore_mem>>)
      %dma_start3A_41 = arith.constant 128 : i32
      %dma_start3A_42 = arith.constant 0 : i32
      %dma_start3A_43 = tpu.memref_slice %arg10[%dma_start3A_41, %dma_start3A_42] : memref<1280x8xf32, #tpu.memory_space<vmem>> -> memref<128x8xf32, #tpu.memory_space<vmem>>
      %dma_start3A_44 = arith.constant 128 : i32
      %dma_start3A_45 = tpu.memref_slice %arg9[%dma_start3A_44] : memref<1280xi32, #tpu.memory_space<vmem>> -> memref<128xi32, #tpu.memory_space<vmem>>
      %dma_start3A_46 = arith.constant 0 : i32
      %dma_start3A_47 = arith.constant 0 : i32
      %dma_start3A_48 = tpu.memref_slice %arg2[%dma_start3A_46, %dma_start3A_47] : memref<160000x8xf32, #tpu.memory_space<hbm>> -> memref<160000x8xf32, #tpu.memory_space<hbm>>
      tpu.enqueue_indirect_dma source(%dma_start3A_48 : memref<160000x8xf32, #tpu.memory_space<hbm>>) target(%dma_start3A_43 : memref<128x8xf32, #tpu.memory_space<vmem>>) offsets(%dma_start3A_45 : memref<128xi32, #tpu.memory_space<vmem>>) semaphore(%arg11 : memref<!tpu.dma_semaphore, #tpu.memory_space<semaphore_mem>>)
      %dma_start3A_49 = arith.constant 256 : i32
      %dma_start3A_50 = arith.constant 0 : i32
      %dma_start3A_51 = tpu.memref_slice %arg10[%dma_start3A_49, %dma_start3A_50] : memref<1280x8xf32, #tpu.memory_space<vmem>> -> memref<128x8xf32, #tpu.memory_space<vmem>>
      %dma_start3A_52 = arith.constant 256 : i32
      %dma_start3A_53 = tpu.memref_slice %arg9[%dma_start3A_52] : memref<1280xi32, #tpu.memory_space<vmem>> -> memref<128xi32, #tpu.memory_space<vmem>>
      %dma_start3A_54 = arith.constant 0 : i32
      %dma_start3A_55 = arith.constant 0 : i32
      %dma_start3A_56 = tpu.memref_slice %arg2[%dma_start3A_54, %dma_start3A_55] : memref<160000x8xf32, #tpu.memory_space<hbm>> -> memref<160000x8xf32, #tpu.memory_space<hbm>>
      tpu.enqueue_indirect_dma source(%dma_start3A_56 : memref<160000x8xf32, #tpu.memory_space<hbm>>) target(%dma_start3A_51 : memref<128x8xf32, #tpu.memory_space<vmem>>) offsets(%dma_start3A_53 : memref<128xi32, #tpu.memory_space<vmem>>) semaphore(%arg11 : memref<!tpu.dma_semaphore, #tpu.memory_space<semaphore_mem>>)
      %dma_start3A_57 = arith.constant 384 : i32
      %dma_start3A_58 = arith.constant 0 : i32
      %dma_start3A_59 = tpu.memref_slice %arg10[%dma_start3A_57, %dma_start3A_58] : memref<1280x8xf32, #tpu.memory_space<vmem>> -> memref<128x8xf32, #tpu.memory_space<vmem>>
      %dma_start3A_60 = arith.constant 384 : i32
      %dma_start3A_61 = tpu.memref_slice %arg9[%dma_start3A_60] : memref<1280xi32, #tpu.memory_space<vmem>> -> memref<128xi32, #tpu.memory_space<vmem>>
      %dma_start3A_62 = arith.constant 0 : i32
      %dma_start3A_63 = arith.constant 0 : i32
      %dma_start3A_64 = tpu.memref_slice %arg2[%dma_start3A_62, %dma_start3A_63] : memref<160000x8xf32, #tpu.memory_space<hbm>> -> memref<160000x8xf32, #tpu.memory_space<hbm>>
      tpu.enqueue_indirect_dma source(%dma_start3A_64 : memref<160000x8xf32, #tpu.memory_space<hbm>>) target(%dma_start3A_59 : memref<128x8xf32, #tpu.memory_space<vmem>>) offsets(%dma_start3A_61 : memref<128xi32, #tpu.memory_space<vmem>>) semaphore(%arg11 : memref<!tpu.dma_semaphore, #tpu.memory_space<semaphore_mem>>)
      %dma_start3A_65 = arith.constant 512 : i32
      %dma_start3A_66 = arith.constant 0 : i32
      %dma_start3A_67 = tpu.memref_slice %arg10[%dma_start3A_65, %dma_start3A_66] : memref<1280x8xf32, #tpu.memory_space<vmem>> -> memref<128x8xf32, #tpu.memory_space<vmem>>
      %dma_start3A_68 = arith.constant 512 : i32
      %dma_start3A_69 = tpu.memref_slice %arg9[%dma_start3A_68] : memref<1280xi32, #tpu.memory_space<vmem>> -> memref<128xi32, #tpu.memory_space<vmem>>
      %dma_start3A_70 = arith.constant 0 : i32
      %dma_start3A_71 = arith.constant 0 : i32
      %dma_start3A_72 = tpu.memref_slice %arg2[%dma_start3A_70, %dma_start3A_71] : memref<160000x8xf32, #tpu.memory_space<hbm>> -> memref<160000x8xf32, #tpu.memory_space<hbm>>
      tpu.enqueue_indirect_dma source(%dma_start3A_72 : memref<160000x8xf32, #tpu.memory_space<hbm>>) target(%dma_start3A_67 : memref<128x8xf32, #tpu.memory_space<vmem>>) offsets(%dma_start3A_69 : memref<128xi32, #tpu.memory_space<vmem>>) semaphore(%arg11 : memref<!tpu.dma_semaphore, #tpu.memory_space<semaphore_mem>>)
      %dma_start3A_73 = arith.constant 640 : i32
      %dma_start3A_74 = arith.constant 0 : i32
      %dma_start3A_75 = tpu.memref_slice %arg10[%dma_start3A_73, %dma_start3A_74] : memref<1280x8xf32, #tpu.memory_space<vmem>> -> memref<128x8xf32, #tpu.memory_space<vmem>>
      %dma_start3A_76 = arith.constant 640 : i32
      %dma_start3A_77 = tpu.memref_slice %arg9[%dma_start3A_76] : memref<1280xi32, #tpu.memory_space<vmem>> -> memref<128xi32, #tpu.memory_space<vmem>>
      %dma_start3A_78 = arith.constant 0 : i32
      %dma_start3A_79 = arith.constant 0 : i32
      %dma_start3A_80 = tpu.memref_slice %arg2[%dma_start3A_78, %dma_start3A_79] : memref<160000x8xf32, #tpu.memory_space<hbm>> -> memref<160000x8xf32, #tpu.memory_space<hbm>>
      tpu.enqueue_indirect_dma source(%dma_start3A_80 : memref<160000x8xf32, #tpu.memory_space<hbm>>) target(%dma_start3A_75 : memref<128x8xf32, #tpu.memory_space<vmem>>) offsets(%dma_start3A_77 : memref<128xi32, #tpu.memory_space<vmem>>) semaphore(%arg11 : memref<!tpu.dma_semaphore, #tpu.memory_space<semaphore_mem>>)
      %dma_start3A_81 = arith.constant 768 : i32
      %dma_start3A_82 = arith.constant 0 : i32
      %dma_start3A_83 = tpu.memref_slice %arg10[%dma_start3A_81, %dma_start3A_82] : memref<1280x8xf32, #tpu.memory_space<vmem>> -> memref<128x8xf32, #tpu.memory_space<vmem>>
      %dma_start3A_84 = arith.constant 768 : i32
      %dma_start3A_85 = tpu.memref_slice %arg9[%dma_start3A_84] : memref<1280xi32, #tpu.memory_space<vmem>> -> memref<128xi32, #tpu.memory_space<vmem>>
      %dma_start3A_86 = arith.constant 0 : i32
      %dma_start3A_87 = arith.constant 0 : i32
      %dma_start3A_88 = tpu.memref_slice %arg2[%dma_start3A_86, %dma_start3A_87] : memref<160000x8xf32, #tpu.memory_space<hbm>> -> memref<160000x8xf32, #tpu.memory_space<hbm>>
      tpu.enqueue_indirect_dma source(%dma_start3A_88 : memref<160000x8xf32, #tpu.memory_space<hbm>>) target(%dma_start3A_83 : memref<128x8xf32, #tpu.memory_space<vmem>>) offsets(%dma_start3A_85 : memref<128xi32, #tpu.memory_space<vmem>>) semaphore(%arg11 : memref<!tpu.dma_semaphore, #tpu.memory_space<semaphore_mem>>)
      %dma_start3A_89 = arith.constant 896 : i32
      %dma_start3A_90 = arith.constant 0 : i32
      %dma_start3A_91 = tpu.memref_slice %arg10[%dma_start3A_89, %dma_start3A_90] : memref<1280x8xf32, #tpu.memory_space<vmem>> -> memref<128x8xf32, #tpu.memory_space<vmem>>
      %dma_start3A_92 = arith.constant 896 : i32
      %dma_start3A_93 = tpu.memref_slice %arg9[%dma_start3A_92] : memref<1280xi32, #tpu.memory_space<vmem>> -> memref<128xi32, #tpu.memory_space<vmem>>
      %dma_start3A_94 = arith.constant 0 : i32
      %dma_start3A_95 = arith.constant 0 : i32
      %dma_start3A_96 = tpu.memref_slice %arg2[%dma_start3A_94, %dma_start3A_95] : memref<160000x8xf32, #tpu.memory_space<hbm>> -> memref<160000x8xf32, #tpu.memory_space<hbm>>
      tpu.enqueue_indirect_dma source(%dma_start3A_96 : memref<160000x8xf32, #tpu.memory_space<hbm>>) target(%dma_start3A_91 : memref<128x8xf32, #tpu.memory_space<vmem>>) offsets(%dma_start3A_93 : memref<128xi32, #tpu.memory_space<vmem>>) semaphore(%arg11 : memref<!tpu.dma_semaphore, #tpu.memory_space<semaphore_mem>>)
      %dma_start3A_97 = arith.constant 1024 : i32
      %dma_start3A_98 = arith.constant 0 : i32
      %dma_start3A_99 = tpu.memref_slice %arg10[%dma_start3A_97, %dma_start3A_98] : memref<1280x8xf32, #tpu.memory_space<vmem>> -> memref<128x8xf32, #tpu.memory_space<vmem>>
      %dma_start3A_100 = arith.constant 1024 : i32
      %dma_start3A_101 = tpu.memref_slice %arg9[%dma_start3A_100] : memref<1280xi32, #tpu.memory_space<vmem>> -> memref<128xi32, #tpu.memory_space<vmem>>
      %dma_start3A_102 = arith.constant 0 : i32
      %dma_start3A_103 = arith.constant 0 : i32
      %dma_start3A_104 = tpu.memref_slice %arg2[%dma_start3A_102, %dma_start3A_103] : memref<160000x8xf32, #tpu.memory_space<hbm>> -> memref<160000x8xf32, #tpu.memory_space<hbm>>
      tpu.enqueue_indirect_dma source(%dma_start3A_104 : memref<160000x8xf32, #tpu.memory_space<hbm>>) target(%dma_start3A_99 : memref<128x8xf32, #tpu.memory_space<vmem>>) offsets(%dma_start3A_101 : memref<128xi32, #tpu.memory_space<vmem>>) semaphore(%arg11 : memref<!tpu.dma_semaphore, #tpu.memory_space<semaphore_mem>>)
      %dma_start3A_105 = arith.constant 1152 : i32
      %dma_start3A_106 = arith.constant 0 : i32
      %dma_start3A_107 = tpu.memref_slice %arg10[%dma_start3A_105, %dma_start3A_106] : memref<1280x8xf32, #tpu.memory_space<vmem>> -> memref<128x8xf32, #tpu.memory_space<vmem>>
      %dma_start3A_108 = arith.constant 1152 : i32
      %dma_start3A_109 = tpu.memref_slice %arg9[%dma_start3A_108] : memref<1280xi32, #tpu.memory_space<vmem>> -> memref<128xi32, #tpu.memory_space<vmem>>
      %dma_start3A_110 = arith.constant 0 : i32
      %dma_start3A_111 = arith.constant 0 : i32
      %dma_start3A_112 = tpu.memref_slice %arg2[%dma_start3A_110, %dma_start3A_111] : memref<160000x8xf32, #tpu.memory_space<hbm>> -> memref<160000x8xf32, #tpu.memory_space<hbm>>
      tpu.enqueue_indirect_dma source(%dma_start3A_112 : memref<160000x8xf32, #tpu.memory_space<hbm>>) target(%dma_start3A_107 : memref<128x8xf32, #tpu.memory_space<vmem>>) offsets(%dma_start3A_109 : memref<128xi32, #tpu.memory_space<vmem>>) semaphore(%arg11 : memref<!tpu.dma_semaphore, #tpu.memory_space<semaphore_mem>>)
      %dma_wait3A = arith.constant 0 : i32
      %dma_wait3A_113 = arith.constant 0 : i32
      %dma_wait3A_114 = tpu.memref_slice %arg10[%dma_wait3A, %dma_wait3A_113] : memref<1280x8xf32, #tpu.memory_space<vmem>> -> memref<128x8xf32, #tpu.memory_space<vmem>>
      %dma_wait3A_115 = arith.constant 0 : i32
      %dma_wait3A_116 = tpu.memref_slice %arg9[%dma_wait3A_115] : memref<1280xi32, #tpu.memory_space<vmem>> -> memref<128xi32, #tpu.memory_space<vmem>>
      %dma_wait3A_117 = arith.constant 0 : i32
      %dma_wait3A_118 = arith.constant 0 : i32
      %dma_wait3A_119 = tpu.memref_slice %arg2[%dma_wait3A_117, %dma_wait3A_118] : memref<160000x8xf32, #tpu.memory_space<hbm>> -> memref<160000x8xf32, #tpu.memory_space<hbm>>
      tpu.wait_indirect_dma semaphore(%arg11 : memref<!tpu.dma_semaphore, #tpu.memory_space<semaphore_mem>>) src(%dma_wait3A_119 : memref<160000x8xf32, #tpu.memory_space<hbm>>) dst(%dma_wait3A_114 : memref<128x8xf32, #tpu.memory_space<vmem>>)
      %dma_wait3A_120 = arith.constant 128 : i32
      %dma_wait3A_121 = arith.constant 0 : i32
      %dma_wait3A_122 = tpu.memref_slice %arg10[%dma_wait3A_120, %dma_wait3A_121] : memref<1280x8xf32, #tpu.memory_space<vmem>> -> memref<128x8xf32, #tpu.memory_space<vmem>>
      %dma_wait3A_123 = arith.constant 128 : i32
      %dma_wait3A_124 = tpu.memref_slice %arg9[%dma_wait3A_123] : memref<1280xi32, #tpu.memory_space<vmem>> -> memref<128xi32, #tpu.memory_space<vmem>>
      %dma_wait3A_125 = arith.constant 0 : i32
      %dma_wait3A_126 = arith.constant 0 : i32
      %dma_wait3A_127 = tpu.memref_slice %arg2[%dma_wait3A_125, %dma_wait3A_126] : memref<160000x8xf32, #tpu.memory_space<hbm>> -> memref<160000x8xf32, #tpu.memory_space<hbm>>
      tpu.wait_indirect_dma semaphore(%arg11 : memref<!tpu.dma_semaphore, #tpu.memory_space<semaphore_mem>>) src(%dma_wait3A_127 : memref<160000x8xf32, #tpu.memory_space<hbm>>) dst(%dma_wait3A_122 : memref<128x8xf32, #tpu.memory_space<vmem>>)
      %dma_wait3A_128 = arith.constant 256 : i32
      %dma_wait3A_129 = arith.constant 0 : i32
      %dma_wait3A_130 = tpu.memref_slice %arg10[%dma_wait3A_128, %dma_wait3A_129] : memref<1280x8xf32, #tpu.memory_space<vmem>> -> memref<128x8xf32, #tpu.memory_space<vmem>>
      %dma_wait3A_131 = arith.constant 256 : i32
      %dma_wait3A_132 = tpu.memref_slice %arg9[%dma_wait3A_131] : memref<1280xi32, #tpu.memory_space<vmem>> -> memref<128xi32, #tpu.memory_space<vmem>>
      %dma_wait3A_133 = arith.constant 0 : i32
      %dma_wait3A_134 = arith.constant 0 : i32
      %dma_wait3A_135 = tpu.memref_slice %arg2[%dma_wait3A_133, %dma_wait3A_134] : memref<160000x8xf32, #tpu.memory_space<hbm>> -> memref<160000x8xf32, #tpu.memory_space<hbm>>
      tpu.wait_indirect_dma semaphore(%arg11 : memref<!tpu.dma_semaphore, #tpu.memory_space<semaphore_mem>>) src(%dma_wait3A_135 : memref<160000x8xf32, #tpu.memory_space<hbm>>) dst(%dma_wait3A_130 : memref<128x8xf32, #tpu.memory_space<vmem>>)
      %dma_wait3A_136 = arith.constant 384 : i32
      %dma_wait3A_137 = arith.constant 0 : i32
      %dma_wait3A_138 = tpu.memref_slice %arg10[%dma_wait3A_136, %dma_wait3A_137] : memref<1280x8xf32, #tpu.memory_space<vmem>> -> memref<128x8xf32, #tpu.memory_space<vmem>>
      %dma_wait3A_139 = arith.constant 384 : i32
      %dma_wait3A_140 = tpu.memref_slice %arg9[%dma_wait3A_139] : memref<1280xi32, #tpu.memory_space<vmem>> -> memref<128xi32, #tpu.memory_space<vmem>>
      %dma_wait3A_141 = arith.constant 0 : i32
      %dma_wait3A_142 = arith.constant 0 : i32
      %dma_wait3A_143 = tpu.memref_slice %arg2[%dma_wait3A_141, %dma_wait3A_142] : memref<160000x8xf32, #tpu.memory_space<hbm>> -> memref<160000x8xf32, #tpu.memory_space<hbm>>
      tpu.wait_indirect_dma semaphore(%arg11 : memref<!tpu.dma_semaphore, #tpu.memory_space<semaphore_mem>>) src(%dma_wait3A_143 : memref<160000x8xf32, #tpu.memory_space<hbm>>) dst(%dma_wait3A_138 : memref<128x8xf32, #tpu.memory_space<vmem>>)
      %dma_wait3A_144 = arith.constant 512 : i32
      %dma_wait3A_145 = arith.constant 0 : i32
      %dma_wait3A_146 = tpu.memref_slice %arg10[%dma_wait3A_144, %dma_wait3A_145] : memref<1280x8xf32, #tpu.memory_space<vmem>> -> memref<128x8xf32, #tpu.memory_space<vmem>>
      %dma_wait3A_147 = arith.constant 512 : i32
      %dma_wait3A_148 = tpu.memref_slice %arg9[%dma_wait3A_147] : memref<1280xi32, #tpu.memory_space<vmem>> -> memref<128xi32, #tpu.memory_space<vmem>>
      %dma_wait3A_149 = arith.constant 0 : i32
      %dma_wait3A_150 = arith.constant 0 : i32
      %dma_wait3A_151 = tpu.memref_slice %arg2[%dma_wait3A_149, %dma_wait3A_150] : memref<160000x8xf32, #tpu.memory_space<hbm>> -> memref<160000x8xf32, #tpu.memory_space<hbm>>
      tpu.wait_indirect_dma semaphore(%arg11 : memref<!tpu.dma_semaphore, #tpu.memory_space<semaphore_mem>>) src(%dma_wait3A_151 : memref<160000x8xf32, #tpu.memory_space<hbm>>) dst(%dma_wait3A_146 : memref<128x8xf32, #tpu.memory_space<vmem>>)
      %dma_wait3A_152 = arith.constant 640 : i32
      %dma_wait3A_153 = arith.constant 0 : i32
      %dma_wait3A_154 = tpu.memref_slice %arg10[%dma_wait3A_152, %dma_wait3A_153] : memref<1280x8xf32, #tpu.memory_space<vmem>> -> memref<128x8xf32, #tpu.memory_space<vmem>>
      %dma_wait3A_155 = arith.constant 640 : i32
      %dma_wait3A_156 = tpu.memref_slice %arg9[%dma_wait3A_155] : memref<1280xi32, #tpu.memory_space<vmem>> -> memref<128xi32, #tpu.memory_space<vmem>>
      %dma_wait3A_157 = arith.constant 0 : i32
      %dma_wait3A_158 = arith.constant 0 : i32
      %dma_wait3A_159 = tpu.memref_slice %arg2[%dma_wait3A_157, %dma_wait3A_158] : memref<160000x8xf32, #tpu.memory_space<hbm>> -> memref<160000x8xf32, #tpu.memory_space<hbm>>
      tpu.wait_indirect_dma semaphore(%arg11 : memref<!tpu.dma_semaphore, #tpu.memory_space<semaphore_mem>>) src(%dma_wait3A_159 : memref<160000x8xf32, #tpu.memory_space<hbm>>) dst(%dma_wait3A_154 : memref<128x8xf32, #tpu.memory_space<vmem>>)
      %dma_wait3A_160 = arith.constant 768 : i32
      %dma_wait3A_161 = arith.constant 0 : i32
      %dma_wait3A_162 = tpu.memref_slice %arg10[%dma_wait3A_160, %dma_wait3A_161] : memref<1280x8xf32, #tpu.memory_space<vmem>> -> memref<128x8xf32, #tpu.memory_space<vmem>>
      %dma_wait3A_163 = arith.constant 768 : i32
      %dma_wait3A_164 = tpu.memref_slice %arg9[%dma_wait3A_163] : memref<1280xi32, #tpu.memory_space<vmem>> -> memref<128xi32, #tpu.memory_space<vmem>>
      %dma_wait3A_165 = arith.constant 0 : i32
      %dma_wait3A_166 = arith.constant 0 : i32
      %dma_wait3A_167 = tpu.memref_slice %arg2[%dma_wait3A_165, %dma_wait3A_166] : memref<160000x8xf32, #tpu.memory_space<hbm>> -> memref<160000x8xf32, #tpu.memory_space<hbm>>
      tpu.wait_indirect_dma semaphore(%arg11 : memref<!tpu.dma_semaphore, #tpu.memory_space<semaphore_mem>>) src(%dma_wait3A_167 : memref<160000x8xf32, #tpu.memory_space<hbm>>) dst(%dma_wait3A_162 : memref<128x8xf32, #tpu.memory_space<vmem>>)
      %dma_wait3A_168 = arith.constant 896 : i32
      %dma_wait3A_169 = arith.constant 0 : i32
      %dma_wait3A_170 = tpu.memref_slice %arg10[%dma_wait3A_168, %dma_wait3A_169] : memref<1280x8xf32, #tpu.memory_space<vmem>> -> memref<128x8xf32, #tpu.memory_space<vmem>>
      %dma_wait3A_171 = arith.constant 896 : i32
      %dma_wait3A_172 = tpu.memref_slice %arg9[%dma_wait3A_171] : memref<1280xi32, #tpu.memory_space<vmem>> -> memref<128xi32, #tpu.memory_space<vmem>>
      %dma_wait3A_173 = arith.constant 0 : i32
      %dma_wait3A_174 = arith.constant 0 : i32
      %dma_wait3A_175 = tpu.memref_slice %arg2[%dma_wait3A_173, %dma_wait3A_174] : memref<160000x8xf32, #tpu.memory_space<hbm>> -> memref<160000x8xf32, #tpu.memory_space<hbm>>
      tpu.wait_indirect_dma semaphore(%arg11 : memref<!tpu.dma_semaphore, #tpu.memory_space<semaphore_mem>>) src(%dma_wait3A_175 : memref<160000x8xf32, #tpu.memory_space<hbm>>) dst(%dma_wait3A_170 : memref<128x8xf32, #tpu.memory_space<vmem>>)
      %dma_wait3A_176 = arith.constant 1024 : i32
      %dma_wait3A_177 = arith.constant 0 : i32
      %dma_wait3A_178 = tpu.memref_slice %arg10[%dma_wait3A_176, %dma_wait3A_177] : memref<1280x8xf32, #tpu.memory_space<vmem>> -> memref<128x8xf32, #tpu.memory_space<vmem>>
      %dma_wait3A_179 = arith.constant 1024 : i32
      %dma_wait3A_180 = tpu.memref_slice %arg9[%dma_wait3A_179] : memref<1280xi32, #tpu.memory_space<vmem>> -> memref<128xi32, #tpu.memory_space<vmem>>
      %dma_wait3A_181 = arith.constant 0 : i32
      %dma_wait3A_182 = arith.constant 0 : i32
      %dma_wait3A_183 = tpu.memref_slice %arg2[%dma_wait3A_181, %dma_wait3A_182] : memref<160000x8xf32, #tpu.memory_space<hbm>> -> memref<160000x8xf32, #tpu.memory_space<hbm>>
      tpu.wait_indirect_dma semaphore(%arg11 : memref<!tpu.dma_semaphore, #tpu.memory_space<semaphore_mem>>) src(%dma_wait3A_183 : memref<160000x8xf32, #tpu.memory_space<hbm>>) dst(%dma_wait3A_178 : memref<128x8xf32, #tpu.memory_space<vmem>>)
      %dma_wait3A_184 = arith.constant 1152 : i32
      %dma_wait3A_185 = arith.constant 0 : i32
      %dma_wait3A_186 = tpu.memref_slice %arg10[%dma_wait3A_184, %dma_wait3A_185] : memref<1280x8xf32, #tpu.memory_space<vmem>> -> memref<128x8xf32, #tpu.memory_space<vmem>>
      %dma_wait3A_187 = arith.constant 1152 : i32
      %dma_wait3A_188 = tpu.memref_slice %arg9[%dma_wait3A_187] : memref<1280xi32, #tpu.memory_space<vmem>> -> memref<128xi32, #tpu.memory_space<vmem>>
      %dma_wait3A_189 = arith.constant 0 : i32
      %dma_wait3A_190 = arith.constant 0 : i32
      %dma_wait3A_191 = tpu.memref_slice %arg2[%dma_wait3A_189, %dma_wait3A_190] : memref<160000x8xf32, #tpu.memory_space<hbm>> -> memref<160000x8xf32, #tpu.memory_space<hbm>>
      tpu.wait_indirect_dma semaphore(%arg11 : memref<!tpu.dma_semaphore, #tpu.memory_space<semaphore_mem>>) src(%dma_wait3A_191 : memref<160000x8xf32, #tpu.memory_space<hbm>>) dst(%dma_wait3A_186 : memref<128x8xf32, #tpu.memory_space<vmem>>)
      %scan3A_192 = arith.constant 0 : i32
      %scan3A_193 = arith.constant 0 : i32
      %scan3A_194 = arith.constant 80 : i32
      %scan3A_195 = arith.addi %scan3A_193, %scan3A_194 : i32
      %scan3A_196 = arith.constant 1 : i32
      %scan3A_197 = scf.for %scan3A_200 = %scan3A_193 to %scan3A_195 step %scan3A_196 iter_args(%scan3A_201 = %scan3A_192) -> (i32)  : i32 {
        %mul3A_202 = arith.constant 16 : i32
        %mul3A_203 = arith.muli %scan3A_200, %mul3A_202 : i32
        %add3A_204 = arith.constant 0 : i32
        %add3A_205 = arith.addi %mul3A_203, %add3A_204 : i32
        %add3A_206 = vector.broadcast %add3A_205 : i32 to vector<16xi32>
        %add3A_207 = arith.addi %add3A_206, %shift_right_arithmetic3A_3 : vector<16xi32>
        %gather3A = tpu.vector_load_idx %arg10[%add3A_207, %and3A_1] : memref<1280x8xf32, #tpu.memory_space<vmem>>[vector<16xi32>, vector<16xi32>], vector<16xf32>,
        %gather3A_208 = tpu.vector_load_idx %arg8[%add3A_207] : memref<1280xi32, #tpu.memory_space<vmem>>[vector<16xi32>], vector<16xi32>,
        tpu.vector_store_idx %arg6[%gather3A_208, %and3A_1], %gather3A masked %lt3A_5 {add = true} : memref<10000x8xf32, #tpu.memory_space<vmem>>[vector<16xi32>, vector<16xi32>], vector<16xf32>, vector<16xi1>
        tpu.vector_store_idx %arg6[%gather3A_208, %and3A_1], %gather3A masked %ge3A_7 {add = true} : memref<10000x8xf32, #tpu.memory_space<vmem>>[vector<16xi32>, vector<16xi32>], vector<16xf32>, vector<16xi1>
        %add3A_209 = arith.constant 2 : i32
        %add3A_210 = arith.addi %mul3A_203, %add3A_209 : i32
        %add3A_211 = vector.broadcast %add3A_210 : i32 to vector<16xi32>
        %add3A_212 = arith.addi %add3A_211, %shift_right_arithmetic3A_3 : vector<16xi32>
        %gather3A_213 = tpu.vector_load_idx %arg10[%add3A_212, %and3A_1] : memref<1280x8xf32, #tpu.memory_space<vmem>>[vector<16xi32>, vector<16xi32>], vector<16xf32>,
        %gather3A_214 = tpu.vector_load_idx %arg8[%add3A_212] : memref<1280xi32, #tpu.memory_space<vmem>>[vector<16xi32>], vector<16xi32>,
        tpu.vector_store_idx %arg6[%gather3A_214, %and3A_1], %gather3A_213 masked %lt3A_5 {add = true} : memref<10000x8xf32, #tpu.memory_space<vmem>>[vector<16xi32>, vector<16xi32>], vector<16xf32>, vector<16xi1>
        tpu.vector_store_idx %arg6[%gather3A_214, %and3A_1], %gather3A_213 masked %ge3A_7 {add = true} : memref<10000x8xf32, #tpu.memory_space<vmem>>[vector<16xi32>, vector<16xi32>], vector<16xf32>, vector<16xi1>
        %add3A_215 = arith.constant 4 : i32
        %add3A_216 = arith.addi %mul3A_203, %add3A_215 : i32
        %add3A_217 = vector.broadcast %add3A_216 : i32 to vector<16xi32>
        %add3A_218 = arith.addi %add3A_217, %shift_right_arithmetic3A_3 : vector<16xi32>
        %gather3A_219 = tpu.vector_load_idx %arg10[%add3A_218, %and3A_1] : memref<1280x8xf32, #tpu.memory_space<vmem>>[vector<16xi32>, vector<16xi32>], vector<16xf32>,
        %gather3A_220 = tpu.vector_load_idx %arg8[%add3A_218] : memref<1280xi32, #tpu.memory_space<vmem>>[vector<16xi32>], vector<16xi32>,
        tpu.vector_store_idx %arg6[%gather3A_220, %and3A_1], %gather3A_219 masked %lt3A_5 {add = true} : memref<10000x8xf32, #tpu.memory_space<vmem>>[vector<16xi32>, vector<16xi32>], vector<16xf32>, vector<16xi1>
        tpu.vector_store_idx %arg6[%gather3A_220, %and3A_1], %gather3A_219 masked %ge3A_7 {add = true} : memref<10000x8xf32, #tpu.memory_space<vmem>>[vector<16xi32>, vector<16xi32>], vector<16xf32>, vector<16xi1>
        %add3A_221 = arith.constant 6 : i32
        %add3A_222 = arith.addi %mul3A_203, %add3A_221 : i32
        %add3A_223 = vector.broadcast %add3A_222 : i32 to vector<16xi32>
        %add3A_224 = arith.addi %add3A_223, %shift_right_arithmetic3A_3 : vector<16xi32>
        %gather3A_225 = tpu.vector_load_idx %arg10[%add3A_224, %and3A_1] : memref<1280x8xf32, #tpu.memory_space<vmem>>[vector<16xi32>, vector<16xi32>], vector<16xf32>,
        %gather3A_226 = tpu.vector_load_idx %arg8[%add3A_224] : memref<1280xi32, #tpu.memory_space<vmem>>[vector<16xi32>], vector<16xi32>,
        tpu.vector_store_idx %arg6[%gather3A_226, %and3A_1], %gather3A_225 masked %lt3A_5 {add = true} : memref<10000x8xf32, #tpu.memory_space<vmem>>[vector<16xi32>, vector<16xi32>], vector<16xf32>, vector<16xi1>
        tpu.vector_store_idx %arg6[%gather3A_226, %and3A_1], %gather3A_225 masked %ge3A_7 {add = true} : memref<10000x8xf32, #tpu.memory_space<vmem>>[vector<16xi32>, vector<16xi32>], vector<16xf32>, vector<16xi1>
        %add3A_227 = arith.constant 8 : i32
        %add3A_228 = arith.addi %mul3A_203, %add3A_227 : i32
        %add3A_229 = vector.broadcast %add3A_228 : i32 to vector<16xi32>
        %add3A_230 = arith.addi %add3A_229, %shift_right_arithmetic3A_3 : vector<16xi32>
        %gather3A_231 = tpu.vector_load_idx %arg10[%add3A_230, %and3A_1] : memref<1280x8xf32, #tpu.memory_space<vmem>>[vector<16xi32>, vector<16xi32>], vector<16xf32>,
        %gather3A_232 = tpu.vector_load_idx %arg8[%add3A_230] : memref<1280xi32, #tpu.memory_space<vmem>>[vector<16xi32>], vector<16xi32>,
        tpu.vector_store_idx %arg6[%gather3A_232, %and3A_1], %gather3A_231 masked %lt3A_5 {add = true} : memref<10000x8xf32, #tpu.memory_space<vmem>>[vector<16xi32>, vector<16xi32>], vector<16xf32>, vector<16xi1>
        tpu.vector_store_idx %arg6[%gather3A_232, %and3A_1], %gather3A_231 masked %ge3A_7 {add = true} : memref<10000x8xf32, #tpu.memory_space<vmem>>[vector<16xi32>, vector<16xi32>], vector<16xf32>, vector<16xi1>
        %add3A_233 = arith.constant 10 : i32
        %add3A_234 = arith.addi %mul3A_203, %add3A_233 : i32
        %add3A_235 = vector.broadcast %add3A_234 : i32 to vector<16xi32>
        %add3A_236 = arith.addi %add3A_235, %shift_right_arithmetic3A_3 : vector<16xi32>
        %gather3A_237 = tpu.vector_load_idx %arg10[%add3A_236, %and3A_1] : memref<1280x8xf32, #tpu.memory_space<vmem>>[vector<16xi32>, vector<16xi32>], vector<16xf32>,
        %gather3A_238 = tpu.vector_load_idx %arg8[%add3A_236] : memref<1280xi32, #tpu.memory_space<vmem>>[vector<16xi32>], vector<16xi32>,
        tpu.vector_store_idx %arg6[%gather3A_238, %and3A_1], %gather3A_237 masked %lt3A_5 {add = true} : memref<10000x8xf32, #tpu.memory_space<vmem>>[vector<16xi32>, vector<16xi32>], vector<16xf32>, vector<16xi1>
        tpu.vector_store_idx %arg6[%gather3A_238, %and3A_1], %gather3A_237 masked %ge3A_7 {add = true} : memref<10000x8xf32, #tpu.memory_space<vmem>>[vector<16xi32>, vector<16xi32>], vector<16xf32>, vector<16xi1>
        %add3A_239 = arith.constant 12 : i32
        %add3A_240 = arith.addi %mul3A_203, %add3A_239 : i32
        %add3A_241 = vector.broadcast %add3A_240 : i32 to vector<16xi32>
        %add3A_242 = arith.addi %add3A_241, %shift_right_arithmetic3A_3 : vector<16xi32>
        %gather3A_243 = tpu.vector_load_idx %arg10[%add3A_242, %and3A_1] : memref<1280x8xf32, #tpu.memory_space<vmem>>[vector<16xi32>, vector<16xi32>], vector<16xf32>,
        %gather3A_244 = tpu.vector_load_idx %arg8[%add3A_242] : memref<1280xi32, #tpu.memory_space<vmem>>[vector<16xi32>], vector<16xi32>,
        tpu.vector_store_idx %arg6[%gather3A_244, %and3A_1], %gather3A_243 masked %lt3A_5 {add = true} : memref<10000x8xf32, #tpu.memory_space<vmem>>[vector<16xi32>, vector<16xi32>], vector<16xf32>, vector<16xi1>
        tpu.vector_store_idx %arg6[%gather3A_244, %and3A_1], %gather3A_243 masked %ge3A_7 {add = true} : memref<10000x8xf32, #tpu.memory_space<vmem>>[vector<16xi32>, vector<16xi32>], vector<16xf32>, vector<16xi1>
        %add3A_245 = arith.constant 14 : i32
        %add3A_246 = arith.addi %mul3A_203, %add3A_245 : i32
        %add3A_247 = vector.broadcast %add3A_246 : i32 to vector<16xi32>
        %add3A_248 = arith.addi %add3A_247, %shift_right_arithmetic3A_3 : vector<16xi32>
        %gather3A_249 = tpu.vector_load_idx %arg10[%add3A_248, %and3A_1] : memref<1280x8xf32, #tpu.memory_space<vmem>>[vector<16xi32>, vector<16xi32>], vector<16xf32>,
        %gather3A_250 = tpu.vector_load_idx %arg8[%add3A_248] : memref<1280xi32, #tpu.memory_space<vmem>>[vector<16xi32>], vector<16xi32>,
        tpu.vector_store_idx %arg6[%gather3A_250, %and3A_1], %gather3A_249 masked %lt3A_5 {add = true} : memref<10000x8xf32, #tpu.memory_space<vmem>>[vector<16xi32>, vector<16xi32>], vector<16xf32>, vector<16xi1>
        tpu.vector_store_idx %arg6[%gather3A_250, %and3A_1], %gather3A_249 masked %ge3A_7 {add = true} : memref<10000x8xf32, #tpu.memory_space<vmem>>[vector<16xi32>, vector<16xi32>], vector<16xf32>, vector<16xi1>
        %scan3A_251 = arith.constant 0 : i32
        scf.yield %scan3A_251 : i32
      }
      %scan3A_198 = arith.constant 80 : i32
      %scan3A_199 = arith.constant 0 : i32
      scf.yield %scan3A_199 : i32
    }
    %scan3A_22 = arith.constant 125 : i32
    "tpu.region"() ({
      %run_scoped3A = tpu.sem_alloc : memref<!tpu.dma_semaphore, #tpu.memory_space<semaphore_mem>>
      %dma_start3A = arith.constant 0 : i32
      %dma_start3A_23 = arith.constant 0 : i32
      %dma_start3A_24 = tpu.memref_slice %arg5[%arg0, %dma_start3A, %arg1, %dma_start3A_23] : memref<2x10000x16x8xf32, #tpu.memory_space<hbm>> -> memref<1x10000x1x8xf32, #tpu.memory_space<hbm>>
      %dma_start3A_25 = tpu.memref_squeeze %dma_start3A_24 : memref<1x10000x1x8xf32, #tpu.memory_space<hbm>> -> memref<10000x8xf32, #tpu.memory_space<hbm>>
      %dma_start3A_26 = arith.constant 0 : i32
      %dma_start3A_27 = arith.constant 0 : i32
      %dma_start3A_28 = tpu.memref_slice %arg5[%arg0, %dma_start3A_26, %arg1, %dma_start3A_27] : memref<2x10000x16x8xf32, #tpu.memory_space<hbm>> -> memref<1x10000x1x8xf32, #tpu.memory_space<hbm>>
      %dma_start3A_29 = tpu.memref_squeeze %dma_start3A_28 : memref<1x10000x1x8xf32, #tpu.memory_space<hbm>> -> memref<10000x8xf32, #tpu.memory_space<hbm>>
      tpu.enqueue_dma source(%arg6 : memref<10000x8xf32, #tpu.memory_space<vmem>>) target(%dma_start3A_29 : memref<10000x8xf32, #tpu.memory_space<hbm>>) target_semaphore(%run_scoped3A : memref<!tpu.dma_semaphore, #tpu.memory_space<semaphore_mem>>)
      %dma_wait3A = arith.constant 0 : i32
      %dma_wait3A_30 = arith.constant 0 : i32
      %dma_wait3A_31 = tpu.memref_slice %arg5[%arg0, %dma_wait3A, %arg1, %dma_wait3A_30] : memref<2x10000x16x8xf32, #tpu.memory_space<hbm>> -> memref<1x10000x1x8xf32, #tpu.memory_space<hbm>>
      %dma_wait3A_32 = tpu.memref_squeeze %dma_wait3A_31 : memref<1x10000x1x8xf32, #tpu.memory_space<hbm>> -> memref<10000x8xf32, #tpu.memory_space<hbm>>
      %dma_wait3A_33 = arith.constant 0 : i32
      %dma_wait3A_34 = arith.constant 0 : i32
      %dma_wait3A_35 = tpu.memref_slice %arg5[%arg0, %dma_wait3A_33, %arg1, %dma_wait3A_34] : memref<2x10000x16x8xf32, #tpu.memory_space<hbm>> -> memref<1x10000x1x8xf32, #tpu.memory_space<hbm>>
      %dma_wait3A_36 = tpu.memref_squeeze %dma_wait3A_35 : memref<1x10000x1x8xf32, #tpu.memory_space<hbm>> -> memref<10000x8xf32, #tpu.memory_space<hbm>>
      tpu.wait_dma2 semaphore(%run_scoped3A : memref<!tpu.dma_semaphore, #tpu.memory_space<semaphore_mem>>) src(%arg6 : memref<10000x8xf32, #tpu.memory_space<vmem>>) dst(%dma_wait3A_36 : memref<10000x8xf32, #tpu.memory_space<hbm>>)
      tpu.yield
    }) : () -> ()
    return
  }
}

#map = affine_map<(d0, d1) -> (0)>
#map1 = affine_map<(d0, d1) -> (0, 0, 0)>
module attributes {stable_mosaic.version = 14 : i64} {
  func.func @_sc_hist_body(%arg0: i32, %arg1: i32, %arg2: memref<320000xi32, #tpu.memory_space<hbm>>, %arg3: memref<32x625x16xf32, #tpu.memory_space<hbm>>, %arg4: memref<625x16xf32, #tpu.memory_space<vmem>>, %arg5: memref<10000xi32, #tpu.memory_space<vmem>>) attributes {dimension_semantics = [#tpu.dimension_semantics<core_parallel>, #tpu.dimension_semantics<subcore_parallel>], iteration_bounds = array<i64: 2, 16>, scalar_prefetch = 0 : i64, scratch_operands = 2 : i64, tpu.core_type = #tpu.core_type<sc_vector_subcore>, window_params = [{transform_indices = #map}, {transform_indices = #map1}]} {
    %mul3A = arith.constant 16 : i32
    %mul3A_0 = arith.muli %arg0, %mul3A : i32
    %add3A = arith.addi %mul3A_0, %arg1 : i32
    %iota3A = tpu.iota {dimensions = array<i32: 0>} : vector<16xi32>
    %broadcast_in_dim3A = arith.constant 1.000000e+00 : f32
    %broadcast_in_dim3A_1 = vector.broadcast %broadcast_in_dim3A : f32 to vector<16xf32>
    %broadcast_in_dim3A_2 = arith.constant 0.000000e+00 : f32
    %broadcast_in_dim3A_3 = vector.broadcast %broadcast_in_dim3A_2 : f32 to vector<16xf32>
    %scan3A = arith.constant 0 : i32
    %scan3A_4 = arith.constant 0 : i32
    %scan3A_5 = arith.constant 624 : i32
    %scan3A_6 = arith.addi %scan3A_4, %scan3A_5 : i32
    %scan3A_7 = arith.constant 4 : i32
    %scan3A_8 = scf.for %scan3A_24 = %scan3A_4 to %scan3A_6 step %scan3A_7 iter_args(%scan3A_25 = %scan3A) -> (i32)  : i32 {
      %swap3A_26 = arith.index_cast %scan3A_24 : i32 to index
      %swap3A_27 = arith.constant 0 : index
      %swap3A_28 = tpu.vector_load %arg4[%swap3A_26, %swap3A_27] {strides = array<i32>} : memref<625x16xf32, #tpu.memory_space<vmem>>, vector<16xf32>,
      tpu.vector_store %arg4[%swap3A_26, %swap3A_27], %broadcast_in_dim3A_3 {strides = array<i32>} : memref<625x16xf32, #tpu.memory_space<vmem>>, vector<16xf32>,
      %scan3A_29 = arith.constant 0 : i32
      %scan3A_30 = arith.constant 1 : i32
      %scan3A_31 = arith.addi %scan3A_24, %scan3A_30 : i32
      %swap3A_32 = arith.index_cast %scan3A_31 : i32 to index
      %swap3A_33 = arith.constant 0 : index
      %swap3A_34 = tpu.vector_load %arg4[%swap3A_32, %swap3A_33] {strides = array<i32>} : memref<625x16xf32, #tpu.memory_space<vmem>>, vector<16xf32>,
      tpu.vector_store %arg4[%swap3A_32, %swap3A_33], %broadcast_in_dim3A_3 {strides = array<i32>} : memref<625x16xf32, #tpu.memory_space<vmem>>, vector<16xf32>,
      %scan3A_35 = arith.constant 0 : i32
      %scan3A_36 = arith.constant 2 : i32
      %scan3A_37 = arith.addi %scan3A_24, %scan3A_36 : i32
      %swap3A_38 = arith.index_cast %scan3A_37 : i32 to index
      %swap3A_39 = arith.constant 0 : index
      %swap3A_40 = tpu.vector_load %arg4[%swap3A_38, %swap3A_39] {strides = array<i32>} : memref<625x16xf32, #tpu.memory_space<vmem>>, vector<16xf32>,
      tpu.vector_store %arg4[%swap3A_38, %swap3A_39], %broadcast_in_dim3A_3 {strides = array<i32>} : memref<625x16xf32, #tpu.memory_space<vmem>>, vector<16xf32>,
      %scan3A_41 = arith.constant 0 : i32
      %scan3A_42 = arith.constant 3 : i32
      %scan3A_43 = arith.addi %scan3A_24, %scan3A_42 : i32
      %swap3A_44 = arith.index_cast %scan3A_43 : i32 to index
      %swap3A_45 = arith.constant 0 : index
      %swap3A_46 = tpu.vector_load %arg4[%swap3A_44, %swap3A_45] {strides = array<i32>} : memref<625x16xf32, #tpu.memory_space<vmem>>, vector<16xf32>,
      tpu.vector_store %arg4[%swap3A_44, %swap3A_45], %broadcast_in_dim3A_3 {strides = array<i32>} : memref<625x16xf32, #tpu.memory_space<vmem>>, vector<16xf32>,
      %scan3A_47 = arith.constant 0 : i32
      scf.yield %scan3A_47 : i32
    }
    %scan3A_9 = arith.constant 624 : i32
    %scan3A_10 = arith.addi %scan3A_4, %scan3A_9 : i32
    %swap3A = arith.index_cast %scan3A_10 : i32 to index
    %swap3A_11 = arith.constant 0 : index
    %swap3A_12 = tpu.vector_load %arg4[%swap3A, %swap3A_11] {strides = array<i32>} : memref<625x16xf32, #tpu.memory_space<vmem>>, vector<16xf32>,
    tpu.vector_store %arg4[%swap3A, %swap3A_11], %broadcast_in_dim3A_3 {strides = array<i32>} : memref<625x16xf32, #tpu.memory_space<vmem>>, vector<16xf32>,
    %scan3A_13 = arith.constant 0 : i32
    %scan3A_14 = arith.constant 625 : i32
    %mul3A_15 = arith.constant 10000 : i32
    %mul3A_16 = arith.muli %add3A, %mul3A_15 : i32
    "tpu.region"() ({
      %run_scoped3A = tpu.sem_alloc : memref<!tpu.dma_semaphore, #tpu.memory_space<semaphore_mem>>
      %dma_start3A = tpu.memref_slice %arg2[%mul3A_16] : memref<320000xi32, #tpu.memory_space<hbm>> -> memref<10000xi32, #tpu.memory_space<hbm>>
      %dma_start3A_24 = tpu.memref_slice %arg2[%mul3A_16] : memref<320000xi32, #tpu.memory_space<hbm>> -> memref<10000xi32, #tpu.memory_space<hbm>>
      tpu.enqueue_dma source(%dma_start3A_24 : memref<10000xi32, #tpu.memory_space<hbm>>) target(%arg5 : memref<10000xi32, #tpu.memory_space<vmem>>) target_semaphore(%run_scoped3A : memref<!tpu.dma_semaphore, #tpu.memory_space<semaphore_mem>>)
      %dma_wait3A = tpu.memref_slice %arg2[%mul3A_16] : memref<320000xi32, #tpu.memory_space<hbm>> -> memref<10000xi32, #tpu.memory_space<hbm>>
      %dma_wait3A_25 = tpu.memref_slice %arg2[%mul3A_16] : memref<320000xi32, #tpu.memory_space<hbm>> -> memref<10000xi32, #tpu.memory_space<hbm>>
      tpu.wait_dma2 semaphore(%run_scoped3A : memref<!tpu.dma_semaphore, #tpu.memory_space<semaphore_mem>>) src(%dma_wait3A_25 : memref<10000xi32, #tpu.memory_space<hbm>>) dst(%arg5 : memref<10000xi32, #tpu.memory_space<vmem>>)
      tpu.yield
    }) : () -> ()
    %scan3A_17 = arith.constant 0 : i32
    %scan3A_18 = arith.constant 0 : i32
    %scan3A_19 = arith.constant 625 : i32
    %scan3A_20 = arith.addi %scan3A_18, %scan3A_19 : i32
    %scan3A_21 = arith.constant 1 : i32
    %scan3A_22 = scf.for %scan3A_24 = %scan3A_18 to %scan3A_20 step %scan3A_21 iter_args(%scan3A_25 = %scan3A_17) -> (i32)  : i32 {
      %mul3A_26 = arith.constant 16 : i32
      %mul3A_27 = arith.muli %scan3A_24, %mul3A_26 : i32
      %get3A = arith.index_cast %mul3A_27 : i32 to index
      %get3A_28 = tpu.vector_load %arg5[%get3A] {strides = array<i32>} : memref<10000xi32, #tpu.memory_space<vmem>>, vector<16xi32>,
      %shift_right_arithmetic3A = arith.constant 4 : i32
      %shift_right_arithmetic3A_29 = vector.broadcast %shift_right_arithmetic3A : i32 to vector<16xi32>
      %shift_right_arithmetic3A_30 = arith.shrsi %get3A_28, %shift_right_arithmetic3A_29 : vector<16xi32>
      %and3A = arith.constant 15 : i32
      %and3A_31 = vector.broadcast %and3A : i32 to vector<16xi32>
      %and3A_32 = arith.andi %get3A_28, %and3A_31 : vector<16xi32>
      %eq3A = arith.constant 0 : i32
      %eq3A_33 = vector.broadcast %eq3A : i32 to vector<16xi32>
      %eq3A_34 = arith.cmpi eq, %iota3A, %eq3A_33 : vector<16xi32>
      tpu.vector_store_idx %arg4[%shift_right_arithmetic3A_30, %and3A_32], %broadcast_in_dim3A_1 masked %eq3A_34 {add = true} : memref<625x16xf32, #tpu.memory_space<vmem>>[vector<16xi32>, vector<16xi32>], vector<16xf32>, vector<16xi1>
      %shift_right_arithmetic3A_35 = arith.constant 4 : i32
      %shift_right_arithmetic3A_36 = vector.broadcast %shift_right_arithmetic3A_35 : i32 to vector<16xi32>
      %shift_right_arithmetic3A_37 = arith.shrsi %get3A_28, %shift_right_arithmetic3A_36 : vector<16xi32>
      %and3A_38 = arith.constant 15 : i32
      %and3A_39 = vector.broadcast %and3A_38 : i32 to vector<16xi32>
      %and3A_40 = arith.andi %get3A_28, %and3A_39 : vector<16xi32>
      %eq3A_41 = arith.constant 1 : i32
      %eq3A_42 = vector.broadcast %eq3A_41 : i32 to vector<16xi32>
      %eq3A_43 = arith.cmpi eq, %iota3A, %eq3A_42 : vector<16xi32>
      tpu.vector_store_idx %arg4[%shift_right_arithmetic3A_37, %and3A_40], %broadcast_in_dim3A_1 masked %eq3A_43 {add = true} : memref<625x16xf32, #tpu.memory_space<vmem>>[vector<16xi32>, vector<16xi32>], vector<16xf32>, vector<16xi1>
      %shift_right_arithmetic3A_44 = arith.constant 4 : i32
      %shift_right_arithmetic3A_45 = vector.broadcast %shift_right_arithmetic3A_44 : i32 to vector<16xi32>
      %shift_right_arithmetic3A_46 = arith.shrsi %get3A_28, %shift_right_arithmetic3A_45 : vector<16xi32>
      %and3A_47 = arith.constant 15 : i32
      %and3A_48 = vector.broadcast %and3A_47 : i32 to vector<16xi32>
      %and3A_49 = arith.andi %get3A_28, %and3A_48 : vector<16xi32>
      %eq3A_50 = arith.constant 2 : i32
      %eq3A_51 = vector.broadcast %eq3A_50 : i32 to vector<16xi32>
      %eq3A_52 = arith.cmpi eq, %iota3A, %eq3A_51 : vector<16xi32>
      tpu.vector_store_idx %arg4[%shift_right_arithmetic3A_46, %and3A_49], %broadcast_in_dim3A_1 masked %eq3A_52 {add = true} : memref<625x16xf32, #tpu.memory_space<vmem>>[vector<16xi32>, vector<16xi32>], vector<16xf32>, vector<16xi1>
      %shift_right_arithmetic3A_53 = arith.constant 4 : i32
      %shift_right_arithmetic3A_54 = vector.broadcast %shift_right_arithmetic3A_53 : i32 to vector<16xi32>
      %shift_right_arithmetic3A_55 = arith.shrsi %get3A_28, %shift_right_arithmetic3A_54 : vector<16xi32>
      %and3A_56 = arith.constant 15 : i32
      %and3A_57 = vector.broadcast %and3A_56 : i32 to vector<16xi32>
      %and3A_58 = arith.andi %get3A_28, %and3A_57 : vector<16xi32>
      %eq3A_59 = arith.constant 3 : i32
      %eq3A_60 = vector.broadcast %eq3A_59 : i32 to vector<16xi32>
      %eq3A_61 = arith.cmpi eq, %iota3A, %eq3A_60 : vector<16xi32>
      tpu.vector_store_idx %arg4[%shift_right_arithmetic3A_55, %and3A_58], %broadcast_in_dim3A_1 masked %eq3A_61 {add = true} : memref<625x16xf32, #tpu.memory_space<vmem>>[vector<16xi32>, vector<16xi32>], vector<16xf32>, vector<16xi1>
      %shift_right_arithmetic3A_62 = arith.constant 4 : i32
      %shift_right_arithmetic3A_63 = vector.broadcast %shift_right_arithmetic3A_62 : i32 to vector<16xi32>
      %shift_right_arithmetic3A_64 = arith.shrsi %get3A_28, %shift_right_arithmetic3A_63 : vector<16xi32>
      %and3A_65 = arith.constant 15 : i32
      %and3A_66 = vector.broadcast %and3A_65 : i32 to vector<16xi32>
      %and3A_67 = arith.andi %get3A_28, %and3A_66 : vector<16xi32>
      %eq3A_68 = arith.constant 4 : i32
      %eq3A_69 = vector.broadcast %eq3A_68 : i32 to vector<16xi32>
      %eq3A_70 = arith.cmpi eq, %iota3A, %eq3A_69 : vector<16xi32>
      tpu.vector_store_idx %arg4[%shift_right_arithmetic3A_64, %and3A_67], %broadcast_in_dim3A_1 masked %eq3A_70 {add = true} : memref<625x16xf32, #tpu.memory_space<vmem>>[vector<16xi32>, vector<16xi32>], vector<16xf32>, vector<16xi1>
      %shift_right_arithmetic3A_71 = arith.constant 4 : i32
      %shift_right_arithmetic3A_72 = vector.broadcast %shift_right_arithmetic3A_71 : i32 to vector<16xi32>
      %shift_right_arithmetic3A_73 = arith.shrsi %get3A_28, %shift_right_arithmetic3A_72 : vector<16xi32>
      %and3A_74 = arith.constant 15 : i32
      %and3A_75 = vector.broadcast %and3A_74 : i32 to vector<16xi32>
      %and3A_76 = arith.andi %get3A_28, %and3A_75 : vector<16xi32>
      %eq3A_77 = arith.constant 5 : i32
      %eq3A_78 = vector.broadcast %eq3A_77 : i32 to vector<16xi32>
      %eq3A_79 = arith.cmpi eq, %iota3A, %eq3A_78 : vector<16xi32>
      tpu.vector_store_idx %arg4[%shift_right_arithmetic3A_73, %and3A_76], %broadcast_in_dim3A_1 masked %eq3A_79 {add = true} : memref<625x16xf32, #tpu.memory_space<vmem>>[vector<16xi32>, vector<16xi32>], vector<16xf32>, vector<16xi1>
      %shift_right_arithmetic3A_80 = arith.constant 4 : i32
      %shift_right_arithmetic3A_81 = vector.broadcast %shift_right_arithmetic3A_80 : i32 to vector<16xi32>
      %shift_right_arithmetic3A_82 = arith.shrsi %get3A_28, %shift_right_arithmetic3A_81 : vector<16xi32>
      %and3A_83 = arith.constant 15 : i32
      %and3A_84 = vector.broadcast %and3A_83 : i32 to vector<16xi32>
      %and3A_85 = arith.andi %get3A_28, %and3A_84 : vector<16xi32>
      %eq3A_86 = arith.constant 6 : i32
      %eq3A_87 = vector.broadcast %eq3A_86 : i32 to vector<16xi32>
      %eq3A_88 = arith.cmpi eq, %iota3A, %eq3A_87 : vector<16xi32>
      tpu.vector_store_idx %arg4[%shift_right_arithmetic3A_82, %and3A_85], %broadcast_in_dim3A_1 masked %eq3A_88 {add = true} : memref<625x16xf32, #tpu.memory_space<vmem>>[vector<16xi32>, vector<16xi32>], vector<16xf32>, vector<16xi1>
      %shift_right_arithmetic3A_89 = arith.constant 4 : i32
      %shift_right_arithmetic3A_90 = vector.broadcast %shift_right_arithmetic3A_89 : i32 to vector<16xi32>
      %shift_right_arithmetic3A_91 = arith.shrsi %get3A_28, %shift_right_arithmetic3A_90 : vector<16xi32>
      %and3A_92 = arith.constant 15 : i32
      %and3A_93 = vector.broadcast %and3A_92 : i32 to vector<16xi32>
      %and3A_94 = arith.andi %get3A_28, %and3A_93 : vector<16xi32>
      %eq3A_95 = arith.constant 7 : i32
      %eq3A_96 = vector.broadcast %eq3A_95 : i32 to vector<16xi32>
      %eq3A_97 = arith.cmpi eq, %iota3A, %eq3A_96 : vector<16xi32>
      tpu.vector_store_idx %arg4[%shift_right_arithmetic3A_91, %and3A_94], %broadcast_in_dim3A_1 masked %eq3A_97 {add = true} : memref<625x16xf32, #tpu.memory_space<vmem>>[vector<16xi32>, vector<16xi32>], vector<16xf32>, vector<16xi1>
      %shift_right_arithmetic3A_98 = arith.constant 4 : i32
      %shift_right_arithmetic3A_99 = vector.broadcast %shift_right_arithmetic3A_98 : i32 to vector<16xi32>
      %shift_right_arithmetic3A_100 = arith.shrsi %get3A_28, %shift_right_arithmetic3A_99 : vector<16xi32>
      %and3A_101 = arith.constant 15 : i32
      %and3A_102 = vector.broadcast %and3A_101 : i32 to vector<16xi32>
      %and3A_103 = arith.andi %get3A_28, %and3A_102 : vector<16xi32>
      %eq3A_104 = arith.constant 8 : i32
      %eq3A_105 = vector.broadcast %eq3A_104 : i32 to vector<16xi32>
      %eq3A_106 = arith.cmpi eq, %iota3A, %eq3A_105 : vector<16xi32>
      tpu.vector_store_idx %arg4[%shift_right_arithmetic3A_100, %and3A_103], %broadcast_in_dim3A_1 masked %eq3A_106 {add = true} : memref<625x16xf32, #tpu.memory_space<vmem>>[vector<16xi32>, vector<16xi32>], vector<16xf32>, vector<16xi1>
      %shift_right_arithmetic3A_107 = arith.constant 4 : i32
      %shift_right_arithmetic3A_108 = vector.broadcast %shift_right_arithmetic3A_107 : i32 to vector<16xi32>
      %shift_right_arithmetic3A_109 = arith.shrsi %get3A_28, %shift_right_arithmetic3A_108 : vector<16xi32>
      %and3A_110 = arith.constant 15 : i32
      %and3A_111 = vector.broadcast %and3A_110 : i32 to vector<16xi32>
      %and3A_112 = arith.andi %get3A_28, %and3A_111 : vector<16xi32>
      %eq3A_113 = arith.constant 9 : i32
      %eq3A_114 = vector.broadcast %eq3A_113 : i32 to vector<16xi32>
      %eq3A_115 = arith.cmpi eq, %iota3A, %eq3A_114 : vector<16xi32>
      tpu.vector_store_idx %arg4[%shift_right_arithmetic3A_109, %and3A_112], %broadcast_in_dim3A_1 masked %eq3A_115 {add = true} : memref<625x16xf32, #tpu.memory_space<vmem>>[vector<16xi32>, vector<16xi32>], vector<16xf32>, vector<16xi1>
      %shift_right_arithmetic3A_116 = arith.constant 4 : i32
      %shift_right_arithmetic3A_117 = vector.broadcast %shift_right_arithmetic3A_116 : i32 to vector<16xi32>
      %shift_right_arithmetic3A_118 = arith.shrsi %get3A_28, %shift_right_arithmetic3A_117 : vector<16xi32>
      %and3A_119 = arith.constant 15 : i32
      %and3A_120 = vector.broadcast %and3A_119 : i32 to vector<16xi32>
      %and3A_121 = arith.andi %get3A_28, %and3A_120 : vector<16xi32>
      %eq3A_122 = arith.constant 10 : i32
      %eq3A_123 = vector.broadcast %eq3A_122 : i32 to vector<16xi32>
      %eq3A_124 = arith.cmpi eq, %iota3A, %eq3A_123 : vector<16xi32>
      tpu.vector_store_idx %arg4[%shift_right_arithmetic3A_118, %and3A_121], %broadcast_in_dim3A_1 masked %eq3A_124 {add = true} : memref<625x16xf32, #tpu.memory_space<vmem>>[vector<16xi32>, vector<16xi32>], vector<16xf32>, vector<16xi1>
      %shift_right_arithmetic3A_125 = arith.constant 4 : i32
      %shift_right_arithmetic3A_126 = vector.broadcast %shift_right_arithmetic3A_125 : i32 to vector<16xi32>
      %shift_right_arithmetic3A_127 = arith.shrsi %get3A_28, %shift_right_arithmetic3A_126 : vector<16xi32>
      %and3A_128 = arith.constant 15 : i32
      %and3A_129 = vector.broadcast %and3A_128 : i32 to vector<16xi32>
      %and3A_130 = arith.andi %get3A_28, %and3A_129 : vector<16xi32>
      %eq3A_131 = arith.constant 11 : i32
      %eq3A_132 = vector.broadcast %eq3A_131 : i32 to vector<16xi32>
      %eq3A_133 = arith.cmpi eq, %iota3A, %eq3A_132 : vector<16xi32>
      tpu.vector_store_idx %arg4[%shift_right_arithmetic3A_127, %and3A_130], %broadcast_in_dim3A_1 masked %eq3A_133 {add = true} : memref<625x16xf32, #tpu.memory_space<vmem>>[vector<16xi32>, vector<16xi32>], vector<16xf32>, vector<16xi1>
      %shift_right_arithmetic3A_134 = arith.constant 4 : i32
      %shift_right_arithmetic3A_135 = vector.broadcast %shift_right_arithmetic3A_134 : i32 to vector<16xi32>
      %shift_right_arithmetic3A_136 = arith.shrsi %get3A_28, %shift_right_arithmetic3A_135 : vector<16xi32>
      %and3A_137 = arith.constant 15 : i32
      %and3A_138 = vector.broadcast %and3A_137 : i32 to vector<16xi32>
      %and3A_139 = arith.andi %get3A_28, %and3A_138 : vector<16xi32>
      %eq3A_140 = arith.constant 12 : i32
      %eq3A_141 = vector.broadcast %eq3A_140 : i32 to vector<16xi32>
      %eq3A_142 = arith.cmpi eq, %iota3A, %eq3A_141 : vector<16xi32>
      tpu.vector_store_idx %arg4[%shift_right_arithmetic3A_136, %and3A_139], %broadcast_in_dim3A_1 masked %eq3A_142 {add = true} : memref<625x16xf32, #tpu.memory_space<vmem>>[vector<16xi32>, vector<16xi32>], vector<16xf32>, vector<16xi1>
      %shift_right_arithmetic3A_143 = arith.constant 4 : i32
      %shift_right_arithmetic3A_144 = vector.broadcast %shift_right_arithmetic3A_143 : i32 to vector<16xi32>
      %shift_right_arithmetic3A_145 = arith.shrsi %get3A_28, %shift_right_arithmetic3A_144 : vector<16xi32>
      %and3A_146 = arith.constant 15 : i32
      %and3A_147 = vector.broadcast %and3A_146 : i32 to vector<16xi32>
      %and3A_148 = arith.andi %get3A_28, %and3A_147 : vector<16xi32>
      %eq3A_149 = arith.constant 13 : i32
      %eq3A_150 = vector.broadcast %eq3A_149 : i32 to vector<16xi32>
      %eq3A_151 = arith.cmpi eq, %iota3A, %eq3A_150 : vector<16xi32>
      tpu.vector_store_idx %arg4[%shift_right_arithmetic3A_145, %and3A_148], %broadcast_in_dim3A_1 masked %eq3A_151 {add = true} : memref<625x16xf32, #tpu.memory_space<vmem>>[vector<16xi32>, vector<16xi32>], vector<16xf32>, vector<16xi1>
      %shift_right_arithmetic3A_152 = arith.constant 4 : i32
      %shift_right_arithmetic3A_153 = vector.broadcast %shift_right_arithmetic3A_152 : i32 to vector<16xi32>
      %shift_right_arithmetic3A_154 = arith.shrsi %get3A_28, %shift_right_arithmetic3A_153 : vector<16xi32>
      %and3A_155 = arith.constant 15 : i32
      %and3A_156 = vector.broadcast %and3A_155 : i32 to vector<16xi32>
      %and3A_157 = arith.andi %get3A_28, %and3A_156 : vector<16xi32>
      %eq3A_158 = arith.constant 14 : i32
      %eq3A_159 = vector.broadcast %eq3A_158 : i32 to vector<16xi32>
      %eq3A_160 = arith.cmpi eq, %iota3A, %eq3A_159 : vector<16xi32>
      tpu.vector_store_idx %arg4[%shift_right_arithmetic3A_154, %and3A_157], %broadcast_in_dim3A_1 masked %eq3A_160 {add = true} : memref<625x16xf32, #tpu.memory_space<vmem>>[vector<16xi32>, vector<16xi32>], vector<16xf32>, vector<16xi1>
      %shift_right_arithmetic3A_161 = arith.constant 4 : i32
      %shift_right_arithmetic3A_162 = vector.broadcast %shift_right_arithmetic3A_161 : i32 to vector<16xi32>
      %shift_right_arithmetic3A_163 = arith.shrsi %get3A_28, %shift_right_arithmetic3A_162 : vector<16xi32>
      %and3A_164 = arith.constant 15 : i32
      %and3A_165 = vector.broadcast %and3A_164 : i32 to vector<16xi32>
      %and3A_166 = arith.andi %get3A_28, %and3A_165 : vector<16xi32>
      %eq3A_167 = arith.constant 15 : i32
      %eq3A_168 = vector.broadcast %eq3A_167 : i32 to vector<16xi32>
      %eq3A_169 = arith.cmpi eq, %iota3A, %eq3A_168 : vector<16xi32>
      tpu.vector_store_idx %arg4[%shift_right_arithmetic3A_163, %and3A_166], %broadcast_in_dim3A_1 masked %eq3A_169 {add = true} : memref<625x16xf32, #tpu.memory_space<vmem>>[vector<16xi32>, vector<16xi32>], vector<16xf32>, vector<16xi1>
      %scan3A_170 = arith.constant 0 : i32
      scf.yield %scan3A_170 : i32
    }
    %scan3A_23 = arith.constant 625 : i32
    "tpu.region"() ({
      %run_scoped3A = tpu.sem_alloc : memref<!tpu.dma_semaphore, #tpu.memory_space<semaphore_mem>>
      %dma_start3A = arith.constant 0 : i32
      %dma_start3A_24 = arith.constant 0 : i32
      %dma_start3A_25 = tpu.memref_slice %arg3[%add3A, %dma_start3A, %dma_start3A_24] : memref<32x625x16xf32, #tpu.memory_space<hbm>> -> memref<1x625x16xf32, #tpu.memory_space<hbm>>
      %dma_start3A_26 = tpu.memref_squeeze %dma_start3A_25 : memref<1x625x16xf32, #tpu.memory_space<hbm>> -> memref<625x16xf32, #tpu.memory_space<hbm>>
      %dma_start3A_27 = arith.constant 0 : i32
      %dma_start3A_28 = arith.constant 0 : i32
      %dma_start3A_29 = tpu.memref_slice %arg3[%add3A, %dma_start3A_27, %dma_start3A_28] : memref<32x625x16xf32, #tpu.memory_space<hbm>> -> memref<1x625x16xf32, #tpu.memory_space<hbm>>
      %dma_start3A_30 = tpu.memref_squeeze %dma_start3A_29 : memref<1x625x16xf32, #tpu.memory_space<hbm>> -> memref<625x16xf32, #tpu.memory_space<hbm>>
      tpu.enqueue_dma source(%arg4 : memref<625x16xf32, #tpu.memory_space<vmem>>) target(%dma_start3A_30 : memref<625x16xf32, #tpu.memory_space<hbm>>) target_semaphore(%run_scoped3A : memref<!tpu.dma_semaphore, #tpu.memory_space<semaphore_mem>>)
      %dma_wait3A = arith.constant 0 : i32
      %dma_wait3A_31 = arith.constant 0 : i32
      %dma_wait3A_32 = tpu.memref_slice %arg3[%add3A, %dma_wait3A, %dma_wait3A_31] : memref<32x625x16xf32, #tpu.memory_space<hbm>> -> memref<1x625x16xf32, #tpu.memory_space<hbm>>
      %dma_wait3A_33 = tpu.memref_squeeze %dma_wait3A_32 : memref<1x625x16xf32, #tpu.memory_space<hbm>> -> memref<625x16xf32, #tpu.memory_space<hbm>>
      %dma_wait3A_34 = arith.constant 0 : i32
      %dma_wait3A_35 = arith.constant 0 : i32
      %dma_wait3A_36 = tpu.memref_slice %arg3[%add3A, %dma_wait3A_34, %dma_wait3A_35] : memref<32x625x16xf32, #tpu.memory_space<hbm>> -> memref<1x625x16xf32, #tpu.memory_space<hbm>>
      %dma_wait3A_37 = tpu.memref_squeeze %dma_wait3A_36 : memref<1x625x16xf32, #tpu.memory_space<hbm>> -> memref<625x16xf32, #tpu.memory_space<hbm>>
      tpu.wait_dma2 semaphore(%run_scoped3A : memref<!tpu.dma_semaphore, #tpu.memory_space<semaphore_mem>>) src(%arg4 : memref<625x16xf32, #tpu.memory_space<vmem>>) dst(%dma_wait3A_37 : memref<625x16xf32, #tpu.memory_space<hbm>>)
      tpu.yield
    }) : () -> ()
    return
  }
}

#map = affine_map<(d0, d1) -> (0, 0)>
#map1 = affine_map<(d0, d1) -> (0)>
#map2 = affine_map<(d0, d1) -> (0, 0, 0, 0)>
module attributes {stable_mosaic.version = 14 : i64} {
  func.func @_sc_scatter_body(%arg0: i32, %arg1: i32, %arg2: memref<160000x8xf32, #tpu.memory_space<hbm>>, %arg3: memref<320000xi32, #tpu.memory_space<hbm>>, %arg4: memref<320000xi32, #tpu.memory_space<hbm>>, %arg5: memref<2x10000x16x8xf32, #tpu.memory_space<hbm>>, %arg6: memref<10000x8xf32, #tpu.memory_space<vmem>>, %arg7: memref<1280xi32, #tpu.memory_space<vmem>>, %arg8: memref<1280xi32, #tpu.memory_space<vmem>>, %arg9: memref<1280xi32, #tpu.memory_space<vmem>>, %arg10: memref<1280x8xf32, #tpu.memory_space<vmem>>, %arg11: memref<!tpu.dma_semaphore, #tpu.memory_space<semaphore_mem>>) attributes {dimension_semantics = [#tpu.dimension_semantics<core_parallel>, #tpu.dimension_semantics<subcore_parallel>], iteration_bounds = array<i64: 2, 16>, scalar_prefetch = 0 : i64, scratch_operands = 6 : i64, tpu.core_type = #tpu.core_type<sc_vector_subcore>, window_params = [{transform_indices = #map}, {transform_indices = #map1}, {transform_indices = #map1}, {transform_indices = #map2}]} {
    %iota3A = tpu.iota {dimensions = array<i32: 0>} : vector<16xi32>
    %and3A = arith.constant 7 : i32
    %and3A_0 = vector.broadcast %and3A : i32 to vector<16xi32>
    %and3A_1 = arith.andi %iota3A, %and3A_0 : vector<16xi32>
    %shift_right_arithmetic3A = arith.constant 3 : i32
    %shift_right_arithmetic3A_2 = vector.broadcast %shift_right_arithmetic3A : i32 to vector<16xi32>
    %shift_right_arithmetic3A_3 = arith.shrsi %iota3A, %shift_right_arithmetic3A_2 : vector<16xi32>
    %lt3A = arith.constant 8 : i32
    %lt3A_4 = vector.broadcast %lt3A : i32 to vector<16xi32>
    %lt3A_5 = arith.cmpi slt, %iota3A, %lt3A_4 : vector<16xi32>
    %ge3A = arith.constant 8 : i32
    %ge3A_6 = vector.broadcast %ge3A : i32 to vector<16xi32>
    %ge3A_7 = arith.cmpi sge, %iota3A, %ge3A_6 : vector<16xi32>
    %broadcast_in_dim3A = arith.constant 0.000000e+00 : f32
    %broadcast_in_dim3A_8 = vector.broadcast %broadcast_in_dim3A : f32 to vector<16xf32>
    %scan3A = arith.constant 0 : i32
    %scan3A_9 = arith.constant 0 : i32
    %scan3A_10 = arith.constant 5000 : i32
    %scan3A_11 = arith.addi %scan3A_9, %scan3A_10 : i32
    %scan3A_12 = arith.constant 4 : i32
    %scan3A_13 = scf.for %scan3A_23 = %scan3A_9 to %scan3A_11 step %scan3A_12 iter_args(%scan3A_24 = %scan3A) -> (i32)  : i32 {
      %mul3A_25 = arith.constant 2 : i32
      %mul3A_26 = arith.muli %mul3A_25, %scan3A_23 : i32
      %add3A = vector.broadcast %mul3A_26 : i32 to vector<16xi32>
      %add3A_27 = arith.addi %add3A, %shift_right_arithmetic3A_3 : vector<16xi32>
      tpu.vector_store_idx %arg6[%add3A_27, %and3A_1], %broadcast_in_dim3A_8 : memref<10000x8xf32, #tpu.memory_space<vmem>>[vector<16xi32>, vector<16xi32>], vector<16xf32>,
      %scan3A_28 = arith.constant 0 : i32
      %scan3A_29 = arith.constant 1 : i32
      %scan3A_30 = arith.addi %scan3A_23, %scan3A_29 : i32
      %mul3A_31 = arith.constant 2 : i32
      %mul3A_32 = arith.muli %mul3A_31, %scan3A_30 : i32
      %add3A_33 = vector.broadcast %mul3A_32 : i32 to vector<16xi32>
      %add3A_34 = arith.addi %add3A_33, %shift_right_arithmetic3A_3 : vector<16xi32>
      tpu.vector_store_idx %arg6[%add3A_34, %and3A_1], %broadcast_in_dim3A_8 : memref<10000x8xf32, #tpu.memory_space<vmem>>[vector<16xi32>, vector<16xi32>], vector<16xf32>,
      %scan3A_35 = arith.constant 0 : i32
      %scan3A_36 = arith.constant 2 : i32
      %scan3A_37 = arith.addi %scan3A_23, %scan3A_36 : i32
      %mul3A_38 = arith.constant 2 : i32
      %mul3A_39 = arith.muli %mul3A_38, %scan3A_37 : i32
      %add3A_40 = vector.broadcast %mul3A_39 : i32 to vector<16xi32>
      %add3A_41 = arith.addi %add3A_40, %shift_right_arithmetic3A_3 : vector<16xi32>
      tpu.vector_store_idx %arg6[%add3A_41, %and3A_1], %broadcast_in_dim3A_8 : memref<10000x8xf32, #tpu.memory_space<vmem>>[vector<16xi32>, vector<16xi32>], vector<16xf32>,
      %scan3A_42 = arith.constant 0 : i32
      %scan3A_43 = arith.constant 3 : i32
      %scan3A_44 = arith.addi %scan3A_23, %scan3A_43 : i32
      %mul3A_45 = arith.constant 2 : i32
      %mul3A_46 = arith.muli %mul3A_45, %scan3A_44 : i32
      %add3A_47 = vector.broadcast %mul3A_46 : i32 to vector<16xi32>
      %add3A_48 = arith.addi %add3A_47, %shift_right_arithmetic3A_3 : vector<16xi32>
      tpu.vector_store_idx %arg6[%add3A_48, %and3A_1], %broadcast_in_dim3A_8 : memref<10000x8xf32, #tpu.memory_space<vmem>>[vector<16xi32>, vector<16xi32>], vector<16xf32>,
      %scan3A_49 = arith.constant 0 : i32
      scf.yield %scan3A_49 : i32
    }
    %scan3A_14 = arith.constant 5000 : i32
    %mul3A = arith.constant 160000 : i32
    %mul3A_15 = arith.muli %arg0, %mul3A : i32
    %scan3A_16 = arith.constant 0 : i32
    %scan3A_17 = arith.constant 0 : i32
    %scan3A_18 = arith.constant 125 : i32
    %scan3A_19 = arith.addi %scan3A_17, %scan3A_18 : i32
    %scan3A_20 = arith.constant 1 : i32
    %scan3A_21 = scf.for %scan3A_23 = %scan3A_17 to %scan3A_19 step %scan3A_20 iter_args(%scan3A_24 = %scan3A_16) -> (i32)  : i32 {
      %mul3A_25 = arith.constant 1280 : i32
      %mul3A_26 = arith.muli %scan3A_23, %mul3A_25 : i32
      %add3A = arith.addi %mul3A_15, %mul3A_26 : i32
      "tpu.region"() ({
        %run_scoped3A = tpu.sem_alloc : memref<!tpu.dma_semaphore, #tpu.memory_space<semaphore_mem>>
        %dma_start3A_200 = tpu.memref_slice %arg3[%add3A] : memref<320000xi32, #tpu.memory_space<hbm>> -> memref<1280xi32, #tpu.memory_space<hbm>>
        %dma_start3A_201 = tpu.memref_slice %arg3[%add3A] : memref<320000xi32, #tpu.memory_space<hbm>> -> memref<1280xi32, #tpu.memory_space<hbm>>
        tpu.enqueue_dma source(%dma_start3A_201 : memref<1280xi32, #tpu.memory_space<hbm>>) target(%arg7 : memref<1280xi32, #tpu.memory_space<vmem>>) target_semaphore(%run_scoped3A : memref<!tpu.dma_semaphore, #tpu.memory_space<semaphore_mem>>)
        %dma_wait3A_202 = tpu.memref_slice %arg3[%add3A] : memref<320000xi32, #tpu.memory_space<hbm>> -> memref<1280xi32, #tpu.memory_space<hbm>>
        %dma_wait3A_203 = tpu.memref_slice %arg3[%add3A] : memref<320000xi32, #tpu.memory_space<hbm>> -> memref<1280xi32, #tpu.memory_space<hbm>>
        tpu.wait_dma2 semaphore(%run_scoped3A : memref<!tpu.dma_semaphore, #tpu.memory_space<semaphore_mem>>) src(%dma_wait3A_203 : memref<1280xi32, #tpu.memory_space<hbm>>) dst(%arg7 : memref<1280xi32, #tpu.memory_space<vmem>>)
        tpu.yield
      }) : () -> ()
      "tpu.region"() ({
        %run_scoped3A = tpu.sem_alloc : memref<!tpu.dma_semaphore, #tpu.memory_space<semaphore_mem>>
        %dma_start3A_200 = tpu.memref_slice %arg4[%add3A] : memref<320000xi32, #tpu.memory_space<hbm>> -> memref<1280xi32, #tpu.memory_space<hbm>>
        %dma_start3A_201 = tpu.memref_slice %arg4[%add3A] : memref<320000xi32, #tpu.memory_space<hbm>> -> memref<1280xi32, #tpu.memory_space<hbm>>
        tpu.enqueue_dma source(%dma_start3A_201 : memref<1280xi32, #tpu.memory_space<hbm>>) target(%arg8 : memref<1280xi32, #tpu.memory_space<vmem>>) target_semaphore(%run_scoped3A : memref<!tpu.dma_semaphore, #tpu.memory_space<semaphore_mem>>)
        %dma_wait3A_202 = tpu.memref_slice %arg4[%add3A] : memref<320000xi32, #tpu.memory_space<hbm>> -> memref<1280xi32, #tpu.memory_space<hbm>>
        %dma_wait3A_203 = tpu.memref_slice %arg4[%add3A] : memref<320000xi32, #tpu.memory_space<hbm>> -> memref<1280xi32, #tpu.memory_space<hbm>>
        tpu.wait_dma2 semaphore(%run_scoped3A : memref<!tpu.dma_semaphore, #tpu.memory_space<semaphore_mem>>) src(%dma_wait3A_203 : memref<1280xi32, #tpu.memory_space<hbm>>) dst(%arg8 : memref<1280xi32, #tpu.memory_space<vmem>>)
        tpu.yield
      }) : () -> ()
      %scan3A_27 = arith.constant 0 : i32
      %scan3A_28 = arith.constant 0 : i32
      %scan3A_29 = arith.constant 80 : i32
      %scan3A_30 = arith.addi %scan3A_28, %scan3A_29 : i32
      %scan3A_31 = arith.constant 4 : i32
      %scan3A_32 = scf.for %scan3A_200 = %scan3A_28 to %scan3A_30 step %scan3A_31 iter_args(%scan3A_201 = %scan3A_27) -> (i32)  : i32 {
        %mul3A_202 = arith.constant 16 : i32
        %mul3A_203 = arith.muli %scan3A_200, %mul3A_202 : i32
        %get3A = arith.index_cast %mul3A_203 : i32 to index
        %get3A_204 = tpu.vector_load %arg7[%get3A] {strides = array<i32>} : memref<1280xi32, #tpu.memory_space<vmem>>, vector<16xi32>,
        %mul3A_205 = arith.constant 16 : i32
        %mul3A_206 = vector.broadcast %mul3A_205 : i32 to vector<16xi32>
        %mul3A_207 = arith.muli %get3A_204, %mul3A_206 : vector<16xi32>
        %add3A_208 = vector.broadcast %arg1 : i32 to vector<16xi32>
        %add3A_209 = arith.addi %mul3A_207, %add3A_208 : vector<16xi32>
        %mul3A_210 = arith.constant 16 : i32
        %mul3A_211 = arith.muli %scan3A_200, %mul3A_210 : i32
        %swap3A = arith.index_cast %mul3A_211 : i32 to index
        %swap3A_212 = tpu.vector_load %arg9[%swap3A] {strides = array<i32>} : memref<1280xi32, #tpu.memory_space<vmem>>, vector<16xi32>,
        tpu.vector_store %arg9[%swap3A], %add3A_209 {strides = array<i32>} : memref<1280xi32, #tpu.memory_space<vmem>>, vector<16xi32>,
        %scan3A_213 = arith.constant 0 : i32
        %scan3A_214 = arith.constant 1 : i32
        %scan3A_215 = arith.addi %scan3A_200, %scan3A_214 : i32
        %mul3A_216 = arith.constant 16 : i32
        %mul3A_217 = arith.muli %scan3A_215, %mul3A_216 : i32
        %get3A_218 = arith.index_cast %mul3A_217 : i32 to index
        %get3A_219 = tpu.vector_load %arg7[%get3A_218] {strides = array<i32>} : memref<1280xi32, #tpu.memory_space<vmem>>, vector<16xi32>,
        %mul3A_220 = arith.constant 16 : i32
        %mul3A_221 = vector.broadcast %mul3A_220 : i32 to vector<16xi32>
        %mul3A_222 = arith.muli %get3A_219, %mul3A_221 : vector<16xi32>
        %add3A_223 = vector.broadcast %arg1 : i32 to vector<16xi32>
        %add3A_224 = arith.addi %mul3A_222, %add3A_223 : vector<16xi32>
        %mul3A_225 = arith.constant 16 : i32
        %mul3A_226 = arith.muli %scan3A_215, %mul3A_225 : i32
        %swap3A_227 = arith.index_cast %mul3A_226 : i32 to index
        %swap3A_228 = tpu.vector_load %arg9[%swap3A_227] {strides = array<i32>} : memref<1280xi32, #tpu.memory_space<vmem>>, vector<16xi32>,
        tpu.vector_store %arg9[%swap3A_227], %add3A_224 {strides = array<i32>} : memref<1280xi32, #tpu.memory_space<vmem>>, vector<16xi32>,
        %scan3A_229 = arith.constant 0 : i32
        %scan3A_230 = arith.constant 2 : i32
        %scan3A_231 = arith.addi %scan3A_200, %scan3A_230 : i32
        %mul3A_232 = arith.constant 16 : i32
        %mul3A_233 = arith.muli %scan3A_231, %mul3A_232 : i32
        %get3A_234 = arith.index_cast %mul3A_233 : i32 to index
        %get3A_235 = tpu.vector_load %arg7[%get3A_234] {strides = array<i32>} : memref<1280xi32, #tpu.memory_space<vmem>>, vector<16xi32>,
        %mul3A_236 = arith.constant 16 : i32
        %mul3A_237 = vector.broadcast %mul3A_236 : i32 to vector<16xi32>
        %mul3A_238 = arith.muli %get3A_235, %mul3A_237 : vector<16xi32>
        %add3A_239 = vector.broadcast %arg1 : i32 to vector<16xi32>
        %add3A_240 = arith.addi %mul3A_238, %add3A_239 : vector<16xi32>
        %mul3A_241 = arith.constant 16 : i32
        %mul3A_242 = arith.muli %scan3A_231, %mul3A_241 : i32
        %swap3A_243 = arith.index_cast %mul3A_242 : i32 to index
        %swap3A_244 = tpu.vector_load %arg9[%swap3A_243] {strides = array<i32>} : memref<1280xi32, #tpu.memory_space<vmem>>, vector<16xi32>,
        tpu.vector_store %arg9[%swap3A_243], %add3A_240 {strides = array<i32>} : memref<1280xi32, #tpu.memory_space<vmem>>, vector<16xi32>,
        %scan3A_245 = arith.constant 0 : i32
        %scan3A_246 = arith.constant 3 : i32
        %scan3A_247 = arith.addi %scan3A_200, %scan3A_246 : i32
        %mul3A_248 = arith.constant 16 : i32
        %mul3A_249 = arith.muli %scan3A_247, %mul3A_248 : i32
        %get3A_250 = arith.index_cast %mul3A_249 : i32 to index
        %get3A_251 = tpu.vector_load %arg7[%get3A_250] {strides = array<i32>} : memref<1280xi32, #tpu.memory_space<vmem>>, vector<16xi32>,
        %mul3A_252 = arith.constant 16 : i32
        %mul3A_253 = vector.broadcast %mul3A_252 : i32 to vector<16xi32>
        %mul3A_254 = arith.muli %get3A_251, %mul3A_253 : vector<16xi32>
        %add3A_255 = vector.broadcast %arg1 : i32 to vector<16xi32>
        %add3A_256 = arith.addi %mul3A_254, %add3A_255 : vector<16xi32>
        %mul3A_257 = arith.constant 16 : i32
        %mul3A_258 = arith.muli %scan3A_247, %mul3A_257 : i32
        %swap3A_259 = arith.index_cast %mul3A_258 : i32 to index
        %swap3A_260 = tpu.vector_load %arg9[%swap3A_259] {strides = array<i32>} : memref<1280xi32, #tpu.memory_space<vmem>>, vector<16xi32>,
        tpu.vector_store %arg9[%swap3A_259], %add3A_256 {strides = array<i32>} : memref<1280xi32, #tpu.memory_space<vmem>>, vector<16xi32>,
        %scan3A_261 = arith.constant 0 : i32
        scf.yield %scan3A_261 : i32
      }
      %scan3A_33 = arith.constant 80 : i32
      %dma_start3A = arith.constant 0 : i32
      %dma_start3A_34 = arith.constant 0 : i32
      %dma_start3A_35 = tpu.memref_slice %arg10[%dma_start3A, %dma_start3A_34] : memref<1280x8xf32, #tpu.memory_space<vmem>> -> memref<128x8xf32, #tpu.memory_space<vmem>>
      %dma_start3A_36 = arith.constant 0 : i32
      %dma_start3A_37 = tpu.memref_slice %arg9[%dma_start3A_36] : memref<1280xi32, #tpu.memory_space<vmem>> -> memref<128xi32, #tpu.memory_space<vmem>>
      %dma_start3A_38 = arith.constant 0 : i32
      %dma_start3A_39 = arith.constant 0 : i32
      %dma_start3A_40 = tpu.memref_slice %arg2[%dma_start3A_38, %dma_start3A_39] : memref<160000x8xf32, #tpu.memory_space<hbm>> -> memref<160000x8xf32, #tpu.memory_space<hbm>>
      tpu.enqueue_indirect_dma source(%dma_start3A_40 : memref<160000x8xf32, #tpu.memory_space<hbm>>) target(%dma_start3A_35 : memref<128x8xf32, #tpu.memory_space<vmem>>) offsets(%dma_start3A_37 : memref<128xi32, #tpu.memory_space<vmem>>) semaphore(%arg11 : memref<!tpu.dma_semaphore, #tpu.memory_space<semaphore_mem>>)
      %dma_start3A_41 = arith.constant 128 : i32
      %dma_start3A_42 = arith.constant 0 : i32
      %dma_start3A_43 = tpu.memref_slice %arg10[%dma_start3A_41, %dma_start3A_42] : memref<1280x8xf32, #tpu.memory_space<vmem>> -> memref<128x8xf32, #tpu.memory_space<vmem>>
      %dma_start3A_44 = arith.constant 128 : i32
      %dma_start3A_45 = tpu.memref_slice %arg9[%dma_start3A_44] : memref<1280xi32, #tpu.memory_space<vmem>> -> memref<128xi32, #tpu.memory_space<vmem>>
      %dma_start3A_46 = arith.constant 0 : i32
      %dma_start3A_47 = arith.constant 0 : i32
      %dma_start3A_48 = tpu.memref_slice %arg2[%dma_start3A_46, %dma_start3A_47] : memref<160000x8xf32, #tpu.memory_space<hbm>> -> memref<160000x8xf32, #tpu.memory_space<hbm>>
      tpu.enqueue_indirect_dma source(%dma_start3A_48 : memref<160000x8xf32, #tpu.memory_space<hbm>>) target(%dma_start3A_43 : memref<128x8xf32, #tpu.memory_space<vmem>>) offsets(%dma_start3A_45 : memref<128xi32, #tpu.memory_space<vmem>>) semaphore(%arg11 : memref<!tpu.dma_semaphore, #tpu.memory_space<semaphore_mem>>)
      %dma_start3A_49 = arith.constant 256 : i32
      %dma_start3A_50 = arith.constant 0 : i32
      %dma_start3A_51 = tpu.memref_slice %arg10[%dma_start3A_49, %dma_start3A_50] : memref<1280x8xf32, #tpu.memory_space<vmem>> -> memref<128x8xf32, #tpu.memory_space<vmem>>
      %dma_start3A_52 = arith.constant 256 : i32
      %dma_start3A_53 = tpu.memref_slice %arg9[%dma_start3A_52] : memref<1280xi32, #tpu.memory_space<vmem>> -> memref<128xi32, #tpu.memory_space<vmem>>
      %dma_start3A_54 = arith.constant 0 : i32
      %dma_start3A_55 = arith.constant 0 : i32
      %dma_start3A_56 = tpu.memref_slice %arg2[%dma_start3A_54, %dma_start3A_55] : memref<160000x8xf32, #tpu.memory_space<hbm>> -> memref<160000x8xf32, #tpu.memory_space<hbm>>
      tpu.enqueue_indirect_dma source(%dma_start3A_56 : memref<160000x8xf32, #tpu.memory_space<hbm>>) target(%dma_start3A_51 : memref<128x8xf32, #tpu.memory_space<vmem>>) offsets(%dma_start3A_53 : memref<128xi32, #tpu.memory_space<vmem>>) semaphore(%arg11 : memref<!tpu.dma_semaphore, #tpu.memory_space<semaphore_mem>>)
      %dma_start3A_57 = arith.constant 384 : i32
      %dma_start3A_58 = arith.constant 0 : i32
      %dma_start3A_59 = tpu.memref_slice %arg10[%dma_start3A_57, %dma_start3A_58] : memref<1280x8xf32, #tpu.memory_space<vmem>> -> memref<128x8xf32, #tpu.memory_space<vmem>>
      %dma_start3A_60 = arith.constant 384 : i32
      %dma_start3A_61 = tpu.memref_slice %arg9[%dma_start3A_60] : memref<1280xi32, #tpu.memory_space<vmem>> -> memref<128xi32, #tpu.memory_space<vmem>>
      %dma_start3A_62 = arith.constant 0 : i32
      %dma_start3A_63 = arith.constant 0 : i32
      %dma_start3A_64 = tpu.memref_slice %arg2[%dma_start3A_62, %dma_start3A_63] : memref<160000x8xf32, #tpu.memory_space<hbm>> -> memref<160000x8xf32, #tpu.memory_space<hbm>>
      tpu.enqueue_indirect_dma source(%dma_start3A_64 : memref<160000x8xf32, #tpu.memory_space<hbm>>) target(%dma_start3A_59 : memref<128x8xf32, #tpu.memory_space<vmem>>) offsets(%dma_start3A_61 : memref<128xi32, #tpu.memory_space<vmem>>) semaphore(%arg11 : memref<!tpu.dma_semaphore, #tpu.memory_space<semaphore_mem>>)
      %dma_start3A_65 = arith.constant 512 : i32
      %dma_start3A_66 = arith.constant 0 : i32
      %dma_start3A_67 = tpu.memref_slice %arg10[%dma_start3A_65, %dma_start3A_66] : memref<1280x8xf32, #tpu.memory_space<vmem>> -> memref<128x8xf32, #tpu.memory_space<vmem>>
      %dma_start3A_68 = arith.constant 512 : i32
      %dma_start3A_69 = tpu.memref_slice %arg9[%dma_start3A_68] : memref<1280xi32, #tpu.memory_space<vmem>> -> memref<128xi32, #tpu.memory_space<vmem>>
      %dma_start3A_70 = arith.constant 0 : i32
      %dma_start3A_71 = arith.constant 0 : i32
      %dma_start3A_72 = tpu.memref_slice %arg2[%dma_start3A_70, %dma_start3A_71] : memref<160000x8xf32, #tpu.memory_space<hbm>> -> memref<160000x8xf32, #tpu.memory_space<hbm>>
      tpu.enqueue_indirect_dma source(%dma_start3A_72 : memref<160000x8xf32, #tpu.memory_space<hbm>>) target(%dma_start3A_67 : memref<128x8xf32, #tpu.memory_space<vmem>>) offsets(%dma_start3A_69 : memref<128xi32, #tpu.memory_space<vmem>>) semaphore(%arg11 : memref<!tpu.dma_semaphore, #tpu.memory_space<semaphore_mem>>)
      %dma_start3A_73 = arith.constant 640 : i32
      %dma_start3A_74 = arith.constant 0 : i32
      %dma_start3A_75 = tpu.memref_slice %arg10[%dma_start3A_73, %dma_start3A_74] : memref<1280x8xf32, #tpu.memory_space<vmem>> -> memref<128x8xf32, #tpu.memory_space<vmem>>
      %dma_start3A_76 = arith.constant 640 : i32
      %dma_start3A_77 = tpu.memref_slice %arg9[%dma_start3A_76] : memref<1280xi32, #tpu.memory_space<vmem>> -> memref<128xi32, #tpu.memory_space<vmem>>
      %dma_start3A_78 = arith.constant 0 : i32
      %dma_start3A_79 = arith.constant 0 : i32
      %dma_start3A_80 = tpu.memref_slice %arg2[%dma_start3A_78, %dma_start3A_79] : memref<160000x8xf32, #tpu.memory_space<hbm>> -> memref<160000x8xf32, #tpu.memory_space<hbm>>
      tpu.enqueue_indirect_dma source(%dma_start3A_80 : memref<160000x8xf32, #tpu.memory_space<hbm>>) target(%dma_start3A_75 : memref<128x8xf32, #tpu.memory_space<vmem>>) offsets(%dma_start3A_77 : memref<128xi32, #tpu.memory_space<vmem>>) semaphore(%arg11 : memref<!tpu.dma_semaphore, #tpu.memory_space<semaphore_mem>>)
      %dma_start3A_81 = arith.constant 768 : i32
      %dma_start3A_82 = arith.constant 0 : i32
      %dma_start3A_83 = tpu.memref_slice %arg10[%dma_start3A_81, %dma_start3A_82] : memref<1280x8xf32, #tpu.memory_space<vmem>> -> memref<128x8xf32, #tpu.memory_space<vmem>>
      %dma_start3A_84 = arith.constant 768 : i32
      %dma_start3A_85 = tpu.memref_slice %arg9[%dma_start3A_84] : memref<1280xi32, #tpu.memory_space<vmem>> -> memref<128xi32, #tpu.memory_space<vmem>>
      %dma_start3A_86 = arith.constant 0 : i32
      %dma_start3A_87 = arith.constant 0 : i32
      %dma_start3A_88 = tpu.memref_slice %arg2[%dma_start3A_86, %dma_start3A_87] : memref<160000x8xf32, #tpu.memory_space<hbm>> -> memref<160000x8xf32, #tpu.memory_space<hbm>>
      tpu.enqueue_indirect_dma source(%dma_start3A_88 : memref<160000x8xf32, #tpu.memory_space<hbm>>) target(%dma_start3A_83 : memref<128x8xf32, #tpu.memory_space<vmem>>) offsets(%dma_start3A_85 : memref<128xi32, #tpu.memory_space<vmem>>) semaphore(%arg11 : memref<!tpu.dma_semaphore, #tpu.memory_space<semaphore_mem>>)
      %dma_start3A_89 = arith.constant 896 : i32
      %dma_start3A_90 = arith.constant 0 : i32
      %dma_start3A_91 = tpu.memref_slice %arg10[%dma_start3A_89, %dma_start3A_90] : memref<1280x8xf32, #tpu.memory_space<vmem>> -> memref<128x8xf32, #tpu.memory_space<vmem>>
      %dma_start3A_92 = arith.constant 896 : i32
      %dma_start3A_93 = tpu.memref_slice %arg9[%dma_start3A_92] : memref<1280xi32, #tpu.memory_space<vmem>> -> memref<128xi32, #tpu.memory_space<vmem>>
      %dma_start3A_94 = arith.constant 0 : i32
      %dma_start3A_95 = arith.constant 0 : i32
      %dma_start3A_96 = tpu.memref_slice %arg2[%dma_start3A_94, %dma_start3A_95] : memref<160000x8xf32, #tpu.memory_space<hbm>> -> memref<160000x8xf32, #tpu.memory_space<hbm>>
      tpu.enqueue_indirect_dma source(%dma_start3A_96 : memref<160000x8xf32, #tpu.memory_space<hbm>>) target(%dma_start3A_91 : memref<128x8xf32, #tpu.memory_space<vmem>>) offsets(%dma_start3A_93 : memref<128xi32, #tpu.memory_space<vmem>>) semaphore(%arg11 : memref<!tpu.dma_semaphore, #tpu.memory_space<semaphore_mem>>)
      %dma_start3A_97 = arith.constant 1024 : i32
      %dma_start3A_98 = arith.constant 0 : i32
      %dma_start3A_99 = tpu.memref_slice %arg10[%dma_start3A_97, %dma_start3A_98] : memref<1280x8xf32, #tpu.memory_space<vmem>> -> memref<128x8xf32, #tpu.memory_space<vmem>>
      %dma_start3A_100 = arith.constant 1024 : i32
      %dma_start3A_101 = tpu.memref_slice %arg9[%dma_start3A_100] : memref<1280xi32, #tpu.memory_space<vmem>> -> memref<128xi32, #tpu.memory_space<vmem>>
      %dma_start3A_102 = arith.constant 0 : i32
      %dma_start3A_103 = arith.constant 0 : i32
      %dma_start3A_104 = tpu.memref_slice %arg2[%dma_start3A_102, %dma_start3A_103] : memref<160000x8xf32, #tpu.memory_space<hbm>> -> memref<160000x8xf32, #tpu.memory_space<hbm>>
      tpu.enqueue_indirect_dma source(%dma_start3A_104 : memref<160000x8xf32, #tpu.memory_space<hbm>>) target(%dma_start3A_99 : memref<128x8xf32, #tpu.memory_space<vmem>>) offsets(%dma_start3A_101 : memref<128xi32, #tpu.memory_space<vmem>>) semaphore(%arg11 : memref<!tpu.dma_semaphore, #tpu.memory_space<semaphore_mem>>)
      %dma_start3A_105 = arith.constant 1152 : i32
      %dma_start3A_106 = arith.constant 0 : i32
      %dma_start3A_107 = tpu.memref_slice %arg10[%dma_start3A_105, %dma_start3A_106] : memref<1280x8xf32, #tpu.memory_space<vmem>> -> memref<128x8xf32, #tpu.memory_space<vmem>>
      %dma_start3A_108 = arith.constant 1152 : i32
      %dma_start3A_109 = tpu.memref_slice %arg9[%dma_start3A_108] : memref<1280xi32, #tpu.memory_space<vmem>> -> memref<128xi32, #tpu.memory_space<vmem>>
      %dma_start3A_110 = arith.constant 0 : i32
      %dma_start3A_111 = arith.constant 0 : i32
      %dma_start3A_112 = tpu.memref_slice %arg2[%dma_start3A_110, %dma_start3A_111] : memref<160000x8xf32, #tpu.memory_space<hbm>> -> memref<160000x8xf32, #tpu.memory_space<hbm>>
      tpu.enqueue_indirect_dma source(%dma_start3A_112 : memref<160000x8xf32, #tpu.memory_space<hbm>>) target(%dma_start3A_107 : memref<128x8xf32, #tpu.memory_space<vmem>>) offsets(%dma_start3A_109 : memref<128xi32, #tpu.memory_space<vmem>>) semaphore(%arg11 : memref<!tpu.dma_semaphore, #tpu.memory_space<semaphore_mem>>)
      %dma_wait3A = arith.constant 0 : i32
      %dma_wait3A_113 = arith.constant 0 : i32
      %dma_wait3A_114 = tpu.memref_slice %arg10[%dma_wait3A, %dma_wait3A_113] : memref<1280x8xf32, #tpu.memory_space<vmem>> -> memref<128x8xf32, #tpu.memory_space<vmem>>
      %dma_wait3A_115 = arith.constant 0 : i32
      %dma_wait3A_116 = tpu.memref_slice %arg9[%dma_wait3A_115] : memref<1280xi32, #tpu.memory_space<vmem>> -> memref<128xi32, #tpu.memory_space<vmem>>
      %dma_wait3A_117 = arith.constant 0 : i32
      %dma_wait3A_118 = arith.constant 0 : i32
      %dma_wait3A_119 = tpu.memref_slice %arg2[%dma_wait3A_117, %dma_wait3A_118] : memref<160000x8xf32, #tpu.memory_space<hbm>> -> memref<160000x8xf32, #tpu.memory_space<hbm>>
      tpu.wait_indirect_dma semaphore(%arg11 : memref<!tpu.dma_semaphore, #tpu.memory_space<semaphore_mem>>) src(%dma_wait3A_119 : memref<160000x8xf32, #tpu.memory_space<hbm>>) dst(%dma_wait3A_114 : memref<128x8xf32, #tpu.memory_space<vmem>>)
      %dma_wait3A_120 = arith.constant 128 : i32
      %dma_wait3A_121 = arith.constant 0 : i32
      %dma_wait3A_122 = tpu.memref_slice %arg10[%dma_wait3A_120, %dma_wait3A_121] : memref<1280x8xf32, #tpu.memory_space<vmem>> -> memref<128x8xf32, #tpu.memory_space<vmem>>
      %dma_wait3A_123 = arith.constant 128 : i32
      %dma_wait3A_124 = tpu.memref_slice %arg9[%dma_wait3A_123] : memref<1280xi32, #tpu.memory_space<vmem>> -> memref<128xi32, #tpu.memory_space<vmem>>
      %dma_wait3A_125 = arith.constant 0 : i32
      %dma_wait3A_126 = arith.constant 0 : i32
      %dma_wait3A_127 = tpu.memref_slice %arg2[%dma_wait3A_125, %dma_wait3A_126] : memref<160000x8xf32, #tpu.memory_space<hbm>> -> memref<160000x8xf32, #tpu.memory_space<hbm>>
      tpu.wait_indirect_dma semaphore(%arg11 : memref<!tpu.dma_semaphore, #tpu.memory_space<semaphore_mem>>) src(%dma_wait3A_127 : memref<160000x8xf32, #tpu.memory_space<hbm>>) dst(%dma_wait3A_122 : memref<128x8xf32, #tpu.memory_space<vmem>>)
      %dma_wait3A_128 = arith.constant 256 : i32
      %dma_wait3A_129 = arith.constant 0 : i32
      %dma_wait3A_130 = tpu.memref_slice %arg10[%dma_wait3A_128, %dma_wait3A_129] : memref<1280x8xf32, #tpu.memory_space<vmem>> -> memref<128x8xf32, #tpu.memory_space<vmem>>
      %dma_wait3A_131 = arith.constant 256 : i32
      %dma_wait3A_132 = tpu.memref_slice %arg9[%dma_wait3A_131] : memref<1280xi32, #tpu.memory_space<vmem>> -> memref<128xi32, #tpu.memory_space<vmem>>
      %dma_wait3A_133 = arith.constant 0 : i32
      %dma_wait3A_134 = arith.constant 0 : i32
      %dma_wait3A_135 = tpu.memref_slice %arg2[%dma_wait3A_133, %dma_wait3A_134] : memref<160000x8xf32, #tpu.memory_space<hbm>> -> memref<160000x8xf32, #tpu.memory_space<hbm>>
      tpu.wait_indirect_dma semaphore(%arg11 : memref<!tpu.dma_semaphore, #tpu.memory_space<semaphore_mem>>) src(%dma_wait3A_135 : memref<160000x8xf32, #tpu.memory_space<hbm>>) dst(%dma_wait3A_130 : memref<128x8xf32, #tpu.memory_space<vmem>>)
      %dma_wait3A_136 = arith.constant 384 : i32
      %dma_wait3A_137 = arith.constant 0 : i32
      %dma_wait3A_138 = tpu.memref_slice %arg10[%dma_wait3A_136, %dma_wait3A_137] : memref<1280x8xf32, #tpu.memory_space<vmem>> -> memref<128x8xf32, #tpu.memory_space<vmem>>
      %dma_wait3A_139 = arith.constant 384 : i32
      %dma_wait3A_140 = tpu.memref_slice %arg9[%dma_wait3A_139] : memref<1280xi32, #tpu.memory_space<vmem>> -> memref<128xi32, #tpu.memory_space<vmem>>
      %dma_wait3A_141 = arith.constant 0 : i32
      %dma_wait3A_142 = arith.constant 0 : i32
      %dma_wait3A_143 = tpu.memref_slice %arg2[%dma_wait3A_141, %dma_wait3A_142] : memref<160000x8xf32, #tpu.memory_space<hbm>> -> memref<160000x8xf32, #tpu.memory_space<hbm>>
      tpu.wait_indirect_dma semaphore(%arg11 : memref<!tpu.dma_semaphore, #tpu.memory_space<semaphore_mem>>) src(%dma_wait3A_143 : memref<160000x8xf32, #tpu.memory_space<hbm>>) dst(%dma_wait3A_138 : memref<128x8xf32, #tpu.memory_space<vmem>>)
      %dma_wait3A_144 = arith.constant 512 : i32
      %dma_wait3A_145 = arith.constant 0 : i32
      %dma_wait3A_146 = tpu.memref_slice %arg10[%dma_wait3A_144, %dma_wait3A_145] : memref<1280x8xf32, #tpu.memory_space<vmem>> -> memref<128x8xf32, #tpu.memory_space<vmem>>
      %dma_wait3A_147 = arith.constant 512 : i32
      %dma_wait3A_148 = tpu.memref_slice %arg9[%dma_wait3A_147] : memref<1280xi32, #tpu.memory_space<vmem>> -> memref<128xi32, #tpu.memory_space<vmem>>
      %dma_wait3A_149 = arith.constant 0 : i32
      %dma_wait3A_150 = arith.constant 0 : i32
      %dma_wait3A_151 = tpu.memref_slice %arg2[%dma_wait3A_149, %dma_wait3A_150] : memref<160000x8xf32, #tpu.memory_space<hbm>> -> memref<160000x8xf32, #tpu.memory_space<hbm>>
      tpu.wait_indirect_dma semaphore(%arg11 : memref<!tpu.dma_semaphore, #tpu.memory_space<semaphore_mem>>) src(%dma_wait3A_151 : memref<160000x8xf32, #tpu.memory_space<hbm>>) dst(%dma_wait3A_146 : memref<128x8xf32, #tpu.memory_space<vmem>>)
      %dma_wait3A_152 = arith.constant 640 : i32
      %dma_wait3A_153 = arith.constant 0 : i32
      %dma_wait3A_154 = tpu.memref_slice %arg10[%dma_wait3A_152, %dma_wait3A_153] : memref<1280x8xf32, #tpu.memory_space<vmem>> -> memref<128x8xf32, #tpu.memory_space<vmem>>
      %dma_wait3A_155 = arith.constant 640 : i32
      %dma_wait3A_156 = tpu.memref_slice %arg9[%dma_wait3A_155] : memref<1280xi32, #tpu.memory_space<vmem>> -> memref<128xi32, #tpu.memory_space<vmem>>
      %dma_wait3A_157 = arith.constant 0 : i32
      %dma_wait3A_158 = arith.constant 0 : i32
      %dma_wait3A_159 = tpu.memref_slice %arg2[%dma_wait3A_157, %dma_wait3A_158] : memref<160000x8xf32, #tpu.memory_space<hbm>> -> memref<160000x8xf32, #tpu.memory_space<hbm>>
      tpu.wait_indirect_dma semaphore(%arg11 : memref<!tpu.dma_semaphore, #tpu.memory_space<semaphore_mem>>) src(%dma_wait3A_159 : memref<160000x8xf32, #tpu.memory_space<hbm>>) dst(%dma_wait3A_154 : memref<128x8xf32, #tpu.memory_space<vmem>>)
      %dma_wait3A_160 = arith.constant 768 : i32
      %dma_wait3A_161 = arith.constant 0 : i32
      %dma_wait3A_162 = tpu.memref_slice %arg10[%dma_wait3A_160, %dma_wait3A_161] : memref<1280x8xf32, #tpu.memory_space<vmem>> -> memref<128x8xf32, #tpu.memory_space<vmem>>
      %dma_wait3A_163 = arith.constant 768 : i32
      %dma_wait3A_164 = tpu.memref_slice %arg9[%dma_wait3A_163] : memref<1280xi32, #tpu.memory_space<vmem>> -> memref<128xi32, #tpu.memory_space<vmem>>
      %dma_wait3A_165 = arith.constant 0 : i32
      %dma_wait3A_166 = arith.constant 0 : i32
      %dma_wait3A_167 = tpu.memref_slice %arg2[%dma_wait3A_165, %dma_wait3A_166] : memref<160000x8xf32, #tpu.memory_space<hbm>> -> memref<160000x8xf32, #tpu.memory_space<hbm>>
      tpu.wait_indirect_dma semaphore(%arg11 : memref<!tpu.dma_semaphore, #tpu.memory_space<semaphore_mem>>) src(%dma_wait3A_167 : memref<160000x8xf32, #tpu.memory_space<hbm>>) dst(%dma_wait3A_162 : memref<128x8xf32, #tpu.memory_space<vmem>>)
      %dma_wait3A_168 = arith.constant 896 : i32
      %dma_wait3A_169 = arith.constant 0 : i32
      %dma_wait3A_170 = tpu.memref_slice %arg10[%dma_wait3A_168, %dma_wait3A_169] : memref<1280x8xf32, #tpu.memory_space<vmem>> -> memref<128x8xf32, #tpu.memory_space<vmem>>
      %dma_wait3A_171 = arith.constant 896 : i32
      %dma_wait3A_172 = tpu.memref_slice %arg9[%dma_wait3A_171] : memref<1280xi32, #tpu.memory_space<vmem>> -> memref<128xi32, #tpu.memory_space<vmem>>
      %dma_wait3A_173 = arith.constant 0 : i32
      %dma_wait3A_174 = arith.constant 0 : i32
      %dma_wait3A_175 = tpu.memref_slice %arg2[%dma_wait3A_173, %dma_wait3A_174] : memref<160000x8xf32, #tpu.memory_space<hbm>> -> memref<160000x8xf32, #tpu.memory_space<hbm>>
      tpu.wait_indirect_dma semaphore(%arg11 : memref<!tpu.dma_semaphore, #tpu.memory_space<semaphore_mem>>) src(%dma_wait3A_175 : memref<160000x8xf32, #tpu.memory_space<hbm>>) dst(%dma_wait3A_170 : memref<128x8xf32, #tpu.memory_space<vmem>>)
      %dma_wait3A_176 = arith.constant 1024 : i32
      %dma_wait3A_177 = arith.constant 0 : i32
      %dma_wait3A_178 = tpu.memref_slice %arg10[%dma_wait3A_176, %dma_wait3A_177] : memref<1280x8xf32, #tpu.memory_space<vmem>> -> memref<128x8xf32, #tpu.memory_space<vmem>>
      %dma_wait3A_179 = arith.constant 1024 : i32
      %dma_wait3A_180 = tpu.memref_slice %arg9[%dma_wait3A_179] : memref<1280xi32, #tpu.memory_space<vmem>> -> memref<128xi32, #tpu.memory_space<vmem>>
      %dma_wait3A_181 = arith.constant 0 : i32
      %dma_wait3A_182 = arith.constant 0 : i32
      %dma_wait3A_183 = tpu.memref_slice %arg2[%dma_wait3A_181, %dma_wait3A_182] : memref<160000x8xf32, #tpu.memory_space<hbm>> -> memref<160000x8xf32, #tpu.memory_space<hbm>>
      tpu.wait_indirect_dma semaphore(%arg11 : memref<!tpu.dma_semaphore, #tpu.memory_space<semaphore_mem>>) src(%dma_wait3A_183 : memref<160000x8xf32, #tpu.memory_space<hbm>>) dst(%dma_wait3A_178 : memref<128x8xf32, #tpu.memory_space<vmem>>)
      %dma_wait3A_184 = arith.constant 1152 : i32
      %dma_wait3A_185 = arith.constant 0 : i32
      %dma_wait3A_186 = tpu.memref_slice %arg10[%dma_wait3A_184, %dma_wait3A_185] : memref<1280x8xf32, #tpu.memory_space<vmem>> -> memref<128x8xf32, #tpu.memory_space<vmem>>
      %dma_wait3A_187 = arith.constant 1152 : i32
      %dma_wait3A_188 = tpu.memref_slice %arg9[%dma_wait3A_187] : memref<1280xi32, #tpu.memory_space<vmem>> -> memref<128xi32, #tpu.memory_space<vmem>>
      %dma_wait3A_189 = arith.constant 0 : i32
      %dma_wait3A_190 = arith.constant 0 : i32
      %dma_wait3A_191 = tpu.memref_slice %arg2[%dma_wait3A_189, %dma_wait3A_190] : memref<160000x8xf32, #tpu.memory_space<hbm>> -> memref<160000x8xf32, #tpu.memory_space<hbm>>
      tpu.wait_indirect_dma semaphore(%arg11 : memref<!tpu.dma_semaphore, #tpu.memory_space<semaphore_mem>>) src(%dma_wait3A_191 : memref<160000x8xf32, #tpu.memory_space<hbm>>) dst(%dma_wait3A_186 : memref<128x8xf32, #tpu.memory_space<vmem>>)
      %scan3A_192 = arith.constant 0 : i32
      %scan3A_193 = arith.constant 0 : i32
      %scan3A_194 = arith.constant 80 : i32
      %scan3A_195 = arith.addi %scan3A_193, %scan3A_194 : i32
      %scan3A_196 = arith.constant 1 : i32
      %scan3A_197 = scf.for %scan3A_200 = %scan3A_193 to %scan3A_195 step %scan3A_196 iter_args(%scan3A_201 = %scan3A_192) -> (i32)  : i32 {
        %mul3A_202 = arith.constant 16 : i32
        %mul3A_203 = arith.muli %scan3A_200, %mul3A_202 : i32
        %add3A_204 = arith.constant 0 : i32
        %add3A_205 = arith.addi %mul3A_203, %add3A_204 : i32
        %add3A_206 = vector.broadcast %add3A_205 : i32 to vector<16xi32>
        %add3A_207 = arith.addi %add3A_206, %shift_right_arithmetic3A_3 : vector<16xi32>
        %gather3A = tpu.vector_load_idx %arg10[%add3A_207, %and3A_1] : memref<1280x8xf32, #tpu.memory_space<vmem>>[vector<16xi32>, vector<16xi32>], vector<16xf32>,
        %gather3A_208 = tpu.vector_load_idx %arg8[%add3A_207] : memref<1280xi32, #tpu.memory_space<vmem>>[vector<16xi32>], vector<16xi32>,
        tpu.vector_store_idx %arg6[%gather3A_208, %and3A_1], %gather3A masked %lt3A_5 {add = true} : memref<10000x8xf32, #tpu.memory_space<vmem>>[vector<16xi32>, vector<16xi32>], vector<16xf32>, vector<16xi1>
        tpu.vector_store_idx %arg6[%gather3A_208, %and3A_1], %gather3A masked %ge3A_7 {add = true} : memref<10000x8xf32, #tpu.memory_space<vmem>>[vector<16xi32>, vector<16xi32>], vector<16xf32>, vector<16xi1>
        %add3A_209 = arith.constant 2 : i32
        %add3A_210 = arith.addi %mul3A_203, %add3A_209 : i32
        %add3A_211 = vector.broadcast %add3A_210 : i32 to vector<16xi32>
        %add3A_212 = arith.addi %add3A_211, %shift_right_arithmetic3A_3 : vector<16xi32>
        %gather3A_213 = tpu.vector_load_idx %arg10[%add3A_212, %and3A_1] : memref<1280x8xf32, #tpu.memory_space<vmem>>[vector<16xi32>, vector<16xi32>], vector<16xf32>,
        %gather3A_214 = tpu.vector_load_idx %arg8[%add3A_212] : memref<1280xi32, #tpu.memory_space<vmem>>[vector<16xi32>], vector<16xi32>,
        tpu.vector_store_idx %arg6[%gather3A_214, %and3A_1], %gather3A_213 masked %lt3A_5 {add = true} : memref<10000x8xf32, #tpu.memory_space<vmem>>[vector<16xi32>, vector<16xi32>], vector<16xf32>, vector<16xi1>
        tpu.vector_store_idx %arg6[%gather3A_214, %and3A_1], %gather3A_213 masked %ge3A_7 {add = true} : memref<10000x8xf32, #tpu.memory_space<vmem>>[vector<16xi32>, vector<16xi32>], vector<16xf32>, vector<16xi1>
        %add3A_215 = arith.constant 4 : i32
        %add3A_216 = arith.addi %mul3A_203, %add3A_215 : i32
        %add3A_217 = vector.broadcast %add3A_216 : i32 to vector<16xi32>
        %add3A_218 = arith.addi %add3A_217, %shift_right_arithmetic3A_3 : vector<16xi32>
        %gather3A_219 = tpu.vector_load_idx %arg10[%add3A_218, %and3A_1] : memref<1280x8xf32, #tpu.memory_space<vmem>>[vector<16xi32>, vector<16xi32>], vector<16xf32>,
        %gather3A_220 = tpu.vector_load_idx %arg8[%add3A_218] : memref<1280xi32, #tpu.memory_space<vmem>>[vector<16xi32>], vector<16xi32>,
        tpu.vector_store_idx %arg6[%gather3A_220, %and3A_1], %gather3A_219 masked %lt3A_5 {add = true} : memref<10000x8xf32, #tpu.memory_space<vmem>>[vector<16xi32>, vector<16xi32>], vector<16xf32>, vector<16xi1>
        tpu.vector_store_idx %arg6[%gather3A_220, %and3A_1], %gather3A_219 masked %ge3A_7 {add = true} : memref<10000x8xf32, #tpu.memory_space<vmem>>[vector<16xi32>, vector<16xi32>], vector<16xf32>, vector<16xi1>
        %add3A_221 = arith.constant 6 : i32
        %add3A_222 = arith.addi %mul3A_203, %add3A_221 : i32
        %add3A_223 = vector.broadcast %add3A_222 : i32 to vector<16xi32>
        %add3A_224 = arith.addi %add3A_223, %shift_right_arithmetic3A_3 : vector<16xi32>
        %gather3A_225 = tpu.vector_load_idx %arg10[%add3A_224, %and3A_1] : memref<1280x8xf32, #tpu.memory_space<vmem>>[vector<16xi32>, vector<16xi32>], vector<16xf32>,
        %gather3A_226 = tpu.vector_load_idx %arg8[%add3A_224] : memref<1280xi32, #tpu.memory_space<vmem>>[vector<16xi32>], vector<16xi32>,
        tpu.vector_store_idx %arg6[%gather3A_226, %and3A_1], %gather3A_225 masked %lt3A_5 {add = true} : memref<10000x8xf32, #tpu.memory_space<vmem>>[vector<16xi32>, vector<16xi32>], vector<16xf32>, vector<16xi1>
        tpu.vector_store_idx %arg6[%gather3A_226, %and3A_1], %gather3A_225 masked %ge3A_7 {add = true} : memref<10000x8xf32, #tpu.memory_space<vmem>>[vector<16xi32>, vector<16xi32>], vector<16xf32>, vector<16xi1>
        %add3A_227 = arith.constant 8 : i32
        %add3A_228 = arith.addi %mul3A_203, %add3A_227 : i32
        %add3A_229 = vector.broadcast %add3A_228 : i32 to vector<16xi32>
        %add3A_230 = arith.addi %add3A_229, %shift_right_arithmetic3A_3 : vector<16xi32>
        %gather3A_231 = tpu.vector_load_idx %arg10[%add3A_230, %and3A_1] : memref<1280x8xf32, #tpu.memory_space<vmem>>[vector<16xi32>, vector<16xi32>], vector<16xf32>,
        %gather3A_232 = tpu.vector_load_idx %arg8[%add3A_230] : memref<1280xi32, #tpu.memory_space<vmem>>[vector<16xi32>], vector<16xi32>,
        tpu.vector_store_idx %arg6[%gather3A_232, %and3A_1], %gather3A_231 masked %lt3A_5 {add = true} : memref<10000x8xf32, #tpu.memory_space<vmem>>[vector<16xi32>, vector<16xi32>], vector<16xf32>, vector<16xi1>
        tpu.vector_store_idx %arg6[%gather3A_232, %and3A_1], %gather3A_231 masked %ge3A_7 {add = true} : memref<10000x8xf32, #tpu.memory_space<vmem>>[vector<16xi32>, vector<16xi32>], vector<16xf32>, vector<16xi1>
        %add3A_233 = arith.constant 10 : i32
        %add3A_234 = arith.addi %mul3A_203, %add3A_233 : i32
        %add3A_235 = vector.broadcast %add3A_234 : i32 to vector<16xi32>
        %add3A_236 = arith.addi %add3A_235, %shift_right_arithmetic3A_3 : vector<16xi32>
        %gather3A_237 = tpu.vector_load_idx %arg10[%add3A_236, %and3A_1] : memref<1280x8xf32, #tpu.memory_space<vmem>>[vector<16xi32>, vector<16xi32>], vector<16xf32>,
        %gather3A_238 = tpu.vector_load_idx %arg8[%add3A_236] : memref<1280xi32, #tpu.memory_space<vmem>>[vector<16xi32>], vector<16xi32>,
        tpu.vector_store_idx %arg6[%gather3A_238, %and3A_1], %gather3A_237 masked %lt3A_5 {add = true} : memref<10000x8xf32, #tpu.memory_space<vmem>>[vector<16xi32>, vector<16xi32>], vector<16xf32>, vector<16xi1>
        tpu.vector_store_idx %arg6[%gather3A_238, %and3A_1], %gather3A_237 masked %ge3A_7 {add = true} : memref<10000x8xf32, #tpu.memory_space<vmem>>[vector<16xi32>, vector<16xi32>], vector<16xf32>, vector<16xi1>
        %add3A_239 = arith.constant 12 : i32
        %add3A_240 = arith.addi %mul3A_203, %add3A_239 : i32
        %add3A_241 = vector.broadcast %add3A_240 : i32 to vector<16xi32>
        %add3A_242 = arith.addi %add3A_241, %shift_right_arithmetic3A_3 : vector<16xi32>
        %gather3A_243 = tpu.vector_load_idx %arg10[%add3A_242, %and3A_1] : memref<1280x8xf32, #tpu.memory_space<vmem>>[vector<16xi32>, vector<16xi32>], vector<16xf32>,
        %gather3A_244 = tpu.vector_load_idx %arg8[%add3A_242] : memref<1280xi32, #tpu.memory_space<vmem>>[vector<16xi32>], vector<16xi32>,
        tpu.vector_store_idx %arg6[%gather3A_244, %and3A_1], %gather3A_243 masked %lt3A_5 {add = true} : memref<10000x8xf32, #tpu.memory_space<vmem>>[vector<16xi32>, vector<16xi32>], vector<16xf32>, vector<16xi1>
        tpu.vector_store_idx %arg6[%gather3A_244, %and3A_1], %gather3A_243 masked %ge3A_7 {add = true} : memref<10000x8xf32, #tpu.memory_space<vmem>>[vector<16xi32>, vector<16xi32>], vector<16xf32>, vector<16xi1>
        %add3A_245 = arith.constant 14 : i32
        %add3A_246 = arith.addi %mul3A_203, %add3A_245 : i32
        %add3A_247 = vector.broadcast %add3A_246 : i32 to vector<16xi32>
        %add3A_248 = arith.addi %add3A_247, %shift_right_arithmetic3A_3 : vector<16xi32>
        %gather3A_249 = tpu.vector_load_idx %arg10[%add3A_248, %and3A_1] : memref<1280x8xf32, #tpu.memory_space<vmem>>[vector<16xi32>, vector<16xi32>], vector<16xf32>,
        %gather3A_250 = tpu.vector_load_idx %arg8[%add3A_248] : memref<1280xi32, #tpu.memory_space<vmem>>[vector<16xi32>], vector<16xi32>,
        tpu.vector_store_idx %arg6[%gather3A_250, %and3A_1], %gather3A_249 masked %lt3A_5 {add = true} : memref<10000x8xf32, #tpu.memory_space<vmem>>[vector<16xi32>, vector<16xi32>], vector<16xf32>, vector<16xi1>
        tpu.vector_store_idx %arg6[%gather3A_250, %and3A_1], %gather3A_249 masked %ge3A_7 {add = true} : memref<10000x8xf32, #tpu.memory_space<vmem>>[vector<16xi32>, vector<16xi32>], vector<16xf32>, vector<16xi1>
        %scan3A_251 = arith.constant 0 : i32
        scf.yield %scan3A_251 : i32
      }
      %scan3A_198 = arith.constant 80 : i32
      %scan3A_199 = arith.constant 0 : i32
      scf.yield %scan3A_199 : i32
    }
    %scan3A_22 = arith.constant 125 : i32
    "tpu.region"() ({
      %run_scoped3A = tpu.sem_alloc : memref<!tpu.dma_semaphore, #tpu.memory_space<semaphore_mem>>
      %dma_start3A = arith.constant 0 : i32
      %dma_start3A_23 = arith.constant 0 : i32
      %dma_start3A_24 = tpu.memref_slice %arg5[%arg0, %dma_start3A, %arg1, %dma_start3A_23] : memref<2x10000x16x8xf32, #tpu.memory_space<hbm>> -> memref<1x10000x1x8xf32, #tpu.memory_space<hbm>>
      %dma_start3A_25 = tpu.memref_squeeze %dma_start3A_24 : memref<1x10000x1x8xf32, #tpu.memory_space<hbm>> -> memref<10000x8xf32, #tpu.memory_space<hbm>>
      %dma_start3A_26 = arith.constant 0 : i32
      %dma_start3A_27 = arith.constant 0 : i32
      %dma_start3A_28 = tpu.memref_slice %arg5[%arg0, %dma_start3A_26, %arg1, %dma_start3A_27] : memref<2x10000x16x8xf32, #tpu.memory_space<hbm>> -> memref<1x10000x1x8xf32, #tpu.memory_space<hbm>>
      %dma_start3A_29 = tpu.memref_squeeze %dma_start3A_28 : memref<1x10000x1x8xf32, #tpu.memory_space<hbm>> -> memref<10000x8xf32, #tpu.memory_space<hbm>>
      tpu.enqueue_dma source(%arg6 : memref<10000x8xf32, #tpu.memory_space<vmem>>) target(%dma_start3A_29 : memref<10000x8xf32, #tpu.memory_space<hbm>>) target_semaphore(%run_scoped3A : memref<!tpu.dma_semaphore, #tpu.memory_space<semaphore_mem>>)
      %dma_wait3A = arith.constant 0 : i32
      %dma_wait3A_30 = arith.constant 0 : i32
      %dma_wait3A_31 = tpu.memref_slice %arg5[%arg0, %dma_wait3A, %arg1, %dma_wait3A_30] : memref<2x10000x16x8xf32, #tpu.memory_space<hbm>> -> memref<1x10000x1x8xf32, #tpu.memory_space<hbm>>
      %dma_wait3A_32 = tpu.memref_squeeze %dma_wait3A_31 : memref<1x10000x1x8xf32, #tpu.memory_space<hbm>> -> memref<10000x8xf32, #tpu.memory_space<hbm>>
      %dma_wait3A_33 = arith.constant 0 : i32
      %dma_wait3A_34 = arith.constant 0 : i32
      %dma_wait3A_35 = tpu.memref_slice %arg5[%arg0, %dma_wait3A_33, %arg1, %dma_wait3A_34] : memref<2x10000x16x8xf32, #tpu.memory_space<hbm>> -> memref<1x10000x1x8xf32, #tpu.memory_space<hbm>>
      %dma_wait3A_36 = tpu.memref_squeeze %dma_wait3A_35 : memref<1x10000x1x8xf32, #tpu.memory_space<hbm>> -> memref<10000x8xf32, #tpu.memory_space<hbm>>
      tpu.wait_dma2 semaphore(%run_scoped3A : memref<!tpu.dma_semaphore, #tpu.memory_space<semaphore_mem>>) src(%arg6 : memref<10000x8xf32, #tpu.memory_space<vmem>>) dst(%dma_wait3A_36 : memref<10000x8xf32, #tpu.memory_space<hbm>>)
      tpu.yield
    }) : () -> ()
    return
  }
}

#map = affine_map<(d0, d1) -> (0, 0)>
#map1 = affine_map<(d0, d1) -> (0)>
#map2 = affine_map<(d0, d1) -> (0, 0, 0, 0)>
module attributes {stable_mosaic.version = 14 : i64} {
  func.func @_sc_scatter_body(%arg0: i32, %arg1: i32, %arg2: memref<160000x8xf32, #tpu.memory_space<hbm>>, %arg3: memref<320000xi32, #tpu.memory_space<hbm>>, %arg4: memref<320000xi32, #tpu.memory_space<hbm>>, %arg5: memref<2x10000x16x8xf32, #tpu.memory_space<hbm>>, %arg6: memref<10000x8xf32, #tpu.memory_space<vmem>>, %arg7: memref<1280xi32, #tpu.memory_space<vmem>>, %arg8: memref<1280xi32, #tpu.memory_space<vmem>>, %arg9: memref<1280xi32, #tpu.memory_space<vmem>>, %arg10: memref<1280x8xf32, #tpu.memory_space<vmem>>, %arg11: memref<!tpu.dma_semaphore, #tpu.memory_space<semaphore_mem>>) attributes {dimension_semantics = [#tpu.dimension_semantics<core_parallel>, #tpu.dimension_semantics<subcore_parallel>], iteration_bounds = array<i64: 2, 16>, scalar_prefetch = 0 : i64, scratch_operands = 6 : i64, tpu.core_type = #tpu.core_type<sc_vector_subcore>, window_params = [{transform_indices = #map}, {transform_indices = #map1}, {transform_indices = #map1}, {transform_indices = #map2}]} {
    %iota3A = tpu.iota {dimensions = array<i32: 0>} : vector<16xi32>
    %and3A = arith.constant 7 : i32
    %and3A_0 = vector.broadcast %and3A : i32 to vector<16xi32>
    %and3A_1 = arith.andi %iota3A, %and3A_0 : vector<16xi32>
    %shift_right_arithmetic3A = arith.constant 3 : i32
    %shift_right_arithmetic3A_2 = vector.broadcast %shift_right_arithmetic3A : i32 to vector<16xi32>
    %shift_right_arithmetic3A_3 = arith.shrsi %iota3A, %shift_right_arithmetic3A_2 : vector<16xi32>
    %lt3A = arith.constant 8 : i32
    %lt3A_4 = vector.broadcast %lt3A : i32 to vector<16xi32>
    %lt3A_5 = arith.cmpi slt, %iota3A, %lt3A_4 : vector<16xi32>
    %ge3A = arith.constant 8 : i32
    %ge3A_6 = vector.broadcast %ge3A : i32 to vector<16xi32>
    %ge3A_7 = arith.cmpi sge, %iota3A, %ge3A_6 : vector<16xi32>
    %broadcast_in_dim3A = arith.constant 0.000000e+00 : f32
    %broadcast_in_dim3A_8 = vector.broadcast %broadcast_in_dim3A : f32 to vector<16xf32>
    %scan3A = arith.constant 0 : i32
    %scan3A_9 = arith.constant 0 : i32
    %scan3A_10 = arith.constant 5000 : i32
    %scan3A_11 = arith.addi %scan3A_9, %scan3A_10 : i32
    %scan3A_12 = arith.constant 4 : i32
    %scan3A_13 = scf.for %scan3A_23 = %scan3A_9 to %scan3A_11 step %scan3A_12 iter_args(%scan3A_24 = %scan3A) -> (i32)  : i32 {
      %mul3A_25 = arith.constant 2 : i32
      %mul3A_26 = arith.muli %mul3A_25, %scan3A_23 : i32
      %add3A = vector.broadcast %mul3A_26 : i32 to vector<16xi32>
      %add3A_27 = arith.addi %add3A, %shift_right_arithmetic3A_3 : vector<16xi32>
      tpu.vector_store_idx %arg6[%add3A_27, %and3A_1], %broadcast_in_dim3A_8 : memref<10000x8xf32, #tpu.memory_space<vmem>>[vector<16xi32>, vector<16xi32>], vector<16xf32>,
      %scan3A_28 = arith.constant 0 : i32
      %scan3A_29 = arith.constant 1 : i32
      %scan3A_30 = arith.addi %scan3A_23, %scan3A_29 : i32
      %mul3A_31 = arith.constant 2 : i32
      %mul3A_32 = arith.muli %mul3A_31, %scan3A_30 : i32
      %add3A_33 = vector.broadcast %mul3A_32 : i32 to vector<16xi32>
      %add3A_34 = arith.addi %add3A_33, %shift_right_arithmetic3A_3 : vector<16xi32>
      tpu.vector_store_idx %arg6[%add3A_34, %and3A_1], %broadcast_in_dim3A_8 : memref<10000x8xf32, #tpu.memory_space<vmem>>[vector<16xi32>, vector<16xi32>], vector<16xf32>,
      %scan3A_35 = arith.constant 0 : i32
      %scan3A_36 = arith.constant 2 : i32
      %scan3A_37 = arith.addi %scan3A_23, %scan3A_36 : i32
      %mul3A_38 = arith.constant 2 : i32
      %mul3A_39 = arith.muli %mul3A_38, %scan3A_37 : i32
      %add3A_40 = vector.broadcast %mul3A_39 : i32 to vector<16xi32>
      %add3A_41 = arith.addi %add3A_40, %shift_right_arithmetic3A_3 : vector<16xi32>
      tpu.vector_store_idx %arg6[%add3A_41, %and3A_1], %broadcast_in_dim3A_8 : memref<10000x8xf32, #tpu.memory_space<vmem>>[vector<16xi32>, vector<16xi32>], vector<16xf32>,
      %scan3A_42 = arith.constant 0 : i32
      %scan3A_43 = arith.constant 3 : i32
      %scan3A_44 = arith.addi %scan3A_23, %scan3A_43 : i32
      %mul3A_45 = arith.constant 2 : i32
      %mul3A_46 = arith.muli %mul3A_45, %scan3A_44 : i32
      %add3A_47 = vector.broadcast %mul3A_46 : i32 to vector<16xi32>
      %add3A_48 = arith.addi %add3A_47, %shift_right_arithmetic3A_3 : vector<16xi32>
      tpu.vector_store_idx %arg6[%add3A_48, %and3A_1], %broadcast_in_dim3A_8 : memref<10000x8xf32, #tpu.memory_space<vmem>>[vector<16xi32>, vector<16xi32>], vector<16xf32>,
      %scan3A_49 = arith.constant 0 : i32
      scf.yield %scan3A_49 : i32
    }
    %scan3A_14 = arith.constant 5000 : i32
    %mul3A = arith.constant 160000 : i32
    %mul3A_15 = arith.muli %arg0, %mul3A : i32
    %scan3A_16 = arith.constant 0 : i32
    %scan3A_17 = arith.constant 0 : i32
    %scan3A_18 = arith.constant 125 : i32
    %scan3A_19 = arith.addi %scan3A_17, %scan3A_18 : i32
    %scan3A_20 = arith.constant 1 : i32
    %scan3A_21 = scf.for %scan3A_23 = %scan3A_17 to %scan3A_19 step %scan3A_20 iter_args(%scan3A_24 = %scan3A_16) -> (i32)  : i32 {
      %mul3A_25 = arith.constant 1280 : i32
      %mul3A_26 = arith.muli %scan3A_23, %mul3A_25 : i32
      %add3A = arith.addi %mul3A_15, %mul3A_26 : i32
      "tpu.region"() ({
        %run_scoped3A = tpu.sem_alloc : memref<!tpu.dma_semaphore, #tpu.memory_space<semaphore_mem>>
        %dma_start3A_200 = tpu.memref_slice %arg3[%add3A] : memref<320000xi32, #tpu.memory_space<hbm>> -> memref<1280xi32, #tpu.memory_space<hbm>>
        %dma_start3A_201 = tpu.memref_slice %arg3[%add3A] : memref<320000xi32, #tpu.memory_space<hbm>> -> memref<1280xi32, #tpu.memory_space<hbm>>
        tpu.enqueue_dma source(%dma_start3A_201 : memref<1280xi32, #tpu.memory_space<hbm>>) target(%arg7 : memref<1280xi32, #tpu.memory_space<vmem>>) target_semaphore(%run_scoped3A : memref<!tpu.dma_semaphore, #tpu.memory_space<semaphore_mem>>)
        %dma_wait3A_202 = tpu.memref_slice %arg3[%add3A] : memref<320000xi32, #tpu.memory_space<hbm>> -> memref<1280xi32, #tpu.memory_space<hbm>>
        %dma_wait3A_203 = tpu.memref_slice %arg3[%add3A] : memref<320000xi32, #tpu.memory_space<hbm>> -> memref<1280xi32, #tpu.memory_space<hbm>>
        tpu.wait_dma2 semaphore(%run_scoped3A : memref<!tpu.dma_semaphore, #tpu.memory_space<semaphore_mem>>) src(%dma_wait3A_203 : memref<1280xi32, #tpu.memory_space<hbm>>) dst(%arg7 : memref<1280xi32, #tpu.memory_space<vmem>>)
        tpu.yield
      }) : () -> ()
      "tpu.region"() ({
        %run_scoped3A = tpu.sem_alloc : memref<!tpu.dma_semaphore, #tpu.memory_space<semaphore_mem>>
        %dma_start3A_200 = tpu.memref_slice %arg4[%add3A] : memref<320000xi32, #tpu.memory_space<hbm>> -> memref<1280xi32, #tpu.memory_space<hbm>>
        %dma_start3A_201 = tpu.memref_slice %arg4[%add3A] : memref<320000xi32, #tpu.memory_space<hbm>> -> memref<1280xi32, #tpu.memory_space<hbm>>
        tpu.enqueue_dma source(%dma_start3A_201 : memref<1280xi32, #tpu.memory_space<hbm>>) target(%arg8 : memref<1280xi32, #tpu.memory_space<vmem>>) target_semaphore(%run_scoped3A : memref<!tpu.dma_semaphore, #tpu.memory_space<semaphore_mem>>)
        %dma_wait3A_202 = tpu.memref_slice %arg4[%add3A] : memref<320000xi32, #tpu.memory_space<hbm>> -> memref<1280xi32, #tpu.memory_space<hbm>>
        %dma_wait3A_203 = tpu.memref_slice %arg4[%add3A] : memref<320000xi32, #tpu.memory_space<hbm>> -> memref<1280xi32, #tpu.memory_space<hbm>>
        tpu.wait_dma2 semaphore(%run_scoped3A : memref<!tpu.dma_semaphore, #tpu.memory_space<semaphore_mem>>) src(%dma_wait3A_203 : memref<1280xi32, #tpu.memory_space<hbm>>) dst(%arg8 : memref<1280xi32, #tpu.memory_space<vmem>>)
        tpu.yield
      }) : () -> ()
      %scan3A_27 = arith.constant 0 : i32
      %scan3A_28 = arith.constant 0 : i32
      %scan3A_29 = arith.constant 80 : i32
      %scan3A_30 = arith.addi %scan3A_28, %scan3A_29 : i32
      %scan3A_31 = arith.constant 4 : i32
      %scan3A_32 = scf.for %scan3A_200 = %scan3A_28 to %scan3A_30 step %scan3A_31 iter_args(%scan3A_201 = %scan3A_27) -> (i32)  : i32 {
        %mul3A_202 = arith.constant 16 : i32
        %mul3A_203 = arith.muli %scan3A_200, %mul3A_202 : i32
        %get3A = arith.index_cast %mul3A_203 : i32 to index
        %get3A_204 = tpu.vector_load %arg7[%get3A] {strides = array<i32>} : memref<1280xi32, #tpu.memory_space<vmem>>, vector<16xi32>,
        %mul3A_205 = arith.constant 16 : i32
        %mul3A_206 = vector.broadcast %mul3A_205 : i32 to vector<16xi32>
        %mul3A_207 = arith.muli %get3A_204, %mul3A_206 : vector<16xi32>
        %add3A_208 = vector.broadcast %arg1 : i32 to vector<16xi32>
        %add3A_209 = arith.addi %mul3A_207, %add3A_208 : vector<16xi32>
        %mul3A_210 = arith.constant 16 : i32
        %mul3A_211 = arith.muli %scan3A_200, %mul3A_210 : i32
        %swap3A = arith.index_cast %mul3A_211 : i32 to index
        %swap3A_212 = tpu.vector_load %arg9[%swap3A] {strides = array<i32>} : memref<1280xi32, #tpu.memory_space<vmem>>, vector<16xi32>,
        tpu.vector_store %arg9[%swap3A], %add3A_209 {strides = array<i32>} : memref<1280xi32, #tpu.memory_space<vmem>>, vector<16xi32>,
        %scan3A_213 = arith.constant 0 : i32
        %scan3A_214 = arith.constant 1 : i32
        %scan3A_215 = arith.addi %scan3A_200, %scan3A_214 : i32
        %mul3A_216 = arith.constant 16 : i32
        %mul3A_217 = arith.muli %scan3A_215, %mul3A_216 : i32
        %get3A_218 = arith.index_cast %mul3A_217 : i32 to index
        %get3A_219 = tpu.vector_load %arg7[%get3A_218] {strides = array<i32>} : memref<1280xi32, #tpu.memory_space<vmem>>, vector<16xi32>,
        %mul3A_220 = arith.constant 16 : i32
        %mul3A_221 = vector.broadcast %mul3A_220 : i32 to vector<16xi32>
        %mul3A_222 = arith.muli %get3A_219, %mul3A_221 : vector<16xi32>
        %add3A_223 = vector.broadcast %arg1 : i32 to vector<16xi32>
        %add3A_224 = arith.addi %mul3A_222, %add3A_223 : vector<16xi32>
        %mul3A_225 = arith.constant 16 : i32
        %mul3A_226 = arith.muli %scan3A_215, %mul3A_225 : i32
        %swap3A_227 = arith.index_cast %mul3A_226 : i32 to index
        %swap3A_228 = tpu.vector_load %arg9[%swap3A_227] {strides = array<i32>} : memref<1280xi32, #tpu.memory_space<vmem>>, vector<16xi32>,
        tpu.vector_store %arg9[%swap3A_227], %add3A_224 {strides = array<i32>} : memref<1280xi32, #tpu.memory_space<vmem>>, vector<16xi32>,
        %scan3A_229 = arith.constant 0 : i32
        %scan3A_230 = arith.constant 2 : i32
        %scan3A_231 = arith.addi %scan3A_200, %scan3A_230 : i32
        %mul3A_232 = arith.constant 16 : i32
        %mul3A_233 = arith.muli %scan3A_231, %mul3A_232 : i32
        %get3A_234 = arith.index_cast %mul3A_233 : i32 to index
        %get3A_235 = tpu.vector_load %arg7[%get3A_234] {strides = array<i32>} : memref<1280xi32, #tpu.memory_space<vmem>>, vector<16xi32>,
        %mul3A_236 = arith.constant 16 : i32
        %mul3A_237 = vector.broadcast %mul3A_236 : i32 to vector<16xi32>
        %mul3A_238 = arith.muli %get3A_235, %mul3A_237 : vector<16xi32>
        %add3A_239 = vector.broadcast %arg1 : i32 to vector<16xi32>
        %add3A_240 = arith.addi %mul3A_238, %add3A_239 : vector<16xi32>
        %mul3A_241 = arith.constant 16 : i32
        %mul3A_242 = arith.muli %scan3A_231, %mul3A_241 : i32
        %swap3A_243 = arith.index_cast %mul3A_242 : i32 to index
        %swap3A_244 = tpu.vector_load %arg9[%swap3A_243] {strides = array<i32>} : memref<1280xi32, #tpu.memory_space<vmem>>, vector<16xi32>,
        tpu.vector_store %arg9[%swap3A_243], %add3A_240 {strides = array<i32>} : memref<1280xi32, #tpu.memory_space<vmem>>, vector<16xi32>,
        %scan3A_245 = arith.constant 0 : i32
        %scan3A_246 = arith.constant 3 : i32
        %scan3A_247 = arith.addi %scan3A_200, %scan3A_246 : i32
        %mul3A_248 = arith.constant 16 : i32
        %mul3A_249 = arith.muli %scan3A_247, %mul3A_248 : i32
        %get3A_250 = arith.index_cast %mul3A_249 : i32 to index
        %get3A_251 = tpu.vector_load %arg7[%get3A_250] {strides = array<i32>} : memref<1280xi32, #tpu.memory_space<vmem>>, vector<16xi32>,
        %mul3A_252 = arith.constant 16 : i32
        %mul3A_253 = vector.broadcast %mul3A_252 : i32 to vector<16xi32>
        %mul3A_254 = arith.muli %get3A_251, %mul3A_253 : vector<16xi32>
        %add3A_255 = vector.broadcast %arg1 : i32 to vector<16xi32>
        %add3A_256 = arith.addi %mul3A_254, %add3A_255 : vector<16xi32>
        %mul3A_257 = arith.constant 16 : i32
        %mul3A_258 = arith.muli %scan3A_247, %mul3A_257 : i32
        %swap3A_259 = arith.index_cast %mul3A_258 : i32 to index
        %swap3A_260 = tpu.vector_load %arg9[%swap3A_259] {strides = array<i32>} : memref<1280xi32, #tpu.memory_space<vmem>>, vector<16xi32>,
        tpu.vector_store %arg9[%swap3A_259], %add3A_256 {strides = array<i32>} : memref<1280xi32, #tpu.memory_space<vmem>>, vector<16xi32>,
        %scan3A_261 = arith.constant 0 : i32
        scf.yield %scan3A_261 : i32
      }
      %scan3A_33 = arith.constant 80 : i32
      %dma_start3A = arith.constant 0 : i32
      %dma_start3A_34 = arith.constant 0 : i32
      %dma_start3A_35 = tpu.memref_slice %arg10[%dma_start3A, %dma_start3A_34] : memref<1280x8xf32, #tpu.memory_space<vmem>> -> memref<128x8xf32, #tpu.memory_space<vmem>>
      %dma_start3A_36 = arith.constant 0 : i32
      %dma_start3A_37 = tpu.memref_slice %arg9[%dma_start3A_36] : memref<1280xi32, #tpu.memory_space<vmem>> -> memref<128xi32, #tpu.memory_space<vmem>>
      %dma_start3A_38 = arith.constant 0 : i32
      %dma_start3A_39 = arith.constant 0 : i32
      %dma_start3A_40 = tpu.memref_slice %arg2[%dma_start3A_38, %dma_start3A_39] : memref<160000x8xf32, #tpu.memory_space<hbm>> -> memref<160000x8xf32, #tpu.memory_space<hbm>>
      tpu.enqueue_indirect_dma source(%dma_start3A_40 : memref<160000x8xf32, #tpu.memory_space<hbm>>) target(%dma_start3A_35 : memref<128x8xf32, #tpu.memory_space<vmem>>) offsets(%dma_start3A_37 : memref<128xi32, #tpu.memory_space<vmem>>) semaphore(%arg11 : memref<!tpu.dma_semaphore, #tpu.memory_space<semaphore_mem>>)
      %dma_start3A_41 = arith.constant 128 : i32
      %dma_start3A_42 = arith.constant 0 : i32
      %dma_start3A_43 = tpu.memref_slice %arg10[%dma_start3A_41, %dma_start3A_42] : memref<1280x8xf32, #tpu.memory_space<vmem>> -> memref<128x8xf32, #tpu.memory_space<vmem>>
      %dma_start3A_44 = arith.constant 128 : i32
      %dma_start3A_45 = tpu.memref_slice %arg9[%dma_start3A_44] : memref<1280xi32, #tpu.memory_space<vmem>> -> memref<128xi32, #tpu.memory_space<vmem>>
      %dma_start3A_46 = arith.constant 0 : i32
      %dma_start3A_47 = arith.constant 0 : i32
      %dma_start3A_48 = tpu.memref_slice %arg2[%dma_start3A_46, %dma_start3A_47] : memref<160000x8xf32, #tpu.memory_space<hbm>> -> memref<160000x8xf32, #tpu.memory_space<hbm>>
      tpu.enqueue_indirect_dma source(%dma_start3A_48 : memref<160000x8xf32, #tpu.memory_space<hbm>>) target(%dma_start3A_43 : memref<128x8xf32, #tpu.memory_space<vmem>>) offsets(%dma_start3A_45 : memref<128xi32, #tpu.memory_space<vmem>>) semaphore(%arg11 : memref<!tpu.dma_semaphore, #tpu.memory_space<semaphore_mem>>)
      %dma_start3A_49 = arith.constant 256 : i32
      %dma_start3A_50 = arith.constant 0 : i32
      %dma_start3A_51 = tpu.memref_slice %arg10[%dma_start3A_49, %dma_start3A_50] : memref<1280x8xf32, #tpu.memory_space<vmem>> -> memref<128x8xf32, #tpu.memory_space<vmem>>
      %dma_start3A_52 = arith.constant 256 : i32
      %dma_start3A_53 = tpu.memref_slice %arg9[%dma_start3A_52] : memref<1280xi32, #tpu.memory_space<vmem>> -> memref<128xi32, #tpu.memory_space<vmem>>
      %dma_start3A_54 = arith.constant 0 : i32
      %dma_start3A_55 = arith.constant 0 : i32
      %dma_start3A_56 = tpu.memref_slice %arg2[%dma_start3A_54, %dma_start3A_55] : memref<160000x8xf32, #tpu.memory_space<hbm>> -> memref<160000x8xf32, #tpu.memory_space<hbm>>
      tpu.enqueue_indirect_dma source(%dma_start3A_56 : memref<160000x8xf32, #tpu.memory_space<hbm>>) target(%dma_start3A_51 : memref<128x8xf32, #tpu.memory_space<vmem>>) offsets(%dma_start3A_53 : memref<128xi32, #tpu.memory_space<vmem>>) semaphore(%arg11 : memref<!tpu.dma_semaphore, #tpu.memory_space<semaphore_mem>>)
      %dma_start3A_57 = arith.constant 384 : i32
      %dma_start3A_58 = arith.constant 0 : i32
      %dma_start3A_59 = tpu.memref_slice %arg10[%dma_start3A_57, %dma_start3A_58] : memref<1280x8xf32, #tpu.memory_space<vmem>> -> memref<128x8xf32, #tpu.memory_space<vmem>>
      %dma_start3A_60 = arith.constant 384 : i32
      %dma_start3A_61 = tpu.memref_slice %arg9[%dma_start3A_60] : memref<1280xi32, #tpu.memory_space<vmem>> -> memref<128xi32, #tpu.memory_space<vmem>>
      %dma_start3A_62 = arith.constant 0 : i32
      %dma_start3A_63 = arith.constant 0 : i32
      %dma_start3A_64 = tpu.memref_slice %arg2[%dma_start3A_62, %dma_start3A_63] : memref<160000x8xf32, #tpu.memory_space<hbm>> -> memref<160000x8xf32, #tpu.memory_space<hbm>>
      tpu.enqueue_indirect_dma source(%dma_start3A_64 : memref<160000x8xf32, #tpu.memory_space<hbm>>) target(%dma_start3A_59 : memref<128x8xf32, #tpu.memory_space<vmem>>) offsets(%dma_start3A_61 : memref<128xi32, #tpu.memory_space<vmem>>) semaphore(%arg11 : memref<!tpu.dma_semaphore, #tpu.memory_space<semaphore_mem>>)
      %dma_start3A_65 = arith.constant 512 : i32
      %dma_start3A_66 = arith.constant 0 : i32
      %dma_start3A_67 = tpu.memref_slice %arg10[%dma_start3A_65, %dma_start3A_66] : memref<1280x8xf32, #tpu.memory_space<vmem>> -> memref<128x8xf32, #tpu.memory_space<vmem>>
      %dma_start3A_68 = arith.constant 512 : i32
      %dma_start3A_69 = tpu.memref_slice %arg9[%dma_start3A_68] : memref<1280xi32, #tpu.memory_space<vmem>> -> memref<128xi32, #tpu.memory_space<vmem>>
      %dma_start3A_70 = arith.constant 0 : i32
      %dma_start3A_71 = arith.constant 0 : i32
      %dma_start3A_72 = tpu.memref_slice %arg2[%dma_start3A_70, %dma_start3A_71] : memref<160000x8xf32, #tpu.memory_space<hbm>> -> memref<160000x8xf32, #tpu.memory_space<hbm>>
      tpu.enqueue_indirect_dma source(%dma_start3A_72 : memref<160000x8xf32, #tpu.memory_space<hbm>>) target(%dma_start3A_67 : memref<128x8xf32, #tpu.memory_space<vmem>>) offsets(%dma_start3A_69 : memref<128xi32, #tpu.memory_space<vmem>>) semaphore(%arg11 : memref<!tpu.dma_semaphore, #tpu.memory_space<semaphore_mem>>)
      %dma_start3A_73 = arith.constant 640 : i32
      %dma_start3A_74 = arith.constant 0 : i32
      %dma_start3A_75 = tpu.memref_slice %arg10[%dma_start3A_73, %dma_start3A_74] : memref<1280x8xf32, #tpu.memory_space<vmem>> -> memref<128x8xf32, #tpu.memory_space<vmem>>
      %dma_start3A_76 = arith.constant 640 : i32
      %dma_start3A_77 = tpu.memref_slice %arg9[%dma_start3A_76] : memref<1280xi32, #tpu.memory_space<vmem>> -> memref<128xi32, #tpu.memory_space<vmem>>
      %dma_start3A_78 = arith.constant 0 : i32
      %dma_start3A_79 = arith.constant 0 : i32
      %dma_start3A_80 = tpu.memref_slice %arg2[%dma_start3A_78, %dma_start3A_79] : memref<160000x8xf32, #tpu.memory_space<hbm>> -> memref<160000x8xf32, #tpu.memory_space<hbm>>
      tpu.enqueue_indirect_dma source(%dma_start3A_80 : memref<160000x8xf32, #tpu.memory_space<hbm>>) target(%dma_start3A_75 : memref<128x8xf32, #tpu.memory_space<vmem>>) offsets(%dma_start3A_77 : memref<128xi32, #tpu.memory_space<vmem>>) semaphore(%arg11 : memref<!tpu.dma_semaphore, #tpu.memory_space<semaphore_mem>>)
      %dma_start3A_81 = arith.constant 768 : i32
      %dma_start3A_82 = arith.constant 0 : i32
      %dma_start3A_83 = tpu.memref_slice %arg10[%dma_start3A_81, %dma_start3A_82] : memref<1280x8xf32, #tpu.memory_space<vmem>> -> memref<128x8xf32, #tpu.memory_space<vmem>>
      %dma_start3A_84 = arith.constant 768 : i32
      %dma_start3A_85 = tpu.memref_slice %arg9[%dma_start3A_84] : memref<1280xi32, #tpu.memory_space<vmem>> -> memref<128xi32, #tpu.memory_space<vmem>>
      %dma_start3A_86 = arith.constant 0 : i32
      %dma_start3A_87 = arith.constant 0 : i32
      %dma_start3A_88 = tpu.memref_slice %arg2[%dma_start3A_86, %dma_start3A_87] : memref<160000x8xf32, #tpu.memory_space<hbm>> -> memref<160000x8xf32, #tpu.memory_space<hbm>>
      tpu.enqueue_indirect_dma source(%dma_start3A_88 : memref<160000x8xf32, #tpu.memory_space<hbm>>) target(%dma_start3A_83 : memref<128x8xf32, #tpu.memory_space<vmem>>) offsets(%dma_start3A_85 : memref<128xi32, #tpu.memory_space<vmem>>) semaphore(%arg11 : memref<!tpu.dma_semaphore, #tpu.memory_space<semaphore_mem>>)
      %dma_start3A_89 = arith.constant 896 : i32
      %dma_start3A_90 = arith.constant 0 : i32
      %dma_start3A_91 = tpu.memref_slice %arg10[%dma_start3A_89, %dma_start3A_90] : memref<1280x8xf32, #tpu.memory_space<vmem>> -> memref<128x8xf32, #tpu.memory_space<vmem>>
      %dma_start3A_92 = arith.constant 896 : i32
      %dma_start3A_93 = tpu.memref_slice %arg9[%dma_start3A_92] : memref<1280xi32, #tpu.memory_space<vmem>> -> memref<128xi32, #tpu.memory_space<vmem>>
      %dma_start3A_94 = arith.constant 0 : i32
      %dma_start3A_95 = arith.constant 0 : i32
      %dma_start3A_96 = tpu.memref_slice %arg2[%dma_start3A_94, %dma_start3A_95] : memref<160000x8xf32, #tpu.memory_space<hbm>> -> memref<160000x8xf32, #tpu.memory_space<hbm>>
      tpu.enqueue_indirect_dma source(%dma_start3A_96 : memref<160000x8xf32, #tpu.memory_space<hbm>>) target(%dma_start3A_91 : memref<128x8xf32, #tpu.memory_space<vmem>>) offsets(%dma_start3A_93 : memref<128xi32, #tpu.memory_space<vmem>>) semaphore(%arg11 : memref<!tpu.dma_semaphore, #tpu.memory_space<semaphore_mem>>)
      %dma_start3A_97 = arith.constant 1024 : i32
      %dma_start3A_98 = arith.constant 0 : i32
      %dma_start3A_99 = tpu.memref_slice %arg10[%dma_start3A_97, %dma_start3A_98] : memref<1280x8xf32, #tpu.memory_space<vmem>> -> memref<128x8xf32, #tpu.memory_space<vmem>>
      %dma_start3A_100 = arith.constant 1024 : i32
      %dma_start3A_101 = tpu.memref_slice %arg9[%dma_start3A_100] : memref<1280xi32, #tpu.memory_space<vmem>> -> memref<128xi32, #tpu.memory_space<vmem>>
      %dma_start3A_102 = arith.constant 0 : i32
      %dma_start3A_103 = arith.constant 0 : i32
      %dma_start3A_104 = tpu.memref_slice %arg2[%dma_start3A_102, %dma_start3A_103] : memref<160000x8xf32, #tpu.memory_space<hbm>> -> memref<160000x8xf32, #tpu.memory_space<hbm>>
      tpu.enqueue_indirect_dma source(%dma_start3A_104 : memref<160000x8xf32, #tpu.memory_space<hbm>>) target(%dma_start3A_99 : memref<128x8xf32, #tpu.memory_space<vmem>>) offsets(%dma_start3A_101 : memref<128xi32, #tpu.memory_space<vmem>>) semaphore(%arg11 : memref<!tpu.dma_semaphore, #tpu.memory_space<semaphore_mem>>)
      %dma_start3A_105 = arith.constant 1152 : i32
      %dma_start3A_106 = arith.constant 0 : i32
      %dma_start3A_107 = tpu.memref_slice %arg10[%dma_start3A_105, %dma_start3A_106] : memref<1280x8xf32, #tpu.memory_space<vmem>> -> memref<128x8xf32, #tpu.memory_space<vmem>>
      %dma_start3A_108 = arith.constant 1152 : i32
      %dma_start3A_109 = tpu.memref_slice %arg9[%dma_start3A_108] : memref<1280xi32, #tpu.memory_space<vmem>> -> memref<128xi32, #tpu.memory_space<vmem>>
      %dma_start3A_110 = arith.constant 0 : i32
      %dma_start3A_111 = arith.constant 0 : i32
      %dma_start3A_112 = tpu.memref_slice %arg2[%dma_start3A_110, %dma_start3A_111] : memref<160000x8xf32, #tpu.memory_space<hbm>> -> memref<160000x8xf32, #tpu.memory_space<hbm>>
      tpu.enqueue_indirect_dma source(%dma_start3A_112 : memref<160000x8xf32, #tpu.memory_space<hbm>>) target(%dma_start3A_107 : memref<128x8xf32, #tpu.memory_space<vmem>>) offsets(%dma_start3A_109 : memref<128xi32, #tpu.memory_space<vmem>>) semaphore(%arg11 : memref<!tpu.dma_semaphore, #tpu.memory_space<semaphore_mem>>)
      %dma_wait3A = arith.constant 0 : i32
      %dma_wait3A_113 = arith.constant 0 : i32
      %dma_wait3A_114 = tpu.memref_slice %arg10[%dma_wait3A, %dma_wait3A_113] : memref<1280x8xf32, #tpu.memory_space<vmem>> -> memref<128x8xf32, #tpu.memory_space<vmem>>
      %dma_wait3A_115 = arith.constant 0 : i32
      %dma_wait3A_116 = tpu.memref_slice %arg9[%dma_wait3A_115] : memref<1280xi32, #tpu.memory_space<vmem>> -> memref<128xi32, #tpu.memory_space<vmem>>
      %dma_wait3A_117 = arith.constant 0 : i32
      %dma_wait3A_118 = arith.constant 0 : i32
      %dma_wait3A_119 = tpu.memref_slice %arg2[%dma_wait3A_117, %dma_wait3A_118] : memref<160000x8xf32, #tpu.memory_space<hbm>> -> memref<160000x8xf32, #tpu.memory_space<hbm>>
      tpu.wait_indirect_dma semaphore(%arg11 : memref<!tpu.dma_semaphore, #tpu.memory_space<semaphore_mem>>) src(%dma_wait3A_119 : memref<160000x8xf32, #tpu.memory_space<hbm>>) dst(%dma_wait3A_114 : memref<128x8xf32, #tpu.memory_space<vmem>>)
      %dma_wait3A_120 = arith.constant 128 : i32
      %dma_wait3A_121 = arith.constant 0 : i32
      %dma_wait3A_122 = tpu.memref_slice %arg10[%dma_wait3A_120, %dma_wait3A_121] : memref<1280x8xf32, #tpu.memory_space<vmem>> -> memref<128x8xf32, #tpu.memory_space<vmem>>
      %dma_wait3A_123 = arith.constant 128 : i32
      %dma_wait3A_124 = tpu.memref_slice %arg9[%dma_wait3A_123] : memref<1280xi32, #tpu.memory_space<vmem>> -> memref<128xi32, #tpu.memory_space<vmem>>
      %dma_wait3A_125 = arith.constant 0 : i32
      %dma_wait3A_126 = arith.constant 0 : i32
      %dma_wait3A_127 = tpu.memref_slice %arg2[%dma_wait3A_125, %dma_wait3A_126] : memref<160000x8xf32, #tpu.memory_space<hbm>> -> memref<160000x8xf32, #tpu.memory_space<hbm>>
      tpu.wait_indirect_dma semaphore(%arg11 : memref<!tpu.dma_semaphore, #tpu.memory_space<semaphore_mem>>) src(%dma_wait3A_127 : memref<160000x8xf32, #tpu.memory_space<hbm>>) dst(%dma_wait3A_122 : memref<128x8xf32, #tpu.memory_space<vmem>>)
      %dma_wait3A_128 = arith.constant 256 : i32
      %dma_wait3A_129 = arith.constant 0 : i32
      %dma_wait3A_130 = tpu.memref_slice %arg10[%dma_wait3A_128, %dma_wait3A_129] : memref<1280x8xf32, #tpu.memory_space<vmem>> -> memref<128x8xf32, #tpu.memory_space<vmem>>
      %dma_wait3A_131 = arith.constant 256 : i32
      %dma_wait3A_132 = tpu.memref_slice %arg9[%dma_wait3A_131] : memref<1280xi32, #tpu.memory_space<vmem>> -> memref<128xi32, #tpu.memory_space<vmem>>
      %dma_wait3A_133 = arith.constant 0 : i32
      %dma_wait3A_134 = arith.constant 0 : i32
      %dma_wait3A_135 = tpu.memref_slice %arg2[%dma_wait3A_133, %dma_wait3A_134] : memref<160000x8xf32, #tpu.memory_space<hbm>> -> memref<160000x8xf32, #tpu.memory_space<hbm>>
      tpu.wait_indirect_dma semaphore(%arg11 : memref<!tpu.dma_semaphore, #tpu.memory_space<semaphore_mem>>) src(%dma_wait3A_135 : memref<160000x8xf32, #tpu.memory_space<hbm>>) dst(%dma_wait3A_130 : memref<128x8xf32, #tpu.memory_space<vmem>>)
      %dma_wait3A_136 = arith.constant 384 : i32
      %dma_wait3A_137 = arith.constant 0 : i32
      %dma_wait3A_138 = tpu.memref_slice %arg10[%dma_wait3A_136, %dma_wait3A_137] : memref<1280x8xf32, #tpu.memory_space<vmem>> -> memref<128x8xf32, #tpu.memory_space<vmem>>
      %dma_wait3A_139 = arith.constant 384 : i32
      %dma_wait3A_140 = tpu.memref_slice %arg9[%dma_wait3A_139] : memref<1280xi32, #tpu.memory_space<vmem>> -> memref<128xi32, #tpu.memory_space<vmem>>
      %dma_wait3A_141 = arith.constant 0 : i32
      %dma_wait3A_142 = arith.constant 0 : i32
      %dma_wait3A_143 = tpu.memref_slice %arg2[%dma_wait3A_141, %dma_wait3A_142] : memref<160000x8xf32, #tpu.memory_space<hbm>> -> memref<160000x8xf32, #tpu.memory_space<hbm>>
      tpu.wait_indirect_dma semaphore(%arg11 : memref<!tpu.dma_semaphore, #tpu.memory_space<semaphore_mem>>) src(%dma_wait3A_143 : memref<160000x8xf32, #tpu.memory_space<hbm>>) dst(%dma_wait3A_138 : memref<128x8xf32, #tpu.memory_space<vmem>>)
      %dma_wait3A_144 = arith.constant 512 : i32
      %dma_wait3A_145 = arith.constant 0 : i32
      %dma_wait3A_146 = tpu.memref_slice %arg10[%dma_wait3A_144, %dma_wait3A_145] : memref<1280x8xf32, #tpu.memory_space<vmem>> -> memref<128x8xf32, #tpu.memory_space<vmem>>
      %dma_wait3A_147 = arith.constant 512 : i32
      %dma_wait3A_148 = tpu.memref_slice %arg9[%dma_wait3A_147] : memref<1280xi32, #tpu.memory_space<vmem>> -> memref<128xi32, #tpu.memory_space<vmem>>
      %dma_wait3A_149 = arith.constant 0 : i32
      %dma_wait3A_150 = arith.constant 0 : i32
      %dma_wait3A_151 = tpu.memref_slice %arg2[%dma_wait3A_149, %dma_wait3A_150] : memref<160000x8xf32, #tpu.memory_space<hbm>> -> memref<160000x8xf32, #tpu.memory_space<hbm>>
      tpu.wait_indirect_dma semaphore(%arg11 : memref<!tpu.dma_semaphore, #tpu.memory_space<semaphore_mem>>) src(%dma_wait3A_151 : memref<160000x8xf32, #tpu.memory_space<hbm>>) dst(%dma_wait3A_146 : memref<128x8xf32, #tpu.memory_space<vmem>>)
      %dma_wait3A_152 = arith.constant 640 : i32
      %dma_wait3A_153 = arith.constant 0 : i32
      %dma_wait3A_154 = tpu.memref_slice %arg10[%dma_wait3A_152, %dma_wait3A_153] : memref<1280x8xf32, #tpu.memory_space<vmem>> -> memref<128x8xf32, #tpu.memory_space<vmem>>
      %dma_wait3A_155 = arith.constant 640 : i32
      %dma_wait3A_156 = tpu.memref_slice %arg9[%dma_wait3A_155] : memref<1280xi32, #tpu.memory_space<vmem>> -> memref<128xi32, #tpu.memory_space<vmem>>
      %dma_wait3A_157 = arith.constant 0 : i32
      %dma_wait3A_158 = arith.constant 0 : i32
      %dma_wait3A_159 = tpu.memref_slice %arg2[%dma_wait3A_157, %dma_wait3A_158] : memref<160000x8xf32, #tpu.memory_space<hbm>> -> memref<160000x8xf32, #tpu.memory_space<hbm>>
      tpu.wait_indirect_dma semaphore(%arg11 : memref<!tpu.dma_semaphore, #tpu.memory_space<semaphore_mem>>) src(%dma_wait3A_159 : memref<160000x8xf32, #tpu.memory_space<hbm>>) dst(%dma_wait3A_154 : memref<128x8xf32, #tpu.memory_space<vmem>>)
      %dma_wait3A_160 = arith.constant 768 : i32
      %dma_wait3A_161 = arith.constant 0 : i32
      %dma_wait3A_162 = tpu.memref_slice %arg10[%dma_wait3A_160, %dma_wait3A_161] : memref<1280x8xf32, #tpu.memory_space<vmem>> -> memref<128x8xf32, #tpu.memory_space<vmem>>
      %dma_wait3A_163 = arith.constant 768 : i32
      %dma_wait3A_164 = tpu.memref_slice %arg9[%dma_wait3A_163] : memref<1280xi32, #tpu.memory_space<vmem>> -> memref<128xi32, #tpu.memory_space<vmem>>
      %dma_wait3A_165 = arith.constant 0 : i32
      %dma_wait3A_166 = arith.constant 0 : i32
      %dma_wait3A_167 = tpu.memref_slice %arg2[%dma_wait3A_165, %dma_wait3A_166] : memref<160000x8xf32, #tpu.memory_space<hbm>> -> memref<160000x8xf32, #tpu.memory_space<hbm>>
      tpu.wait_indirect_dma semaphore(%arg11 : memref<!tpu.dma_semaphore, #tpu.memory_space<semaphore_mem>>) src(%dma_wait3A_167 : memref<160000x8xf32, #tpu.memory_space<hbm>>) dst(%dma_wait3A_162 : memref<128x8xf32, #tpu.memory_space<vmem>>)
      %dma_wait3A_168 = arith.constant 896 : i32
      %dma_wait3A_169 = arith.constant 0 : i32
      %dma_wait3A_170 = tpu.memref_slice %arg10[%dma_wait3A_168, %dma_wait3A_169] : memref<1280x8xf32, #tpu.memory_space<vmem>> -> memref<128x8xf32, #tpu.memory_space<vmem>>
      %dma_wait3A_171 = arith.constant 896 : i32
      %dma_wait3A_172 = tpu.memref_slice %arg9[%dma_wait3A_171] : memref<1280xi32, #tpu.memory_space<vmem>> -> memref<128xi32, #tpu.memory_space<vmem>>
      %dma_wait3A_173 = arith.constant 0 : i32
      %dma_wait3A_174 = arith.constant 0 : i32
      %dma_wait3A_175 = tpu.memref_slice %arg2[%dma_wait3A_173, %dma_wait3A_174] : memref<160000x8xf32, #tpu.memory_space<hbm>> -> memref<160000x8xf32, #tpu.memory_space<hbm>>
      tpu.wait_indirect_dma semaphore(%arg11 : memref<!tpu.dma_semaphore, #tpu.memory_space<semaphore_mem>>) src(%dma_wait3A_175 : memref<160000x8xf32, #tpu.memory_space<hbm>>) dst(%dma_wait3A_170 : memref<128x8xf32, #tpu.memory_space<vmem>>)
      %dma_wait3A_176 = arith.constant 1024 : i32
      %dma_wait3A_177 = arith.constant 0 : i32
      %dma_wait3A_178 = tpu.memref_slice %arg10[%dma_wait3A_176, %dma_wait3A_177] : memref<1280x8xf32, #tpu.memory_space<vmem>> -> memref<128x8xf32, #tpu.memory_space<vmem>>
      %dma_wait3A_179 = arith.constant 1024 : i32
      %dma_wait3A_180 = tpu.memref_slice %arg9[%dma_wait3A_179] : memref<1280xi32, #tpu.memory_space<vmem>> -> memref<128xi32, #tpu.memory_space<vmem>>
      %dma_wait3A_181 = arith.constant 0 : i32
      %dma_wait3A_182 = arith.constant 0 : i32
      %dma_wait3A_183 = tpu.memref_slice %arg2[%dma_wait3A_181, %dma_wait3A_182] : memref<160000x8xf32, #tpu.memory_space<hbm>> -> memref<160000x8xf32, #tpu.memory_space<hbm>>
      tpu.wait_indirect_dma semaphore(%arg11 : memref<!tpu.dma_semaphore, #tpu.memory_space<semaphore_mem>>) src(%dma_wait3A_183 : memref<160000x8xf32, #tpu.memory_space<hbm>>) dst(%dma_wait3A_178 : memref<128x8xf32, #tpu.memory_space<vmem>>)
      %dma_wait3A_184 = arith.constant 1152 : i32
      %dma_wait3A_185 = arith.constant 0 : i32
      %dma_wait3A_186 = tpu.memref_slice %arg10[%dma_wait3A_184, %dma_wait3A_185] : memref<1280x8xf32, #tpu.memory_space<vmem>> -> memref<128x8xf32, #tpu.memory_space<vmem>>
      %dma_wait3A_187 = arith.constant 1152 : i32
      %dma_wait3A_188 = tpu.memref_slice %arg9[%dma_wait3A_187] : memref<1280xi32, #tpu.memory_space<vmem>> -> memref<128xi32, #tpu.memory_space<vmem>>
      %dma_wait3A_189 = arith.constant 0 : i32
      %dma_wait3A_190 = arith.constant 0 : i32
      %dma_wait3A_191 = tpu.memref_slice %arg2[%dma_wait3A_189, %dma_wait3A_190] : memref<160000x8xf32, #tpu.memory_space<hbm>> -> memref<160000x8xf32, #tpu.memory_space<hbm>>
      tpu.wait_indirect_dma semaphore(%arg11 : memref<!tpu.dma_semaphore, #tpu.memory_space<semaphore_mem>>) src(%dma_wait3A_191 : memref<160000x8xf32, #tpu.memory_space<hbm>>) dst(%dma_wait3A_186 : memref<128x8xf32, #tpu.memory_space<vmem>>)
      %scan3A_192 = arith.constant 0 : i32
      %scan3A_193 = arith.constant 0 : i32
      %scan3A_194 = arith.constant 80 : i32
      %scan3A_195 = arith.addi %scan3A_193, %scan3A_194 : i32
      %scan3A_196 = arith.constant 1 : i32
      %scan3A_197 = scf.for %scan3A_200 = %scan3A_193 to %scan3A_195 step %scan3A_196 iter_args(%scan3A_201 = %scan3A_192) -> (i32)  : i32 {
        %mul3A_202 = arith.constant 16 : i32
        %mul3A_203 = arith.muli %scan3A_200, %mul3A_202 : i32
        %add3A_204 = arith.constant 0 : i32
        %add3A_205 = arith.addi %mul3A_203, %add3A_204 : i32
        %add3A_206 = vector.broadcast %add3A_205 : i32 to vector<16xi32>
        %add3A_207 = arith.addi %add3A_206, %shift_right_arithmetic3A_3 : vector<16xi32>
        %gather3A = tpu.vector_load_idx %arg10[%add3A_207, %and3A_1] : memref<1280x8xf32, #tpu.memory_space<vmem>>[vector<16xi32>, vector<16xi32>], vector<16xf32>,
        %gather3A_208 = tpu.vector_load_idx %arg8[%add3A_207] : memref<1280xi32, #tpu.memory_space<vmem>>[vector<16xi32>], vector<16xi32>,
        tpu.vector_store_idx %arg6[%gather3A_208, %and3A_1], %gather3A masked %lt3A_5 {add = true} : memref<10000x8xf32, #tpu.memory_space<vmem>>[vector<16xi32>, vector<16xi32>], vector<16xf32>, vector<16xi1>
        tpu.vector_store_idx %arg6[%gather3A_208, %and3A_1], %gather3A masked %ge3A_7 {add = true} : memref<10000x8xf32, #tpu.memory_space<vmem>>[vector<16xi32>, vector<16xi32>], vector<16xf32>, vector<16xi1>
        %add3A_209 = arith.constant 2 : i32
        %add3A_210 = arith.addi %mul3A_203, %add3A_209 : i32
        %add3A_211 = vector.broadcast %add3A_210 : i32 to vector<16xi32>
        %add3A_212 = arith.addi %add3A_211, %shift_right_arithmetic3A_3 : vector<16xi32>
        %gather3A_213 = tpu.vector_load_idx %arg10[%add3A_212, %and3A_1] : memref<1280x8xf32, #tpu.memory_space<vmem>>[vector<16xi32>, vector<16xi32>], vector<16xf32>,
        %gather3A_214 = tpu.vector_load_idx %arg8[%add3A_212] : memref<1280xi32, #tpu.memory_space<vmem>>[vector<16xi32>], vector<16xi32>,
        tpu.vector_store_idx %arg6[%gather3A_214, %and3A_1], %gather3A_213 masked %lt3A_5 {add = true} : memref<10000x8xf32, #tpu.memory_space<vmem>>[vector<16xi32>, vector<16xi32>], vector<16xf32>, vector<16xi1>
        tpu.vector_store_idx %arg6[%gather3A_214, %and3A_1], %gather3A_213 masked %ge3A_7 {add = true} : memref<10000x8xf32, #tpu.memory_space<vmem>>[vector<16xi32>, vector<16xi32>], vector<16xf32>, vector<16xi1>
        %add3A_215 = arith.constant 4 : i32
        %add3A_216 = arith.addi %mul3A_203, %add3A_215 : i32
        %add3A_217 = vector.broadcast %add3A_216 : i32 to vector<16xi32>
        %add3A_218 = arith.addi %add3A_217, %shift_right_arithmetic3A_3 : vector<16xi32>
        %gather3A_219 = tpu.vector_load_idx %arg10[%add3A_218, %and3A_1] : memref<1280x8xf32, #tpu.memory_space<vmem>>[vector<16xi32>, vector<16xi32>], vector<16xf32>,
        %gather3A_220 = tpu.vector_load_idx %arg8[%add3A_218] : memref<1280xi32, #tpu.memory_space<vmem>>[vector<16xi32>], vector<16xi32>,
        tpu.vector_store_idx %arg6[%gather3A_220, %and3A_1], %gather3A_219 masked %lt3A_5 {add = true} : memref<10000x8xf32, #tpu.memory_space<vmem>>[vector<16xi32>, vector<16xi32>], vector<16xf32>, vector<16xi1>
        tpu.vector_store_idx %arg6[%gather3A_220, %and3A_1], %gather3A_219 masked %ge3A_7 {add = true} : memref<10000x8xf32, #tpu.memory_space<vmem>>[vector<16xi32>, vector<16xi32>], vector<16xf32>, vector<16xi1>
        %add3A_221 = arith.constant 6 : i32
        %add3A_222 = arith.addi %mul3A_203, %add3A_221 : i32
        %add3A_223 = vector.broadcast %add3A_222 : i32 to vector<16xi32>
        %add3A_224 = arith.addi %add3A_223, %shift_right_arithmetic3A_3 : vector<16xi32>
        %gather3A_225 = tpu.vector_load_idx %arg10[%add3A_224, %and3A_1] : memref<1280x8xf32, #tpu.memory_space<vmem>>[vector<16xi32>, vector<16xi32>], vector<16xf32>,
        %gather3A_226 = tpu.vector_load_idx %arg8[%add3A_224] : memref<1280xi32, #tpu.memory_space<vmem>>[vector<16xi32>], vector<16xi32>,
        tpu.vector_store_idx %arg6[%gather3A_226, %and3A_1], %gather3A_225 masked %lt3A_5 {add = true} : memref<10000x8xf32, #tpu.memory_space<vmem>>[vector<16xi32>, vector<16xi32>], vector<16xf32>, vector<16xi1>
        tpu.vector_store_idx %arg6[%gather3A_226, %and3A_1], %gather3A_225 masked %ge3A_7 {add = true} : memref<10000x8xf32, #tpu.memory_space<vmem>>[vector<16xi32>, vector<16xi32>], vector<16xf32>, vector<16xi1>
        %add3A_227 = arith.constant 8 : i32
        %add3A_228 = arith.addi %mul3A_203, %add3A_227 : i32
        %add3A_229 = vector.broadcast %add3A_228 : i32 to vector<16xi32>
        %add3A_230 = arith.addi %add3A_229, %shift_right_arithmetic3A_3 : vector<16xi32>
        %gather3A_231 = tpu.vector_load_idx %arg10[%add3A_230, %and3A_1] : memref<1280x8xf32, #tpu.memory_space<vmem>>[vector<16xi32>, vector<16xi32>], vector<16xf32>,
        %gather3A_232 = tpu.vector_load_idx %arg8[%add3A_230] : memref<1280xi32, #tpu.memory_space<vmem>>[vector<16xi32>], vector<16xi32>,
        tpu.vector_store_idx %arg6[%gather3A_232, %and3A_1], %gather3A_231 masked %lt3A_5 {add = true} : memref<10000x8xf32, #tpu.memory_space<vmem>>[vector<16xi32>, vector<16xi32>], vector<16xf32>, vector<16xi1>
        tpu.vector_store_idx %arg6[%gather3A_232, %and3A_1], %gather3A_231 masked %ge3A_7 {add = true} : memref<10000x8xf32, #tpu.memory_space<vmem>>[vector<16xi32>, vector<16xi32>], vector<16xf32>, vector<16xi1>
        %add3A_233 = arith.constant 10 : i32
        %add3A_234 = arith.addi %mul3A_203, %add3A_233 : i32
        %add3A_235 = vector.broadcast %add3A_234 : i32 to vector<16xi32>
        %add3A_236 = arith.addi %add3A_235, %shift_right_arithmetic3A_3 : vector<16xi32>
        %gather3A_237 = tpu.vector_load_idx %arg10[%add3A_236, %and3A_1] : memref<1280x8xf32, #tpu.memory_space<vmem>>[vector<16xi32>, vector<16xi32>], vector<16xf32>,
        %gather3A_238 = tpu.vector_load_idx %arg8[%add3A_236] : memref<1280xi32, #tpu.memory_space<vmem>>[vector<16xi32>], vector<16xi32>,
        tpu.vector_store_idx %arg6[%gather3A_238, %and3A_1], %gather3A_237 masked %lt3A_5 {add = true} : memref<10000x8xf32, #tpu.memory_space<vmem>>[vector<16xi32>, vector<16xi32>], vector<16xf32>, vector<16xi1>
        tpu.vector_store_idx %arg6[%gather3A_238, %and3A_1], %gather3A_237 masked %ge3A_7 {add = true} : memref<10000x8xf32, #tpu.memory_space<vmem>>[vector<16xi32>, vector<16xi32>], vector<16xf32>, vector<16xi1>
        %add3A_239 = arith.constant 12 : i32
        %add3A_240 = arith.addi %mul3A_203, %add3A_239 : i32
        %add3A_241 = vector.broadcast %add3A_240 : i32 to vector<16xi32>
        %add3A_242 = arith.addi %add3A_241, %shift_right_arithmetic3A_3 : vector<16xi32>
        %gather3A_243 = tpu.vector_load_idx %arg10[%add3A_242, %and3A_1] : memref<1280x8xf32, #tpu.memory_space<vmem>>[vector<16xi32>, vector<16xi32>], vector<16xf32>,
        %gather3A_244 = tpu.vector_load_idx %arg8[%add3A_242] : memref<1280xi32, #tpu.memory_space<vmem>>[vector<16xi32>], vector<16xi32>,
        tpu.vector_store_idx %arg6[%gather3A_244, %and3A_1], %gather3A_243 masked %lt3A_5 {add = true} : memref<10000x8xf32, #tpu.memory_space<vmem>>[vector<16xi32>, vector<16xi32>], vector<16xf32>, vector<16xi1>
        tpu.vector_store_idx %arg6[%gather3A_244, %and3A_1], %gather3A_243 masked %ge3A_7 {add = true} : memref<10000x8xf32, #tpu.memory_space<vmem>>[vector<16xi32>, vector<16xi32>], vector<16xf32>, vector<16xi1>
        %add3A_245 = arith.constant 14 : i32
        %add3A_246 = arith.addi %mul3A_203, %add3A_245 : i32
        %add3A_247 = vector.broadcast %add3A_246 : i32 to vector<16xi32>
        %add3A_248 = arith.addi %add3A_247, %shift_right_arithmetic3A_3 : vector<16xi32>
        %gather3A_249 = tpu.vector_load_idx %arg10[%add3A_248, %and3A_1] : memref<1280x8xf32, #tpu.memory_space<vmem>>[vector<16xi32>, vector<16xi32>], vector<16xf32>,
        %gather3A_250 = tpu.vector_load_idx %arg8[%add3A_248] : memref<1280xi32, #tpu.memory_space<vmem>>[vector<16xi32>], vector<16xi32>,
        tpu.vector_store_idx %arg6[%gather3A_250, %and3A_1], %gather3A_249 masked %lt3A_5 {add = true} : memref<10000x8xf32, #tpu.memory_space<vmem>>[vector<16xi32>, vector<16xi32>], vector<16xf32>, vector<16xi1>
        tpu.vector_store_idx %arg6[%gather3A_250, %and3A_1], %gather3A_249 masked %ge3A_7 {add = true} : memref<10000x8xf32, #tpu.memory_space<vmem>>[vector<16xi32>, vector<16xi32>], vector<16xf32>, vector<16xi1>
        %scan3A_251 = arith.constant 0 : i32
        scf.yield %scan3A_251 : i32
      }
      %scan3A_198 = arith.constant 80 : i32
      %scan3A_199 = arith.constant 0 : i32
      scf.yield %scan3A_199 : i32
    }
    %scan3A_22 = arith.constant 125 : i32
    "tpu.region"() ({
      %run_scoped3A = tpu.sem_alloc : memref<!tpu.dma_semaphore, #tpu.memory_space<semaphore_mem>>
      %dma_start3A = arith.constant 0 : i32
      %dma_start3A_23 = arith.constant 0 : i32
      %dma_start3A_24 = tpu.memref_slice %arg5[%arg0, %dma_start3A, %arg1, %dma_start3A_23] : memref<2x10000x16x8xf32, #tpu.memory_space<hbm>> -> memref<1x10000x1x8xf32, #tpu.memory_space<hbm>>
      %dma_start3A_25 = tpu.memref_squeeze %dma_start3A_24 : memref<1x10000x1x8xf32, #tpu.memory_space<hbm>> -> memref<10000x8xf32, #tpu.memory_space<hbm>>
      %dma_start3A_26 = arith.constant 0 : i32
      %dma_start3A_27 = arith.constant 0 : i32
      %dma_start3A_28 = tpu.memref_slice %arg5[%arg0, %dma_start3A_26, %arg1, %dma_start3A_27] : memref<2x10000x16x8xf32, #tpu.memory_space<hbm>> -> memref<1x10000x1x8xf32, #tpu.memory_space<hbm>>
      %dma_start3A_29 = tpu.memref_squeeze %dma_start3A_28 : memref<1x10000x1x8xf32, #tpu.memory_space<hbm>> -> memref<10000x8xf32, #tpu.memory_space<hbm>>
      tpu.enqueue_dma source(%arg6 : memref<10000x8xf32, #tpu.memory_space<vmem>>) target(%dma_start3A_29 : memref<10000x8xf32, #tpu.memory_space<hbm>>) target_semaphore(%run_scoped3A : memref<!tpu.dma_semaphore, #tpu.memory_space<semaphore_mem>>)
      %dma_wait3A = arith.constant 0 : i32
      %dma_wait3A_30 = arith.constant 0 : i32
      %dma_wait3A_31 = tpu.memref_slice %arg5[%arg0, %dma_wait3A, %arg1, %dma_wait3A_30] : memref<2x10000x16x8xf32, #tpu.memory_space<hbm>> -> memref<1x10000x1x8xf32, #tpu.memory_space<hbm>>
      %dma_wait3A_32 = tpu.memref_squeeze %dma_wait3A_31 : memref<1x10000x1x8xf32, #tpu.memory_space<hbm>> -> memref<10000x8xf32, #tpu.memory_space<hbm>>
      %dma_wait3A_33 = arith.constant 0 : i32
      %dma_wait3A_34 = arith.constant 0 : i32
      %dma_wait3A_35 = tpu.memref_slice %arg5[%arg0, %dma_wait3A_33, %arg1, %dma_wait3A_34] : memref<2x10000x16x8xf32, #tpu.memory_space<hbm>> -> memref<1x10000x1x8xf32, #tpu.memory_space<hbm>>
      %dma_wait3A_36 = tpu.memref_squeeze %dma_wait3A_35 : memref<1x10000x1x8xf32, #tpu.memory_space<hbm>> -> memref<10000x8xf32, #tpu.memory_space<hbm>>
      tpu.wait_dma2 semaphore(%run_scoped3A : memref<!tpu.dma_semaphore, #tpu.memory_space<semaphore_mem>>) src(%arg6 : memref<10000x8xf32, #tpu.memory_space<vmem>>) dst(%dma_wait3A_36 : memref<10000x8xf32, #tpu.memory_space<hbm>>)
      tpu.yield
    }) : () -> ()
    return
  }
}

#map = affine_map<(d0, d1) -> (0, 0)>
#map1 = affine_map<(d0, d1) -> (0)>
#map2 = affine_map<(d0, d1) -> (0, 0, 0, 0)>
module attributes {stable_mosaic.version = 14 : i64} {
  func.func @_sc_scatter_body(%arg0: i32, %arg1: i32, %arg2: memref<160000x8xf32, #tpu.memory_space<hbm>>, %arg3: memref<320000xi32, #tpu.memory_space<hbm>>, %arg4: memref<320000xi32, #tpu.memory_space<hbm>>, %arg5: memref<2x10000x16x8xf32, #tpu.memory_space<hbm>>, %arg6: memref<10000x8xf32, #tpu.memory_space<vmem>>, %arg7: memref<1280xi32, #tpu.memory_space<vmem>>, %arg8: memref<1280xi32, #tpu.memory_space<vmem>>, %arg9: memref<1280xi32, #tpu.memory_space<vmem>>, %arg10: memref<1280x8xf32, #tpu.memory_space<vmem>>, %arg11: memref<!tpu.dma_semaphore, #tpu.memory_space<semaphore_mem>>) attributes {dimension_semantics = [#tpu.dimension_semantics<core_parallel>, #tpu.dimension_semantics<subcore_parallel>], iteration_bounds = array<i64: 2, 16>, scalar_prefetch = 0 : i64, scratch_operands = 6 : i64, tpu.core_type = #tpu.core_type<sc_vector_subcore>, window_params = [{transform_indices = #map}, {transform_indices = #map1}, {transform_indices = #map1}, {transform_indices = #map2}]} {
    %iota3A = tpu.iota {dimensions = array<i32: 0>} : vector<16xi32>
    %and3A = arith.constant 7 : i32
    %and3A_0 = vector.broadcast %and3A : i32 to vector<16xi32>
    %and3A_1 = arith.andi %iota3A, %and3A_0 : vector<16xi32>
    %shift_right_arithmetic3A = arith.constant 3 : i32
    %shift_right_arithmetic3A_2 = vector.broadcast %shift_right_arithmetic3A : i32 to vector<16xi32>
    %shift_right_arithmetic3A_3 = arith.shrsi %iota3A, %shift_right_arithmetic3A_2 : vector<16xi32>
    %lt3A = arith.constant 8 : i32
    %lt3A_4 = vector.broadcast %lt3A : i32 to vector<16xi32>
    %lt3A_5 = arith.cmpi slt, %iota3A, %lt3A_4 : vector<16xi32>
    %ge3A = arith.constant 8 : i32
    %ge3A_6 = vector.broadcast %ge3A : i32 to vector<16xi32>
    %ge3A_7 = arith.cmpi sge, %iota3A, %ge3A_6 : vector<16xi32>
    %broadcast_in_dim3A = arith.constant 0.000000e+00 : f32
    %broadcast_in_dim3A_8 = vector.broadcast %broadcast_in_dim3A : f32 to vector<16xf32>
    %scan3A = arith.constant 0 : i32
    %scan3A_9 = arith.constant 0 : i32
    %scan3A_10 = arith.constant 5000 : i32
    %scan3A_11 = arith.addi %scan3A_9, %scan3A_10 : i32
    %scan3A_12 = arith.constant 4 : i32
    %scan3A_13 = scf.for %scan3A_23 = %scan3A_9 to %scan3A_11 step %scan3A_12 iter_args(%scan3A_24 = %scan3A) -> (i32)  : i32 {
      %mul3A_25 = arith.constant 2 : i32
      %mul3A_26 = arith.muli %mul3A_25, %scan3A_23 : i32
      %add3A = vector.broadcast %mul3A_26 : i32 to vector<16xi32>
      %add3A_27 = arith.addi %add3A, %shift_right_arithmetic3A_3 : vector<16xi32>
      tpu.vector_store_idx %arg6[%add3A_27, %and3A_1], %broadcast_in_dim3A_8 : memref<10000x8xf32, #tpu.memory_space<vmem>>[vector<16xi32>, vector<16xi32>], vector<16xf32>,
      %scan3A_28 = arith.constant 0 : i32
      %scan3A_29 = arith.constant 1 : i32
      %scan3A_30 = arith.addi %scan3A_23, %scan3A_29 : i32
      %mul3A_31 = arith.constant 2 : i32
      %mul3A_32 = arith.muli %mul3A_31, %scan3A_30 : i32
      %add3A_33 = vector.broadcast %mul3A_32 : i32 to vector<16xi32>
      %add3A_34 = arith.addi %add3A_33, %shift_right_arithmetic3A_3 : vector<16xi32>
      tpu.vector_store_idx %arg6[%add3A_34, %and3A_1], %broadcast_in_dim3A_8 : memref<10000x8xf32, #tpu.memory_space<vmem>>[vector<16xi32>, vector<16xi32>], vector<16xf32>,
      %scan3A_35 = arith.constant 0 : i32
      %scan3A_36 = arith.constant 2 : i32
      %scan3A_37 = arith.addi %scan3A_23, %scan3A_36 : i32
      %mul3A_38 = arith.constant 2 : i32
      %mul3A_39 = arith.muli %mul3A_38, %scan3A_37 : i32
      %add3A_40 = vector.broadcast %mul3A_39 : i32 to vector<16xi32>
      %add3A_41 = arith.addi %add3A_40, %shift_right_arithmetic3A_3 : vector<16xi32>
      tpu.vector_store_idx %arg6[%add3A_41, %and3A_1], %broadcast_in_dim3A_8 : memref<10000x8xf32, #tpu.memory_space<vmem>>[vector<16xi32>, vector<16xi32>], vector<16xf32>,
      %scan3A_42 = arith.constant 0 : i32
      %scan3A_43 = arith.constant 3 : i32
      %scan3A_44 = arith.addi %scan3A_23, %scan3A_43 : i32
      %mul3A_45 = arith.constant 2 : i32
      %mul3A_46 = arith.muli %mul3A_45, %scan3A_44 : i32
      %add3A_47 = vector.broadcast %mul3A_46 : i32 to vector<16xi32>
      %add3A_48 = arith.addi %add3A_47, %shift_right_arithmetic3A_3 : vector<16xi32>
      tpu.vector_store_idx %arg6[%add3A_48, %and3A_1], %broadcast_in_dim3A_8 : memref<10000x8xf32, #tpu.memory_space<vmem>>[vector<16xi32>, vector<16xi32>], vector<16xf32>,
      %scan3A_49 = arith.constant 0 : i32
      scf.yield %scan3A_49 : i32
    }
    %scan3A_14 = arith.constant 5000 : i32
    %mul3A = arith.constant 160000 : i32
    %mul3A_15 = arith.muli %arg0, %mul3A : i32
    %scan3A_16 = arith.constant 0 : i32
    %scan3A_17 = arith.constant 0 : i32
    %scan3A_18 = arith.constant 125 : i32
    %scan3A_19 = arith.addi %scan3A_17, %scan3A_18 : i32
    %scan3A_20 = arith.constant 1 : i32
    %scan3A_21 = scf.for %scan3A_23 = %scan3A_17 to %scan3A_19 step %scan3A_20 iter_args(%scan3A_24 = %scan3A_16) -> (i32)  : i32 {
      %mul3A_25 = arith.constant 1280 : i32
      %mul3A_26 = arith.muli %scan3A_23, %mul3A_25 : i32
      %add3A = arith.addi %mul3A_15, %mul3A_26 : i32
      "tpu.region"() ({
        %run_scoped3A = tpu.sem_alloc : memref<!tpu.dma_semaphore, #tpu.memory_space<semaphore_mem>>
        %dma_start3A_200 = tpu.memref_slice %arg3[%add3A] : memref<320000xi32, #tpu.memory_space<hbm>> -> memref<1280xi32, #tpu.memory_space<hbm>>
        %dma_start3A_201 = tpu.memref_slice %arg3[%add3A] : memref<320000xi32, #tpu.memory_space<hbm>> -> memref<1280xi32, #tpu.memory_space<hbm>>
        tpu.enqueue_dma source(%dma_start3A_201 : memref<1280xi32, #tpu.memory_space<hbm>>) target(%arg7 : memref<1280xi32, #tpu.memory_space<vmem>>) target_semaphore(%run_scoped3A : memref<!tpu.dma_semaphore, #tpu.memory_space<semaphore_mem>>)
        %dma_wait3A_202 = tpu.memref_slice %arg3[%add3A] : memref<320000xi32, #tpu.memory_space<hbm>> -> memref<1280xi32, #tpu.memory_space<hbm>>
        %dma_wait3A_203 = tpu.memref_slice %arg3[%add3A] : memref<320000xi32, #tpu.memory_space<hbm>> -> memref<1280xi32, #tpu.memory_space<hbm>>
        tpu.wait_dma2 semaphore(%run_scoped3A : memref<!tpu.dma_semaphore, #tpu.memory_space<semaphore_mem>>) src(%dma_wait3A_203 : memref<1280xi32, #tpu.memory_space<hbm>>) dst(%arg7 : memref<1280xi32, #tpu.memory_space<vmem>>)
        tpu.yield
      }) : () -> ()
      "tpu.region"() ({
        %run_scoped3A = tpu.sem_alloc : memref<!tpu.dma_semaphore, #tpu.memory_space<semaphore_mem>>
        %dma_start3A_200 = tpu.memref_slice %arg4[%add3A] : memref<320000xi32, #tpu.memory_space<hbm>> -> memref<1280xi32, #tpu.memory_space<hbm>>
        %dma_start3A_201 = tpu.memref_slice %arg4[%add3A] : memref<320000xi32, #tpu.memory_space<hbm>> -> memref<1280xi32, #tpu.memory_space<hbm>>
        tpu.enqueue_dma source(%dma_start3A_201 : memref<1280xi32, #tpu.memory_space<hbm>>) target(%arg8 : memref<1280xi32, #tpu.memory_space<vmem>>) target_semaphore(%run_scoped3A : memref<!tpu.dma_semaphore, #tpu.memory_space<semaphore_mem>>)
        %dma_wait3A_202 = tpu.memref_slice %arg4[%add3A] : memref<320000xi32, #tpu.memory_space<hbm>> -> memref<1280xi32, #tpu.memory_space<hbm>>
        %dma_wait3A_203 = tpu.memref_slice %arg4[%add3A] : memref<320000xi32, #tpu.memory_space<hbm>> -> memref<1280xi32, #tpu.memory_space<hbm>>
        tpu.wait_dma2 semaphore(%run_scoped3A : memref<!tpu.dma_semaphore, #tpu.memory_space<semaphore_mem>>) src(%dma_wait3A_203 : memref<1280xi32, #tpu.memory_space<hbm>>) dst(%arg8 : memref<1280xi32, #tpu.memory_space<vmem>>)
        tpu.yield
      }) : () -> ()
      %scan3A_27 = arith.constant 0 : i32
      %scan3A_28 = arith.constant 0 : i32
      %scan3A_29 = arith.constant 80 : i32
      %scan3A_30 = arith.addi %scan3A_28, %scan3A_29 : i32
      %scan3A_31 = arith.constant 4 : i32
      %scan3A_32 = scf.for %scan3A_200 = %scan3A_28 to %scan3A_30 step %scan3A_31 iter_args(%scan3A_201 = %scan3A_27) -> (i32)  : i32 {
        %mul3A_202 = arith.constant 16 : i32
        %mul3A_203 = arith.muli %scan3A_200, %mul3A_202 : i32
        %get3A = arith.index_cast %mul3A_203 : i32 to index
        %get3A_204 = tpu.vector_load %arg7[%get3A] {strides = array<i32>} : memref<1280xi32, #tpu.memory_space<vmem>>, vector<16xi32>,
        %mul3A_205 = arith.constant 16 : i32
        %mul3A_206 = vector.broadcast %mul3A_205 : i32 to vector<16xi32>
        %mul3A_207 = arith.muli %get3A_204, %mul3A_206 : vector<16xi32>
        %add3A_208 = vector.broadcast %arg1 : i32 to vector<16xi32>
        %add3A_209 = arith.addi %mul3A_207, %add3A_208 : vector<16xi32>
        %mul3A_210 = arith.constant 16 : i32
        %mul3A_211 = arith.muli %scan3A_200, %mul3A_210 : i32
        %swap3A = arith.index_cast %mul3A_211 : i32 to index
        %swap3A_212 = tpu.vector_load %arg9[%swap3A] {strides = array<i32>} : memref<1280xi32, #tpu.memory_space<vmem>>, vector<16xi32>,
        tpu.vector_store %arg9[%swap3A], %add3A_209 {strides = array<i32>} : memref<1280xi32, #tpu.memory_space<vmem>>, vector<16xi32>,
        %scan3A_213 = arith.constant 0 : i32
        %scan3A_214 = arith.constant 1 : i32
        %scan3A_215 = arith.addi %scan3A_200, %scan3A_214 : i32
        %mul3A_216 = arith.constant 16 : i32
        %mul3A_217 = arith.muli %scan3A_215, %mul3A_216 : i32
        %get3A_218 = arith.index_cast %mul3A_217 : i32 to index
        %get3A_219 = tpu.vector_load %arg7[%get3A_218] {strides = array<i32>} : memref<1280xi32, #tpu.memory_space<vmem>>, vector<16xi32>,
        %mul3A_220 = arith.constant 16 : i32
        %mul3A_221 = vector.broadcast %mul3A_220 : i32 to vector<16xi32>
        %mul3A_222 = arith.muli %get3A_219, %mul3A_221 : vector<16xi32>
        %add3A_223 = vector.broadcast %arg1 : i32 to vector<16xi32>
        %add3A_224 = arith.addi %mul3A_222, %add3A_223 : vector<16xi32>
        %mul3A_225 = arith.constant 16 : i32
        %mul3A_226 = arith.muli %scan3A_215, %mul3A_225 : i32
        %swap3A_227 = arith.index_cast %mul3A_226 : i32 to index
        %swap3A_228 = tpu.vector_load %arg9[%swap3A_227] {strides = array<i32>} : memref<1280xi32, #tpu.memory_space<vmem>>, vector<16xi32>,
        tpu.vector_store %arg9[%swap3A_227], %add3A_224 {strides = array<i32>} : memref<1280xi32, #tpu.memory_space<vmem>>, vector<16xi32>,
        %scan3A_229 = arith.constant 0 : i32
        %scan3A_230 = arith.constant 2 : i32
        %scan3A_231 = arith.addi %scan3A_200, %scan3A_230 : i32
        %mul3A_232 = arith.constant 16 : i32
        %mul3A_233 = arith.muli %scan3A_231, %mul3A_232 : i32
        %get3A_234 = arith.index_cast %mul3A_233 : i32 to index
        %get3A_235 = tpu.vector_load %arg7[%get3A_234] {strides = array<i32>} : memref<1280xi32, #tpu.memory_space<vmem>>, vector<16xi32>,
        %mul3A_236 = arith.constant 16 : i32
        %mul3A_237 = vector.broadcast %mul3A_236 : i32 to vector<16xi32>
        %mul3A_238 = arith.muli %get3A_235, %mul3A_237 : vector<16xi32>
        %add3A_239 = vector.broadcast %arg1 : i32 to vector<16xi32>
        %add3A_240 = arith.addi %mul3A_238, %add3A_239 : vector<16xi32>
        %mul3A_241 = arith.constant 16 : i32
        %mul3A_242 = arith.muli %scan3A_231, %mul3A_241 : i32
        %swap3A_243 = arith.index_cast %mul3A_242 : i32 to index
        %swap3A_244 = tpu.vector_load %arg9[%swap3A_243] {strides = array<i32>} : memref<1280xi32, #tpu.memory_space<vmem>>, vector<16xi32>,
        tpu.vector_store %arg9[%swap3A_243], %add3A_240 {strides = array<i32>} : memref<1280xi32, #tpu.memory_space<vmem>>, vector<16xi32>,
        %scan3A_245 = arith.constant 0 : i32
        %scan3A_246 = arith.constant 3 : i32
        %scan3A_247 = arith.addi %scan3A_200, %scan3A_246 : i32
        %mul3A_248 = arith.constant 16 : i32
        %mul3A_249 = arith.muli %scan3A_247, %mul3A_248 : i32
        %get3A_250 = arith.index_cast %mul3A_249 : i32 to index
        %get3A_251 = tpu.vector_load %arg7[%get3A_250] {strides = array<i32>} : memref<1280xi32, #tpu.memory_space<vmem>>, vector<16xi32>,
        %mul3A_252 = arith.constant 16 : i32
        %mul3A_253 = vector.broadcast %mul3A_252 : i32 to vector<16xi32>
        %mul3A_254 = arith.muli %get3A_251, %mul3A_253 : vector<16xi32>
        %add3A_255 = vector.broadcast %arg1 : i32 to vector<16xi32>
        %add3A_256 = arith.addi %mul3A_254, %add3A_255 : vector<16xi32>
        %mul3A_257 = arith.constant 16 : i32
        %mul3A_258 = arith.muli %scan3A_247, %mul3A_257 : i32
        %swap3A_259 = arith.index_cast %mul3A_258 : i32 to index
        %swap3A_260 = tpu.vector_load %arg9[%swap3A_259] {strides = array<i32>} : memref<1280xi32, #tpu.memory_space<vmem>>, vector<16xi32>,
        tpu.vector_store %arg9[%swap3A_259], %add3A_256 {strides = array<i32>} : memref<1280xi32, #tpu.memory_space<vmem>>, vector<16xi32>,
        %scan3A_261 = arith.constant 0 : i32
        scf.yield %scan3A_261 : i32
      }
      %scan3A_33 = arith.constant 80 : i32
      %dma_start3A = arith.constant 0 : i32
      %dma_start3A_34 = arith.constant 0 : i32
      %dma_start3A_35 = tpu.memref_slice %arg10[%dma_start3A, %dma_start3A_34] : memref<1280x8xf32, #tpu.memory_space<vmem>> -> memref<128x8xf32, #tpu.memory_space<vmem>>
      %dma_start3A_36 = arith.constant 0 : i32
      %dma_start3A_37 = tpu.memref_slice %arg9[%dma_start3A_36] : memref<1280xi32, #tpu.memory_space<vmem>> -> memref<128xi32, #tpu.memory_space<vmem>>
      %dma_start3A_38 = arith.constant 0 : i32
      %dma_start3A_39 = arith.constant 0 : i32
      %dma_start3A_40 = tpu.memref_slice %arg2[%dma_start3A_38, %dma_start3A_39] : memref<160000x8xf32, #tpu.memory_space<hbm>> -> memref<160000x8xf32, #tpu.memory_space<hbm>>
      tpu.enqueue_indirect_dma source(%dma_start3A_40 : memref<160000x8xf32, #tpu.memory_space<hbm>>) target(%dma_start3A_35 : memref<128x8xf32, #tpu.memory_space<vmem>>) offsets(%dma_start3A_37 : memref<128xi32, #tpu.memory_space<vmem>>) semaphore(%arg11 : memref<!tpu.dma_semaphore, #tpu.memory_space<semaphore_mem>>)
      %dma_start3A_41 = arith.constant 128 : i32
      %dma_start3A_42 = arith.constant 0 : i32
      %dma_start3A_43 = tpu.memref_slice %arg10[%dma_start3A_41, %dma_start3A_42] : memref<1280x8xf32, #tpu.memory_space<vmem>> -> memref<128x8xf32, #tpu.memory_space<vmem>>
      %dma_start3A_44 = arith.constant 128 : i32
      %dma_start3A_45 = tpu.memref_slice %arg9[%dma_start3A_44] : memref<1280xi32, #tpu.memory_space<vmem>> -> memref<128xi32, #tpu.memory_space<vmem>>
      %dma_start3A_46 = arith.constant 0 : i32
      %dma_start3A_47 = arith.constant 0 : i32
      %dma_start3A_48 = tpu.memref_slice %arg2[%dma_start3A_46, %dma_start3A_47] : memref<160000x8xf32, #tpu.memory_space<hbm>> -> memref<160000x8xf32, #tpu.memory_space<hbm>>
      tpu.enqueue_indirect_dma source(%dma_start3A_48 : memref<160000x8xf32, #tpu.memory_space<hbm>>) target(%dma_start3A_43 : memref<128x8xf32, #tpu.memory_space<vmem>>) offsets(%dma_start3A_45 : memref<128xi32, #tpu.memory_space<vmem>>) semaphore(%arg11 : memref<!tpu.dma_semaphore, #tpu.memory_space<semaphore_mem>>)
      %dma_start3A_49 = arith.constant 256 : i32
      %dma_start3A_50 = arith.constant 0 : i32
      %dma_start3A_51 = tpu.memref_slice %arg10[%dma_start3A_49, %dma_start3A_50] : memref<1280x8xf32, #tpu.memory_space<vmem>> -> memref<128x8xf32, #tpu.memory_space<vmem>>
      %dma_start3A_52 = arith.constant 256 : i32
      %dma_start3A_53 = tpu.memref_slice %arg9[%dma_start3A_52] : memref<1280xi32, #tpu.memory_space<vmem>> -> memref<128xi32, #tpu.memory_space<vmem>>
      %dma_start3A_54 = arith.constant 0 : i32
      %dma_start3A_55 = arith.constant 0 : i32
      %dma_start3A_56 = tpu.memref_slice %arg2[%dma_start3A_54, %dma_start3A_55] : memref<160000x8xf32, #tpu.memory_space<hbm>> -> memref<160000x8xf32, #tpu.memory_space<hbm>>
      tpu.enqueue_indirect_dma source(%dma_start3A_56 : memref<160000x8xf32, #tpu.memory_space<hbm>>) target(%dma_start3A_51 : memref<128x8xf32, #tpu.memory_space<vmem>>) offsets(%dma_start3A_53 : memref<128xi32, #tpu.memory_space<vmem>>) semaphore(%arg11 : memref<!tpu.dma_semaphore, #tpu.memory_space<semaphore_mem>>)
      %dma_start3A_57 = arith.constant 384 : i32
      %dma_start3A_58 = arith.constant 0 : i32
      %dma_start3A_59 = tpu.memref_slice %arg10[%dma_start3A_57, %dma_start3A_58] : memref<1280x8xf32, #tpu.memory_space<vmem>> -> memref<128x8xf32, #tpu.memory_space<vmem>>
      %dma_start3A_60 = arith.constant 384 : i32
      %dma_start3A_61 = tpu.memref_slice %arg9[%dma_start3A_60] : memref<1280xi32, #tpu.memory_space<vmem>> -> memref<128xi32, #tpu.memory_space<vmem>>
      %dma_start3A_62 = arith.constant 0 : i32
      %dma_start3A_63 = arith.constant 0 : i32
      %dma_start3A_64 = tpu.memref_slice %arg2[%dma_start3A_62, %dma_start3A_63] : memref<160000x8xf32, #tpu.memory_space<hbm>> -> memref<160000x8xf32, #tpu.memory_space<hbm>>
      tpu.enqueue_indirect_dma source(%dma_start3A_64 : memref<160000x8xf32, #tpu.memory_space<hbm>>) target(%dma_start3A_59 : memref<128x8xf32, #tpu.memory_space<vmem>>) offsets(%dma_start3A_61 : memref<128xi32, #tpu.memory_space<vmem>>) semaphore(%arg11 : memref<!tpu.dma_semaphore, #tpu.memory_space<semaphore_mem>>)
      %dma_start3A_65 = arith.constant 512 : i32
      %dma_start3A_66 = arith.constant 0 : i32
      %dma_start3A_67 = tpu.memref_slice %arg10[%dma_start3A_65, %dma_start3A_66] : memref<1280x8xf32, #tpu.memory_space<vmem>> -> memref<128x8xf32, #tpu.memory_space<vmem>>
      %dma_start3A_68 = arith.constant 512 : i32
      %dma_start3A_69 = tpu.memref_slice %arg9[%dma_start3A_68] : memref<1280xi32, #tpu.memory_space<vmem>> -> memref<128xi32, #tpu.memory_space<vmem>>
      %dma_start3A_70 = arith.constant 0 : i32
      %dma_start3A_71 = arith.constant 0 : i32
      %dma_start3A_72 = tpu.memref_slice %arg2[%dma_start3A_70, %dma_start3A_71] : memref<160000x8xf32, #tpu.memory_space<hbm>> -> memref<160000x8xf32, #tpu.memory_space<hbm>>
      tpu.enqueue_indirect_dma source(%dma_start3A_72 : memref<160000x8xf32, #tpu.memory_space<hbm>>) target(%dma_start3A_67 : memref<128x8xf32, #tpu.memory_space<vmem>>) offsets(%dma_start3A_69 : memref<128xi32, #tpu.memory_space<vmem>>) semaphore(%arg11 : memref<!tpu.dma_semaphore, #tpu.memory_space<semaphore_mem>>)
      %dma_start3A_73 = arith.constant 640 : i32
      %dma_start3A_74 = arith.constant 0 : i32
      %dma_start3A_75 = tpu.memref_slice %arg10[%dma_start3A_73, %dma_start3A_74] : memref<1280x8xf32, #tpu.memory_space<vmem>> -> memref<128x8xf32, #tpu.memory_space<vmem>>
      %dma_start3A_76 = arith.constant 640 : i32
      %dma_start3A_77 = tpu.memref_slice %arg9[%dma_start3A_76] : memref<1280xi32, #tpu.memory_space<vmem>> -> memref<128xi32, #tpu.memory_space<vmem>>
      %dma_start3A_78 = arith.constant 0 : i32
      %dma_start3A_79 = arith.constant 0 : i32
      %dma_start3A_80 = tpu.memref_slice %arg2[%dma_start3A_78, %dma_start3A_79] : memref<160000x8xf32, #tpu.memory_space<hbm>> -> memref<160000x8xf32, #tpu.memory_space<hbm>>
      tpu.enqueue_indirect_dma source(%dma_start3A_80 : memref<160000x8xf32, #tpu.memory_space<hbm>>) target(%dma_start3A_75 : memref<128x8xf32, #tpu.memory_space<vmem>>) offsets(%dma_start3A_77 : memref<128xi32, #tpu.memory_space<vmem>>) semaphore(%arg11 : memref<!tpu.dma_semaphore, #tpu.memory_space<semaphore_mem>>)
      %dma_start3A_81 = arith.constant 768 : i32
      %dma_start3A_82 = arith.constant 0 : i32
      %dma_start3A_83 = tpu.memref_slice %arg10[%dma_start3A_81, %dma_start3A_82] : memref<1280x8xf32, #tpu.memory_space<vmem>> -> memref<128x8xf32, #tpu.memory_space<vmem>>
      %dma_start3A_84 = arith.constant 768 : i32
      %dma_start3A_85 = tpu.memref_slice %arg9[%dma_start3A_84] : memref<1280xi32, #tpu.memory_space<vmem>> -> memref<128xi32, #tpu.memory_space<vmem>>
      %dma_start3A_86 = arith.constant 0 : i32
      %dma_start3A_87 = arith.constant 0 : i32
      %dma_start3A_88 = tpu.memref_slice %arg2[%dma_start3A_86, %dma_start3A_87] : memref<160000x8xf32, #tpu.memory_space<hbm>> -> memref<160000x8xf32, #tpu.memory_space<hbm>>
      tpu.enqueue_indirect_dma source(%dma_start3A_88 : memref<160000x8xf32, #tpu.memory_space<hbm>>) target(%dma_start3A_83 : memref<128x8xf32, #tpu.memory_space<vmem>>) offsets(%dma_start3A_85 : memref<128xi32, #tpu.memory_space<vmem>>) semaphore(%arg11 : memref<!tpu.dma_semaphore, #tpu.memory_space<semaphore_mem>>)
      %dma_start3A_89 = arith.constant 896 : i32
      %dma_start3A_90 = arith.constant 0 : i32
      %dma_start3A_91 = tpu.memref_slice %arg10[%dma_start3A_89, %dma_start3A_90] : memref<1280x8xf32, #tpu.memory_space<vmem>> -> memref<128x8xf32, #tpu.memory_space<vmem>>
      %dma_start3A_92 = arith.constant 896 : i32
      %dma_start3A_93 = tpu.memref_slice %arg9[%dma_start3A_92] : memref<1280xi32, #tpu.memory_space<vmem>> -> memref<128xi32, #tpu.memory_space<vmem>>
      %dma_start3A_94 = arith.constant 0 : i32
      %dma_start3A_95 = arith.constant 0 : i32
      %dma_start3A_96 = tpu.memref_slice %arg2[%dma_start3A_94, %dma_start3A_95] : memref<160000x8xf32, #tpu.memory_space<hbm>> -> memref<160000x8xf32, #tpu.memory_space<hbm>>
      tpu.enqueue_indirect_dma source(%dma_start3A_96 : memref<160000x8xf32, #tpu.memory_space<hbm>>) target(%dma_start3A_91 : memref<128x8xf32, #tpu.memory_space<vmem>>) offsets(%dma_start3A_93 : memref<128xi32, #tpu.memory_space<vmem>>) semaphore(%arg11 : memref<!tpu.dma_semaphore, #tpu.memory_space<semaphore_mem>>)
      %dma_start3A_97 = arith.constant 1024 : i32
      %dma_start3A_98 = arith.constant 0 : i32
      %dma_start3A_99 = tpu.memref_slice %arg10[%dma_start3A_97, %dma_start3A_98] : memref<1280x8xf32, #tpu.memory_space<vmem>> -> memref<128x8xf32, #tpu.memory_space<vmem>>
      %dma_start3A_100 = arith.constant 1024 : i32
      %dma_start3A_101 = tpu.memref_slice %arg9[%dma_start3A_100] : memref<1280xi32, #tpu.memory_space<vmem>> -> memref<128xi32, #tpu.memory_space<vmem>>
      %dma_start3A_102 = arith.constant 0 : i32
      %dma_start3A_103 = arith.constant 0 : i32
      %dma_start3A_104 = tpu.memref_slice %arg2[%dma_start3A_102, %dma_start3A_103] : memref<160000x8xf32, #tpu.memory_space<hbm>> -> memref<160000x8xf32, #tpu.memory_space<hbm>>
      tpu.enqueue_indirect_dma source(%dma_start3A_104 : memref<160000x8xf32, #tpu.memory_space<hbm>>) target(%dma_start3A_99 : memref<128x8xf32, #tpu.memory_space<vmem>>) offsets(%dma_start3A_101 : memref<128xi32, #tpu.memory_space<vmem>>) semaphore(%arg11 : memref<!tpu.dma_semaphore, #tpu.memory_space<semaphore_mem>>)
      %dma_start3A_105 = arith.constant 1152 : i32
      %dma_start3A_106 = arith.constant 0 : i32
      %dma_start3A_107 = tpu.memref_slice %arg10[%dma_start3A_105, %dma_start3A_106] : memref<1280x8xf32, #tpu.memory_space<vmem>> -> memref<128x8xf32, #tpu.memory_space<vmem>>
      %dma_start3A_108 = arith.constant 1152 : i32
      %dma_start3A_109 = tpu.memref_slice %arg9[%dma_start3A_108] : memref<1280xi32, #tpu.memory_space<vmem>> -> memref<128xi32, #tpu.memory_space<vmem>>
      %dma_start3A_110 = arith.constant 0 : i32
      %dma_start3A_111 = arith.constant 0 : i32
      %dma_start3A_112 = tpu.memref_slice %arg2[%dma_start3A_110, %dma_start3A_111] : memref<160000x8xf32, #tpu.memory_space<hbm>> -> memref<160000x8xf32, #tpu.memory_space<hbm>>
      tpu.enqueue_indirect_dma source(%dma_start3A_112 : memref<160000x8xf32, #tpu.memory_space<hbm>>) target(%dma_start3A_107 : memref<128x8xf32, #tpu.memory_space<vmem>>) offsets(%dma_start3A_109 : memref<128xi32, #tpu.memory_space<vmem>>) semaphore(%arg11 : memref<!tpu.dma_semaphore, #tpu.memory_space<semaphore_mem>>)
      %dma_wait3A = arith.constant 0 : i32
      %dma_wait3A_113 = arith.constant 0 : i32
      %dma_wait3A_114 = tpu.memref_slice %arg10[%dma_wait3A, %dma_wait3A_113] : memref<1280x8xf32, #tpu.memory_space<vmem>> -> memref<128x8xf32, #tpu.memory_space<vmem>>
      %dma_wait3A_115 = arith.constant 0 : i32
      %dma_wait3A_116 = tpu.memref_slice %arg9[%dma_wait3A_115] : memref<1280xi32, #tpu.memory_space<vmem>> -> memref<128xi32, #tpu.memory_space<vmem>>
      %dma_wait3A_117 = arith.constant 0 : i32
      %dma_wait3A_118 = arith.constant 0 : i32
      %dma_wait3A_119 = tpu.memref_slice %arg2[%dma_wait3A_117, %dma_wait3A_118] : memref<160000x8xf32, #tpu.memory_space<hbm>> -> memref<160000x8xf32, #tpu.memory_space<hbm>>
      tpu.wait_indirect_dma semaphore(%arg11 : memref<!tpu.dma_semaphore, #tpu.memory_space<semaphore_mem>>) src(%dma_wait3A_119 : memref<160000x8xf32, #tpu.memory_space<hbm>>) dst(%dma_wait3A_114 : memref<128x8xf32, #tpu.memory_space<vmem>>)
      %dma_wait3A_120 = arith.constant 128 : i32
      %dma_wait3A_121 = arith.constant 0 : i32
      %dma_wait3A_122 = tpu.memref_slice %arg10[%dma_wait3A_120, %dma_wait3A_121] : memref<1280x8xf32, #tpu.memory_space<vmem>> -> memref<128x8xf32, #tpu.memory_space<vmem>>
      %dma_wait3A_123 = arith.constant 128 : i32
      %dma_wait3A_124 = tpu.memref_slice %arg9[%dma_wait3A_123] : memref<1280xi32, #tpu.memory_space<vmem>> -> memref<128xi32, #tpu.memory_space<vmem>>
      %dma_wait3A_125 = arith.constant 0 : i32
      %dma_wait3A_126 = arith.constant 0 : i32
      %dma_wait3A_127 = tpu.memref_slice %arg2[%dma_wait3A_125, %dma_wait3A_126] : memref<160000x8xf32, #tpu.memory_space<hbm>> -> memref<160000x8xf32, #tpu.memory_space<hbm>>
      tpu.wait_indirect_dma semaphore(%arg11 : memref<!tpu.dma_semaphore, #tpu.memory_space<semaphore_mem>>) src(%dma_wait3A_127 : memref<160000x8xf32, #tpu.memory_space<hbm>>) dst(%dma_wait3A_122 : memref<128x8xf32, #tpu.memory_space<vmem>>)
      %dma_wait3A_128 = arith.constant 256 : i32
      %dma_wait3A_129 = arith.constant 0 : i32
      %dma_wait3A_130 = tpu.memref_slice %arg10[%dma_wait3A_128, %dma_wait3A_129] : memref<1280x8xf32, #tpu.memory_space<vmem>> -> memref<128x8xf32, #tpu.memory_space<vmem>>
      %dma_wait3A_131 = arith.constant 256 : i32
      %dma_wait3A_132 = tpu.memref_slice %arg9[%dma_wait3A_131] : memref<1280xi32, #tpu.memory_space<vmem>> -> memref<128xi32, #tpu.memory_space<vmem>>
      %dma_wait3A_133 = arith.constant 0 : i32
      %dma_wait3A_134 = arith.constant 0 : i32
      %dma_wait3A_135 = tpu.memref_slice %arg2[%dma_wait3A_133, %dma_wait3A_134] : memref<160000x8xf32, #tpu.memory_space<hbm>> -> memref<160000x8xf32, #tpu.memory_space<hbm>>
      tpu.wait_indirect_dma semaphore(%arg11 : memref<!tpu.dma_semaphore, #tpu.memory_space<semaphore_mem>>) src(%dma_wait3A_135 : memref<160000x8xf32, #tpu.memory_space<hbm>>) dst(%dma_wait3A_130 : memref<128x8xf32, #tpu.memory_space<vmem>>)
      %dma_wait3A_136 = arith.constant 384 : i32
      %dma_wait3A_137 = arith.constant 0 : i32
      %dma_wait3A_138 = tpu.memref_slice %arg10[%dma_wait3A_136, %dma_wait3A_137] : memref<1280x8xf32, #tpu.memory_space<vmem>> -> memref<128x8xf32, #tpu.memory_space<vmem>>
      %dma_wait3A_139 = arith.constant 384 : i32
      %dma_wait3A_140 = tpu.memref_slice %arg9[%dma_wait3A_139] : memref<1280xi32, #tpu.memory_space<vmem>> -> memref<128xi32, #tpu.memory_space<vmem>>
      %dma_wait3A_141 = arith.constant 0 : i32
      %dma_wait3A_142 = arith.constant 0 : i32
      %dma_wait3A_143 = tpu.memref_slice %arg2[%dma_wait3A_141, %dma_wait3A_142] : memref<160000x8xf32, #tpu.memory_space<hbm>> -> memref<160000x8xf32, #tpu.memory_space<hbm>>
      tpu.wait_indirect_dma semaphore(%arg11 : memref<!tpu.dma_semaphore, #tpu.memory_space<semaphore_mem>>) src(%dma_wait3A_143 : memref<160000x8xf32, #tpu.memory_space<hbm>>) dst(%dma_wait3A_138 : memref<128x8xf32, #tpu.memory_space<vmem>>)
      %dma_wait3A_144 = arith.constant 512 : i32
      %dma_wait3A_145 = arith.constant 0 : i32
      %dma_wait3A_146 = tpu.memref_slice %arg10[%dma_wait3A_144, %dma_wait3A_145] : memref<1280x8xf32, #tpu.memory_space<vmem>> -> memref<128x8xf32, #tpu.memory_space<vmem>>
      %dma_wait3A_147 = arith.constant 512 : i32
      %dma_wait3A_148 = tpu.memref_slice %arg9[%dma_wait3A_147] : memref<1280xi32, #tpu.memory_space<vmem>> -> memref<128xi32, #tpu.memory_space<vmem>>
      %dma_wait3A_149 = arith.constant 0 : i32
      %dma_wait3A_150 = arith.constant 0 : i32
      %dma_wait3A_151 = tpu.memref_slice %arg2[%dma_wait3A_149, %dma_wait3A_150] : memref<160000x8xf32, #tpu.memory_space<hbm>> -> memref<160000x8xf32, #tpu.memory_space<hbm>>
      tpu.wait_indirect_dma semaphore(%arg11 : memref<!tpu.dma_semaphore, #tpu.memory_space<semaphore_mem>>) src(%dma_wait3A_151 : memref<160000x8xf32, #tpu.memory_space<hbm>>) dst(%dma_wait3A_146 : memref<128x8xf32, #tpu.memory_space<vmem>>)
      %dma_wait3A_152 = arith.constant 640 : i32
      %dma_wait3A_153 = arith.constant 0 : i32
      %dma_wait3A_154 = tpu.memref_slice %arg10[%dma_wait3A_152, %dma_wait3A_153] : memref<1280x8xf32, #tpu.memory_space<vmem>> -> memref<128x8xf32, #tpu.memory_space<vmem>>
      %dma_wait3A_155 = arith.constant 640 : i32
      %dma_wait3A_156 = tpu.memref_slice %arg9[%dma_wait3A_155] : memref<1280xi32, #tpu.memory_space<vmem>> -> memref<128xi32, #tpu.memory_space<vmem>>
      %dma_wait3A_157 = arith.constant 0 : i32
      %dma_wait3A_158 = arith.constant 0 : i32
      %dma_wait3A_159 = tpu.memref_slice %arg2[%dma_wait3A_157, %dma_wait3A_158] : memref<160000x8xf32, #tpu.memory_space<hbm>> -> memref<160000x8xf32, #tpu.memory_space<hbm>>
      tpu.wait_indirect_dma semaphore(%arg11 : memref<!tpu.dma_semaphore, #tpu.memory_space<semaphore_mem>>) src(%dma_wait3A_159 : memref<160000x8xf32, #tpu.memory_space<hbm>>) dst(%dma_wait3A_154 : memref<128x8xf32, #tpu.memory_space<vmem>>)
      %dma_wait3A_160 = arith.constant 768 : i32
      %dma_wait3A_161 = arith.constant 0 : i32
      %dma_wait3A_162 = tpu.memref_slice %arg10[%dma_wait3A_160, %dma_wait3A_161] : memref<1280x8xf32, #tpu.memory_space<vmem>> -> memref<128x8xf32, #tpu.memory_space<vmem>>
      %dma_wait3A_163 = arith.constant 768 : i32
      %dma_wait3A_164 = tpu.memref_slice %arg9[%dma_wait3A_163] : memref<1280xi32, #tpu.memory_space<vmem>> -> memref<128xi32, #tpu.memory_space<vmem>>
      %dma_wait3A_165 = arith.constant 0 : i32
      %dma_wait3A_166 = arith.constant 0 : i32
      %dma_wait3A_167 = tpu.memref_slice %arg2[%dma_wait3A_165, %dma_wait3A_166] : memref<160000x8xf32, #tpu.memory_space<hbm>> -> memref<160000x8xf32, #tpu.memory_space<hbm>>
      tpu.wait_indirect_dma semaphore(%arg11 : memref<!tpu.dma_semaphore, #tpu.memory_space<semaphore_mem>>) src(%dma_wait3A_167 : memref<160000x8xf32, #tpu.memory_space<hbm>>) dst(%dma_wait3A_162 : memref<128x8xf32, #tpu.memory_space<vmem>>)
      %dma_wait3A_168 = arith.constant 896 : i32
      %dma_wait3A_169 = arith.constant 0 : i32
      %dma_wait3A_170 = tpu.memref_slice %arg10[%dma_wait3A_168, %dma_wait3A_169] : memref<1280x8xf32, #tpu.memory_space<vmem>> -> memref<128x8xf32, #tpu.memory_space<vmem>>
      %dma_wait3A_171 = arith.constant 896 : i32
      %dma_wait3A_172 = tpu.memref_slice %arg9[%dma_wait3A_171] : memref<1280xi32, #tpu.memory_space<vmem>> -> memref<128xi32, #tpu.memory_space<vmem>>
      %dma_wait3A_173 = arith.constant 0 : i32
      %dma_wait3A_174 = arith.constant 0 : i32
      %dma_wait3A_175 = tpu.memref_slice %arg2[%dma_wait3A_173, %dma_wait3A_174] : memref<160000x8xf32, #tpu.memory_space<hbm>> -> memref<160000x8xf32, #tpu.memory_space<hbm>>
      tpu.wait_indirect_dma semaphore(%arg11 : memref<!tpu.dma_semaphore, #tpu.memory_space<semaphore_mem>>) src(%dma_wait3A_175 : memref<160000x8xf32, #tpu.memory_space<hbm>>) dst(%dma_wait3A_170 : memref<128x8xf32, #tpu.memory_space<vmem>>)
      %dma_wait3A_176 = arith.constant 1024 : i32
      %dma_wait3A_177 = arith.constant 0 : i32
      %dma_wait3A_178 = tpu.memref_slice %arg10[%dma_wait3A_176, %dma_wait3A_177] : memref<1280x8xf32, #tpu.memory_space<vmem>> -> memref<128x8xf32, #tpu.memory_space<vmem>>
      %dma_wait3A_179 = arith.constant 1024 : i32
      %dma_wait3A_180 = tpu.memref_slice %arg9[%dma_wait3A_179] : memref<1280xi32, #tpu.memory_space<vmem>> -> memref<128xi32, #tpu.memory_space<vmem>>
      %dma_wait3A_181 = arith.constant 0 : i32
      %dma_wait3A_182 = arith.constant 0 : i32
      %dma_wait3A_183 = tpu.memref_slice %arg2[%dma_wait3A_181, %dma_wait3A_182] : memref<160000x8xf32, #tpu.memory_space<hbm>> -> memref<160000x8xf32, #tpu.memory_space<hbm>>
      tpu.wait_indirect_dma semaphore(%arg11 : memref<!tpu.dma_semaphore, #tpu.memory_space<semaphore_mem>>) src(%dma_wait3A_183 : memref<160000x8xf32, #tpu.memory_space<hbm>>) dst(%dma_wait3A_178 : memref<128x8xf32, #tpu.memory_space<vmem>>)
      %dma_wait3A_184 = arith.constant 1152 : i32
      %dma_wait3A_185 = arith.constant 0 : i32
      %dma_wait3A_186 = tpu.memref_slice %arg10[%dma_wait3A_184, %dma_wait3A_185] : memref<1280x8xf32, #tpu.memory_space<vmem>> -> memref<128x8xf32, #tpu.memory_space<vmem>>
      %dma_wait3A_187 = arith.constant 1152 : i32
      %dma_wait3A_188 = tpu.memref_slice %arg9[%dma_wait3A_187] : memref<1280xi32, #tpu.memory_space<vmem>> -> memref<128xi32, #tpu.memory_space<vmem>>
      %dma_wait3A_189 = arith.constant 0 : i32
      %dma_wait3A_190 = arith.constant 0 : i32
      %dma_wait3A_191 = tpu.memref_slice %arg2[%dma_wait3A_189, %dma_wait3A_190] : memref<160000x8xf32, #tpu.memory_space<hbm>> -> memref<160000x8xf32, #tpu.memory_space<hbm>>
      tpu.wait_indirect_dma semaphore(%arg11 : memref<!tpu.dma_semaphore, #tpu.memory_space<semaphore_mem>>) src(%dma_wait3A_191 : memref<160000x8xf32, #tpu.memory_space<hbm>>) dst(%dma_wait3A_186 : memref<128x8xf32, #tpu.memory_space<vmem>>)
      %scan3A_192 = arith.constant 0 : i32
      %scan3A_193 = arith.constant 0 : i32
      %scan3A_194 = arith.constant 80 : i32
      %scan3A_195 = arith.addi %scan3A_193, %scan3A_194 : i32
      %scan3A_196 = arith.constant 1 : i32
      %scan3A_197 = scf.for %scan3A_200 = %scan3A_193 to %scan3A_195 step %scan3A_196 iter_args(%scan3A_201 = %scan3A_192) -> (i32)  : i32 {
        %mul3A_202 = arith.constant 16 : i32
        %mul3A_203 = arith.muli %scan3A_200, %mul3A_202 : i32
        %add3A_204 = arith.constant 0 : i32
        %add3A_205 = arith.addi %mul3A_203, %add3A_204 : i32
        %add3A_206 = vector.broadcast %add3A_205 : i32 to vector<16xi32>
        %add3A_207 = arith.addi %add3A_206, %shift_right_arithmetic3A_3 : vector<16xi32>
        %gather3A = tpu.vector_load_idx %arg10[%add3A_207, %and3A_1] : memref<1280x8xf32, #tpu.memory_space<vmem>>[vector<16xi32>, vector<16xi32>], vector<16xf32>,
        %gather3A_208 = tpu.vector_load_idx %arg8[%add3A_207] : memref<1280xi32, #tpu.memory_space<vmem>>[vector<16xi32>], vector<16xi32>,
        tpu.vector_store_idx %arg6[%gather3A_208, %and3A_1], %gather3A masked %lt3A_5 {add = true} : memref<10000x8xf32, #tpu.memory_space<vmem>>[vector<16xi32>, vector<16xi32>], vector<16xf32>, vector<16xi1>
        tpu.vector_store_idx %arg6[%gather3A_208, %and3A_1], %gather3A masked %ge3A_7 {add = true} : memref<10000x8xf32, #tpu.memory_space<vmem>>[vector<16xi32>, vector<16xi32>], vector<16xf32>, vector<16xi1>
        %add3A_209 = arith.constant 2 : i32
        %add3A_210 = arith.addi %mul3A_203, %add3A_209 : i32
        %add3A_211 = vector.broadcast %add3A_210 : i32 to vector<16xi32>
        %add3A_212 = arith.addi %add3A_211, %shift_right_arithmetic3A_3 : vector<16xi32>
        %gather3A_213 = tpu.vector_load_idx %arg10[%add3A_212, %and3A_1] : memref<1280x8xf32, #tpu.memory_space<vmem>>[vector<16xi32>, vector<16xi32>], vector<16xf32>,
        %gather3A_214 = tpu.vector_load_idx %arg8[%add3A_212] : memref<1280xi32, #tpu.memory_space<vmem>>[vector<16xi32>], vector<16xi32>,
        tpu.vector_store_idx %arg6[%gather3A_214, %and3A_1], %gather3A_213 masked %lt3A_5 {add = true} : memref<10000x8xf32, #tpu.memory_space<vmem>>[vector<16xi32>, vector<16xi32>], vector<16xf32>, vector<16xi1>
        tpu.vector_store_idx %arg6[%gather3A_214, %and3A_1], %gather3A_213 masked %ge3A_7 {add = true} : memref<10000x8xf32, #tpu.memory_space<vmem>>[vector<16xi32>, vector<16xi32>], vector<16xf32>, vector<16xi1>
        %add3A_215 = arith.constant 4 : i32
        %add3A_216 = arith.addi %mul3A_203, %add3A_215 : i32
        %add3A_217 = vector.broadcast %add3A_216 : i32 to vector<16xi32>
        %add3A_218 = arith.addi %add3A_217, %shift_right_arithmetic3A_3 : vector<16xi32>
        %gather3A_219 = tpu.vector_load_idx %arg10[%add3A_218, %and3A_1] : memref<1280x8xf32, #tpu.memory_space<vmem>>[vector<16xi32>, vector<16xi32>], vector<16xf32>,
        %gather3A_220 = tpu.vector_load_idx %arg8[%add3A_218] : memref<1280xi32, #tpu.memory_space<vmem>>[vector<16xi32>], vector<16xi32>,
        tpu.vector_store_idx %arg6[%gather3A_220, %and3A_1], %gather3A_219 masked %lt3A_5 {add = true} : memref<10000x8xf32, #tpu.memory_space<vmem>>[vector<16xi32>, vector<16xi32>], vector<16xf32>, vector<16xi1>
        tpu.vector_store_idx %arg6[%gather3A_220, %and3A_1], %gather3A_219 masked %ge3A_7 {add = true} : memref<10000x8xf32, #tpu.memory_space<vmem>>[vector<16xi32>, vector<16xi32>], vector<16xf32>, vector<16xi1>
        %add3A_221 = arith.constant 6 : i32
        %add3A_222 = arith.addi %mul3A_203, %add3A_221 : i32
        %add3A_223 = vector.broadcast %add3A_222 : i32 to vector<16xi32>
        %add3A_224 = arith.addi %add3A_223, %shift_right_arithmetic3A_3 : vector<16xi32>
        %gather3A_225 = tpu.vector_load_idx %arg10[%add3A_224, %and3A_1] : memref<1280x8xf32, #tpu.memory_space<vmem>>[vector<16xi32>, vector<16xi32>], vector<16xf32>,
        %gather3A_226 = tpu.vector_load_idx %arg8[%add3A_224] : memref<1280xi32, #tpu.memory_space<vmem>>[vector<16xi32>], vector<16xi32>,
        tpu.vector_store_idx %arg6[%gather3A_226, %and3A_1], %gather3A_225 masked %lt3A_5 {add = true} : memref<10000x8xf32, #tpu.memory_space<vmem>>[vector<16xi32>, vector<16xi32>], vector<16xf32>, vector<16xi1>
        tpu.vector_store_idx %arg6[%gather3A_226, %and3A_1], %gather3A_225 masked %ge3A_7 {add = true} : memref<10000x8xf32, #tpu.memory_space<vmem>>[vector<16xi32>, vector<16xi32>], vector<16xf32>, vector<16xi1>
        %add3A_227 = arith.constant 8 : i32
        %add3A_228 = arith.addi %mul3A_203, %add3A_227 : i32
        %add3A_229 = vector.broadcast %add3A_228 : i32 to vector<16xi32>
        %add3A_230 = arith.addi %add3A_229, %shift_right_arithmetic3A_3 : vector<16xi32>
        %gather3A_231 = tpu.vector_load_idx %arg10[%add3A_230, %and3A_1] : memref<1280x8xf32, #tpu.memory_space<vmem>>[vector<16xi32>, vector<16xi32>], vector<16xf32>,
        %gather3A_232 = tpu.vector_load_idx %arg8[%add3A_230] : memref<1280xi32, #tpu.memory_space<vmem>>[vector<16xi32>], vector<16xi32>,
        tpu.vector_store_idx %arg6[%gather3A_232, %and3A_1], %gather3A_231 masked %lt3A_5 {add = true} : memref<10000x8xf32, #tpu.memory_space<vmem>>[vector<16xi32>, vector<16xi32>], vector<16xf32>, vector<16xi1>
        tpu.vector_store_idx %arg6[%gather3A_232, %and3A_1], %gather3A_231 masked %ge3A_7 {add = true} : memref<10000x8xf32, #tpu.memory_space<vmem>>[vector<16xi32>, vector<16xi32>], vector<16xf32>, vector<16xi1>
        %add3A_233 = arith.constant 10 : i32
        %add3A_234 = arith.addi %mul3A_203, %add3A_233 : i32
        %add3A_235 = vector.broadcast %add3A_234 : i32 to vector<16xi32>
        %add3A_236 = arith.addi %add3A_235, %shift_right_arithmetic3A_3 : vector<16xi32>
        %gather3A_237 = tpu.vector_load_idx %arg10[%add3A_236, %and3A_1] : memref<1280x8xf32, #tpu.memory_space<vmem>>[vector<16xi32>, vector<16xi32>], vector<16xf32>,
        %gather3A_238 = tpu.vector_load_idx %arg8[%add3A_236] : memref<1280xi32, #tpu.memory_space<vmem>>[vector<16xi32>], vector<16xi32>,
        tpu.vector_store_idx %arg6[%gather3A_238, %and3A_1], %gather3A_237 masked %lt3A_5 {add = true} : memref<10000x8xf32, #tpu.memory_space<vmem>>[vector<16xi32>, vector<16xi32>], vector<16xf32>, vector<16xi1>
        tpu.vector_store_idx %arg6[%gather3A_238, %and3A_1], %gather3A_237 masked %ge3A_7 {add = true} : memref<10000x8xf32, #tpu.memory_space<vmem>>[vector<16xi32>, vector<16xi32>], vector<16xf32>, vector<16xi1>
        %add3A_239 = arith.constant 12 : i32
        %add3A_240 = arith.addi %mul3A_203, %add3A_239 : i32
        %add3A_241 = vector.broadcast %add3A_240 : i32 to vector<16xi32>
        %add3A_242 = arith.addi %add3A_241, %shift_right_arithmetic3A_3 : vector<16xi32>
        %gather3A_243 = tpu.vector_load_idx %arg10[%add3A_242, %and3A_1] : memref<1280x8xf32, #tpu.memory_space<vmem>>[vector<16xi32>, vector<16xi32>], vector<16xf32>,
        %gather3A_244 = tpu.vector_load_idx %arg8[%add3A_242] : memref<1280xi32, #tpu.memory_space<vmem>>[vector<16xi32>], vector<16xi32>,
        tpu.vector_store_idx %arg6[%gather3A_244, %and3A_1], %gather3A_243 masked %lt3A_5 {add = true} : memref<10000x8xf32, #tpu.memory_space<vmem>>[vector<16xi32>, vector<16xi32>], vector<16xf32>, vector<16xi1>
        tpu.vector_store_idx %arg6[%gather3A_244, %and3A_1], %gather3A_243 masked %ge3A_7 {add = true} : memref<10000x8xf32, #tpu.memory_space<vmem>>[vector<16xi32>, vector<16xi32>], vector<16xf32>, vector<16xi1>
        %add3A_245 = arith.constant 14 : i32
        %add3A_246 = arith.addi %mul3A_203, %add3A_245 : i32
        %add3A_247 = vector.broadcast %add3A_246 : i32 to vector<16xi32>
        %add3A_248 = arith.addi %add3A_247, %shift_right_arithmetic3A_3 : vector<16xi32>
        %gather3A_249 = tpu.vector_load_idx %arg10[%add3A_248, %and3A_1] : memref<1280x8xf32, #tpu.memory_space<vmem>>[vector<16xi32>, vector<16xi32>], vector<16xf32>,
        %gather3A_250 = tpu.vector_load_idx %arg8[%add3A_248] : memref<1280xi32, #tpu.memory_space<vmem>>[vector<16xi32>], vector<16xi32>,
        tpu.vector_store_idx %arg6[%gather3A_250, %and3A_1], %gather3A_249 masked %lt3A_5 {add = true} : memref<10000x8xf32, #tpu.memory_space<vmem>>[vector<16xi32>, vector<16xi32>], vector<16xf32>, vector<16xi1>
        tpu.vector_store_idx %arg6[%gather3A_250, %and3A_1], %gather3A_249 masked %ge3A_7 {add = true} : memref<10000x8xf32, #tpu.memory_space<vmem>>[vector<16xi32>, vector<16xi32>], vector<16xf32>, vector<16xi1>
        %scan3A_251 = arith.constant 0 : i32
        scf.yield %scan3A_251 : i32
      }
      %scan3A_198 = arith.constant 80 : i32
      %scan3A_199 = arith.constant 0 : i32
      scf.yield %scan3A_199 : i32
    }
    %scan3A_22 = arith.constant 125 : i32
    "tpu.region"() ({
      %run_scoped3A = tpu.sem_alloc : memref<!tpu.dma_semaphore, #tpu.memory_space<semaphore_mem>>
      %dma_start3A = arith.constant 0 : i32
      %dma_start3A_23 = arith.constant 0 : i32
      %dma_start3A_24 = tpu.memref_slice %arg5[%arg0, %dma_start3A, %arg1, %dma_start3A_23] : memref<2x10000x16x8xf32, #tpu.memory_space<hbm>> -> memref<1x10000x1x8xf32, #tpu.memory_space<hbm>>
      %dma_start3A_25 = tpu.memref_squeeze %dma_start3A_24 : memref<1x10000x1x8xf32, #tpu.memory_space<hbm>> -> memref<10000x8xf32, #tpu.memory_space<hbm>>
      %dma_start3A_26 = arith.constant 0 : i32
      %dma_start3A_27 = arith.constant 0 : i32
      %dma_start3A_28 = tpu.memref_slice %arg5[%arg0, %dma_start3A_26, %arg1, %dma_start3A_27] : memref<2x10000x16x8xf32, #tpu.memory_space<hbm>> -> memref<1x10000x1x8xf32, #tpu.memory_space<hbm>>
      %dma_start3A_29 = tpu.memref_squeeze %dma_start3A_28 : memref<1x10000x1x8xf32, #tpu.memory_space<hbm>> -> memref<10000x8xf32, #tpu.memory_space<hbm>>
      tpu.enqueue_dma source(%arg6 : memref<10000x8xf32, #tpu.memory_space<vmem>>) target(%dma_start3A_29 : memref<10000x8xf32, #tpu.memory_space<hbm>>) target_semaphore(%run_scoped3A : memref<!tpu.dma_semaphore, #tpu.memory_space<semaphore_mem>>)
      %dma_wait3A = arith.constant 0 : i32
      %dma_wait3A_30 = arith.constant 0 : i32
      %dma_wait3A_31 = tpu.memref_slice %arg5[%arg0, %dma_wait3A, %arg1, %dma_wait3A_30] : memref<2x10000x16x8xf32, #tpu.memory_space<hbm>> -> memref<1x10000x1x8xf32, #tpu.memory_space<hbm>>
      %dma_wait3A_32 = tpu.memref_squeeze %dma_wait3A_31 : memref<1x10000x1x8xf32, #tpu.memory_space<hbm>> -> memref<10000x8xf32, #tpu.memory_space<hbm>>
      %dma_wait3A_33 = arith.constant 0 : i32
      %dma_wait3A_34 = arith.constant 0 : i32
      %dma_wait3A_35 = tpu.memref_slice %arg5[%arg0, %dma_wait3A_33, %arg1, %dma_wait3A_34] : memref<2x10000x16x8xf32, #tpu.memory_space<hbm>> -> memref<1x10000x1x8xf32, #tpu.memory_space<hbm>>
      %dma_wait3A_36 = tpu.memref_squeeze %dma_wait3A_35 : memref<1x10000x1x8xf32, #tpu.memory_space<hbm>> -> memref<10000x8xf32, #tpu.memory_space<hbm>>
      tpu.wait_dma2 semaphore(%run_scoped3A : memref<!tpu.dma_semaphore, #tpu.memory_space<semaphore_mem>>) src(%arg6 : memref<10000x8xf32, #tpu.memory_space<vmem>>) dst(%dma_wait3A_36 : memref<10000x8xf32, #tpu.memory_space<hbm>>)
      tpu.yield
    }) : () -> ()
    return
  }
}

module attributes {stable_mosaic.version = 14 : i64} {
  func.func @_tc_dis_body(%arg0: memref<32x10000xf32, #tpu.memory_space<vmem>>, %arg1: memref<10000x1xf32, #tpu.memory_space<vmem>>) attributes {dimension_semantics = [], scalar_prefetch = 0 : i64, scratch_operands = 0 : i64, tpu.core_type = #tpu.core_type<tc>} {
    %broadcast_in_dim3A = arith.constant 1.000000e+00 : f32
    %broadcast_in_dim3A_0 = vector.broadcast %broadcast_in_dim3A : f32 to vector<32x1xf32>
    %get3A = arith.constant 0 : index
    %get3A_1 = arith.constant 0 : index
    %get3A_2 = vector.load %arg0[%get3A, %get3A_1] : memref<32x10000xf32, #tpu.memory_space<vmem>>, vector<32x10000xf32>
    %dot_general3A = arith.constant dense<0.000000e+00> : vector<10000x1xf32>
    %dot_general3A_3 = tpu.matmul %get3A_2, %broadcast_in_dim3A_0, %dot_general3A {dimension_numbers = #tpu.dot_dimension_numbers<[0], [0], [1], [1], [0, 1, 1, 1], [], []>, transpose_lhs_hint = false} : vector<32x10000xf32>, vector<32x1xf32>, vector<10000x1xf32> -> vector<10000x1xf32>
    %add3A = arith.constant 1.000000e+00 : f32
    %add3A_4 = vector.broadcast %add3A : f32 to vector<10000x1xf32>
    %add3A_5 = arith.addf %dot_general3A_3, %add3A_4 : vector<10000x1xf32>
    %rsqrt3A = math.rsqrt %add3A_5 : vector<10000x1xf32>
    %swap3A = arith.constant 0 : index
    %swap3A_6 = arith.constant 0 : index
    %swap3A_7 = vector.load %arg1[%swap3A, %swap3A_6] : memref<10000x1xf32, #tpu.memory_space<vmem>>, vector<10000x1xf32>
    tpu.vector_store %arg1[%swap3A, %swap3A_6], %rsqrt3A {strides = array<i32>} : memref<10000x1xf32, #tpu.memory_space<vmem>>, vector<10000x1xf32>,
    return
  }
}

module attributes {stable_mosaic.version = 14 : i64} {
  func.func @_tc_first_body(%arg0: i32, %arg1: memref<2000x1xf32, #tpu.memory_space<vmem>>, %arg2: memref<2000x128xf32, #tpu.memory_space<vmem>>, %arg3: memref<128x128xf32, #tpu.memory_space<vmem>>, %arg4: memref<2000x128xf32, #tpu.memory_space<vmem>>) attributes {dimension_semantics = [#tpu.dimension_semantics<arbitrary>], iteration_bounds = array<i64: 5>, scalar_prefetch = 0 : i64, scratch_operands = 0 : i64, tpu.core_type = #tpu.core_type<tc>, window_params = [{transform_indices = @transform_0, window_bounds = array<i64: 2000, 1>}, {transform_indices = @transform_1, window_bounds = array<i64: 2000, 128>}, {pipeline_mode = #tpu.pipeline_mode<synchronous>, transform_indices = @transform_2, window_bounds = array<i64: 128, 128>}, {transform_indices = @transform_3, window_bounds = array<i64: 2000, 128>}]} {
    %get3A = arith.constant 0 : index
    %get3A_0 = arith.constant 0 : index
    %get3A_1 = vector.load %arg2[%get3A, %get3A_0] : memref<2000x128xf32, #tpu.memory_space<vmem>>, vector<2000x128xf32>
    %get3A_2 = arith.constant 0 : index
    %get3A_3 = arith.constant 0 : index
    %get3A_4 = vector.load %arg3[%get3A_2, %get3A_3] : memref<128x128xf32, #tpu.memory_space<vmem>>, vector<128x128xf32>
    %dot_general3A = arith.constant dense<0.000000e+00> : vector<2000x128xf32>
    %dot_general3A_5 = tpu.matmul %get3A_1, %get3A_4, %dot_general3A {dimension_numbers = #tpu.dot_dimension_numbers<[1], [0], [0], [1], [0, 0, 1, 1], [], []>, transpose_lhs_hint = false} : vector<2000x128xf32>, vector<128x128xf32>, vector<2000x128xf32> -> vector<2000x128xf32>
    %get3A_6 = arith.constant 0 : index
    %get3A_7 = arith.constant 0 : index
    %get3A_8 = vector.load %arg1[%get3A_6, %get3A_7] : memref<2000x1xf32, #tpu.memory_space<vmem>>, vector<2000x1xf32>
    %mul3A = vector.broadcast %get3A_8 : vector<2000x1xf32> to vector<2000x128xf32>
    %mul3A_9 = arith.mulf %dot_general3A_5, %mul3A : vector<2000x128xf32>
    %swap3A = arith.constant 0 : index
    %swap3A_10 = arith.constant 0 : index
    %swap3A_11 = vector.load %arg4[%swap3A, %swap3A_10] : memref<2000x128xf32, #tpu.memory_space<vmem>>, vector<2000x128xf32>
    tpu.vector_store %arg4[%swap3A, %swap3A_10], %mul3A_9 {strides = array<i32>} : memref<2000x128xf32, #tpu.memory_space<vmem>>, vector<2000x128xf32>,
    return
  }
  func.func @transform_0(%arg0: i32) -> (i32, i32) {
    %c0_i32 = arith.constant 0 : i32
    %c0_i32_0 = arith.constant 0 : i32
    return %arg0, %c0_i32 : i32, i32
  }
  func.func @transform_1(%arg0: i32) -> (i32, i32) {
    %c0_i32 = arith.constant 0 : i32
    %c0_i32_0 = arith.constant 0 : i32
    return %arg0, %c0_i32 : i32, i32
  }
  func.func @transform_2(%arg0: i32) -> (i32, i32) {
    %c0_i32 = arith.constant 0 : i32
    %c0_i32_0 = arith.constant 0 : i32
    %c0_i32_1 = arith.constant 0 : i32
    return %c0_i32, %c0_i32_0 : i32, i32
  }
  func.func @transform_3(%arg0: i32) -> (i32, i32) {
    %c0_i32 = arith.constant 0 : i32
    %c0_i32_0 = arith.constant 0 : i32
    return %arg0, %c0_i32 : i32, i32
  }
}

module attributes {stable_mosaic.version = 14 : i64} {
  func.func @_tc_mid_body(%arg0: i32, %arg1: memref<2x2000x128xf32, #tpu.memory_space<vmem>>, %arg2: memref<2000x128xf32, #tpu.memory_space<vmem>>, %arg3: memref<2000x1xf32, #tpu.memory_space<vmem>>, %arg4: memref<1x128xf32, #tpu.memory_space<vmem>>, %arg5: memref<128x128xf32, #tpu.memory_space<vmem>>, %arg6: memref<2000x128xf32, #tpu.memory_space<vmem>>) attributes {dimension_semantics = [#tpu.dimension_semantics<arbitrary>], iteration_bounds = array<i64: 5>, scalar_prefetch = 0 : i64, scratch_operands = 0 : i64, tpu.core_type = #tpu.core_type<tc>, window_params = [{transform_indices = @transform_0, window_bounds = array<i64: 2, 2000, 128>}, {transform_indices = @transform_1, window_bounds = array<i64: 2000, 128>}, {transform_indices = @transform_2, window_bounds = array<i64: 2000, 1>}, {pipeline_mode = #tpu.pipeline_mode<synchronous>, transform_indices = @transform_3, window_bounds = array<i64: 1, 128>}, {pipeline_mode = #tpu.pipeline_mode<synchronous>, transform_indices = @transform_4, window_bounds = array<i64: 128, 128>}, {transform_indices = @transform_5, window_bounds = array<i64: 2000, 128>}]} {
    %get3A = arith.constant 0 : index
    %get3A_0 = arith.constant 0 : index
    %get3A_1 = arith.constant 0 : index
    %get3A_2 = vector.load %arg1[%get3A, %get3A_0, %get3A_1] : memref<2x2000x128xf32, #tpu.memory_space<vmem>>, vector<2x2000x128xf32>
    %get3A_3 = arith.constant 0 : index
    %get3A_4 = arith.constant 0 : index
    %get3A_5 = vector.load %arg3[%get3A_3, %get3A_4] : memref<2000x1xf32, #tpu.memory_space<vmem>>, vector<2000x1xf32>
    %slice3A = vector.extract_strided_slice %get3A_2 {offsets = [0, 0, 0], sizes = [1, 2000, 128], strides = [1, 1, 1]} : vector<2x2000x128xf32> to vector<1x2000x128xf32>
    %squeeze3A = vector.shape_cast %slice3A : vector<1x2000x128xf32> to vector<2000x128xf32>
    %slice3A_6 = vector.extract_strided_slice %get3A_2 {offsets = [1, 0, 0], sizes = [1, 2000, 128], strides = [1, 1, 1]} : vector<2x2000x128xf32> to vector<1x2000x128xf32>
    %squeeze3A_7 = vector.shape_cast %slice3A_6 : vector<1x2000x128xf32> to vector<2000x128xf32>
    %add3A = arith.addf %squeeze3A, %squeeze3A_7 : vector<2000x128xf32>
    %get3A_8 = arith.constant 0 : index
    %get3A_9 = arith.constant 0 : index
    %get3A_10 = vector.load %arg2[%get3A_8, %get3A_9] : memref<2000x128xf32, #tpu.memory_space<vmem>>, vector<2000x128xf32>
    %add3A_11 = arith.addf %add3A, %get3A_10 : vector<2000x128xf32>
    %mul3A = vector.broadcast %get3A_5 : vector<2000x1xf32> to vector<2000x128xf32>
    %mul3A_12 = arith.mulf %add3A_11, %mul3A : vector<2000x128xf32>
    %get3A_13 = arith.constant 0 : index
    %get3A_14 = arith.constant 0 : index
    %get3A_15 = vector.load %arg4[%get3A_13, %get3A_14] : memref<1x128xf32, #tpu.memory_space<vmem>>, vector<1x128xf32>
    %add3A_16 = vector.broadcast %get3A_15 : vector<1x128xf32> to vector<2000x128xf32>
    %add3A_17 = arith.addf %mul3A_12, %add3A_16 : vector<2000x128xf32>
    %max3A = arith.constant 0.000000e+00 : f32
    %max3A_18 = vector.broadcast %max3A : f32 to vector<2000x128xf32>
    %max3A_19 = arith.maximumf %add3A_17, %max3A_18 : vector<2000x128xf32>
    %get3A_20 = arith.constant 0 : index
    %get3A_21 = arith.constant 0 : index
    %get3A_22 = vector.load %arg5[%get3A_20, %get3A_21] : memref<128x128xf32, #tpu.memory_space<vmem>>, vector<128x128xf32>
    %dot_general3A = arith.constant dense<0.000000e+00> : vector<2000x128xf32>
    %dot_general3A_23 = tpu.matmul %max3A_19, %get3A_22, %dot_general3A {dimension_numbers = #tpu.dot_dimension_numbers<[1], [0], [0], [1], [0, 0, 1, 1], [], []>, transpose_lhs_hint = false} : vector<2000x128xf32>, vector<128x128xf32>, vector<2000x128xf32> -> vector<2000x128xf32>
    %mul3A_24 = vector.broadcast %get3A_5 : vector<2000x1xf32> to vector<2000x128xf32>
    %mul3A_25 = arith.mulf %dot_general3A_23, %mul3A_24 : vector<2000x128xf32>
    %swap3A = arith.constant 0 : index
    %swap3A_26 = arith.constant 0 : index
    %swap3A_27 = vector.load %arg6[%swap3A, %swap3A_26] : memref<2000x128xf32, #tpu.memory_space<vmem>>, vector<2000x128xf32>
    tpu.vector_store %arg6[%swap3A, %swap3A_26], %mul3A_25 {strides = array<i32>} : memref<2000x128xf32, #tpu.memory_space<vmem>>, vector<2000x128xf32>,
    return
  }
  func.func @transform_0(%arg0: i32) -> (i32, i32, i32) {
    %c0_i32 = arith.constant 0 : i32
    %c0_i32_0 = arith.constant 0 : i32
    %c0_i32_1 = arith.constant 0 : i32
    return %c0_i32, %arg0, %c0_i32_0 : i32, i32, i32
  }
  func.func @transform_1(%arg0: i32) -> (i32, i32) {
    %c0_i32 = arith.constant 0 : i32
    %c0_i32_0 = arith.constant 0 : i32
    return %arg0, %c0_i32 : i32, i32
  }
  func.func @transform_2(%arg0: i32) -> (i32, i32) {
    %c0_i32 = arith.constant 0 : i32
    %c0_i32_0 = arith.constant 0 : i32
    return %arg0, %c0_i32 : i32, i32
  }
  func.func @transform_3(%arg0: i32) -> (i32, i32) {
    %c0_i32 = arith.constant 0 : i32
    %c0_i32_0 = arith.constant 0 : i32
    %c0_i32_1 = arith.constant 0 : i32
    return %c0_i32, %c0_i32_0 : i32, i32
  }
  func.func @transform_4(%arg0: i32) -> (i32, i32) {
    %c0_i32 = arith.constant 0 : i32
    %c0_i32_0 = arith.constant 0 : i32
    %c0_i32_1 = arith.constant 0 : i32
    return %c0_i32, %c0_i32_0 : i32, i32
  }
  func.func @transform_5(%arg0: i32) -> (i32, i32) {
    %c0_i32 = arith.constant 0 : i32
    %c0_i32_0 = arith.constant 0 : i32
    return %arg0, %c0_i32 : i32, i32
  }
}

module attributes {stable_mosaic.version = 14 : i64} {
  func.func @_tc_enc_body(%arg0: i32, %arg1: memref<2x2000x128xf32, #tpu.memory_space<vmem>>, %arg2: memref<2000x128xf32, #tpu.memory_space<vmem>>, %arg3: memref<2000x1xf32, #tpu.memory_space<vmem>>, %arg4: memref<1x128xf32, #tpu.memory_space<vmem>>, %arg5: memref<2000x1xf32, #tpu.memory_space<vmem>>, %arg6: memref<128x64xf32, #tpu.memory_space<vmem>>, %arg7: memref<1x64xf32, #tpu.memory_space<vmem>>, %arg8: memref<128x64xf32, #tpu.memory_space<vmem>>, %arg9: memref<1x64xf32, #tpu.memory_space<vmem>>, %arg10: memref<64x256xf32, #tpu.memory_space<vmem>>, %arg11: memref<1x256xf32, #tpu.memory_space<vmem>>, %arg12: memref<64x64xf32, #tpu.memory_space<vmem>>, %arg13: memref<64x64xf32, #tpu.memory_space<vmem>>, %arg14: memref<64x64xf32, #tpu.memory_space<vmem>>, %arg15: memref<64x256xf32, #tpu.memory_space<vmem>>, %arg16: memref<64x128xf32, #tpu.memory_space<vmem>>) attributes {dimension_semantics = [#tpu.dimension_semantics<arbitrary>], iteration_bounds = array<i64: 5>, scalar_prefetch = 0 : i64, scratch_operands = 1 : i64, tpu.core_type = #tpu.core_type<tc>, window_params = [{transform_indices = @transform_0, window_bounds = array<i64: 2, 2000, 128>}, {transform_indices = @transform_1, window_bounds = array<i64: 2000, 128>}, {transform_indices = @transform_2, window_bounds = array<i64: 2000, 1>}, {pipeline_mode = #tpu.pipeline_mode<synchronous>, transform_indices = @transform_3, window_bounds = array<i64: 1, 128>}, {transform_indices = @transform_4, window_bounds = array<i64: 2000, 1>}, {pipeline_mode = #tpu.pipeline_mode<synchronous>, transform_indices = @transform_5, window_bounds = array<i64: 128, 64>}, {pipeline_mode = #tpu.pipeline_mode<synchronous>, transform_indices = @transform_6, window_bounds = array<i64: 1, 64>}, {pipeline_mode = #tpu.pipeline_mode<synchronous>, transform_indices = @transform_7, window_bounds = array<i64: 128, 64>}, {pipeline_mode = #tpu.pipeline_mode<synchronous>, transform_indices = @transform_8, window_bounds = array<i64: 1, 64>}, {pipeline_mode = #tpu.pipeline_mode<synchronous>, transform_indices = @transform_9, window_bounds = array<i64: 64, 256>}, {pipeline_mode = #tpu.pipeline_mode<synchronous>, transform_indices = @transform_10, window_bounds = array<i64: 1, 256>}, {pipeline_mode = #tpu.pipeline_mode<synchronous>, transform_indices = @transform_11, window_bounds = array<i64: 64, 64>}, {pipeline_mode = #tpu.pipeline_mode<synchronous>, transform_indices = @transform_12, window_bounds = array<i64: 64, 64>}, {pipeline_mode = #tpu.pipeline_mode<synchronous>, transform_indices = @transform_13, window_bounds = array<i64: 64, 64>}, {pipeline_mode = #tpu.pipeline_mode<synchronous>, transform_indices = @transform_14, window_bounds = array<i64: 64, 256>}]} {
    %get3A = arith.constant 0 : index
    %get3A_0 = arith.constant 0 : index
    %get3A_1 = arith.constant 0 : index
    %get3A_2 = vector.load %arg1[%get3A, %get3A_0, %get3A_1] : memref<2x2000x128xf32, #tpu.memory_space<vmem>>, vector<2x2000x128xf32>
    %get3A_3 = arith.constant 0 : index
    %get3A_4 = arith.constant 0 : index
    %get3A_5 = vector.load %arg3[%get3A_3, %get3A_4] : memref<2000x1xf32, #tpu.memory_space<vmem>>, vector<2000x1xf32>
    %slice3A = vector.extract_strided_slice %get3A_2 {offsets = [0, 0, 0], sizes = [1, 2000, 128], strides = [1, 1, 1]} : vector<2x2000x128xf32> to vector<1x2000x128xf32>
    %squeeze3A = vector.shape_cast %slice3A : vector<1x2000x128xf32> to vector<2000x128xf32>
    %slice3A_6 = vector.extract_strided_slice %get3A_2 {offsets = [1, 0, 0], sizes = [1, 2000, 128], strides = [1, 1, 1]} : vector<2x2000x128xf32> to vector<1x2000x128xf32>
    %squeeze3A_7 = vector.shape_cast %slice3A_6 : vector<1x2000x128xf32> to vector<2000x128xf32>
    %add3A = arith.addf %squeeze3A, %squeeze3A_7 : vector<2000x128xf32>
    %get3A_8 = arith.constant 0 : index
    %get3A_9 = arith.constant 0 : index
    %get3A_10 = vector.load %arg2[%get3A_8, %get3A_9] : memref<2000x128xf32, #tpu.memory_space<vmem>>, vector<2000x128xf32>
    %add3A_11 = arith.addf %add3A, %get3A_10 : vector<2000x128xf32>
    %mul3A = vector.broadcast %get3A_5 : vector<2000x1xf32> to vector<2000x128xf32>
    %mul3A_12 = arith.mulf %add3A_11, %mul3A : vector<2000x128xf32>
    %get3A_13 = arith.constant 0 : index
    %get3A_14 = arith.constant 0 : index
    %get3A_15 = vector.load %arg4[%get3A_13, %get3A_14] : memref<1x128xf32, #tpu.memory_space<vmem>>, vector<1x128xf32>
    %add3A_16 = vector.broadcast %get3A_15 : vector<1x128xf32> to vector<2000x128xf32>
    %add3A_17 = arith.addf %mul3A_12, %add3A_16 : vector<2000x128xf32>
    %max3A = arith.constant 0.000000e+00 : f32
    %max3A_18 = vector.broadcast %max3A : f32 to vector<2000x128xf32>
    %max3A_19 = arith.maximumf %add3A_17, %max3A_18 : vector<2000x128xf32>
    %iota3A = tpu.iota {dimensions = array<i32: 1>} : vector<2000x64xi32>
    %convert_element_type3A = arith.sitofp %iota3A : vector<2000x64xi32> to vector<2000x64xf32>
    %get3A_20 = arith.constant 0 : index
    %get3A_21 = arith.constant 0 : index
    %get3A_22 = vector.load %arg5[%get3A_20, %get3A_21] : memref<2000x1xf32, #tpu.memory_space<vmem>>, vector<2000x1xf32>
    %eq3A = vector.broadcast %get3A_22 : vector<2000x1xf32> to vector<2000x64xf32>
    %eq3A_23 = arith.cmpf oeq, %convert_element_type3A, %eq3A : vector<2000x64xf32>
    %convert_element_type3A_24 = arith.extui %eq3A_23 : vector<2000x64xi1> to vector<2000x64xi32>
    %convert_element_type3A_25 = arith.sitofp %convert_element_type3A_24 : vector<2000x64xi32> to vector<2000x64xf32>
    %dot_general3A = arith.constant dense<0.000000e+00> : vector<64x128xf32>
    %dot_general3A_26 = tpu.matmul %convert_element_type3A_25, %max3A_19, %dot_general3A {dimension_numbers = #tpu.dot_dimension_numbers<[0], [0], [1], [1], [0, 1, 1, 1], [], []>, transpose_lhs_hint = false} : vector<2000x64xf32>, vector<2000x128xf32>, vector<64x128xf32> -> vector<64x128xf32>
    %eq3A_27 = arith.constant 0 : i32
    %eq3A_28 = arith.cmpi eq, %arg0, %eq3A_27 : i32
    %convert_element_type3A_29 = arith.extui %eq3A_28 : i1 to i32
    %cond3A = arith.constant 0 : i32
    %cond3A_30 = arith.cmpi ne, %convert_element_type3A_29, %cond3A : i32
    scf.if %cond3A_30 {
      %swap3A = arith.constant 0 : index
      %swap3A_40 = arith.constant 0 : index
      %swap3A_41 = vector.load %arg16[%swap3A, %swap3A_40] : memref<64x128xf32, #tpu.memory_space<vmem>>, vector<64x128xf32>
      tpu.vector_store %arg16[%swap3A, %swap3A_40], %dot_general3A_26 {strides = array<i32>} : memref<64x128xf32, #tpu.memory_space<vmem>>, vector<64x128xf32>,
    } else {
    }
    %gt3A = arith.constant 0 : i32
    %gt3A_31 = arith.cmpi sgt, %arg0, %gt3A : i32
    %convert_element_type3A_32 = arith.extui %gt3A_31 : i1 to i32
    %cond3A_33 = arith.constant 0 : i32
    %cond3A_34 = arith.cmpi ne, %convert_element_type3A_32, %cond3A_33 : i32
    scf.if %cond3A_34 {
      %get3A_40 = arith.constant 0 : index
      %get3A_41 = arith.constant 0 : index
      %get3A_42 = vector.load %arg16[%get3A_40, %get3A_41] : memref<64x128xf32, #tpu.memory_space<vmem>>, vector<64x128xf32>
      %add3A_43 = arith.addf %get3A_42, %dot_general3A_26 : vector<64x128xf32>
      %swap3A = arith.constant 0 : index
      %swap3A_44 = arith.constant 0 : index
      %swap3A_45 = vector.load %arg16[%swap3A, %swap3A_44] : memref<64x128xf32, #tpu.memory_space<vmem>>, vector<64x128xf32>
      tpu.vector_store %arg16[%swap3A, %swap3A_44], %add3A_43 {strides = array<i32>} : memref<64x128xf32, #tpu.memory_space<vmem>>, vector<64x128xf32>,
    } else {
    }
    %eq3A_35 = arith.constant 4 : i32
    %eq3A_36 = arith.cmpi eq, %arg0, %eq3A_35 : i32
    %convert_element_type3A_37 = arith.extui %eq3A_36 : i1 to i32
    %cond3A_38 = arith.constant 0 : i32
    %cond3A_39 = arith.cmpi ne, %convert_element_type3A_37, %cond3A_38 : i32
    scf.if %cond3A_39 {
      %get3A_40 = arith.constant 0 : index
      %get3A_41 = arith.constant 0 : index
      %get3A_42 = vector.load %arg16[%get3A_40, %get3A_41] : memref<64x128xf32, #tpu.memory_space<vmem>>, vector<64x128xf32>
      %get3A_43 = arith.constant 0 : index
      %get3A_44 = arith.constant 0 : index
      %get3A_45 = vector.load %arg6[%get3A_43, %get3A_44] : memref<128x64xf32, #tpu.memory_space<vmem>>, vector<128x64xf32>
      %dot_general3A_46 = arith.constant dense<0.000000e+00> : vector<64x64xf32>
      %dot_general3A_47 = tpu.matmul %get3A_42, %get3A_45, %dot_general3A_46 {dimension_numbers = #tpu.dot_dimension_numbers<[1], [0], [0], [1], [0, 0, 1, 1], [], []>, transpose_lhs_hint = false} : vector<64x128xf32>, vector<128x64xf32>, vector<64x64xf32> -> vector<64x64xf32>
      %get3A_48 = arith.constant 0 : index
      %get3A_49 = arith.constant 0 : index
      %get3A_50 = vector.load %arg7[%get3A_48, %get3A_49] : memref<1x64xf32, #tpu.memory_space<vmem>>, vector<1x64xf32>
      %add3A_51 = vector.broadcast %get3A_50 : vector<1x64xf32> to vector<64x64xf32>
      %add3A_52 = arith.addf %dot_general3A_47, %add3A_51 : vector<64x64xf32>
      %get3A_53 = arith.constant 0 : index
      %get3A_54 = arith.constant 0 : index
      %get3A_55 = vector.load %arg8[%get3A_53, %get3A_54] : memref<128x64xf32, #tpu.memory_space<vmem>>, vector<128x64xf32>
      %dot_general3A_56 = arith.constant dense<0.000000e+00> : vector<64x64xf32>
      %dot_general3A_57 = tpu.matmul %get3A_42, %get3A_55, %dot_general3A_56 {dimension_numbers = #tpu.dot_dimension_numbers<[1], [0], [0], [1], [0, 0, 1, 1], [], []>, transpose_lhs_hint = false} : vector<64x128xf32>, vector<128x64xf32>, vector<64x64xf32> -> vector<64x64xf32>
      %get3A_58 = arith.constant 0 : index
      %get3A_59 = arith.constant 0 : index
      %get3A_60 = vector.load %arg9[%get3A_58, %get3A_59] : memref<1x64xf32, #tpu.memory_space<vmem>>, vector<1x64xf32>
      %add3A_61 = vector.broadcast %get3A_60 : vector<1x64xf32> to vector<64x64xf32>
      %add3A_62 = arith.addf %dot_general3A_57, %add3A_61 : vector<64x64xf32>
      %mul3A_63 = arith.constant 5.000000e-01 : f32
      %mul3A_64 = vector.broadcast %mul3A_63 : f32 to vector<64x64xf32>
      %mul3A_65 = arith.mulf %mul3A_64, %add3A_62 : vector<64x64xf32>
      %exp3A = math.exp %mul3A_65 : vector<64x64xf32>
      %get3A_66 = arith.constant 0 : index
      %get3A_67 = arith.constant 0 : index
      %get3A_68 = vector.load %arg12[%get3A_66, %get3A_67] : memref<64x64xf32, #tpu.memory_space<vmem>>, vector<64x64xf32>
      %mul3A_69 = arith.mulf %get3A_68, %exp3A : vector<64x64xf32>
      %add3A_70 = arith.addf %add3A_52, %mul3A_69 : vector<64x64xf32>
      %get3A_71 = arith.constant 0 : index
      %get3A_72 = arith.constant 0 : index
      %get3A_73 = vector.load %arg10[%get3A_71, %get3A_72] : memref<64x256xf32, #tpu.memory_space<vmem>>, vector<64x256xf32>
      %dot_general3A_74 = arith.constant dense<0.000000e+00> : vector<64x256xf32>
      %dot_general3A_75 = tpu.matmul %add3A_70, %get3A_73, %dot_general3A_74 {dimension_numbers = #tpu.dot_dimension_numbers<[1], [0], [0], [1], [0, 0, 1, 1], [], []>, transpose_lhs_hint = false} : vector<64x64xf32>, vector<64x256xf32>, vector<64x256xf32> -> vector<64x256xf32>
      %get3A_76 = arith.constant 0 : index
      %get3A_77 = arith.constant 0 : index
      %get3A_78 = vector.load %arg11[%get3A_76, %get3A_77] : memref<1x256xf32, #tpu.memory_space<vmem>>, vector<1x256xf32>
      %add3A_79 = vector.broadcast %get3A_78 : vector<1x256xf32> to vector<64x256xf32>
      %add3A_80 = arith.addf %dot_general3A_75, %add3A_79 : vector<64x256xf32>
      %max3A_81 = arith.constant 0.000000e+00 : f32
      %max3A_82 = vector.broadcast %max3A_81 : f32 to vector<64x256xf32>
      %max3A_83 = arith.maximumf %add3A_80, %max3A_82 : vector<64x256xf32>
      %swap3A = arith.constant 0 : index
      %swap3A_84 = arith.constant 0 : index
      %swap3A_85 = vector.load %arg13[%swap3A, %swap3A_84] : memref<64x64xf32, #tpu.memory_space<vmem>>, vector<64x64xf32>
      tpu.vector_store %arg13[%swap3A, %swap3A_84], %add3A_52 {strides = array<i32>} : memref<64x64xf32, #tpu.memory_space<vmem>>, vector<64x64xf32>,
      %swap3A_86 = arith.constant 0 : index
      %swap3A_87 = arith.constant 0 : index
      %swap3A_88 = vector.load %arg14[%swap3A_86, %swap3A_87] : memref<64x64xf32, #tpu.memory_space<vmem>>, vector<64x64xf32>
      tpu.vector_store %arg14[%swap3A_86, %swap3A_87], %add3A_62 {strides = array<i32>} : memref<64x64xf32, #tpu.memory_space<vmem>>, vector<64x64xf32>,
      %swap3A_89 = arith.constant 0 : index
      %swap3A_90 = arith.constant 0 : index
      %swap3A_91 = vector.load %arg15[%swap3A_89, %swap3A_90] : memref<64x256xf32, #tpu.memory_space<vmem>>, vector<64x256xf32>
      tpu.vector_store %arg15[%swap3A_89, %swap3A_90], %max3A_83 {strides = array<i32>} : memref<64x256xf32, #tpu.memory_space<vmem>>, vector<64x256xf32>,
    } else {
    }
    return
  }
  func.func @transform_0(%arg0: i32) -> (i32, i32, i32) {
    %c0_i32 = arith.constant 0 : i32
    %c0_i32_0 = arith.constant 0 : i32
    %c0_i32_1 = arith.constant 0 : i32
    return %c0_i32, %arg0, %c0_i32_0 : i32, i32, i32
  }
  func.func @transform_1(%arg0: i32) -> (i32, i32) {
    %c0_i32 = arith.constant 0 : i32
    %c0_i32_0 = arith.constant 0 : i32
    return %arg0, %c0_i32 : i32, i32
  }
  func.func @transform_2(%arg0: i32) -> (i32, i32) {
    %c0_i32 = arith.constant 0 : i32
    %c0_i32_0 = arith.constant 0 : i32
    return %arg0, %c0_i32 : i32, i32
  }
  func.func @transform_3(%arg0: i32) -> (i32, i32) {
    %c0_i32 = arith.constant 0 : i32
    %c0_i32_0 = arith.constant 0 : i32
    %c0_i32_1 = arith.constant 0 : i32
    return %c0_i32, %c0_i32_0 : i32, i32
  }
  func.func @transform_4(%arg0: i32) -> (i32, i32) {
    %c0_i32 = arith.constant 0 : i32
    %c0_i32_0 = arith.constant 0 : i32
    return %arg0, %c0_i32 : i32, i32
  }
  func.func @transform_5(%arg0: i32) -> (i32, i32) {
    %c0_i32 = arith.constant 0 : i32
    %c0_i32_0 = arith.constant 0 : i32
    %c0_i32_1 = arith.constant 0 : i32
    return %c0_i32, %c0_i32_0 : i32, i32
  }
  func.func @transform_6(%arg0: i32) -> (i32, i32) {
    %c0_i32 = arith.constant 0 : i32
    %c0_i32_0 = arith.constant 0 : i32
    %c0_i32_1 = arith.constant 0 : i32
    return %c0_i32, %c0_i32_0 : i32, i32
  }
  func.func @transform_7(%arg0: i32) -> (i32, i32) {
    %c0_i32 = arith.constant 0 : i32
    %c0_i32_0 = arith.constant 0 : i32
    %c0_i32_1 = arith.constant 0 : i32
    return %c0_i32, %c0_i32_0 : i32, i32
  }
  func.func @transform_8(%arg0: i32) -> (i32, i32) {
    %c0_i32 = arith.constant 0 : i32
    %c0_i32_0 = arith.constant 0 : i32
    %c0_i32_1 = arith.constant 0 : i32
    return %c0_i32, %c0_i32_0 : i32, i32
  }
  func.func @transform_9(%arg0: i32) -> (i32, i32) {
    %c0_i32 = arith.constant 0 : i32
    %c0_i32_0 = arith.constant 0 : i32
    %c0_i32_1 = arith.constant 0 : i32
    return %c0_i32, %c0_i32_0 : i32, i32
  }
  func.func @transform_10(%arg0: i32) -> (i32, i32) {
    %c0_i32 = arith.constant 0 : i32
    %c0_i32_0 = arith.constant 0 : i32
    %c0_i32_1 = arith.constant 0 : i32
    return %c0_i32, %c0_i32_0 : i32, i32
  }
  func.func @transform_11(%arg0: i32) -> (i32, i32) {
    %c0_i32 = arith.constant 0 : i32
    %c0_i32_0 = arith.constant 0 : i32
    %c0_i32_1 = arith.constant 0 : i32
    return %c0_i32, %c0_i32_0 : i32, i32
  }
  func.func @transform_12(%arg0: i32) -> (i32, i32) {
    %c0_i32 = arith.constant 0 : i32
    %c0_i32_0 = arith.constant 0 : i32
    %c0_i32_1 = arith.constant 0 : i32
    return %c0_i32, %c0_i32_0 : i32, i32
  }
  func.func @transform_13(%arg0: i32) -> (i32, i32) {
    %c0_i32 = arith.constant 0 : i32
    %c0_i32_0 = arith.constant 0 : i32
    %c0_i32_1 = arith.constant 0 : i32
    return %c0_i32, %c0_i32_0 : i32, i32
  }
  func.func @transform_14(%arg0: i32) -> (i32, i32) {
    %c0_i32 = arith.constant 0 : i32
    %c0_i32_0 = arith.constant 0 : i32
    %c0_i32_1 = arith.constant 0 : i32
    return %c0_i32, %c0_i32_0 : i32, i32
  }
}

module attributes {stable_mosaic.version = 14 : i64} {
  func.func @_tc_dec_body(%arg0: i32, %arg1: memref<64x256xf32, #tpu.memory_space<vmem>>, %arg2: memref<256x3200xf32, #tpu.memory_space<vmem>>, %arg3: memref<1x3200xf32, #tpu.memory_space<vmem>>, %arg4: memref<256x2560xf32, #tpu.memory_space<vmem>>, %arg5: memref<1x2560xf32, #tpu.memory_space<vmem>>, %arg6: memref<64x3200xf32, #tpu.memory_space<vmem>>, %arg7: memref<64x2560xf32, #tpu.memory_space<vmem>>) attributes {dimension_semantics = [#tpu.dimension_semantics<arbitrary>], iteration_bounds = array<i64: 8>, scalar_prefetch = 0 : i64, scratch_operands = 0 : i64, tpu.core_type = #tpu.core_type<tc>, window_params = [{pipeline_mode = #tpu.pipeline_mode<synchronous>, transform_indices = @transform_0, window_bounds = array<i64: 64, 256>}, {transform_indices = @transform_1, window_bounds = array<i64: 256, 3200>}, {transform_indices = @transform_2, window_bounds = array<i64: 1, 3200>}, {transform_indices = @transform_3, window_bounds = array<i64: 256, 2560>}, {transform_indices = @transform_4, window_bounds = array<i64: 1, 2560>}, {transform_indices = @transform_5, window_bounds = array<i64: 64, 3200>}, {transform_indices = @transform_6, window_bounds = array<i64: 64, 2560>}]} {
    %get3A = arith.constant 0 : index
    %get3A_0 = arith.constant 0 : index
    %get3A_1 = vector.load %arg1[%get3A, %get3A_0] : memref<64x256xf32, #tpu.memory_space<vmem>>, vector<64x256xf32>
    %get3A_2 = arith.constant 0 : index
    %get3A_3 = arith.constant 0 : index
    %get3A_4 = vector.load %arg2[%get3A_2, %get3A_3] : memref<256x3200xf32, #tpu.memory_space<vmem>>, vector<256x3200xf32>
    %dot_general3A = arith.constant dense<0.000000e+00> : vector<64x3200xf32>
    %dot_general3A_5 = tpu.matmul %get3A_1, %get3A_4, %dot_general3A {dimension_numbers = #tpu.dot_dimension_numbers<[1], [0], [0], [1], [0, 0, 1, 1], [], []>, transpose_lhs_hint = false} : vector<64x256xf32>, vector<256x3200xf32>, vector<64x3200xf32> -> vector<64x3200xf32>
    %get3A_6 = arith.constant 0 : index
    %get3A_7 = arith.constant 0 : index
    %get3A_8 = vector.load %arg3[%get3A_6, %get3A_7] : memref<1x3200xf32, #tpu.memory_space<vmem>>, vector<1x3200xf32>
    %add3A = vector.broadcast %get3A_8 : vector<1x3200xf32> to vector<64x3200xf32>
    %add3A_9 = arith.addf %dot_general3A_5, %add3A : vector<64x3200xf32>
    %logistic3A = arith.negf %add3A_9 : vector<64x3200xf32>
    %logistic3A_10 = math.exp %logistic3A : vector<64x3200xf32>
    %logistic3A_11 = arith.constant 1.000000e+00 : f32
    %logistic3A_12 = vector.broadcast %logistic3A_11 : f32 to vector<64x3200xf32>
    %logistic3A_13 = arith.addf %logistic3A_12, %logistic3A_10 : vector<64x3200xf32>
    %logistic3A_14 = arith.divf %logistic3A_12, %logistic3A_13 : vector<64x3200xf32>
    %swap3A = arith.constant 0 : index
    %swap3A_15 = arith.constant 0 : index
    %swap3A_16 = vector.load %arg6[%swap3A, %swap3A_15] : memref<64x3200xf32, #tpu.memory_space<vmem>>, vector<64x3200xf32>
    tpu.vector_store %arg6[%swap3A, %swap3A_15], %logistic3A_14 {strides = array<i32>} : memref<64x3200xf32, #tpu.memory_space<vmem>>, vector<64x3200xf32>,
    %get3A_17 = arith.constant 0 : index
    %get3A_18 = arith.constant 0 : index
    %get3A_19 = vector.load %arg4[%get3A_17, %get3A_18] : memref<256x2560xf32, #tpu.memory_space<vmem>>, vector<256x2560xf32>
    %dot_general3A_20 = arith.constant dense<0.000000e+00> : vector<64x2560xf32>
    %dot_general3A_21 = tpu.matmul %get3A_1, %get3A_19, %dot_general3A_20 {dimension_numbers = #tpu.dot_dimension_numbers<[1], [0], [0], [1], [0, 0, 1, 1], [], []>, transpose_lhs_hint = false} : vector<64x256xf32>, vector<256x2560xf32>, vector<64x2560xf32> -> vector<64x2560xf32>
    %get3A_22 = arith.constant 0 : index
    %get3A_23 = arith.constant 0 : index
    %get3A_24 = vector.load %arg5[%get3A_22, %get3A_23] : memref<1x2560xf32, #tpu.memory_space<vmem>>, vector<1x2560xf32>
    %add3A_25 = vector.broadcast %get3A_24 : vector<1x2560xf32> to vector<64x2560xf32>
    %add3A_26 = arith.addf %dot_general3A_21, %add3A_25 : vector<64x2560xf32>
    %swap3A_27 = arith.constant 0 : index
    %swap3A_28 = arith.constant 0 : index
    %swap3A_29 = vector.load %arg7[%swap3A_27, %swap3A_28] : memref<64x2560xf32, #tpu.memory_space<vmem>>, vector<64x2560xf32>
    tpu.vector_store %arg7[%swap3A_27, %swap3A_28], %add3A_26 {strides = array<i32>} : memref<64x2560xf32, #tpu.memory_space<vmem>>, vector<64x2560xf32>,
    return
  }
  func.func @transform_0(%arg0: i32) -> (i32, i32) {
    %c0_i32 = arith.constant 0 : i32
    %c0_i32_0 = arith.constant 0 : i32
    %c0_i32_1 = arith.constant 0 : i32
    return %c0_i32, %c0_i32_0 : i32, i32
  }
  func.func @transform_1(%arg0: i32) -> (i32, i32) {
    %c0_i32 = arith.constant 0 : i32
    %c0_i32_0 = arith.constant 0 : i32
    return %c0_i32, %arg0 : i32, i32
  }
  func.func @transform_2(%arg0: i32) -> (i32, i32) {
    %c0_i32 = arith.constant 0 : i32
    %c0_i32_0 = arith.constant 0 : i32
    return %c0_i32, %arg0 : i32, i32
  }
  func.func @transform_3(%arg0: i32) -> (i32, i32) {
    %c0_i32 = arith.constant 0 : i32
    %c0_i32_0 = arith.constant 0 : i32
    return %c0_i32, %arg0 : i32, i32
  }
  func.func @transform_4(%arg0: i32) -> (i32, i32) {
    %c0_i32 = arith.constant 0 : i32
    %c0_i32_0 = arith.constant 0 : i32
    return %c0_i32, %arg0 : i32, i32
  }
  func.func @transform_5(%arg0: i32) -> (i32, i32) {
    %c0_i32 = arith.constant 0 : i32
    %c0_i32_0 = arith.constant 0 : i32
    return %c0_i32, %arg0 : i32, i32
  }
  func.func @transform_6(%arg0: i32) -> (i32, i32) {
    %c0_i32 = arith.constant 0 : i32
    %c0_i32_0 = arith.constant 0 : i32
    return %c0_i32, %arg0 : i32, i32
  }
}

</mosaic_0001>

<sc_bundles>
// kernel: kernel.14.cloned.1.call-start
scs
__scs_entry_jumppad:
0x0: {  	(pc) =	sbr.rel $0x88, $3  }
0x1: {  	(tag) =	ssettag $0x0;
	lr =	simm.s32 $0x1  }
0x2: {  	[smem:$0x3F8C] =	sst lr;
	_ =	strace $0xD0000000  }
0x3: {  	_ = 	snop  }
0x4: {  	_ = 	snop  }
0x5: {  	_ = 	snop  }
0x6: {  	_ = 	snop  }
0x7: {  	_ = 	snop  }
__scs_overlays_trampoline_lowered:
0x8: {  	[smem:$0x3F9B] =	sst s0  }
0x9: {  	[smem:$0x3F9C] =	sst s1  }
0xa: {  	[smem:$0x3F9D] =	sst s2  }
0xb: {  	[smem:$0x3F9E] =	sst s3  }
0xc: {  	[smem:$0x3F9F] =	sst s4  }
0xd: {  	[smem:$0x3FA0] =	sst s5  }
0xe: {  	[smem:$0x3FA1] =	sst s6  }
0xf: {  	[smem:$0x3FA2] =	sst s7  }
0x10: {  	[smem:$0x3FA3] =	sst s8  }
0x11: {  	[smem:$0x3FA4] =	sst s9;
	s0 =	simm.s32 @!p0 $0x0  }
0x12: {  	s1 =	sld [smem:$0x3F8A];
	s0 =	simm.s32 @p0 $0x1  }
0x13: {  	[smem:$0x3FA5] =	sst s0;
	s0 =	simm.s32 @!p1 $0x0  }
0x14: {  	s2 =	sld [smem:$0x3F89];
	s0 =	simm.s32 @p1 $0x1  }
0x15: {  	[smem:$0x3FA6] =	sst s0;
	s0 =	simm.s32 @!p2 $0x0  }
0x16: {  	s3 =	sld [smem:$0x3FDB];
	s0 =	simm.s32 @p2 $0x1  }
0x17: {  	s4 =	simm.s32 $0x1BF5;
	[smem:$0x3FA8] =	sst s0  }
0x18: {  	s0 =	sld [smem:$0x3F8B];
	_ =	swait.ge [sflag:s4], $0x0  }
0x19: {  	s7 =	sld [smem:$0x3F8C]  }
0x1a: {  	s8 =	sadd.s32 $0xFFFFE003, lr  }
0x1b: {  	s9 =	sadd.s32 $0xFFFFFEF7, lr;
	s5 =	simm.s32 $0xFFFFFFFF;
	p2 =	slt.u32 s8, $0xFFFFF086  }
0x1c: {  	p1 =	slt.u32 s9, $0xF7A;
	s5 =	simm.s32 @!p2 $0x0  }
0x1d: {  	s5 =	simm.s32 @p1 $0x1;
	p0 =	seq.s32 s7, s2  }
0x1e: {  	s7 =	smul.u32 @!p0 $0xF7A, s2;
	p2 =	seq.s32 @!p0 s5, $0x0  }
0x1f: {  	s9 =	smul.u32 $0xF7A, s1;
	s8 =	simm.s32 @!p0 $0x1BF5;
	p2 =	por !p2, p0  }
0x20: {  	[sflag:s8] =	ssyncset.s32 @!p0 $0xFFFFF086;
	s6 =	sadd.s32 @!p0 s3, s7;
	s7 =	simm.s32 @!p0 $0x108  }
0x21: {  	s3 =	sadd.s32 s3, s9;
	s6 =	sadd.s32 @!p0 $0x88, s6;
	s7 =	simm.s32 @p2 $0x1082  }
0x22: {  	[simem:s7], [sflag:s8] =	dma.local @!p0 [hbm:s6], $0xF7A  }
0x23: {  	s9 =	sor.u32 $0xD0000000, s2;
	s6 =	simm.s32 $0x108;
	_ =	swait.ge @!p0 [sflag:s8], $0x0  }
0x24: {  	s3 =	sadd.s32 $0x88, s3;
	s6 =	simm.s32 @!p1 $0x1082;
	[sflag:s4] =	ssyncset.s32 $0xFFFFF086  }
0x25: {  	[simem:s6], [sflag:s4] =	dma.local [hbm:s3], $0xF7A  }
0x26: {  	[smem:$0x3F8C] =	sst s1;
	(tag) =	ssettag s2;
	_ =	strace s9  }
0x27: {  	s1 =	sld [smem:$0x3F9C]  }
0x28: {  	s2 =	sld [smem:$0x3F9D]  }
0x29: {  	s4 =	sld [smem:$0x3F9F]  }
0x2a: {  	p0 =	seq.s32 s5, $0x0;
	s5 =	sld [smem:$0x3FA0]  }
0x2b: {  	s6 =	sld [smem:$0x3FA1]  }
0x2c: {  	s7 =	sld [smem:$0x3FA2]  }
0x2d: {  	s3 =	simm.s32 $0x108;
	s8 =	sld [smem:$0x3FA3]  }
0x2e: {  	s3 =	simm.s32 @!p0 $0x1082;
	s9 =	sld [smem:$0x3FA4]  }
0x2f: {  	lr =	sadd.s32 s0, s3;
	s0 =	sld [smem:$0x3F9B]  }
0x30: {  	s3 =	sld [smem:$0x3F9E]  }
0x31: {  	[smem:$0x3FA7] =	sst s10  }
0x32: {  	s10 =	sld [smem:$0x3FA5];
	_ =	sdelay $0x3  }
0x33: {  	p0 =	seq.s32 s10, $0x1;
	s10 =	sld [smem:$0x3FA7];
	_ =	sdelay $0x3  }
0x34: {  	[smem:$0x3FA7] =	sst s10  }
0x35: {  	s10 =	sld [smem:$0x3FA6];
	_ =	sdelay $0x3  }
0x36: {  	p1 =	seq.s32 s10, $0x1;
	s10 =	sld [smem:$0x3FA7];
	_ =	sdelay $0x3  }
0x37: {  	[smem:$0x3FA7] =	sst s10  }
0x38: {  	s10 =	sld [smem:$0x3FA8]  }
0x39: {  	_ = 	snop;
	(pc) =	sbr.ind lr, $3  }
0x3a: {  	_ = 	snop  }
0x3b: {  	_ = 	snop  }
0x3c: {  	p2 =	seq.s32 s10, $0x1;
	s10 =	sld [smem:$0x3FA7]  }
0x3d: {  	_ =	shalt  }
0x3e: {  	_ =	shalt  }
0x3f: {  	_ =	shalt  }
0x40: {  	_ =	shalt  }
0x41: {  	_ =	shalt  }
0x42: {  	_ =	shalt  }
0x43: {  	_ =	shalt  }
0x44: {  	_ =	shalt  }
0x45: {  	_ =	shalt  }
0x46: {  	_ =	shalt  }
0x47: {  	_ =	shalt  }
0x48: {  	_ =	shalt  }
0x49: {  	_ =	shalt  }
0x4a: {  	_ =	shalt  }
0x4b: {  	_ =	shalt  }
0x4c: {  	_ =	shalt  }
0x4d: {  	_ =	shalt  }
0x4e: {  	_ =	shalt  }
0x4f: {  	_ =	shalt  }
0x50: {  	_ =	shalt  }
0x51: {  	_ =	shalt  }
0x52: {  	_ =	shalt  }
0x53: {  	_ =	shalt  }
0x54: {  	_ =	shalt  }
0x55: {  	_ =	shalt  }
0x56: {  	_ =	shalt  }
0x57: {  	_ =	shalt  }
0x58: {  	_ =	shalt  }
0x59: {  	_ =	shalt  }
0x5a: {  	_ =	shalt  }
0x5b: {  	_ =	shalt  }
0x5c: {  	_ =	shalt  }
0x5d: {  	_ =	shalt  }
0x5e: {  	_ =	shalt  }
0x5f: {  	_ =	shalt  }
0x60: {  	_ =	shalt  }
0x61: {  	_ =	shalt  }
0x62: {  	_ =	shalt  }
0x63: {  	_ =	shalt  }
0x64: {  	_ =	shalt  }
0x65: {  	_ =	shalt  }
0x66: {  	_ =	shalt  }
0x67: {  	_ =	shalt  }
0x68: {  	_ =	shalt  }
0x69: {  	_ =	shalt  }
0x6a: {  	_ =	shalt  }
0x6b: {  	_ =	shalt  }
0x6c: {  	_ =	shalt  }
0x6d: {  	_ =	shalt  }
0x6e: {  	_ =	shalt  }
0x6f: {  	_ =	shalt  }
0x70: {  	_ =	shalt  }
0x71: {  	_ =	shalt  }
0x72: {  	_ =	shalt  }
0x73: {  	_ =	shalt  }
0x74: {  	_ =	shalt  }
0x75: {  	_ =	shalt  }
0x76: {  	_ =	shalt  }
0x77: {  	_ =	shalt  }
0x78: {  	_ =	shalt  }
0x79: {  	_ =	shalt  }
0x7a: {  	_ =	shalt  }
0x7b: {  	_ =	shalt  }
0x7c: {  	_ =	shalt  }
0x7d: {  	_ =	shalt  }
0x7e: {  	_ =	shalt  }
0x7f: {  	_ =	shalt  }
0x80: {  	_ =	shalt  }
0x81: {  	_ =	shalt  }
0x82: {  	_ =	shalt  }
0x83: {  	_ =	shalt  }
0x84: {  	_ =	shalt  }
0x85: {  	_ =	shalt  }
0x86: {  	_ =	shalt  }
0x87: {  	_ =	shalt  }
.Lfunc_end0:
.L_simem_size_0:
called_computation_lowered:
.L_overlay_start_0:
0x88: {  	s2 =	sld [smem:$0x3FD9]  }
0x89: {  	s3 =	sld [smem:$0x3FFE];
	_ =	sdelay $0x1  }
0x8a: {  	s1 =	srdreg.scid  }
0x8b: {  	s0 =	sand.u32 $0x1, s1  }
0x8c: {  	s14 =	sshll.u32 s0, $0xA;
	s2 =	sadd.s32 s3, s2  }
0x8d: {  	s2 =	sadd.s32 s2, s14  }
0x8e: {  	[smem:$0x3FB3] =	sst s2  }
0x8f: {  	_ = 	snop  }
0x90: {  	s2 =	sld [smem:$0x3FD0];
	_ =	sdelay $0x2  }
0x91: {  	s15 =	simm.s32 $0xA;
	s4 =	simm.s32 $0x10  }
0x92: {  	[smem:s4], [sflag:s15] =	dma.local [hbm:s2], $0x1  }
0x93: {  	_ =	swait.eq [sflag:s15], $0x1  }
0x94: {  	[sflag:s15] =	ssyncset.done $0x0  }
0x95: {  	[sflag:s15] =	ssyncadd.s32 $0xFFFFFFFF  }
0x96: {  	s16 =	sld [smem:$0x11];
	(tm) =	ssettm $0x1  }
0x97: {  	s17 =	sld [smem:$0x3FFB];
	_ =	sdelay $0x3  }
0x98: {  	_ =	strace s17  }
0x99: {  	s3 =	sld [smem:$0x3FFC];
	_ =	sdelay $0x3  }
0x9a: {  	_ =	strace s3  }
0x9b: {  	s3 =	sld [smem:$0x3FFD];
	_ =	sdelay $0x3  }
0x9c: {  	_ =	strace s3  }
0x9d: {  	_ =	strace $0x8FFFFFFF  }
0x9e: {  	s18 =	sld [smem:$0x3FDB];
	_ =	sdelay $0x1  }
0x9f: {  	s19 =	simm.s32 $_scs_section_size  }
0xa0: {  	s5 =	simm.s32 $_size__tile_overlayer_lowered;
	s6 =	simm.s32 $_tile_overlayer_lowered  }
0xa1: {  	s22 =	simm.s32 $0x1BFF;
	s21 =	sshll.u32 s6, $0x1;
	s3 =	sadd.s32 s19, s18  }
0xa2: {  	s7 =	simm.s32 $0x0;
	s20 =	sshll.u32 s5, $0x1;
	s5 =	sadd.s32 s21, s3  }
0xa3: {  	[timem:s7], [sflag:s22] =	dma.local [hbm:s5], s20  }
0xa4: {  	_ =	swait.ge [sflag:s22], s20  }
0xa5: {  	s4 =	ssub.s32 $0x0, s20;
	[sflag:s22] =	ssyncset.done $0x0  }
0xa6: {  	[sflag:s22] =	ssyncadd.s32 s4;
	_ =	sdelay $0x1  }
0xa7: {  	s23 =	simm.s32 $0x1B8B  }
0xa8: {  	_ =	swait.ge [sflag:s23], $0x1  }
0xa9: {  	[sflag:s23] =	ssyncset.done $0x0  }
0xaa: {  	s25 =	simm.s32 $0x1B8E;
	s24 =	sld [smem:$0x3FFE];
	[sflag:s23] =	ssyncadd.s32 $0xFFFFFFFF  }
0xab: {  	s26 =	simm.s32 $execute0_lowered;
	[smem:$0x3FD2] =	sst s25  }
0xac: {  	s5 =	sshll.u32 s26, $0x1;
	_ =	strace $0x80000046;
	[dreg:$0x1] =	wrdreg $0xFFFFFFFF  }
0xad: {  	s28 =	simm.s32 $_size_execute0_lowered;
	s3 =	sadd.s32 s3, s5;
	[dreg:$0x0] =	wrdreg $0x0  }
0xae: {  	s5 =	sshll.u32 s28, $0x1;
	[dreg:$0x2] =	wrdreg s3  }
0xaf: {  	[dreg:$0x3] =	wrdreg s5  }
0xb0: {  	[dreg:$0x4] =	wrdreg $0xC0  }
0xb1: {  	_ =	task [dreg:s7], $0x5FFFF  }
0xb2: {  	[dreg:$0x1] =	wrdreg $0xFFFFFFFF  }
0xb3: {  	[dreg:$0x0] =	wrdreg $0x60  }
0xb4: {  	[dreg:$0x2] =	wrdreg s24  }
0xb5: {  	[dreg:$0x3] =	wrdreg s16  }
0xb6: {  	[dreg:$0x4] =	wrdreg $0x9  }
0xb7: {  	_ =	task.clear_ibuf [dreg:s7], $0x5FFFF;
	_ =	strace $0x90000046  }
0xb8: {  	s29 =	simm.s32 $0x9;
	_ =	strace $0x80000048  }
0xb9: {  	_ =	swait.ge [sflag:s29], $0x1  }
0xba: {  	[sflag:s29] =	ssyncadd.s32 $0xFFFFFFFF  }
0xbb: {  	_ =	strace $0x90000048  }
0xbc: {  	_ =	sfence  }
0xbd: {  	s30 =	sld [smem:$0x0];
	_ =	sdelay $0x2  }
0xbe: {  	s31 =	sshll.u32 s1, $0xD;
	s1 =	sshrl.u32 s1, $0x2  }
0xbf: {  	s3 =	sand.u32 $0x4000, s31;
	s1 =	sadd.s32 s1, s30  }
0xc0: {  	s0 =	sor.u32 s3, s0;
	s1 =	sshll.u32 s1, $0x11  }
0xc1: {  	s0 =	sor.u32 s1, s0  }
0xc2: {  	s0 =	sadd.s32 $0x8F2B, s0  }
0xc3: {  	[sflag:s0] =	ssyncadd.remote.s32 $0x1  }
0xc4: {  	_ =	sfence.sel $0xFFFF  }
0xc5: {  	[dreg:$0x0] =	wrdreg $0xFFFFFFFF;
	(pc) =	sbr.abs _section_cstart, $3  }
0xc6: {  	[dreg:$0x1] =	wrdreg $0xFFFFFFFF  }
0xc7: {  	_ =	task.clear_ibuf [dreg:s7], $0x2FFFF;
	_ =	strace $0x9FFFFFFF  }
0xc8: {  	(tm) =	ssettm $0x7FFFFFFF  }
0xc9: {  	_ =	shalt  }
tec
execute0_lowered:
.L_overlay_start_1:
0x0: {  	(tag) =	ssettag $0x1  }
0x1: {  	s0 =	srdreg.scid;
	s3 =	rddreg [dreg:$0x0]  }
0x2: {  	s5 =	rddreg [dreg:$0x1];
	s4 =	sand.u32 $0x1, s0  }
0x3: {  	s1 =	stileid.u32;
	v0 =	vimm.f32 $0.0e+00;
	v1 =	vimm.f32 $1.000000000e+00;
	s8 =	simm.s32 $0x0;
	s2 =	sshll.u32 s4, $0x4  }
0x4: {  	vm0 =	vcmask $0x704;
	vm1 =	vcmask $0xB08;
	vm14 =	vcmask $0x3F3C;
	s4 =	ssub.s32 $0x2, s4;
	s6 =	sor.u32 s1, s2;
	s2 =	simm.s32 $0x0  }
0x5: {  	vm2 =	vcmask $0xF0C;
	vm3 =	vcmask $0x1310;
	vm4 =	vcmask $0x1714;
	s7 =	sshrl.u32 s4, $0x1;
	s6 =	smul.u32 $0x4E2, s6;
	[smem:$0x7FF] =	sst s2  }
0x6: {  	vm5 =	vcmask $0x1B18;
	vm6 =	vcmask $0x1F1C;
	vm7 =	vcmask $0x2320;
	s0 =	rddreg [dreg:$0x2];
	s7 =	ssub.s32 s4, s7;
	_ =	strace $0x80000047  }
0x7: {  	vm8 =	vcmask $0x2724;
	vm9 =	vcmask $0x2B28;
	vm10 =	vcmask $0x2F2C;
	s3 =	sadd.s32 s6, s3;
	s4 =	sadd.s32 s5, s6;
	s5 =	smax.u32 s7, $0x1  }
0x8: {  	vm11 =	vcmask $0x3330;
	vm12 =	vcmask $0x3734;
	vm13 =	vcmask $0x3B38;
	s6 =	simm.s32 $0x2710;
	s7 =	simm.s32 $0x1;
	s3 =	sadd.s32 $0x10200, s3  }
.LBB2_1:
0x9: {  	s9 =	simm.s32 $0x20  }
0xa: {  	[tilespmem:s9+$0xFFFFFFE0] =	vst v0  }
0xb: {  	[tilespmem:s9+$0x10] =	vst v0  }
0xc: {  	s10 =	simm.s32 $0x0;
	[tilespmem:s9+$0x0] =	vst v0  }
.LBB2_2:
0xd: {  	s10 =	sadd.s32 $0x4, s10  }
0xe: {  	[tilespmem:s9+$0xFFFFFFF0] =	vst v0;
	s9 =	sadd.s32 $0x40, s9;
	p0 =	slt.u32 s10, $0x26C  }
.Ltmp0:
0xf: {  	[tilespmem:s9+$0xFFFFFFE0] =	vst v0;
	(pc) =	sbr.rel @p0 .LBB2_2-.Ltmp0, $3  }
0x10: {  	_ =	sdelay $0x1  }
0x11: {  	[tilespmem:s9+$0x10] =	vst v0  }
0x12: {  	[tilespmem:s9+$0x0] =	vst v0  }
0x13: {  	[tilespmem:s9+$0xFFFFFFF0] =	vst v0  }
0x14: {  	s30 =	simm.s32 $0x0;
	[tilespmem:$0x2700] =	vst v0  }
0x15: {  	[tilespmem:s6], [sflag:$0x1] =	stream.linear.gather [hbm4b:s3+s30], $0x2710, $0x38;
	[tilespmem:$0x4E20] =	vst v63  }
0x16: {  	_ =	swait.ge [sflag:s7], $0x2710  }
0x17: {  	[sflag:s7] =	ssyncset.done $0x0  }
0x18: {  	s31 =	simm.s32 $0x0;
	[sflag:s7] =	ssyncadd.s32 $0xFFFFD8F0  }
0x19: {  	v2 =	vld [tilespmem:s31+$0x2710];
	_ =	sdelay $0x7  }
0x1a: {  	[tilespmem:v2+s2+$0x0] =	vst.idx.add.f32.msk $0x1, v1  }
0x1b: {  	[tilespmem:v2+s2+$0x0] =	vst.idx.add.f32.msk vm0, v1  }
0x1c: {  	[tilespmem:v2+s2+$0x0] =	vst.idx.add.f32.msk vm1, v1  }
0x1d: {  	[tilespmem:v2+s2+$0x0] =	vst.idx.add.f32.msk vm2, v1  }
0x1e: {  	[tilespmem:v2+s2+$0x0] =	vst.idx.add.f32.msk vm3, v1  }
0x1f: {  	[tilespmem:v2+s2+$0x0] =	vst.idx.add.f32.msk vm4, v1  }
0x20: {  	[tilespmem:v2+s2+$0x0] =	vst.idx.add.f32.msk vm5, v1  }
0x21: {  	[tilespmem:v2+s2+$0x0] =	vst.idx.add.f32.msk vm6, v1  }
0x22: {  	[tilespmem:v2+s2+$0x0] =	vst.idx.add.f32.msk vm7, v1  }
0x23: {  	[tilespmem:v2+s2+$0x0] =	vst.idx.add.f32.msk vm8, v1  }
0x24: {  	[tilespmem:v2+s2+$0x0] =	vst.idx.add.f32.msk vm9, v1  }
0x25: {  	[tilespmem:v2+s2+$0x0] =	vst.idx.add.f32.msk vm10, v1  }
0x26: {  	[tilespmem:v2+s2+$0x0] =	vst.idx.add.f32.msk vm11, v1  }
0x27: {  	[tilespmem:v2+s2+$0x0] =	vst.idx.add.f32.msk vm12, v1  }
0x28: {  	s9 =	simm.s32 $0x40;
	s10 =	simm.s32 $0x80;
	[tilespmem:v2+s2+$0x0] =	vst.idx.add.f32.msk vm13, v1  }
.LBB2_4:
0x29: {  	p0 =	sne.s32 s10, $0x9C00  }
0x2a: {  	s11 =	sshra.s32 s9, $0x2;
	[tilespmem:v2+s2+$0x0] =	vst.idx.add.f32.msk vm14, v1;
	s9 =	smov.u32 s10;
	s10 =	sadd.s32 $0x40, s10  }
0x2b: {  	v2 =	vld [tilespmem:s11+$0x2710];
	_ =	sdelay $0x7  }
0x2c: {  	[tilespmem:v2+s2+$0x0] =	vst.idx.add.f32.msk $0x1, v1  }
0x2d: {  	[tilespmem:v2+s2+$0x0] =	vst.idx.add.f32.msk vm0, v1  }
0x2e: {  	[tilespmem:v2+s2+$0x0] =	vst.idx.add.f32.msk vm1, v1  }
0x2f: {  	[tilespmem:v2+s2+$0x0] =	vst.idx.add.f32.msk vm2, v1  }
0x30: {  	[tilespmem:v2+s2+$0x0] =	vst.idx.add.f32.msk vm3, v1  }
0x31: {  	[tilespmem:v2+s2+$0x0] =	vst.idx.add.f32.msk vm4, v1  }
0x32: {  	[tilespmem:v2+s2+$0x0] =	vst.idx.add.f32.msk vm5, v1  }
0x33: {  	[tilespmem:v2+s2+$0x0] =	vst.idx.add.f32.msk vm6, v1  }
0x34: {  	[tilespmem:v2+s2+$0x0] =	vst.idx.add.f32.msk vm7, v1  }
0x35: {  	[tilespmem:v2+s2+$0x0] =	vst.idx.add.f32.msk vm8, v1  }
.Ltmp1:
0x36: {  	[tilespmem:v2+s2+$0x0] =	vst.idx.add.f32.msk vm9, v1;
	(pc) =	sbr.rel @p0 .LBB2_4-.Ltmp1, $4  }
0x37: {  	[tilespmem:v2+s2+$0x0] =	vst.idx.add.f32.msk vm10, v1  }
0x38: {  	[tilespmem:v2+s2+$0x0] =	vst.idx.add.f32.msk vm11, v1  }
0x39: {  	[tilespmem:v2+s2+$0x0] =	vst.idx.add.f32.msk vm12, v1  }
0x3a: {  	[tilespmem:v2+s2+$0x0] =	vst.idx.add.f32.msk vm13, v1  }
0x3b: {  	_ =	sdelay $0x4  }
0x3c: {  	s9 =	sshra.s32 s9, $0x2;
	[tilespmem:v2+s2+$0x0] =	vst.idx.add.f32.msk vm14, v1  }
0x3d: {  	v2 =	vld [tilespmem:s9+$0x2710];
	_ =	sdelay $0x7  }
0x3e: {  	[tilespmem:v2+s2+$0x0] =	vst.idx.add.f32.msk $0x1, v1  }
0x3f: {  	[tilespmem:v2+s2+$0x0] =	vst.idx.add.f32.msk vm0, v1  }
0x40: {  	[tilespmem:v2+s2+$0x0] =	vst.idx.add.f32.msk vm1, v1  }
0x41: {  	[tilespmem:v2+s2+$0x0] =	vst.idx.add.f32.msk vm2, v1  }
0x42: {  	[tilespmem:v2+s2+$0x0] =	vst.idx.add.f32.msk vm3, v1  }
0x43: {  	[tilespmem:v2+s2+$0x0] =	vst.idx.add.f32.msk vm4, v1  }
0x44: {  	[tilespmem:v2+s2+$0x0] =	vst.idx.add.f32.msk vm5, v1  }
0x45: {  	[tilespmem:v2+s2+$0x0] =	vst.idx.add.f32.msk vm6, v1  }
0x46: {  	[tilespmem:v2+s2+$0x0] =	vst.idx.add.f32.msk vm7, v1  }
0x47: {  	[tilespmem:v2+s2+$0x0] =	vst.idx.add.f32.msk vm8, v1  }
0x48: {  	[tilespmem:v2+s2+$0x0] =	vst.idx.add.f32.msk vm9, v1  }
0x49: {  	[tilespmem:v2+s2+$0x0] =	vst.idx.add.f32.msk vm10, v1  }
0x4a: {  	[tilespmem:v2+s2+$0x0] =	vst.idx.add.f32.msk vm11, v1  }
0x4b: {  	s8 =	sadd.s32 $0x1, s8;
	[tilespmem:v2+s2+$0x0] =	vst.idx.add.f32.msk vm12, v1  }
0x4c: {  	p0 =	sne.s32 s8, s5;
	[tilespmem:v2+s2+$0x0] =	vst.idx.add.f32.msk vm13, v1  }
.Ltmp2:
0x4d: {  	[tilespmem:v2+s2+$0x0] =	vst.idx.add.f32.msk vm14, v1;
	(pc) =	sbr.rel @p0 .LBB2_1-.Ltmp2, $4  }
0x4e: {  	[hbm4b:s4+s2] =	stream.linear.scatter [tilespmem:s2], [sflag:$0x1], $0x2710, $0x38;
	[tilespmem:$0x4E20] =	vst v63  }
0x4f: {  	_ =	swait.ge [sflag:s7], $0x2710  }
0x50: {  	[sflag:s7] =	ssyncset.done $0x0  }
0x51: {  	[sflag:s7] =	ssyncadd.s32 $0xFFFFD8F0  }
0x52: {  	_ =	sfence.sel $0x180000  }
0x53: {  	[bflag:$0x0] =	sbarrier.arrive $0xFFFF  }
0x54: {  	p0 =	sne.s32 s1, $0x0;
	_ =	strace $0x90000047  }
0x55: {  	s0 =	sadd.s32 @!p0 $0x100000, s0;
	[bflag:$0x2] =	sbarrier.arrive $0xFFFF  }
0x56: {  	[sflag:s0] =	ssyncadd.tile.s32 @!p0 $0x1;
	_ =	shalt  }
.Lfunc_end2:
_tile_overlayer_lowered:
.L_overlay_start_2:
0x57: {  	(tag) =	ssettag $0x2  }
0x58: {  	s0 =	rddreg [dreg:$0x0];
	s2 =	stileid.u32  }
0x59: {  	s1 =	rddreg [dreg:$0x1];
	p0 =	sne.s32 s2, $0x0  }
0x5a: {  	s3 =	rddreg [dreg:$0x2];
	[bflag:$0x3] =	sbarrier.arrive $0xFFFF;
	s2 =	simm.s32 @!p0 $0x1C01  }
0x5b: {  	[timem:s3], [sflag:s2] =	dma.local @!p0 [hbm:s0], s1  }
0x5c: {  	s0 =	simm.s32 @!p0 $0x1  }
0x5d: {  	_ =	swait.ge @!p0 [sflag:s0], s1  }
0x5e: {  	s1 =	ssub.s32 @!p0 $0x0, s1;
	[sflag:s0] =	ssyncset.done @!p0 $0x0  }
0x5f: {  	[sflag:s0] =	ssyncadd.s32 @!p0 s1  }
0x60: {  	[bflag:$0x3] =	sbarrier.arrive $0xFFFF  }
0x61: {  	_ =	shalt  }

// kernel: kernel.17.cloned.1.call-start
scs
__scs_entry_jumppad:
0x0: {  	(pc) =	sbr.rel $0x88, $3  }
0x1: {  	(tag) =	ssettag $0x0;
	lr =	simm.s32 $0x1  }
0x2: {  	[smem:$0x3F8C] =	sst lr;
	_ =	strace $0xD0000000  }
0x3: {  	_ = 	snop  }
0x4: {  	_ = 	snop  }
0x5: {  	_ = 	snop  }
0x6: {  	_ = 	snop  }
0x7: {  	_ = 	snop  }
__scs_overlays_trampoline_lowered:
0x8: {  	[smem:$0x3F9B] =	sst s0  }
0x9: {  	[smem:$0x3F9C] =	sst s1  }
0xa: {  	[smem:$0x3F9D] =	sst s2  }
0xb: {  	[smem:$0x3F9E] =	sst s3  }
0xc: {  	[smem:$0x3F9F] =	sst s4  }
0xd: {  	[smem:$0x3FA0] =	sst s5  }
0xe: {  	[smem:$0x3FA1] =	sst s6  }
0xf: {  	[smem:$0x3FA2] =	sst s7  }
0x10: {  	[smem:$0x3FA3] =	sst s8  }
0x11: {  	[smem:$0x3FA4] =	sst s9;
	s0 =	simm.s32 @!p0 $0x0  }
0x12: {  	s1 =	sld [smem:$0x3F8A];
	s0 =	simm.s32 @p0 $0x1  }
0x13: {  	[smem:$0x3FA5] =	sst s0;
	s0 =	simm.s32 @!p1 $0x0  }
0x14: {  	s2 =	sld [smem:$0x3F89];
	s0 =	simm.s32 @p1 $0x1  }
0x15: {  	[smem:$0x3FA6] =	sst s0;
	s0 =	simm.s32 @!p2 $0x0  }
0x16: {  	s3 =	sld [smem:$0x3FDB];
	s0 =	simm.s32 @p2 $0x1  }
0x17: {  	s4 =	simm.s32 $0x1BF5;
	[smem:$0x3FA8] =	sst s0  }
0x18: {  	s0 =	sld [smem:$0x3F8B];
	_ =	swait.ge [sflag:s4], $0x0  }
0x19: {  	s7 =	sld [smem:$0x3F8C]  }
0x1a: {  	s8 =	sadd.s32 $0xFFFFE003, lr  }
0x1b: {  	s9 =	sadd.s32 $0xFFFFFEF7, lr;
	s5 =	simm.s32 $0xFFFFFFFF;
	p2 =	slt.u32 s8, $0xFFFFF086  }
0x1c: {  	p1 =	slt.u32 s9, $0xF7A;
	s5 =	simm.s32 @!p2 $0x0  }
0x1d: {  	s5 =	simm.s32 @p1 $0x1;
	p0 =	seq.s32 s7, s2  }
0x1e: {  	s7 =	smul.u32 @!p0 $0xF7A, s2;
	p2 =	seq.s32 @!p0 s5, $0x0  }
0x1f: {  	s9 =	smul.u32 $0xF7A, s1;
	s8 =	simm.s32 @!p0 $0x1BF5;
	p2 =	por !p2, p0  }
0x20: {  	[sflag:s8] =	ssyncset.s32 @!p0 $0xFFFFF086;
	s6 =	sadd.s32 @!p0 s3, s7;
	s7 =	simm.s32 @!p0 $0x108  }
0x21: {  	s3 =	sadd.s32 s3, s9;
	s6 =	sadd.s32 @!p0 $0x88, s6;
	s7 =	simm.s32 @p2 $0x1082  }
0x22: {  	[simem:s7], [sflag:s8] =	dma.local @!p0 [hbm:s6], $0xF7A  }
0x23: {  	s9 =	sor.u32 $0xD0000000, s2;
	s6 =	simm.s32 $0x108;
	_ =	swait.ge @!p0 [sflag:s8], $0x0  }
0x24: {  	s3 =	sadd.s32 $0x88, s3;
	s6 =	simm.s32 @!p1 $0x1082;
	[sflag:s4] =	ssyncset.s32 $0xFFFFF086  }
0x25: {  	[simem:s6], [sflag:s4] =	dma.local [hbm:s3], $0xF7A  }
0x26: {  	[smem:$0x3F8C] =	sst s1;
	(tag) =	ssettag s2;
	_ =	strace s9  }
0x27: {  	s1 =	sld [smem:$0x3F9C]  }
0x28: {  	s2 =	sld [smem:$0x3F9D]  }
0x29: {  	s4 =	sld [smem:$0x3F9F]  }
0x2a: {  	p0 =	seq.s32 s5, $0x0;
	s5 =	sld [smem:$0x3FA0]  }
0x2b: {  	s6 =	sld [smem:$0x3FA1]  }
0x2c: {  	s7 =	sld [smem:$0x3FA2]  }
0x2d: {  	s3 =	simm.s32 $0x108;
	s8 =	sld [smem:$0x3FA3]  }
0x2e: {  	s3 =	simm.s32 @!p0 $0x1082;
	s9 =	sld [smem:$0x3FA4]  }
0x2f: {  	lr =	sadd.s32 s0, s3;
	s0 =	sld [smem:$0x3F9B]  }
0x30: {  	s3 =	sld [smem:$0x3F9E]  }
0x31: {  	[smem:$0x3FA7] =	sst s10  }
0x32: {  	s10 =	sld [smem:$0x3FA5];
	_ =	sdelay $0x3  }
0x33: {  	p0 =	seq.s32 s10, $0x1;
	s10 =	sld [smem:$0x3FA7];
	_ =	sdelay $0x3  }
0x34: {  	[smem:$0x3FA7] =	sst s10  }
0x35: {  	s10 =	sld [smem:$0x3FA6];
	_ =	sdelay $0x3  }
0x36: {  	p1 =	seq.s32 s10, $0x1;
	s10 =	sld [smem:$0x3FA7];
	_ =	sdelay $0x3  }
0x37: {  	[smem:$0x3FA7] =	sst s10  }
0x38: {  	s10 =	sld [smem:$0x3FA8]  }
0x39: {  	_ = 	snop;
	(pc) =	sbr.ind lr, $3  }
0x3a: {  	_ = 	snop  }
0x3b: {  	_ = 	snop  }
0x3c: {  	p2 =	seq.s32 s10, $0x1;
	s10 =	sld [smem:$0x3FA7]  }
0x3d: {  	_ =	shalt  }
0x3e: {  	_ =	shalt  }
0x3f: {  	_ =	shalt  }
0x40: {  	_ =	shalt  }
0x41: {  	_ =	shalt  }
0x42: {  	_ =	shalt  }
0x43: {  	_ =	shalt  }
0x44: {  	_ =	shalt  }
0x45: {  	_ =	shalt  }
0x46: {  	_ =	shalt  }
0x47: {  	_ =	shalt  }
0x48: {  	_ =	shalt  }
0x49: {  	_ =	shalt  }
0x4a: {  	_ =	shalt  }
0x4b: {  	_ =	shalt  }
0x4c: {  	_ =	shalt  }
0x4d: {  	_ =	shalt  }
0x4e: {  	_ =	shalt  }
0x4f: {  	_ =	shalt  }
0x50: {  	_ =	shalt  }
0x51: {  	_ =	shalt  }
0x52: {  	_ =	shalt  }
0x53: {  	_ =	shalt  }
0x54: {  	_ =	shalt  }
0x55: {  	_ =	shalt  }
0x56: {  	_ =	shalt  }
0x57: {  	_ =	shalt  }
0x58: {  	_ =	shalt  }
0x59: {  	_ =	shalt  }
0x5a: {  	_ =	shalt  }
0x5b: {  	_ =	shalt  }
0x5c: {  	_ =	shalt  }
0x5d: {  	_ =	shalt  }
0x5e: {  	_ =	shalt  }
0x5f: {  	_ =	shalt  }
0x60: {  	_ =	shalt  }
0x61: {  	_ =	shalt  }
0x62: {  	_ =	shalt  }
0x63: {  	_ =	shalt  }
0x64: {  	_ =	shalt  }
0x65: {  	_ =	shalt  }
0x66: {  	_ =	shalt  }
0x67: {  	_ =	shalt  }
0x68: {  	_ =	shalt  }
0x69: {  	_ =	shalt  }
0x6a: {  	_ =	shalt  }
0x6b: {  	_ =	shalt  }
0x6c: {  	_ =	shalt  }
0x6d: {  	_ =	shalt  }
0x6e: {  	_ =	shalt  }
0x6f: {  	_ =	shalt  }
0x70: {  	_ =	shalt  }
0x71: {  	_ =	shalt  }
0x72: {  	_ =	shalt  }
0x73: {  	_ =	shalt  }
0x74: {  	_ =	shalt  }
0x75: {  	_ =	shalt  }
0x76: {  	_ =	shalt  }
0x77: {  	_ =	shalt  }
0x78: {  	_ =	shalt  }
0x79: {  	_ =	shalt  }
0x7a: {  	_ =	shalt  }
0x7b: {  	_ =	shalt  }
0x7c: {  	_ =	shalt  }
0x7d: {  	_ =	shalt  }
0x7e: {  	_ =	shalt  }
0x7f: {  	_ =	shalt  }
0x80: {  	_ =	shalt  }
0x81: {  	_ =	shalt  }
0x82: {  	_ =	shalt  }
0x83: {  	_ =	shalt  }
0x84: {  	_ =	shalt  }
0x85: {  	_ =	shalt  }
0x86: {  	_ =	shalt  }
0x87: {  	_ =	shalt  }
.Lfunc_end0:
.L_simem_size_0:
called_computation.1_lowered:
.L_overlay_start_0:
0x88: {  	s2 =	sld [smem:$0x3FD9]  }
0x89: {  	s3 =	sld [smem:$0x3FFE];
	_ =	sdelay $0x1  }
0x8a: {  	s1 =	srdreg.scid  }
0x8b: {  	s0 =	sand.u32 $0x1, s1  }
0x8c: {  	s14 =	sshll.u32 s0, $0xA;
	s2 =	sadd.s32 s3, s2  }
0x8d: {  	s2 =	sadd.s32 s2, s14  }
0x8e: {  	[smem:$0x3FB3] =	sst s2  }
0x8f: {  	_ = 	snop  }
0x90: {  	s2 =	sld [smem:$0x3FD0];
	_ =	sdelay $0x2  }
0x91: {  	s15 =	simm.s32 $0xA;
	s4 =	simm.s32 $0x10  }
0x92: {  	[smem:s4], [sflag:s15] =	dma.local [hbm:s2], $0x1  }
0x93: {  	_ =	swait.eq [sflag:s15], $0x1  }
0x94: {  	[sflag:s15] =	ssyncset.done $0x0  }
0x95: {  	s16 =	sld [smem:$0x10];
	[sflag:s15] =	ssyncadd.s32 $0xFFFFFFFF  }
0x96: {  	s17 =	sld [smem:$0x11];
	(tm) =	ssettm $0x1  }
0x97: {  	s18 =	sld [smem:$0x3FFB];
	_ =	sdelay $0x3  }
0x98: {  	_ =	strace s18  }
0x99: {  	s4 =	sld [smem:$0x3FFC];
	_ =	sdelay $0x3  }
0x9a: {  	_ =	strace s4  }
0x9b: {  	s4 =	sld [smem:$0x3FFD];
	_ =	sdelay $0x3  }
0x9c: {  	_ =	strace s4  }
0x9d: {  	_ =	strace $0x8FFFFFFF  }
0x9e: {  	s19 =	sld [smem:$0x3FDB];
	_ =	sdelay $0x1  }
0x9f: {  	s5 =	simm.s32 $_scs_section_size  }
0xa0: {  	s6 =	simm.s32 $_size__tile_overlayer_lowered;
	s7 =	simm.s32 $_tile_overlayer_lowered  }
0xa1: {  	s22 =	simm.s32 $0x1BFF;
	s21 =	sshll.u32 s7, $0x1;
	s4 =	sadd.s32 s5, s19  }
0xa2: {  	s8 =	simm.s32 $0x0;
	s20 =	sshll.u32 s6, $0x1;
	s6 =	sadd.s32 s21, s4  }
0xa3: {  	[timem:s8], [sflag:s22] =	dma.local [hbm:s6], s20  }
0xa4: {  	_ =	swait.ge [sflag:s22], s20  }
0xa5: {  	s5 =	ssub.s32 $0x0, s20;
	[sflag:s22] =	ssyncset.done $0x0  }
0xa6: {  	[sflag:s22] =	ssyncadd.s32 s5;
	_ =	sdelay $0x1  }
0xa7: {  	s23 =	simm.s32 $0x1B8B  }
0xa8: {  	_ =	swait.ge [sflag:s23], $0x1  }
0xa9: {  	[sflag:s23] =	ssyncset.done $0x0  }
0xaa: {  	s25 =	simm.s32 $0x1B8E;
	s24 =	sld [smem:$0x3FFE];
	[sflag:s23] =	ssyncadd.s32 $0xFFFFFFFF  }
0xab: {  	s26 =	simm.s32 $execute0_lowered;
	[smem:$0x3FD2] =	sst s25  }
0xac: {  	s6 =	sshll.u32 s26, $0x1;
	_ =	strace $0x80000049;
	[dreg:$0x1] =	wrdreg $0xFFFFFFFF  }
0xad: {  	s28 =	simm.s32 $_size_execute0_lowered;
	s4 =	sadd.s32 s4, s6;
	[dreg:$0x0] =	wrdreg $0x0  }
0xae: {  	s6 =	sshll.u32 s28, $0x1;
	[dreg:$0x2] =	wrdreg s4  }
0xaf: {  	[dreg:$0x3] =	wrdreg s6  }
0xb0: {  	[dreg:$0x4] =	wrdreg $0xC0  }
0xb1: {  	_ =	task [dreg:s8], $0x5FFFF  }
0xb2: {  	[dreg:$0x1] =	wrdreg $0xFFFFFFFF  }
0xb3: {  	[dreg:$0x0] =	wrdreg $0x60  }
0xb4: {  	[dreg:$0x2] =	wrdreg s17  }
0xb5: {  	[dreg:$0x3] =	wrdreg s24  }
0xb6: {  	[dreg:$0x4] =	wrdreg s16  }
0xb7: {  	[dreg:$0x5] =	wrdreg $0x9  }
0xb8: {  	_ =	task.clear_ibuf [dreg:s8], $0x6FFFF;
	_ =	strace $0x90000049  }
0xb9: {  	s29 =	simm.s32 $0x9;
	_ =	strace $0x8000004B  }
0xba: {  	_ =	swait.ge [sflag:s29], $0x1  }
0xbb: {  	[sflag:s29] =	ssyncadd.s32 $0xFFFFFFFF  }
0xbc: {  	_ =	strace $0x9000004B  }
0xbd: {  	_ =	sfence  }
0xbe: {  	s30 =	sld [smem:$0x0];
	_ =	sdelay $0x2  }
0xbf: {  	s31 =	sshll.u32 s1, $0xD;
	s1 =	sshrl.u32 s1, $0x2  }
0xc0: {  	s3 =	sand.u32 $0x4000, s31;
	s1 =	sadd.s32 s1, s30  }
0xc1: {  	s0 =	sor.u32 s3, s0;
	s1 =	sshll.u32 s1, $0x11  }
0xc2: {  	s0 =	sor.u32 s1, s0  }
0xc3: {  	s0 =	sadd.s32 $0x8F2B, s0  }
0xc4: {  	[sflag:s0] =	ssyncadd.remote.s32 $0x1  }
0xc5: {  	_ =	sfence.sel $0xFFFF  }
0xc6: {  	[dreg:$0x0] =	wrdreg $0xFFFFFFFF;
	(pc) =	sbr.abs _section_cstart, $3  }
0xc7: {  	[dreg:$0x1] =	wrdreg $0xFFFFFFFF  }
0xc8: {  	_ =	task.clear_ibuf [dreg:s8], $0x2FFFF;
	_ =	strace $0x9FFFFFFF  }
0xc9: {  	(tm) =	ssettm $0x7FFFFFFF  }
tec
execute0_lowered:
.L_overlay_start_1:
0x0: {  	(tag) =	ssettag $0x1  }
0x1: {  	s1 =	rddreg [dreg:$0x0]  }
0x2: {  	s0 =	rddreg [dreg:$0x1]  }
0x3: {  	s3 =	rddreg [dreg:$0x2];
	s2 =	simm.s32 $0x0;
	s4 =	srdreg.scid  }
0x4: {  	s8 =	stileid.u32;
	s10 =	simm.s32 $0x2;
	s11 =	simm.s32 $0x13D80  }
0x5: {  	s12 =	simm.s32 $0x80;
	s14 =	simm.s32 $0x14780;
	s18 =	simm.s32 $0x14F80  }
0x6: {  	s19 =	simm.s32 $0x14400;
	s20 =	simm.s32 $0x15380;
	s21 =	simm.s32 $0x14480  }
0x7: {  	s22 =	simm.s32 $0x15780;
	s23 =	simm.s32 $0x14500;
	s24 =	simm.s32 $0x15B80  }
0x8: {  	s28 =	simm.s32 $0x14600;
	s29 =	simm.s32 $0x16380;
	s30 =	simm.s32 $0x14680  }
0x9: {  	s31 =	simm.s32 $0x16780;
	s9 =	simm.s32 $0x0;
	s4 =	sand.u32 $0x1, s4  }
0xa: {  	[smem:$0x7FF] =	sst s2;
	s5 =	sadd.s32 $0x6400, s0;
	s6 =	ssub.s32 $0x2, s4  }
0xb: {  	s3 =	sadd.s32 s3, s8;
	s4 =	smul.u32 $0x27100, s4;
	s7 =	sshrl.u32 s6, $0x1  }
0xc: {  	_ =	strace $0x8000004A;
	s7 =	ssub.s32 s6, s7;
	s6 =	sadd.s32 $0x10200, s0  }
0xd: {  	v3 =	vlaneseq.u32;
	s25 =	sadd.s32 s4, s3;
	s0 =	simm.s32 $0x14700;
	s3 =	simm.s32 $0x16B80  }
0xe: {  	v4 =	vimm.f32 $0.0e+00;
	vm0 =	vcmask $0x3F20;
	v0 =	vshrl.u32 v3, $0x3;
	[dreg:$0x4] =	wrdreg s25;
	s26 =	smax.u32 s7, $0x1;
	s25 =	simm.s32 $0x14580  }
0xf: {  	v1 =	vmov s8;
	v3 =	vand.u32 $0x7, v3;
	v2 =	vmul.u32 $0x8, v0;
	s7 =	simm.s32 $0x1;
	[dreg:$0x5] =	wrdreg s26;
	s26 =	simm.s32 $0x15F80  }
.LBB2_1:
0x10: {  	s8 =	simm.s32 $0x0  }
0x11: {  	s13 =	simm.s32 $0x2;
	s15 =	simm.s32 $0x4;
	v5 =	vmov s8  }
0x12: {  	v6 =	vmov s13;
	v7 =	vmov s15;
	s13 =	simm.s32 $0x6;
	v5 =	vshll.u32 v5, $0x3  }
0x13: {  	v6 =	vshll.u32 v6, $0x3;
	v7 =	vshll.u32 v7, $0x3;
	v9 =	vmov s13  }
0x14: {  	[dreg:$0x6] =	wrdreg s9;
	s9 =	simm.s32 $0xC;
	s13 =	simm.s32 $0xE;
	v5 =	vor.u32 v2, v5;
	v6 =	vor.u32 v2, v6;
	v8 =	vor.u32 v2, v7  }
0x15: {  	s16 =	simm.s32 $0x8;
	v7 =	vmov s9;
	v9 =	vshll.u32 v9, $0x3;
	v13 =	vmov s13  }
0x16: {  	s17 =	simm.s32 $0xA;
	v10 =	vor.u32 v3, v5;
	v14 =	vor.u32 v3, v6;
	v5 =	vmov s16  }
0x17: {  	v6 =	vmov s17;
	v7 =	vshll.u32 v7, $0x3;
	v8 =	vor.u32 v3, v8  }
0x18: {  	s16 =	simm.s32 $0x12;
	v9 =	vor.u32 v2, v9;
	v5 =	vshll.u32 v5, $0x3;
	v6 =	vshll.u32 v6, $0x3  }
0x19: {  	s15 =	simm.s32 $0x10;
	v12 =	vmov s16;
	v5 =	vor.u32 v2, v5;
	v11 =	vor.u32 v2, v6  }
0x1a: {  	v6 =	vor.u32 v3, v5;
	v5 =	vor.u32 v3, v11;
	v11 =	vmov s15  }
0x1b: {  	s17 =	simm.s32 $0x14;
	v7 =	vor.u32 v2, v7;
	v12 =	vshll.u32 v12, $0x3;
	v11 =	vshll.u32 v11, $0x3  }
0x1c: {  	v15 =	vmov s17;
	v12 =	vor.u32 v2, v12;
	v16 =	vor.u32 v2, v11  }
0x1d: {  	v15 =	vshll.u32 v15, $0x3;
	v11 =	vor.u32 v3, v9;
	[tilespmem:v10+s2+$0x0] =	vst.idx.msk $0xffff, v4;
	v10 =	vor.u32 v3, v12  }
0x1e: {  	s8 =	simm.s32 $0x8;
	s13 =	simm.s32 $0x16;
	s9 =	simm.s32 $0x1E;
	v13 =	vshll.u32 v13, $0x3;
	v12 =	vor.u32 v2, v15;
	v9 =	vor.u32 v3, v16;
	[tilespmem:v14+s2+$0x0] =	vst.idx.msk $0xffff, v4  }
.LBB2_2:
0x1f: {  	s15 =	sadd.s32 $0xFFFFFFFA, s9;
	s8 =	sadd.s32 $0x4, s8  }
0x20: {  	s16 =	sadd.s32 $0xFFFFFFFC, s9;
	s17 =	sadd.s32 $0xFFFFFFFE, s9;
	v14 =	vmov s13;
	v13 =	vor.u32 v2, v13;
	[tilespmem:v8+s2+$0x0] =	vst.idx.msk $0xffff, v4;
	v8 =	vor.u32 v3, v7;
	v7 =	vmovc v12;
	p0 =	slt.u32 s8, $0x1384  }
.Ltmp0:
0x21: {  	s13 =	smov.u32 s9;
	v12 =	vmov s15;
	v15 =	vmov s16;
	v16 =	vmov s17;
	(pc) =	sbr.rel @p0 .LBB2_2-.Ltmp0, $4  }
0x22: {  	v12 =	vshll.u32 v12, $0x3;
	v15 =	vshll.u32 v15, $0x3;
	v16 =	vshll.u32 v16, $0x3;
	[tilespmem:v11+s2+$0x0] =	vst.idx.msk $0xffff, v4  }
0x23: {  	v11 =	vor.u32 v3, v13;
	v12 =	vor.u32 v2, v12;
	v15 =	vor.u32 v2, v15  }
0x24: {  	v15 =	vor.u32 v3, v15;
	[tilespmem:v6+s2+$0x0] =	vst.idx.msk $0xffff, v4;
	v6 =	vmov v9;
	v9 =	vor.u32 v3, v12  }
0x25: {  	s9 =	sadd.s32 $0x8, s9;
	v13 =	vshll.u32 v14, $0x3;
	v12 =	vor.u32 v2, v16;
	[tilespmem:v5+s2+$0x0] =	vst.idx.msk $0xffff, v4;
	v5 =	vmovc v10;
	v10 =	vmov v15  }
0x26: {  	_ =	sdelay $0x2  }
0x27: {  	v7 =	vor.u32 v3, v7;
	v13 =	vor.u32 v2, v13  }
0x28: {  	[tilespmem:v8+s2+$0x0] =	vst.idx.msk $0xffff, v4;
	v62 =	vor.u32 v3, v13  }
0x29: {  	v63 =	vmov s13;
	[tilespmem:v11+s2+$0x0] =	vst.idx.msk $0xffff, v4  }
0x2a: {  	[tilespmem:v6+s2+$0x0] =	vst.idx.msk $0xffff, v4;
	v6 =	vshll.u32 v63, $0x3  }
0x2b: {  	[tilespmem:v5+s2+$0x0] =	vst.idx.msk $0xffff, v4;
	v5 =	vor.u32 v3, v12;
	v6 =	vor.u32 v2, v6  }
0x2c: {  	v6 =	vor.u32 v3, v6;
	[tilespmem:v7+s2+$0x0] =	vst.idx.msk $0xffff, v4  }
0x2d: {  	[tilespmem:v62+s2+$0x0] =	vst.idx.msk $0xffff, v4  }
0x2e: {  	[tilespmem:v9+s2+$0x0] =	vst.idx.msk $0xffff, v4  }
0x2f: {  	[tilespmem:v10+s2+$0x0] =	vst.idx.msk $0xffff, v4  }
0x30: {  	[tilespmem:v5+s2+$0x0] =	vst.idx.msk $0xffff, v4  }
0x31: {  	s8 =	simm.s32 $0x0;
	s16 =	simm.s32 $0x13880;
	s17 =	simm.s32 $0x14280;
	[tilespmem:v6+s2+$0x0] =	vst.idx.msk $0xffff, v4  }
.LBB2_4:
0x32: {  	s9 =	smul.u32 $0x500, s8;
	_ =	sdelay $0x1  }
0x33: {  	s9 =	sadd.s32 s4, s9  }
0x34: {  	s9 =	sshrl.u32 s9, $0x3  }
0x35: {  	s13 =	sadd.s32 s5, s9  }
0x36: {  	[tilespmem:s16], [sflag:$0x2] =	stream.linear.gather [hbm4b:s13+s2], $0x500, $0x38;
	[tilespmem:$0x16F80] =	vst v63  }
0x37: {  	_ =	swait.ge [sflag:s10], $0x500  }
0x38: {  	[sflag:s10] =	ssyncset.done $0x0  }
0x39: {  	s9 =	sadd.s32 s6, s9;
	[sflag:s10] =	ssyncadd.s32 $0xFFFFFB00  }
0x3a: {  	[tilespmem:s11], [sflag:$0x2] =	stream.linear.gather [hbm4b:s9+s2], $0x500, $0x38;
	[tilespmem:$0x16F80] =	vst v63  }
0x3b: {  	_ =	swait.ge [sflag:s10], $0x500  }
0x3c: {  	[sflag:s10] =	ssyncset.done $0x0  }
0x3d: {  	s15 =	simm.s32 $0x138A0;
	[sflag:s10] =	ssyncadd.s32 $0xFFFFFB00  }
0x3e: {  	v5 =	vld [tilespmem:s15+$0xFFFFFFE0];
	_ =	sdelay $0x4  }
0x3f: {  	v5 =	vshll.u32 v5, $0x4  }
0x40: {  	s9 =	simm.s32 $0x142A0;
	v5 =	vor.u32 v1, v5  }
0x41: {  	[tilespmem:s9+$0xFFFFFFE0] =	vst v5  }
0x42: {  	v5 =	vld [tilespmem:s15+$0xFFFFFFF0];
	_ =	sdelay $0x4  }
0x43: {  	v5 =	vshll.u32 v5, $0x4  }
0x44: {  	v5 =	vor.u32 v1, v5  }
0x45: {  	[tilespmem:s9+$0xFFFFFFF0] =	vst v5  }
0x46: {  	v5 =	vld [tilespmem:s15+$0x0];
	_ =	sdelay $0x4  }
0x47: {  	v5 =	vshll.u32 v5, $0x4  }
0x48: {  	v5 =	vor.u32 v1, v5  }
0x49: {  	[tilespmem:s9+$0x0] =	vst v5  }
0x4a: {  	v5 =	vld [tilespmem:s15+$0x10];
	_ =	sdelay $0x4  }
0x4b: {  	v5 =	vshll.u32 v5, $0x4  }
0x4c: {  	v5 =	vor.u32 v1, v5  }
0x4d: {  	s13 =	simm.s32 $0x0;
	s15 =	simm.s32 $0x138E0;
	[tilespmem:s9+$0x10] =	vst v5  }
.LBB2_5:
0x4e: {  	v5 =	vld [tilespmem:s15+$0xFFFFFFE0];
	s13 =	sadd.s32 $0x4, s13  }
0x4f: {  	p0 =	slt.u32 s13, $0x4C;
	_ =	sdelay $0x3  }
0x50: {  	v5 =	vshll.u32 v5, $0x4  }
0x51: {  	s9 =	sadd.s32 $0x40, s9;
	v5 =	vor.u32 v1, v5  }
0x52: {  	[tilespmem:s9+$0xFFFFFFE0] =	vst v5  }
0x53: {  	v5 =	vld [tilespmem:s15+$0xFFFFFFF0];
	_ =	sdelay $0x4  }
0x54: {  	v5 =	vshll.u32 v5, $0x4  }
0x55: {  	v5 =	vor.u32 v1, v5  }
0x56: {  	[tilespmem:s9+$0xFFFFFFF0] =	vst v5  }
0x57: {  	v5 =	vld [tilespmem:s15+$0x0];
	_ =	sdelay $0x4  }
0x58: {  	v5 =	vshll.u32 v5, $0x4  }
0x59: {  	v5 =	vor.u32 v1, v5  }
0x5a: {  	[tilespmem:s9+$0x0] =	vst v5  }
0x5b: {  	v5 =	vld [tilespmem:s15+$0x10];
	_ =	sdelay $0x2  }
.Ltmp1:
0x5c: {  	(pc) =	sbr.rel @p0 .LBB2_5-.Ltmp1, $4  }
0x5d: {  	_ = 	snop  }
0x5e: {  	v5 =	vshll.u32 v5, $0x4  }
0x5f: {  	v5 =	vor.u32 v1, v5  }
0x60: {  	s15 =	sadd.s32 $0x40, s15;
	[tilespmem:s9+$0x10] =	vst v5  }
0x61: {  	[tilespmem:s14], [sflag:$0x1] =	stream.indirect.gather [hbm4b:s1+s12], $0x8, s17, s12, $0xb8;
	[tilespmem:$0x16F80] =	vst v63  }
0x62: {  	s9 =	simm.s32 $0x14300;
	s13 =	simm.s32 $0x14B80  }
0x63: {  	[tilespmem:s13], [sflag:$0x1] =	stream.indirect.gather [hbm4b:s1+s12], $0x8, s9, s12, $0xb8;
	[tilespmem:$0x16F80] =	vst v63  }
0x64: {  	s15 =	simm.s32 $0x14380  }
0x65: {  	[tilespmem:s18], [sflag:$0x1] =	stream.indirect.gather [hbm4b:s1+s12], $0x8, s15, s12, $0xb8;
	[tilespmem:$0x16F80] =	vst v63  }
0x66: {  	_ = 	snop  }
0x67: {  	[tilespmem:s20], [sflag:$0x1] =	stream.indirect.gather [hbm4b:s1+s12], $0x8, s19, s12, $0xb8;
	[tilespmem:$0x16F80] =	vst v63  }
0x68: {  	_ = 	snop  }
0x69: {  	[tilespmem:s22], [sflag:$0x1] =	stream.indirect.gather [hbm4b:s1+s12], $0x8, s21, s12, $0xb8;
	[tilespmem:$0x16F80] =	vst v63  }
0x6a: {  	_ = 	snop  }
0x6b: {  	[tilespmem:s24], [sflag:$0x1] =	stream.indirect.gather [hbm4b:s1+s12], $0x8, s23, s12, $0xb8;
	[tilespmem:$0x16F80] =	vst v63  }
0x6c: {  	_ = 	snop  }
0x6d: {  	[tilespmem:s26], [sflag:$0x1] =	stream.indirect.gather [hbm4b:s1+s12], $0x8, s25, s12, $0xb8;
	[tilespmem:$0x16F80] =	vst v63  }
0x6e: {  	_ = 	snop  }
0x6f: {  	[tilespmem:s29], [sflag:$0x1] =	stream.indirect.gather [hbm4b:s1+s12], $0x8, s28, s12, $0xb8;
	[tilespmem:$0x16F80] =	vst v63  }
0x70: {  	_ = 	snop  }
0x71: {  	[tilespmem:s31], [sflag:$0x1] =	stream.indirect.gather [hbm4b:s1+s12], $0x8, s30, s12, $0xb8;
	[tilespmem:$0x16F80] =	vst v63  }
0x72: {  	_ = 	snop  }
0x73: {  	[tilespmem:s3], [sflag:$0x1] =	stream.indirect.gather [hbm4b:s1+s12], $0x8, s0, s12, $0xb8;
	[tilespmem:$0x16F80] =	vst v63  }
0x74: {  	_ =	swait.ge [sflag:s7], $0x400  }
0x75: {  	[sflag:s7] =	ssyncset.done $0x0  }
0x76: {  	[sflag:s7] =	ssyncadd.s32 $0xFFFFFC00  }
0x77: {  	_ =	swait.ge [sflag:s7], $0x400  }
0x78: {  	[sflag:s7] =	ssyncset.done $0x0  }
0x79: {  	[sflag:s7] =	ssyncadd.s32 $0xFFFFFC00  }
0x7a: {  	_ =	swait.ge [sflag:s7], $0x400  }
0x7b: {  	[sflag:s7] =	ssyncset.done $0x0  }
0x7c: {  	[sflag:s7] =	ssyncadd.s32 $0xFFFFFC00  }
0x7d: {  	_ =	swait.ge [sflag:s7], $0x400  }
0x7e: {  	[sflag:s7] =	ssyncset.done $0x0  }
0x7f: {  	[sflag:s7] =	ssyncadd.s32 $0xFFFFFC00  }
0x80: {  	_ =	swait.ge [sflag:s7], $0x400  }
0x81: {  	[sflag:s7] =	ssyncset.done $0x0  }
0x82: {  	[sflag:s7] =	ssyncadd.s32 $0xFFFFFC00  }
0x83: {  	_ =	swait.ge [sflag:s7], $0x400  }
0x84: {  	[sflag:s7] =	ssyncset.done $0x0  }
0x85: {  	[sflag:s7] =	ssyncadd.s32 $0xFFFFFC00  }
0x86: {  	_ =	swait.ge [sflag:s7], $0x400  }
0x87: {  	[sflag:s7] =	ssyncset.done $0x0  }
0x88: {  	[sflag:s7] =	ssyncadd.s32 $0xFFFFFC00  }
0x89: {  	_ =	swait.ge [sflag:s7], $0x400  }
0x8a: {  	[sflag:s7] =	ssyncset.done $0x0  }
0x8b: {  	[sflag:s7] =	ssyncadd.s32 $0xFFFFFC00  }
0x8c: {  	_ =	swait.ge [sflag:s7], $0x400  }
0x8d: {  	[sflag:s7] =	ssyncset.done $0x0  }
0x8e: {  	[sflag:s7] =	ssyncadd.s32 $0xFFFFFC00  }
0x8f: {  	_ =	swait.ge [sflag:s7], $0x400  }
0x90: {  	[sflag:s7] =	ssyncset.done $0x0  }
0x91: {  	s9 =	simm.s32 $0xE;
	[sflag:s7] =	ssyncadd.s32 $0xFFFFFC00  }
.LBB2_7:
0x92: {  	s13 =	sadd.s32 $0xFFFFFFF2, s9  }
0x93: {  	v5 =	vor.u32 s13, v0;
	_ =	sdelay $0x4  }
0x94: {  	v6 =	vshll.u32 v5, $0x3;
	v5 =	vld.idx.msk [tilespmem:v5+s11+$0x0], $0xffff  }
0x95: {  	v6 =	vor.u32 v3, v6;
	_ =	sdelay $0x3  }
0x96: {  	v5 =	vshll.u32 v5, $0x3  }
0x97: {  	v6 =	vld.idx.msk [tilespmem:v6+s14+$0x0], $0xffff;
	v5 =	vor.u32 v3, v5  }
0x98: {  	s15 =	sadd.s32 $0xFFFFFFF4, s9  }
0x99: {  	v7 =	vor.u32 s15, v0;
	_ =	sdelay $0x2  }
0x9a: {  	[tilespmem:v5+s2+$0x0] =	vst.idx.add.f32.msk $0xff, v6  }
0x9b: {  	[tilespmem:v5+s2+$0x0] =	vst.idx.add.f32.msk vm0, v6  }
0x9c: {  	v5 =	vshll.u32 v7, $0x3;
	v6 =	vld.idx.msk [tilespmem:v7+s11+$0x0], $0xffff  }
0x9d: {  	v5 =	vor.u32 v3, v5;
	_ =	sdelay $0x3  }
0x9e: {  	v6 =	vshll.u32 v6, $0x3  }
0x9f: {  	v5 =	vld.idx.msk [tilespmem:v5+s14+$0x0], $0xffff;
	v6 =	vor.u32 v3, v6  }
0xa0: {  	s15 =	sadd.s32 $0xFFFFFFF6, s9  }
0xa1: {  	v7 =	vor.u32 s15, v0;
	_ =	sdelay $0x2  }
0xa2: {  	[tilespmem:v6+s2+$0x0] =	vst.idx.add.f32.msk $0xff, v5  }
0xa3: {  	[tilespmem:v6+s2+$0x0] =	vst.idx.add.f32.msk vm0, v5  }
0xa4: {  	v5 =	vshll.u32 v7, $0x3;
	v6 =	vld.idx.msk [tilespmem:v7+s11+$0x0], $0xffff  }
0xa5: {  	v5 =	vor.u32 v3, v5;
	_ =	sdelay $0x3  }
0xa6: {  	v6 =	vshll.u32 v6, $0x3  }
0xa7: {  	v5 =	vld.idx.msk [tilespmem:v5+s14+$0x0], $0xffff;
	v6 =	vor.u32 v3, v6  }
0xa8: {  	s15 =	sadd.s32 $0xFFFFFFF8, s9  }
0xa9: {  	v7 =	vor.u32 s15, v0;
	_ =	sdelay $0x2  }
0xaa: {  	[tilespmem:v6+s2+$0x0] =	vst.idx.add.f32.msk $0xff, v5  }
0xab: {  	[tilespmem:v6+s2+$0x0] =	vst.idx.add.f32.msk vm0, v5  }
0xac: {  	v5 =	vshll.u32 v7, $0x3;
	v6 =	vld.idx.msk [tilespmem:v7+s11+$0x0], $0xffff  }
0xad: {  	v5 =	vor.u32 v3, v5;
	_ =	sdelay $0x3  }
0xae: {  	v6 =	vshll.u32 v6, $0x3  }
0xaf: {  	v5 =	vld.idx.msk [tilespmem:v5+s14+$0x0], $0xffff;
	v6 =	vor.u32 v3, v6  }
0xb0: {  	s15 =	sadd.s32 $0xFFFFFFFA, s9  }
0xb1: {  	v7 =	vor.u32 s15, v0;
	_ =	sdelay $0x2  }
0xb2: {  	[tilespmem:v6+s2+$0x0] =	vst.idx.add.f32.msk $0xff, v5  }
0xb3: {  	[tilespmem:v6+s2+$0x0] =	vst.idx.add.f32.msk vm0, v5  }
0xb4: {  	v5 =	vshll.u32 v7, $0x3;
	v6 =	vld.idx.msk [tilespmem:v7+s11+$0x0], $0xffff  }
0xb5: {  	v5 =	vor.u32 v3, v5;
	_ =	sdelay $0x3  }
0xb6: {  	v6 =	vshll.u32 v6, $0x3  }
0xb7: {  	v5 =	vld.idx.msk [tilespmem:v5+s14+$0x0], $0xffff;
	v6 =	vor.u32 v3, v6  }
0xb8: {  	s15 =	sadd.s32 $0xFFFFFFFC, s9  }
0xb9: {  	v7 =	vor.u32 s15, v0;
	_ =	sdelay $0x2  }
0xba: {  	[tilespmem:v6+s2+$0x0] =	vst.idx.add.f32.msk $0xff, v5  }
0xbb: {  	[tilespmem:v6+s2+$0x0] =	vst.idx.add.f32.msk vm0, v5  }
0xbc: {  	v5 =	vshll.u32 v7, $0x3;
	v6 =	vld.idx.msk [tilespmem:v7+s11+$0x0], $0xffff  }
0xbd: {  	v5 =	vor.u32 v3, v5;
	_ =	sdelay $0x3  }
0xbe: {  	v6 =	vshll.u32 v6, $0x3  }
0xbf: {  	v5 =	vld.idx.msk [tilespmem:v5+s14+$0x0], $0xffff;
	v6 =	vor.u32 v3, v6  }
0xc0: {  	s15 =	sadd.s32 $0xFFFFFFFE, s9  }
0xc1: {  	v7 =	vor.u32 s15, v0;
	_ =	sdelay $0x2  }
0xc2: {  	[tilespmem:v6+s2+$0x0] =	vst.idx.add.f32.msk $0xff, v5  }
0xc3: {  	[tilespmem:v6+s2+$0x0] =	vst.idx.add.f32.msk vm0, v5  }
0xc4: {  	v5 =	vshll.u32 v7, $0x3;
	v6 =	vld.idx.msk [tilespmem:v7+s11+$0x0], $0xffff  }
0xc5: {  	v5 =	vor.u32 v3, v5;
	_ =	sdelay $0x3  }
0xc6: {  	v6 =	vshll.u32 v6, $0x3  }
0xc7: {  	v5 =	vld.idx.msk [tilespmem:v5+s14+$0x0], $0xffff;
	v6 =	vor.u32 v3, v6;
	_ =	sdelay $0x1  }
0xc8: {  	v7 =	vor.u32 s9, v0;
	_ =	sdelay $0x2  }
0xc9: {  	[tilespmem:v6+s2+$0x0] =	vst.idx.add.f32.msk $0xff, v5  }
0xca: {  	[tilespmem:v6+s2+$0x0] =	vst.idx.add.f32.msk vm0, v5  }
0xcb: {  	v5 =	vshll.u32 v7, $0x3;
	v6 =	vld.idx.msk [tilespmem:v7+s11+$0x0], $0xffff  }
0xcc: {  	v5 =	vor.u32 v3, v5;
	_ =	sdelay $0x3  }
0xcd: {  	v6 =	vshll.u32 v6, $0x3  }
0xce: {  	v5 =	vld.idx.msk [tilespmem:v5+s14+$0x0], $0xffff;
	v6 =	vor.u32 v3, v6  }
0xcf: {  	p0 =	sne.s32 s9, $0x4FE  }
.Ltmp2:
0xd0: {  	_ = 	snop;
	(pc) =	sbr.rel @p0 .LBB2_7-.Ltmp2, $3  }
0xd1: {  	_ =	sdelay $0x1  }
0xd2: {  	[tilespmem:v6+s2+$0x0] =	vst.idx.add.f32.msk $0xff, v5  }
0xd3: {  	s9 =	sadd.s32 $0x10, s9;
	[tilespmem:v6+s2+$0x0] =	vst.idx.add.f32.msk vm0, v5  }
0xd4: {  	s8 =	sadd.s32 $0x1, s8  }
0xd5: {  	p0 =	sne.s32 s8, $0x7D  }
.Ltmp3:
0xd6: {  	_ = 	snop;
	(pc) =	sbr.rel @p0 .LBB2_4-.Ltmp3, $1  }
0xd7: {  	_ =	sdelay $0x3  }
0xd8: {  	s8 =	rddreg [dreg:$0x4];
	s9 =	simm.s32 $0x8  }
0xd9: {  	[hbm4b:s8+s9] =	stream.strided.scatter [tilespmem:s2], [sflag:$0x2], $0x13880, s12, s9, $0x38;
	[tilespmem:$0x16F80] =	vst v63  }
0xda: {  	_ =	swait.ge [sflag:s10], $0x13880  }
0xdb: {  	s16 =	rddreg [dreg:$0x6]  }
0xdc: {  	s17 =	rddreg [dreg:$0x5];
	s9 =	sadd.s32 $0x1, s16  }
0xdd: {  	p0 =	sne.s32 s9, s17  }
.Ltmp4:
0xde: {  	_ = 	snop;
	(pc) =	sbr.rel @p0 .LBB2_1-.Ltmp4, $3  }
0xdf: {  	_ =	sdelay $0x1  }
0xe0: {  	[sflag:s10] =	ssyncset.done $0x0  }
0xe1: {  	[sflag:s10] =	ssyncadd.s32 $0xFFFEC780  }
0xe2: {  	_ =	sfence.sel $0x180000  }
0xe3: {  	[bflag:$0x0] =	sbarrier.arrive $0xFFFF  }
0xe4: {  	_ =	strace $0x9000004A  }
0xe5: {  	s0 =	stileid.u32;
	[bflag:$0x2] =	sbarrier.arrive $0xFFFF  }
0xe6: {  	p0 =	sne.s32 s0, $0x0;
	s0 =	rddreg [dreg:$0x3]  }
0xe7: {  	s0 =	sadd.s32 @!p0 $0x100000, s0  }
0xe8: {  	[sflag:s0] =	ssyncadd.tile.s32 @!p0 $0x1;
	_ =	shalt  }
.Lfunc_end2:
_tile_overlayer_lowered:
.L_overlay_start_2:
0xe9: {  	(tag) =	ssettag $0x2  }
0xea: {  	s0 =	rddreg [dreg:$0x0];
	s2 =	stileid.u32  }
0xeb: {  	s1 =	rddreg [dreg:$0x1];
	p0 =	sne.s32 s2, $0x0  }
0xec: {  	s3 =	rddreg [dreg:$0x2];
	[bflag:$0x3] =	sbarrier.arrive $0xFFFF;
	s2 =	simm.s32 @!p0 $0x1C02  }
0xed: {  	[timem:s3], [sflag:s2] =	dma.local @!p0 [hbm:s0], s1  }
0xee: {  	s0 =	simm.s32 @!p0 $0x2  }
0xef: {  	_ =	swait.ge @!p0 [sflag:s0], s1  }
0xf0: {  	s1 =	ssub.s32 @!p0 $0x0, s1;
	[sflag:s0] =	ssyncset.done @!p0 $0x0  }
0xf1: {  	[sflag:s0] =	ssyncadd.s32 @!p0 s1  }
0xf2: {  	[bflag:$0x3] =	sbarrier.arrive $0xFFFF  }
0xf3: {  	_ =	shalt  }

// kernel: kernel.20.cloned.1.call-start
scs
__scs_entry_jumppad:
0x0: {  	(pc) =	sbr.rel $0x88, $3  }
0x1: {  	(tag) =	ssettag $0x0;
	lr =	simm.s32 $0x1  }
0x2: {  	[smem:$0x3F8C] =	sst lr;
	_ =	strace $0xD0000000  }
0x3: {  	_ = 	snop  }
0x4: {  	_ = 	snop  }
0x5: {  	_ = 	snop  }
0x6: {  	_ = 	snop  }
0x7: {  	_ = 	snop  }
__scs_overlays_trampoline_lowered:
0x8: {  	[smem:$0x3F9B] =	sst s0  }
0x9: {  	[smem:$0x3F9C] =	sst s1  }
0xa: {  	[smem:$0x3F9D] =	sst s2  }
0xb: {  	[smem:$0x3F9E] =	sst s3  }
0xc: {  	[smem:$0x3F9F] =	sst s4  }
0xd: {  	[smem:$0x3FA0] =	sst s5  }
0xe: {  	[smem:$0x3FA1] =	sst s6  }
0xf: {  	[smem:$0x3FA2] =	sst s7  }
0x10: {  	[smem:$0x3FA3] =	sst s8  }
0x11: {  	[smem:$0x3FA4] =	sst s9;
	s0 =	simm.s32 @!p0 $0x0  }
0x12: {  	s1 =	sld [smem:$0x3F8A];
	s0 =	simm.s32 @p0 $0x1  }
0x13: {  	[smem:$0x3FA5] =	sst s0;
	s0 =	simm.s32 @!p1 $0x0  }
0x14: {  	s2 =	sld [smem:$0x3F89];
	s0 =	simm.s32 @p1 $0x1  }
0x15: {  	[smem:$0x3FA6] =	sst s0;
	s0 =	simm.s32 @!p2 $0x0  }
0x16: {  	s3 =	sld [smem:$0x3FDB];
	s0 =	simm.s32 @p2 $0x1  }
0x17: {  	s4 =	simm.s32 $0x1BF5;
	[smem:$0x3FA8] =	sst s0  }
0x18: {  	s0 =	sld [smem:$0x3F8B];
	_ =	swait.ge [sflag:s4], $0x0  }
0x19: {  	s7 =	sld [smem:$0x3F8C]  }
0x1a: {  	s8 =	sadd.s32 $0xFFFFE003, lr  }
0x1b: {  	s9 =	sadd.s32 $0xFFFFFEF7, lr;
	s5 =	simm.s32 $0xFFFFFFFF;
	p2 =	slt.u32 s8, $0xFFFFF086  }
0x1c: {  	p1 =	slt.u32 s9, $0xF7A;
	s5 =	simm.s32 @!p2 $0x0  }
0x1d: {  	s5 =	simm.s32 @p1 $0x1;
	p0 =	seq.s32 s7, s2  }
0x1e: {  	s7 =	smul.u32 @!p0 $0xF7A, s2;
	p2 =	seq.s32 @!p0 s5, $0x0  }
0x1f: {  	s9 =	smul.u32 $0xF7A, s1;
	s8 =	simm.s32 @!p0 $0x1BF5;
	p2 =	por !p2, p0  }
0x20: {  	[sflag:s8] =	ssyncset.s32 @!p0 $0xFFFFF086;
	s6 =	sadd.s32 @!p0 s3, s7;
	s7 =	simm.s32 @!p0 $0x108  }
0x21: {  	s3 =	sadd.s32 s3, s9;
	s6 =	sadd.s32 @!p0 $0x88, s6;
	s7 =	simm.s32 @p2 $0x1082  }
0x22: {  	[simem:s7], [sflag:s8] =	dma.local @!p0 [hbm:s6], $0xF7A  }
0x23: {  	s9 =	sor.u32 $0xD0000000, s2;
	s6 =	simm.s32 $0x108;
	_ =	swait.ge @!p0 [sflag:s8], $0x0  }
0x24: {  	s3 =	sadd.s32 $0x88, s3;
	s6 =	simm.s32 @!p1 $0x1082;
	[sflag:s4] =	ssyncset.s32 $0xFFFFF086  }
0x25: {  	[simem:s6], [sflag:s4] =	dma.local [hbm:s3], $0xF7A  }
0x26: {  	[smem:$0x3F8C] =	sst s1;
	(tag) =	ssettag s2;
	_ =	strace s9  }
0x27: {  	s1 =	sld [smem:$0x3F9C]  }
0x28: {  	s2 =	sld [smem:$0x3F9D]  }
0x29: {  	s4 =	sld [smem:$0x3F9F]  }
0x2a: {  	p0 =	seq.s32 s5, $0x0;
	s5 =	sld [smem:$0x3FA0]  }
0x2b: {  	s6 =	sld [smem:$0x3FA1]  }
0x2c: {  	s7 =	sld [smem:$0x3FA2]  }
0x2d: {  	s3 =	simm.s32 $0x108;
	s8 =	sld [smem:$0x3FA3]  }
0x2e: {  	s3 =	simm.s32 @!p0 $0x1082;
	s9 =	sld [smem:$0x3FA4]  }
0x2f: {  	lr =	sadd.s32 s0, s3;
	s0 =	sld [smem:$0x3F9B]  }
0x30: {  	s3 =	sld [smem:$0x3F9E]  }
0x31: {  	[smem:$0x3FA7] =	sst s10  }
0x32: {  	s10 =	sld [smem:$0x3FA5];
	_ =	sdelay $0x3  }
0x33: {  	p0 =	seq.s32 s10, $0x1;
	s10 =	sld [smem:$0x3FA7];
	_ =	sdelay $0x3  }
0x34: {  	[smem:$0x3FA7] =	sst s10  }
0x35: {  	s10 =	sld [smem:$0x3FA6];
	_ =	sdelay $0x3  }
0x36: {  	p1 =	seq.s32 s10, $0x1;
	s10 =	sld [smem:$0x3FA7];
	_ =	sdelay $0x3  }
0x37: {  	[smem:$0x3FA7] =	sst s10  }
0x38: {  	s10 =	sld [smem:$0x3FA8]  }
0x39: {  	_ = 	snop;
	(pc) =	sbr.ind lr, $3  }
0x3a: {  	_ = 	snop  }
0x3b: {  	_ = 	snop  }
0x3c: {  	p2 =	seq.s32 s10, $0x1;
	s10 =	sld [smem:$0x3FA7]  }
0x3d: {  	_ =	shalt  }
0x3e: {  	_ =	shalt  }
0x3f: {  	_ =	shalt  }
0x40: {  	_ =	shalt  }
0x41: {  	_ =	shalt  }
0x42: {  	_ =	shalt  }
0x43: {  	_ =	shalt  }
0x44: {  	_ =	shalt  }
0x45: {  	_ =	shalt  }
0x46: {  	_ =	shalt  }
0x47: {  	_ =	shalt  }
0x48: {  	_ =	shalt  }
0x49: {  	_ =	shalt  }
0x4a: {  	_ =	shalt  }
0x4b: {  	_ =	shalt  }
0x4c: {  	_ =	shalt  }
0x4d: {  	_ =	shalt  }
0x4e: {  	_ =	shalt  }
0x4f: {  	_ =	shalt  }
0x50: {  	_ =	shalt  }
0x51: {  	_ =	shalt  }
0x52: {  	_ =	shalt  }
0x53: {  	_ =	shalt  }
0x54: {  	_ =	shalt  }
0x55: {  	_ =	shalt  }
0x56: {  	_ =	shalt  }
0x57: {  	_ =	shalt  }
0x58: {  	_ =	shalt  }
0x59: {  	_ =	shalt  }
0x5a: {  	_ =	shalt  }
0x5b: {  	_ =	shalt  }
0x5c: {  	_ =	shalt  }
0x5d: {  	_ =	shalt  }
0x5e: {  	_ =	shalt  }
0x5f: {  	_ =	shalt  }
0x60: {  	_ =	shalt  }
0x61: {  	_ =	shalt  }
0x62: {  	_ =	shalt  }
0x63: {  	_ =	shalt  }
0x64: {  	_ =	shalt  }
0x65: {  	_ =	shalt  }
0x66: {  	_ =	shalt  }
0x67: {  	_ =	shalt  }
0x68: {  	_ =	shalt  }
0x69: {  	_ =	shalt  }
0x6a: {  	_ =	shalt  }
0x6b: {  	_ =	shalt  }
0x6c: {  	_ =	shalt  }
0x6d: {  	_ =	shalt  }
0x6e: {  	_ =	shalt  }
0x6f: {  	_ =	shalt  }
0x70: {  	_ =	shalt  }
0x71: {  	_ =	shalt  }
0x72: {  	_ =	shalt  }
0x73: {  	_ =	shalt  }
0x74: {  	_ =	shalt  }
0x75: {  	_ =	shalt  }
0x76: {  	_ =	shalt  }
0x77: {  	_ =	shalt  }
0x78: {  	_ =	shalt  }
0x79: {  	_ =	shalt  }
0x7a: {  	_ =	shalt  }
0x7b: {  	_ =	shalt  }
0x7c: {  	_ =	shalt  }
0x7d: {  	_ =	shalt  }
0x7e: {  	_ =	shalt  }
0x7f: {  	_ =	shalt  }
0x80: {  	_ =	shalt  }
0x81: {  	_ =	shalt  }
0x82: {  	_ =	shalt  }
0x83: {  	_ =	shalt  }
0x84: {  	_ =	shalt  }
0x85: {  	_ =	shalt  }
0x86: {  	_ =	shalt  }
0x87: {  	_ =	shalt  }
.Lfunc_end0:
.L_simem_size_0:
called_computation.2_lowered:
.L_overlay_start_0:
0x88: {  	s2 =	sld [smem:$0x3FD9]  }
0x89: {  	s3 =	sld [smem:$0x3FFE];
	_ =	sdelay $0x1  }
0x8a: {  	s1 =	srdreg.scid  }
0x8b: {  	s0 =	sand.u32 $0x1, s1  }
0x8c: {  	s14 =	sshll.u32 s0, $0xA;
	s2 =	sadd.s32 s3, s2  }
0x8d: {  	s2 =	sadd.s32 s2, s14  }
0x8e: {  	[smem:$0x3FB3] =	sst s2  }
0x8f: {  	_ = 	snop  }
0x90: {  	s2 =	sld [smem:$0x3FD0];
	_ =	sdelay $0x2  }
0x91: {  	s15 =	simm.s32 $0xA;
	s4 =	simm.s32 $0x10  }
0x92: {  	[smem:s4], [sflag:s15] =	dma.local [hbm:s2], $0x1  }
0x93: {  	_ =	swait.eq [sflag:s15], $0x1  }
0x94: {  	[sflag:s15] =	ssyncset.done $0x0  }
0x95: {  	s16 =	sld [smem:$0x10];
	[sflag:s15] =	ssyncadd.s32 $0xFFFFFFFF  }
0x96: {  	s17 =	sld [smem:$0x11];
	(tm) =	ssettm $0x1  }
0x97: {  	s18 =	sld [smem:$0x3FFB];
	_ =	sdelay $0x3  }
0x98: {  	_ =	strace s18  }
0x99: {  	s4 =	sld [smem:$0x3FFC];
	_ =	sdelay $0x3  }
0x9a: {  	_ =	strace s4  }
0x9b: {  	s4 =	sld [smem:$0x3FFD];
	_ =	sdelay $0x3  }
0x9c: {  	_ =	strace s4  }
0x9d: {  	_ =	strace $0x8FFFFFFF  }
0x9e: {  	s19 =	sld [smem:$0x3FDB];
	_ =	sdelay $0x1  }
0x9f: {  	s5 =	simm.s32 $_scs_section_size  }
0xa0: {  	s6 =	simm.s32 $_size__tile_overlayer_lowered;
	s7 =	simm.s32 $_tile_overlayer_lowered  }
0xa1: {  	s22 =	simm.s32 $0x1BFF;
	s21 =	sshll.u32 s7, $0x1;
	s4 =	sadd.s32 s5, s19  }
0xa2: {  	s8 =	simm.s32 $0x0;
	s20 =	sshll.u32 s6, $0x1;
	s6 =	sadd.s32 s21, s4  }
0xa3: {  	[timem:s8], [sflag:s22] =	dma.local [hbm:s6], s20  }
0xa4: {  	_ =	swait.ge [sflag:s22], s20  }
0xa5: {  	s5 =	ssub.s32 $0x0, s20;
	[sflag:s22] =	ssyncset.done $0x0  }
0xa6: {  	[sflag:s22] =	ssyncadd.s32 s5;
	_ =	sdelay $0x1  }
0xa7: {  	s23 =	simm.s32 $0x1B8B  }
0xa8: {  	_ =	swait.ge [sflag:s23], $0x1  }
0xa9: {  	[sflag:s23] =	ssyncset.done $0x0  }
0xaa: {  	s25 =	simm.s32 $0x1B8E;
	s24 =	sld [smem:$0x3FFE];
	[sflag:s23] =	ssyncadd.s32 $0xFFFFFFFF  }
0xab: {  	s26 =	simm.s32 $execute0_lowered;
	[smem:$0x3FD2] =	sst s25  }
0xac: {  	s6 =	sshll.u32 s26, $0x1;
	_ =	strace $0x8000004C;
	[dreg:$0x1] =	wrdreg $0xFFFFFFFF  }
0xad: {  	s28 =	simm.s32 $_size_execute0_lowered;
	s4 =	sadd.s32 s4, s6;
	[dreg:$0x0] =	wrdreg $0x0  }
0xae: {  	s6 =	sshll.u32 s28, $0x1;
	[dreg:$0x2] =	wrdreg s4  }
0xaf: {  	[dreg:$0x3] =	wrdreg s6  }
0xb0: {  	[dreg:$0x4] =	wrdreg $0xC0  }
0xb1: {  	_ =	task [dreg:s8], $0x5FFFF  }
0xb2: {  	[dreg:$0x1] =	wrdreg $0xFFFFFFFF  }
0xb3: {  	[dreg:$0x0] =	wrdreg $0x60  }
0xb4: {  	[dreg:$0x2] =	wrdreg s17  }
0xb5: {  	[dreg:$0x3] =	wrdreg s24  }
0xb6: {  	[dreg:$0x4] =	wrdreg s16  }
0xb7: {  	[dreg:$0x5] =	wrdreg $0x9  }
0xb8: {  	_ =	task.clear_ibuf [dreg:s8], $0x6FFFF;
	_ =	strace $0x9000004C  }
0xb9: {  	s29 =	simm.s32 $0x9;
	_ =	strace $0x8000004E  }
0xba: {  	_ =	swait.ge [sflag:s29], $0x1  }
0xbb: {  	[sflag:s29] =	ssyncadd.s32 $0xFFFFFFFF  }
0xbc: {  	_ =	strace $0x9000004E  }
0xbd: {  	_ =	sfence  }
0xbe: {  	s30 =	sld [smem:$0x0];
	_ =	sdelay $0x2  }
0xbf: {  	s31 =	sshll.u32 s1, $0xD;
	s1 =	sshrl.u32 s1, $0x2  }
0xc0: {  	s3 =	sand.u32 $0x4000, s31;
	s1 =	sadd.s32 s1, s30  }
0xc1: {  	s0 =	sor.u32 s3, s0;
	s1 =	sshll.u32 s1, $0x11  }
0xc2: {  	s0 =	sor.u32 s1, s0  }
0xc3: {  	s0 =	sadd.s32 $0x8F2B, s0  }
0xc4: {  	[sflag:s0] =	ssyncadd.remote.s32 $0x1  }
0xc5: {  	_ =	sfence.sel $0xFFFF  }
0xc6: {  	[dreg:$0x0] =	wrdreg $0xFFFFFFFF;
	(pc) =	sbr.abs _section_cstart, $3  }
0xc7: {  	[dreg:$0x1] =	wrdreg $0xFFFFFFFF  }
0xc8: {  	_ =	task.clear_ibuf [dreg:s8], $0x2FFFF;
	_ =	strace $0x9FFFFFFF  }
0xc9: {  	(tm) =	ssettm $0x7FFFFFFF  }
tec
execute0_lowered:
.L_overlay_start_1:
0x0: {  	(tag) =	ssettag $0x1  }
0x1: {  	s1 =	rddreg [dreg:$0x0]  }
0x2: {  	s0 =	rddreg [dreg:$0x1]  }
0x3: {  	s3 =	rddreg [dreg:$0x2];
	s2 =	simm.s32 $0x0;
	s4 =	srdreg.scid  }
0x4: {  	s8 =	stileid.u32;
	s10 =	simm.s32 $0x2;
	s11 =	simm.s32 $0x13D80  }
0x5: {  	s12 =	simm.s32 $0x80;
	s14 =	simm.s32 $0x14780;
	s18 =	simm.s32 $0x14F80  }
0x6: {  	s19 =	simm.s32 $0x14400;
	s20 =	simm.s32 $0x15380;
	s21 =	simm.s32 $0x14480  }
0x7: {  	s22 =	simm.s32 $0x15780;
	s23 =	simm.s32 $0x14500;
	s24 =	simm.s32 $0x15B80  }
0x8: {  	s28 =	simm.s32 $0x14600;
	s29 =	simm.s32 $0x16380;
	s30 =	simm.s32 $0x14680  }
0x9: {  	s31 =	simm.s32 $0x16780;
	s9 =	simm.s32 $0x0;
	s4 =	sand.u32 $0x1, s4  }
0xa: {  	[smem:$0x7FF] =	sst s2;
	s5 =	sadd.s32 $0x6400, s0;
	s6 =	ssub.s32 $0x2, s4  }
0xb: {  	s3 =	sadd.s32 s3, s8;
	s4 =	smul.u32 $0x27100, s4;
	s7 =	sshrl.u32 s6, $0x1  }
0xc: {  	_ =	strace $0x8000004D;
	s7 =	ssub.s32 s6, s7;
	s6 =	sadd.s32 $0x10200, s0  }
0xd: {  	v3 =	vlaneseq.u32;
	s25 =	sadd.s32 s4, s3;
	s0 =	simm.s32 $0x14700;
	s3 =	simm.s32 $0x16B80  }
0xe: {  	v4 =	vimm.f32 $0.0e+00;
	vm0 =	vcmask $0x3F20;
	v0 =	vshrl.u32 v3, $0x3;
	[dreg:$0x4] =	wrdreg s25;
	s26 =	smax.u32 s7, $0x1;
	s25 =	simm.s32 $0x14580  }
0xf: {  	v1 =	vmov s8;
	v3 =	vand.u32 $0x7, v3;
	v2 =	vmul.u32 $0x8, v0;
	s7 =	simm.s32 $0x1;
	[dreg:$0x5] =	wrdreg s26;
	s26 =	simm.s32 $0x15F80  }
.LBB2_1:
0x10: {  	s8 =	simm.s32 $0x0  }
0x11: {  	s13 =	simm.s32 $0x2;
	s15 =	simm.s32 $0x4;
	v5 =	vmov s8  }
0x12: {  	v6 =	vmov s13;
	v7 =	vmov s15;
	s13 =	simm.s32 $0x6;
	v5 =	vshll.u32 v5, $0x3  }
0x13: {  	v6 =	vshll.u32 v6, $0x3;
	v7 =	vshll.u32 v7, $0x3;
	v9 =	vmov s13  }
0x14: {  	[dreg:$0x6] =	wrdreg s9;
	s9 =	simm.s32 $0xC;
	s13 =	simm.s32 $0xE;
	v5 =	vor.u32 v2, v5;
	v6 =	vor.u32 v2, v6;
	v8 =	vor.u32 v2, v7  }
0x15: {  	s16 =	simm.s32 $0x8;
	v7 =	vmov s9;
	v9 =	vshll.u32 v9, $0x3;
	v13 =	vmov s13  }
0x16: {  	s17 =	simm.s32 $0xA;
	v10 =	vor.u32 v3, v5;
	v14 =	vor.u32 v3, v6;
	v5 =	vmov s16  }
0x17: {  	v6 =	vmov s17;
	v7 =	vshll.u32 v7, $0x3;
	v8 =	vor.u32 v3, v8  }
0x18: {  	s16 =	simm.s32 $0x12;
	v9 =	vor.u32 v2, v9;
	v5 =	vshll.u32 v5, $0x3;
	v6 =	vshll.u32 v6, $0x3  }
0x19: {  	s15 =	simm.s32 $0x10;
	v12 =	vmov s16;
	v5 =	vor.u32 v2, v5;
	v11 =	vor.u32 v2, v6  }
0x1a: {  	v6 =	vor.u32 v3, v5;
	v5 =	vor.u32 v3, v11;
	v11 =	vmov s15  }
0x1b: {  	s17 =	simm.s32 $0x14;
	v7 =	vor.u32 v2, v7;
	v12 =	vshll.u32 v12, $0x3;
	v11 =	vshll.u32 v11, $0x3  }
0x1c: {  	v15 =	vmov s17;
	v12 =	vor.u32 v2, v12;
	v16 =	vor.u32 v2, v11  }
0x1d: {  	v15 =	vshll.u32 v15, $0x3;
	v11 =	vor.u32 v3, v9;
	[tilespmem:v10+s2+$0x0] =	vst.idx.msk $0xffff, v4;
	v10 =	vor.u32 v3, v12  }
0x1e: {  	s8 =	simm.s32 $0x8;
	s13 =	simm.s32 $0x16;
	s9 =	simm.s32 $0x1E;
	v13 =	vshll.u32 v13, $0x3;
	v12 =	vor.u32 v2, v15;
	v9 =	vor.u32 v3, v16;
	[tilespmem:v14+s2+$0x0] =	vst.idx.msk $0xffff, v4  }
.LBB2_2:
0x1f: {  	s15 =	sadd.s32 $0xFFFFFFFA, s9;
	s8 =	sadd.s32 $0x4, s8  }
0x20: {  	s16 =	sadd.s32 $0xFFFFFFFC, s9;
	s17 =	sadd.s32 $0xFFFFFFFE, s9;
	v14 =	vmov s13;
	v13 =	vor.u32 v2, v13;
	[tilespmem:v8+s2+$0x0] =	vst.idx.msk $0xffff, v4;
	v8 =	vor.u32 v3, v7;
	v7 =	vmovc v12;
	p0 =	slt.u32 s8, $0x1384  }
.Ltmp0:
0x21: {  	s13 =	smov.u32 s9;
	v12 =	vmov s15;
	v15 =	vmov s16;
	v16 =	vmov s17;
	(pc) =	sbr.rel @p0 .LBB2_2-.Ltmp0, $4  }
0x22: {  	v12 =	vshll.u32 v12, $0x3;
	v15 =	vshll.u32 v15, $0x3;
	v16 =	vshll.u32 v16, $0x3;
	[tilespmem:v11+s2+$0x0] =	vst.idx.msk $0xffff, v4  }
0x23: {  	v11 =	vor.u32 v3, v13;
	v12 =	vor.u32 v2, v12;
	v15 =	vor.u32 v2, v15  }
0x24: {  	v15 =	vor.u32 v3, v15;
	[tilespmem:v6+s2+$0x0] =	vst.idx.msk $0xffff, v4;
	v6 =	vmov v9;
	v9 =	vor.u32 v3, v12  }
0x25: {  	s9 =	sadd.s32 $0x8, s9;
	v13 =	vshll.u32 v14, $0x3;
	v12 =	vor.u32 v2, v16;
	[tilespmem:v5+s2+$0x0] =	vst.idx.msk $0xffff, v4;
	v5 =	vmovc v10;
	v10 =	vmov v15  }
0x26: {  	_ =	sdelay $0x2  }
0x27: {  	v7 =	vor.u32 v3, v7;
	v13 =	vor.u32 v2, v13  }
0x28: {  	[tilespmem:v8+s2+$0x0] =	vst.idx.msk $0xffff, v4;
	v62 =	vor.u32 v3, v13  }
0x29: {  	v63 =	vmov s13;
	[tilespmem:v11+s2+$0x0] =	vst.idx.msk $0xffff, v4  }
0x2a: {  	[tilespmem:v6+s2+$0x0] =	vst.idx.msk $0xffff, v4;
	v6 =	vshll.u32 v63, $0x3  }
0x2b: {  	[tilespmem:v5+s2+$0x0] =	vst.idx.msk $0xffff, v4;
	v5 =	vor.u32 v3, v12;
	v6 =	vor.u32 v2, v6  }
0x2c: {  	v6 =	vor.u32 v3, v6;
	[tilespmem:v7+s2+$0x0] =	vst.idx.msk $0xffff, v4  }
0x2d: {  	[tilespmem:v62+s2+$0x0] =	vst.idx.msk $0xffff, v4  }
0x2e: {  	[tilespmem:v9+s2+$0x0] =	vst.idx.msk $0xffff, v4  }
0x2f: {  	[tilespmem:v10+s2+$0x0] =	vst.idx.msk $0xffff, v4  }
0x30: {  	[tilespmem:v5+s2+$0x0] =	vst.idx.msk $0xffff, v4  }
0x31: {  	s8 =	simm.s32 $0x0;
	s16 =	simm.s32 $0x13880;
	s17 =	simm.s32 $0x14280;
	[tilespmem:v6+s2+$0x0] =	vst.idx.msk $0xffff, v4  }
.LBB2_4:
0x32: {  	s9 =	smul.u32 $0x500, s8;
	_ =	sdelay $0x1  }
0x33: {  	s9 =	sadd.s32 s4, s9  }
0x34: {  	s9 =	sshrl.u32 s9, $0x3  }
0x35: {  	s13 =	sadd.s32 s5, s9  }
0x36: {  	[tilespmem:s16], [sflag:$0x2] =	stream.linear.gather [hbm4b:s13+s2], $0x500, $0x38;
	[tilespmem:$0x16F80] =	vst v63  }
0x37: {  	_ =	swait.ge [sflag:s10], $0x500  }
0x38: {  	[sflag:s10] =	ssyncset.done $0x0  }
0x39: {  	s9 =	sadd.s32 s6, s9;
	[sflag:s10] =	ssyncadd.s32 $0xFFFFFB00  }
0x3a: {  	[tilespmem:s11], [sflag:$0x2] =	stream.linear.gather [hbm4b:s9+s2], $0x500, $0x38;
	[tilespmem:$0x16F80] =	vst v63  }
0x3b: {  	_ =	swait.ge [sflag:s10], $0x500  }
0x3c: {  	[sflag:s10] =	ssyncset.done $0x0  }
0x3d: {  	s15 =	simm.s32 $0x138A0;
	[sflag:s10] =	ssyncadd.s32 $0xFFFFFB00  }
0x3e: {  	v5 =	vld [tilespmem:s15+$0xFFFFFFE0];
	_ =	sdelay $0x4  }
0x3f: {  	v5 =	vshll.u32 v5, $0x4  }
0x40: {  	s9 =	simm.s32 $0x142A0;
	v5 =	vor.u32 v1, v5  }
0x41: {  	[tilespmem:s9+$0xFFFFFFE0] =	vst v5  }
0x42: {  	v5 =	vld [tilespmem:s15+$0xFFFFFFF0];
	_ =	sdelay $0x4  }
0x43: {  	v5 =	vshll.u32 v5, $0x4  }
0x44: {  	v5 =	vor.u32 v1, v5  }
0x45: {  	[tilespmem:s9+$0xFFFFFFF0] =	vst v5  }
0x46: {  	v5 =	vld [tilespmem:s15+$0x0];
	_ =	sdelay $0x4  }
0x47: {  	v5 =	vshll.u32 v5, $0x4  }
0x48: {  	v5 =	vor.u32 v1, v5  }
0x49: {  	[tilespmem:s9+$0x0] =	vst v5  }
0x4a: {  	v5 =	vld [tilespmem:s15+$0x10];
	_ =	sdelay $0x4  }
0x4b: {  	v5 =	vshll.u32 v5, $0x4  }
0x4c: {  	v5 =	vor.u32 v1, v5  }
0x4d: {  	s13 =	simm.s32 $0x0;
	s15 =	simm.s32 $0x138E0;
	[tilespmem:s9+$0x10] =	vst v5  }
.LBB2_5:
0x4e: {  	v5 =	vld [tilespmem:s15+$0xFFFFFFE0];
	s13 =	sadd.s32 $0x4, s13  }
0x4f: {  	p0 =	slt.u32 s13, $0x4C;
	_ =	sdelay $0x3  }
0x50: {  	v5 =	vshll.u32 v5, $0x4  }
0x51: {  	s9 =	sadd.s32 $0x40, s9;
	v5 =	vor.u32 v1, v5  }
0x52: {  	[tilespmem:s9+$0xFFFFFFE0] =	vst v5  }
0x53: {  	v5 =	vld [tilespmem:s15+$0xFFFFFFF0];
	_ =	sdelay $0x4  }
0x54: {  	v5 =	vshll.u32 v5, $0x4  }
0x55: {  	v5 =	vor.u32 v1, v5  }
0x56: {  	[tilespmem:s9+$0xFFFFFFF0] =	vst v5  }
0x57: {  	v5 =	vld [tilespmem:s15+$0x0];
	_ =	sdelay $0x4  }
0x58: {  	v5 =	vshll.u32 v5, $0x4  }
0x59: {  	v5 =	vor.u32 v1, v5  }
0x5a: {  	[tilespmem:s9+$0x0] =	vst v5  }
0x5b: {  	v5 =	vld [tilespmem:s15+$0x10];
	_ =	sdelay $0x2  }
.Ltmp1:
0x5c: {  	(pc) =	sbr.rel @p0 .LBB2_5-.Ltmp1, $4  }
0x5d: {  	_ = 	snop  }
0x5e: {  	v5 =	vshll.u32 v5, $0x4  }
0x5f: {  	v5 =	vor.u32 v1, v5  }
0x60: {  	s15 =	sadd.s32 $0x40, s15;
	[tilespmem:s9+$0x10] =	vst v5  }
0x61: {  	[tilespmem:s14], [sflag:$0x1] =	stream.indirect.gather [hbm4b:s1+s12], $0x8, s17, s12, $0xb8;
	[tilespmem:$0x16F80] =	vst v63  }
0x62: {  	s9 =	simm.s32 $0x14300;
	s13 =	simm.s32 $0x14B80  }
0x63: {  	[tilespmem:s13], [sflag:$0x1] =	stream.indirect.gather [hbm4b:s1+s12], $0x8, s9, s12, $0xb8;
	[tilespmem:$0x16F80] =	vst v63  }
0x64: {  	s15 =	simm.s32 $0x14380  }
0x65: {  	[tilespmem:s18], [sflag:$0x1] =	stream.indirect.gather [hbm4b:s1+s12], $0x8, s15, s12, $0xb8;
	[tilespmem:$0x16F80] =	vst v63  }
0x66: {  	_ = 	snop  }
0x67: {  	[tilespmem:s20], [sflag:$0x1] =	stream.indirect.gather [hbm4b:s1+s12], $0x8, s19, s12, $0xb8;
	[tilespmem:$0x16F80] =	vst v63  }
0x68: {  	_ = 	snop  }
0x69: {  	[tilespmem:s22], [sflag:$0x1] =	stream.indirect.gather [hbm4b:s1+s12], $0x8, s21, s12, $0xb8;
	[tilespmem:$0x16F80] =	vst v63  }
0x6a: {  	_ = 	snop  }
0x6b: {  	[tilespmem:s24], [sflag:$0x1] =	stream.indirect.gather [hbm4b:s1+s12], $0x8, s23, s12, $0xb8;
	[tilespmem:$0x16F80] =	vst v63  }
0x6c: {  	_ = 	snop  }
0x6d: {  	[tilespmem:s26], [sflag:$0x1] =	stream.indirect.gather [hbm4b:s1+s12], $0x8, s25, s12, $0xb8;
	[tilespmem:$0x16F80] =	vst v63  }
0x6e: {  	_ = 	snop  }
0x6f: {  	[tilespmem:s29], [sflag:$0x1] =	stream.indirect.gather [hbm4b:s1+s12], $0x8, s28, s12, $0xb8;
	[tilespmem:$0x16F80] =	vst v63  }
0x70: {  	_ = 	snop  }
0x71: {  	[tilespmem:s31], [sflag:$0x1] =	stream.indirect.gather [hbm4b:s1+s12], $0x8, s30, s12, $0xb8;
	[tilespmem:$0x16F80] =	vst v63  }
0x72: {  	_ = 	snop  }
0x73: {  	[tilespmem:s3], [sflag:$0x1] =	stream.indirect.gather [hbm4b:s1+s12], $0x8, s0, s12, $0xb8;
	[tilespmem:$0x16F80] =	vst v63  }
0x74: {  	_ =	swait.ge [sflag:s7], $0x400  }
0x75: {  	[sflag:s7] =	ssyncset.done $0x0  }
0x76: {  	[sflag:s7] =	ssyncadd.s32 $0xFFFFFC00  }
0x77: {  	_ =	swait.ge [sflag:s7], $0x400  }
0x78: {  	[sflag:s7] =	ssyncset.done $0x0  }
0x79: {  	[sflag:s7] =	ssyncadd.s32 $0xFFFFFC00  }
0x7a: {  	_ =	swait.ge [sflag:s7], $0x400  }
0x7b: {  	[sflag:s7] =	ssyncset.done $0x0  }
0x7c: {  	[sflag:s7] =	ssyncadd.s32 $0xFFFFFC00  }
0x7d: {  	_ =	swait.ge [sflag:s7], $0x400  }
0x7e: {  	[sflag:s7] =	ssyncset.done $0x0  }
0x7f: {  	[sflag:s7] =	ssyncadd.s32 $0xFFFFFC00  }
0x80: {  	_ =	swait.ge [sflag:s7], $0x400  }
0x81: {  	[sflag:s7] =	ssyncset.done $0x0  }
0x82: {  	[sflag:s7] =	ssyncadd.s32 $0xFFFFFC00  }
0x83: {  	_ =	swait.ge [sflag:s7], $0x400  }
0x84: {  	[sflag:s7] =	ssyncset.done $0x0  }
0x85: {  	[sflag:s7] =	ssyncadd.s32 $0xFFFFFC00  }
0x86: {  	_ =	swait.ge [sflag:s7], $0x400  }
0x87: {  	[sflag:s7] =	ssyncset.done $0x0  }
0x88: {  	[sflag:s7] =	ssyncadd.s32 $0xFFFFFC00  }
0x89: {  	_ =	swait.ge [sflag:s7], $0x400  }
0x8a: {  	[sflag:s7] =	ssyncset.done $0x0  }
0x8b: {  	[sflag:s7] =	ssyncadd.s32 $0xFFFFFC00  }
0x8c: {  	_ =	swait.ge [sflag:s7], $0x400  }
0x8d: {  	[sflag:s7] =	ssyncset.done $0x0  }
0x8e: {  	[sflag:s7] =	ssyncadd.s32 $0xFFFFFC00  }
0x8f: {  	_ =	swait.ge [sflag:s7], $0x400  }
0x90: {  	[sflag:s7] =	ssyncset.done $0x0  }
0x91: {  	s9 =	simm.s32 $0xE;
	[sflag:s7] =	ssyncadd.s32 $0xFFFFFC00  }
.LBB2_7:
0x92: {  	s13 =	sadd.s32 $0xFFFFFFF2, s9  }
0x93: {  	v5 =	vor.u32 s13, v0;
	_ =	sdelay $0x4  }
0x94: {  	v6 =	vshll.u32 v5, $0x3;
	v5 =	vld.idx.msk [tilespmem:v5+s11+$0x0], $0xffff  }
0x95: {  	v6 =	vor.u32 v3, v6;
	_ =	sdelay $0x3  }
0x96: {  	v5 =	vshll.u32 v5, $0x3  }
0x97: {  	v6 =	vld.idx.msk [tilespmem:v6+s14+$0x0], $0xffff;
	v5 =	vor.u32 v3, v5  }
0x98: {  	s15 =	sadd.s32 $0xFFFFFFF4, s9  }
0x99: {  	v7 =	vor.u32 s15, v0;
	_ =	sdelay $0x2  }
0x9a: {  	[tilespmem:v5+s2+$0x0] =	vst.idx.add.f32.msk $0xff, v6  }
0x9b: {  	[tilespmem:v5+s2+$0x0] =	vst.idx.add.f32.msk vm0, v6  }
0x9c: {  	v5 =	vshll.u32 v7, $0x3;
	v6 =	vld.idx.msk [tilespmem:v7+s11+$0x0], $0xffff  }
0x9d: {  	v5 =	vor.u32 v3, v5;
	_ =	sdelay $0x3  }
0x9e: {  	v6 =	vshll.u32 v6, $0x3  }
0x9f: {  	v5 =	vld.idx.msk [tilespmem:v5+s14+$0x0], $0xffff;
	v6 =	vor.u32 v3, v6  }
0xa0: {  	s15 =	sadd.s32 $0xFFFFFFF6, s9  }
0xa1: {  	v7 =	vor.u32 s15, v0;
	_ =	sdelay $0x2  }
0xa2: {  	[tilespmem:v6+s2+$0x0] =	vst.idx.add.f32.msk $0xff, v5  }
0xa3: {  	[tilespmem:v6+s2+$0x0] =	vst.idx.add.f32.msk vm0, v5  }
0xa4: {  	v5 =	vshll.u32 v7, $0x3;
	v6 =	vld.idx.msk [tilespmem:v7+s11+$0x0], $0xffff  }
0xa5: {  	v5 =	vor.u32 v3, v5;
	_ =	sdelay $0x3  }
0xa6: {  	v6 =	vshll.u32 v6, $0x3  }
0xa7: {  	v5 =	vld.idx.msk [tilespmem:v5+s14+$0x0], $0xffff;
	v6 =	vor.u32 v3, v6  }
0xa8: {  	s15 =	sadd.s32 $0xFFFFFFF8, s9  }
0xa9: {  	v7 =	vor.u32 s15, v0;
	_ =	sdelay $0x2  }
0xaa: {  	[tilespmem:v6+s2+$0x0] =	vst.idx.add.f32.msk $0xff, v5  }
0xab: {  	[tilespmem:v6+s2+$0x0] =	vst.idx.add.f32.msk vm0, v5  }
0xac: {  	v5 =	vshll.u32 v7, $0x3;
	v6 =	vld.idx.msk [tilespmem:v7+s11+$0x0], $0xffff  }
0xad: {  	v5 =	vor.u32 v3, v5;
	_ =	sdelay $0x3  }
0xae: {  	v6 =	vshll.u32 v6, $0x3  }
0xaf: {  	v5 =	vld.idx.msk [tilespmem:v5+s14+$0x0], $0xffff;
	v6 =	vor.u32 v3, v6  }
0xb0: {  	s15 =	sadd.s32 $0xFFFFFFFA, s9  }
0xb1: {  	v7 =	vor.u32 s15, v0;
	_ =	sdelay $0x2  }
0xb2: {  	[tilespmem:v6+s2+$0x0] =	vst.idx.add.f32.msk $0xff, v5  }
0xb3: {  	[tilespmem:v6+s2+$0x0] =	vst.idx.add.f32.msk vm0, v5  }
0xb4: {  	v5 =	vshll.u32 v7, $0x3;
	v6 =	vld.idx.msk [tilespmem:v7+s11+$0x0], $0xffff  }
0xb5: {  	v5 =	vor.u32 v3, v5;
	_ =	sdelay $0x3  }
0xb6: {  	v6 =	vshll.u32 v6, $0x3  }
0xb7: {  	v5 =	vld.idx.msk [tilespmem:v5+s14+$0x0], $0xffff;
	v6 =	vor.u32 v3, v6  }
0xb8: {  	s15 =	sadd.s32 $0xFFFFFFFC, s9  }
0xb9: {  	v7 =	vor.u32 s15, v0;
	_ =	sdelay $0x2  }
0xba: {  	[tilespmem:v6+s2+$0x0] =	vst.idx.add.f32.msk $0xff, v5  }
0xbb: {  	[tilespmem:v6+s2+$0x0] =	vst.idx.add.f32.msk vm0, v5  }
0xbc: {  	v5 =	vshll.u32 v7, $0x3;
	v6 =	vld.idx.msk [tilespmem:v7+s11+$0x0], $0xffff  }
0xbd: {  	v5 =	vor.u32 v3, v5;
	_ =	sdelay $0x3  }
0xbe: {  	v6 =	vshll.u32 v6, $0x3  }
0xbf: {  	v5 =	vld.idx.msk [tilespmem:v5+s14+$0x0], $0xffff;
	v6 =	vor.u32 v3, v6  }
0xc0: {  	s15 =	sadd.s32 $0xFFFFFFFE, s9  }
0xc1: {  	v7 =	vor.u32 s15, v0;
	_ =	sdelay $0x2  }
0xc2: {  	[tilespmem:v6+s2+$0x0] =	vst.idx.add.f32.msk $0xff, v5  }
0xc3: {  	[tilespmem:v6+s2+$0x0] =	vst.idx.add.f32.msk vm0, v5  }
0xc4: {  	v5 =	vshll.u32 v7, $0x3;
	v6 =	vld.idx.msk [tilespmem:v7+s11+$0x0], $0xffff  }
0xc5: {  	v5 =	vor.u32 v3, v5;
	_ =	sdelay $0x3  }
0xc6: {  	v6 =	vshll.u32 v6, $0x3  }
0xc7: {  	v5 =	vld.idx.msk [tilespmem:v5+s14+$0x0], $0xffff;
	v6 =	vor.u32 v3, v6;
	_ =	sdelay $0x1  }
0xc8: {  	v7 =	vor.u32 s9, v0;
	_ =	sdelay $0x2  }
0xc9: {  	[tilespmem:v6+s2+$0x0] =	vst.idx.add.f32.msk $0xff, v5  }
0xca: {  	[tilespmem:v6+s2+$0x0] =	vst.idx.add.f32.msk vm0, v5  }
0xcb: {  	v5 =	vshll.u32 v7, $0x3;
	v6 =	vld.idx.msk [tilespmem:v7+s11+$0x0], $0xffff  }
0xcc: {  	v5 =	vor.u32 v3, v5;
	_ =	sdelay $0x3  }
0xcd: {  	v6 =	vshll.u32 v6, $0x3  }
0xce: {  	v5 =	vld.idx.msk [tilespmem:v5+s14+$0x0], $0xffff;
	v6 =	vor.u32 v3, v6  }
0xcf: {  	p0 =	sne.s32 s9, $0x4FE  }
.Ltmp2:
0xd0: {  	_ = 	snop;
	(pc) =	sbr.rel @p0 .LBB2_7-.Ltmp2, $3  }
0xd1: {  	_ =	sdelay $0x1  }
0xd2: {  	[tilespmem:v6+s2+$0x0] =	vst.idx.add.f32.msk $0xff, v5  }
0xd3: {  	s9 =	sadd.s32 $0x10, s9;
	[tilespmem:v6+s2+$0x0] =	vst.idx.add.f32.msk vm0, v5  }
0xd4: {  	s8 =	sadd.s32 $0x1, s8  }
0xd5: {  	p0 =	sne.s32 s8, $0x7D  }
.Ltmp3:
0xd6: {  	_ = 	snop;
	(pc) =	sbr.rel @p0 .LBB2_4-.Ltmp3, $1  }
0xd7: {  	_ =	sdelay $0x3  }
0xd8: {  	s8 =	rddreg [dreg:$0x4];
	s9 =	simm.s32 $0x8  }
0xd9: {  	[hbm4b:s8+s9] =	stream.strided.scatter [tilespmem:s2], [sflag:$0x2], $0x13880, s12, s9, $0x38;
	[tilespmem:$0x16F80] =	vst v63  }
0xda: {  	_ =	swait.ge [sflag:s10], $0x13880  }
0xdb: {  	s16 =	rddreg [dreg:$0x6]  }
0xdc: {  	s17 =	rddreg [dreg:$0x5];
	s9 =	sadd.s32 $0x1, s16  }
0xdd: {  	p0 =	sne.s32 s9, s17  }
.Ltmp4:
0xde: {  	_ = 	snop;
	(pc) =	sbr.rel @p0 .LBB2_1-.Ltmp4, $3  }
0xdf: {  	_ =	sdelay $0x1  }
0xe0: {  	[sflag:s10] =	ssyncset.done $0x0  }
0xe1: {  	[sflag:s10] =	ssyncadd.s32 $0xFFFEC780  }
0xe2: {  	_ =	sfence.sel $0x180000  }
0xe3: {  	[bflag:$0x0] =	sbarrier.arrive $0xFFFF  }
0xe4: {  	_ =	strace $0x9000004D  }
0xe5: {  	s0 =	stileid.u32;
	[bflag:$0x2] =	sbarrier.arrive $0xFFFF  }
0xe6: {  	p0 =	sne.s32 s0, $0x0;
	s0 =	rddreg [dreg:$0x3]  }
0xe7: {  	s0 =	sadd.s32 @!p0 $0x100000, s0  }
0xe8: {  	[sflag:s0] =	ssyncadd.tile.s32 @!p0 $0x1;
	_ =	shalt  }
.Lfunc_end2:
_tile_overlayer_lowered:
.L_overlay_start_2:
0xe9: {  	(tag) =	ssettag $0x2  }
0xea: {  	s0 =	rddreg [dreg:$0x0];
	s2 =	stileid.u32  }
0xeb: {  	s1 =	rddreg [dreg:$0x1];
	p0 =	sne.s32 s2, $0x0  }
0xec: {  	s3 =	rddreg [dreg:$0x2];
	[bflag:$0x3] =	sbarrier.arrive $0xFFFF;
	s2 =	simm.s32 @!p0 $0x1C02  }
0xed: {  	[timem:s3], [sflag:s2] =	dma.local @!p0 [hbm:s0], s1  }
0xee: {  	s0 =	simm.s32 @!p0 $0x2  }
0xef: {  	_ =	swait.ge @!p0 [sflag:s0], s1  }
0xf0: {  	s1 =	ssub.s32 @!p0 $0x0, s1;
	[sflag:s0] =	ssyncset.done @!p0 $0x0  }
0xf1: {  	[sflag:s0] =	ssyncadd.s32 @!p0 s1  }
0xf2: {  	[bflag:$0x3] =	sbarrier.arrive $0xFFFF  }
0xf3: {  	_ =	shalt  }

// kernel: kernel.23.cloned.1.call-start
scs
__scs_entry_jumppad:
0x0: {  	(pc) =	sbr.rel $0x88, $3  }
0x1: {  	(tag) =	ssettag $0x0;
	lr =	simm.s32 $0x1  }
0x2: {  	[smem:$0x3F8C] =	sst lr;
	_ =	strace $0xD0000000  }
0x3: {  	_ = 	snop  }
0x4: {  	_ = 	snop  }
0x5: {  	_ = 	snop  }
0x6: {  	_ = 	snop  }
0x7: {  	_ = 	snop  }
__scs_overlays_trampoline_lowered:
0x8: {  	[smem:$0x3F9B] =	sst s0  }
0x9: {  	[smem:$0x3F9C] =	sst s1  }
0xa: {  	[smem:$0x3F9D] =	sst s2  }
0xb: {  	[smem:$0x3F9E] =	sst s3  }
0xc: {  	[smem:$0x3F9F] =	sst s4  }
0xd: {  	[smem:$0x3FA0] =	sst s5  }
0xe: {  	[smem:$0x3FA1] =	sst s6  }
0xf: {  	[smem:$0x3FA2] =	sst s7  }
0x10: {  	[smem:$0x3FA3] =	sst s8  }
0x11: {  	[smem:$0x3FA4] =	sst s9;
	s0 =	simm.s32 @!p0 $0x0  }
0x12: {  	s1 =	sld [smem:$0x3F8A];
	s0 =	simm.s32 @p0 $0x1  }
0x13: {  	[smem:$0x3FA5] =	sst s0;
	s0 =	simm.s32 @!p1 $0x0  }
0x14: {  	s2 =	sld [smem:$0x3F89];
	s0 =	simm.s32 @p1 $0x1  }
0x15: {  	[smem:$0x3FA6] =	sst s0;
	s0 =	simm.s32 @!p2 $0x0  }
0x16: {  	s3 =	sld [smem:$0x3FDB];
	s0 =	simm.s32 @p2 $0x1  }
0x17: {  	s4 =	simm.s32 $0x1BF5;
	[smem:$0x3FA8] =	sst s0  }
0x18: {  	s0 =	sld [smem:$0x3F8B];
	_ =	swait.ge [sflag:s4], $0x0  }
0x19: {  	s7 =	sld [smem:$0x3F8C]  }
0x1a: {  	s8 =	sadd.s32 $0xFFFFE003, lr  }
0x1b: {  	s9 =	sadd.s32 $0xFFFFFEF7, lr;
	s5 =	simm.s32 $0xFFFFFFFF;
	p2 =	slt.u32 s8, $0xFFFFF086  }
0x1c: {  	p1 =	slt.u32 s9, $0xF7A;
	s5 =	simm.s32 @!p2 $0x0  }
0x1d: {  	s5 =	simm.s32 @p1 $0x1;
	p0 =	seq.s32 s7, s2  }
0x1e: {  	s7 =	smul.u32 @!p0 $0xF7A, s2;
	p2 =	seq.s32 @!p0 s5, $0x0  }
0x1f: {  	s9 =	smul.u32 $0xF7A, s1;
	s8 =	simm.s32 @!p0 $0x1BF5;
	p2 =	por !p2, p0  }
0x20: {  	[sflag:s8] =	ssyncset.s32 @!p0 $0xFFFFF086;
	s6 =	sadd.s32 @!p0 s3, s7;
	s7 =	simm.s32 @!p0 $0x108  }
0x21: {  	s3 =	sadd.s32 s3, s9;
	s6 =	sadd.s32 @!p0 $0x88, s6;
	s7 =	simm.s32 @p2 $0x1082  }
0x22: {  	[simem:s7], [sflag:s8] =	dma.local @!p0 [hbm:s6], $0xF7A  }
0x23: {  	s9 =	sor.u32 $0xD0000000, s2;
	s6 =	simm.s32 $0x108;
	_ =	swait.ge @!p0 [sflag:s8], $0x0  }
0x24: {  	s3 =	sadd.s32 $0x88, s3;
	s6 =	simm.s32 @!p1 $0x1082;
	[sflag:s4] =	ssyncset.s32 $0xFFFFF086  }
0x25: {  	[simem:s6], [sflag:s4] =	dma.local [hbm:s3], $0xF7A  }
0x26: {  	[smem:$0x3F8C] =	sst s1;
	(tag) =	ssettag s2;
	_ =	strace s9  }
0x27: {  	s1 =	sld [smem:$0x3F9C]  }
0x28: {  	s2 =	sld [smem:$0x3F9D]  }
0x29: {  	s4 =	sld [smem:$0x3F9F]  }
0x2a: {  	p0 =	seq.s32 s5, $0x0;
	s5 =	sld [smem:$0x3FA0]  }
0x2b: {  	s6 =	sld [smem:$0x3FA1]  }
0x2c: {  	s7 =	sld [smem:$0x3FA2]  }
0x2d: {  	s3 =	simm.s32 $0x108;
	s8 =	sld [smem:$0x3FA3]  }
0x2e: {  	s3 =	simm.s32 @!p0 $0x1082;
	s9 =	sld [smem:$0x3FA4]  }
0x2f: {  	lr =	sadd.s32 s0, s3;
	s0 =	sld [smem:$0x3F9B]  }
0x30: {  	s3 =	sld [smem:$0x3F9E]  }
0x31: {  	[smem:$0x3FA7] =	sst s10  }
0x32: {  	s10 =	sld [smem:$0x3FA5];
	_ =	sdelay $0x3  }
0x33: {  	p0 =	seq.s32 s10, $0x1;
	s10 =	sld [smem:$0x3FA7];
	_ =	sdelay $0x3  }
0x34: {  	[smem:$0x3FA7] =	sst s10  }
0x35: {  	s10 =	sld [smem:$0x3FA6];
	_ =	sdelay $0x3  }
0x36: {  	p1 =	seq.s32 s10, $0x1;
	s10 =	sld [smem:$0x3FA7];
	_ =	sdelay $0x3  }
0x37: {  	[smem:$0x3FA7] =	sst s10  }
0x38: {  	s10 =	sld [smem:$0x3FA8]  }
0x39: {  	_ = 	snop;
	(pc) =	sbr.ind lr, $3  }
0x3a: {  	_ = 	snop  }
0x3b: {  	_ = 	snop  }
0x3c: {  	p2 =	seq.s32 s10, $0x1;
	s10 =	sld [smem:$0x3FA7]  }
0x3d: {  	_ =	shalt  }
0x3e: {  	_ =	shalt  }
0x3f: {  	_ =	shalt  }
0x40: {  	_ =	shalt  }
0x41: {  	_ =	shalt  }
0x42: {  	_ =	shalt  }
0x43: {  	_ =	shalt  }
0x44: {  	_ =	shalt  }
0x45: {  	_ =	shalt  }
0x46: {  	_ =	shalt  }
0x47: {  	_ =	shalt  }
0x48: {  	_ =	shalt  }
0x49: {  	_ =	shalt  }
0x4a: {  	_ =	shalt  }
0x4b: {  	_ =	shalt  }
0x4c: {  	_ =	shalt  }
0x4d: {  	_ =	shalt  }
0x4e: {  	_ =	shalt  }
0x4f: {  	_ =	shalt  }
0x50: {  	_ =	shalt  }
0x51: {  	_ =	shalt  }
0x52: {  	_ =	shalt  }
0x53: {  	_ =	shalt  }
0x54: {  	_ =	shalt  }
0x55: {  	_ =	shalt  }
0x56: {  	_ =	shalt  }
0x57: {  	_ =	shalt  }
0x58: {  	_ =	shalt  }
0x59: {  	_ =	shalt  }
0x5a: {  	_ =	shalt  }
0x5b: {  	_ =	shalt  }
0x5c: {  	_ =	shalt  }
0x5d: {  	_ =	shalt  }
0x5e: {  	_ =	shalt  }
0x5f: {  	_ =	shalt  }
0x60: {  	_ =	shalt  }
0x61: {  	_ =	shalt  }
0x62: {  	_ =	shalt  }
0x63: {  	_ =	shalt  }
0x64: {  	_ =	shalt  }
0x65: {  	_ =	shalt  }
0x66: {  	_ =	shalt  }
0x67: {  	_ =	shalt  }
0x68: {  	_ =	shalt  }
0x69: {  	_ =	shalt  }
0x6a: {  	_ =	shalt  }
0x6b: {  	_ =	shalt  }
0x6c: {  	_ =	shalt  }
0x6d: {  	_ =	shalt  }
0x6e: {  	_ =	shalt  }
0x6f: {  	_ =	shalt  }
0x70: {  	_ =	shalt  }
0x71: {  	_ =	shalt  }
0x72: {  	_ =	shalt  }
0x73: {  	_ =	shalt  }
0x74: {  	_ =	shalt  }
0x75: {  	_ =	shalt  }
0x76: {  	_ =	shalt  }
0x77: {  	_ =	shalt  }
0x78: {  	_ =	shalt  }
0x79: {  	_ =	shalt  }
0x7a: {  	_ =	shalt  }
0x7b: {  	_ =	shalt  }
0x7c: {  	_ =	shalt  }
0x7d: {  	_ =	shalt  }
0x7e: {  	_ =	shalt  }
0x7f: {  	_ =	shalt  }
0x80: {  	_ =	shalt  }
0x81: {  	_ =	shalt  }
0x82: {  	_ =	shalt  }
0x83: {  	_ =	shalt  }
0x84: {  	_ =	shalt  }
0x85: {  	_ =	shalt  }
0x86: {  	_ =	shalt  }
0x87: {  	_ =	shalt  }
.Lfunc_end0:
.L_simem_size_0:
called_computation.3_lowered:
.L_overlay_start_0:
0x88: {  	s2 =	sld [smem:$0x3FD9]  }
0x89: {  	s3 =	sld [smem:$0x3FFE];
	_ =	sdelay $0x1  }
0x8a: {  	s1 =	srdreg.scid  }
0x8b: {  	s0 =	sand.u32 $0x1, s1  }
0x8c: {  	s14 =	sshll.u32 s0, $0xA;
	s2 =	sadd.s32 s3, s2  }
0x8d: {  	s2 =	sadd.s32 s2, s14  }
0x8e: {  	[smem:$0x3FB3] =	sst s2  }
0x8f: {  	_ = 	snop  }
0x90: {  	s2 =	sld [smem:$0x3FD0];
	_ =	sdelay $0x2  }
0x91: {  	s15 =	simm.s32 $0xA;
	s4 =	simm.s32 $0x10  }
0x92: {  	[smem:s4], [sflag:s15] =	dma.local [hbm:s2], $0x1  }
0x93: {  	_ =	swait.eq [sflag:s15], $0x1  }
0x94: {  	[sflag:s15] =	ssyncset.done $0x0  }
0x95: {  	s16 =	sld [smem:$0x10];
	[sflag:s15] =	ssyncadd.s32 $0xFFFFFFFF  }
0x96: {  	s17 =	sld [smem:$0x11];
	(tm) =	ssettm $0x1  }
0x97: {  	s18 =	sld [smem:$0x3FFB];
	_ =	sdelay $0x3  }
0x98: {  	_ =	strace s18  }
0x99: {  	s4 =	sld [smem:$0x3FFC];
	_ =	sdelay $0x3  }
0x9a: {  	_ =	strace s4  }
0x9b: {  	s4 =	sld [smem:$0x3FFD];
	_ =	sdelay $0x3  }
0x9c: {  	_ =	strace s4  }
0x9d: {  	_ =	strace $0x8FFFFFFF  }
0x9e: {  	s19 =	sld [smem:$0x3FDB];
	_ =	sdelay $0x1  }
0x9f: {  	s5 =	simm.s32 $_scs_section_size  }
0xa0: {  	s6 =	simm.s32 $_size__tile_overlayer_lowered;
	s7 =	simm.s32 $_tile_overlayer_lowered  }
0xa1: {  	s22 =	simm.s32 $0x1BFF;
	s21 =	sshll.u32 s7, $0x1;
	s4 =	sadd.s32 s5, s19  }
0xa2: {  	s8 =	simm.s32 $0x0;
	s20 =	sshll.u32 s6, $0x1;
	s6 =	sadd.s32 s21, s4  }
0xa3: {  	[timem:s8], [sflag:s22] =	dma.local [hbm:s6], s20  }
0xa4: {  	_ =	swait.ge [sflag:s22], s20  }
0xa5: {  	s5 =	ssub.s32 $0x0, s20;
	[sflag:s22] =	ssyncset.done $0x0  }
0xa6: {  	[sflag:s22] =	ssyncadd.s32 s5;
	_ =	sdelay $0x1  }
0xa7: {  	s23 =	simm.s32 $0x1B8B  }
0xa8: {  	_ =	swait.ge [sflag:s23], $0x1  }
0xa9: {  	[sflag:s23] =	ssyncset.done $0x0  }
0xaa: {  	s25 =	simm.s32 $0x1B8E;
	s24 =	sld [smem:$0x3FFE];
	[sflag:s23] =	ssyncadd.s32 $0xFFFFFFFF  }
0xab: {  	s26 =	simm.s32 $execute0_lowered;
	[smem:$0x3FD2] =	sst s25  }
0xac: {  	s6 =	sshll.u32 s26, $0x1;
	_ =	strace $0x8000004F;
	[dreg:$0x1] =	wrdreg $0xFFFFFFFF  }
0xad: {  	s28 =	simm.s32 $_size_execute0_lowered;
	s4 =	sadd.s32 s4, s6;
	[dreg:$0x0] =	wrdreg $0x0  }
0xae: {  	s6 =	sshll.u32 s28, $0x1;
	[dreg:$0x2] =	wrdreg s4  }
0xaf: {  	[dreg:$0x3] =	wrdreg s6  }
0xb0: {  	[dreg:$0x4] =	wrdreg $0xC0  }
0xb1: {  	_ =	task [dreg:s8], $0x5FFFF  }
0xb2: {  	[dreg:$0x1] =	wrdreg $0xFFFFFFFF  }
0xb3: {  	[dreg:$0x0] =	wrdreg $0x60  }
0xb4: {  	[dreg:$0x2] =	wrdreg s17  }
0xb5: {  	[dreg:$0x3] =	wrdreg s24  }
0xb6: {  	[dreg:$0x4] =	wrdreg s16  }
0xb7: {  	[dreg:$0x5] =	wrdreg $0x9  }
0xb8: {  	_ =	task.clear_ibuf [dreg:s8], $0x6FFFF;
	_ =	strace $0x9000004F  }
0xb9: {  	s29 =	simm.s32 $0x9;
	_ =	strace $0x80000051  }
0xba: {  	_ =	swait.ge [sflag:s29], $0x1  }
0xbb: {  	[sflag:s29] =	ssyncadd.s32 $0xFFFFFFFF  }
0xbc: {  	_ =	strace $0x90000051  }
0xbd: {  	_ =	sfence  }
0xbe: {  	s30 =	sld [smem:$0x0];
	_ =	sdelay $0x2  }
0xbf: {  	s31 =	sshll.u32 s1, $0xD;
	s1 =	sshrl.u32 s1, $0x2  }
0xc0: {  	s3 =	sand.u32 $0x4000, s31;
	s1 =	sadd.s32 s1, s30  }
0xc1: {  	s0 =	sor.u32 s3, s0;
	s1 =	sshll.u32 s1, $0x11  }
0xc2: {  	s0 =	sor.u32 s1, s0  }
0xc3: {  	s0 =	sadd.s32 $0x8F2B, s0  }
0xc4: {  	[sflag:s0] =	ssyncadd.remote.s32 $0x1  }
0xc5: {  	_ =	sfence.sel $0xFFFF  }
0xc6: {  	[dreg:$0x0] =	wrdreg $0xFFFFFFFF;
	(pc) =	sbr.abs _section_cstart, $3  }
0xc7: {  	[dreg:$0x1] =	wrdreg $0xFFFFFFFF  }
0xc8: {  	_ =	task.clear_ibuf [dreg:s8], $0x2FFFF;
	_ =	strace $0x9FFFFFFF  }
0xc9: {  	(tm) =	ssettm $0x7FFFFFFF  }
tec
execute0_lowered:
.L_overlay_start_1:
0x0: {  	(tag) =	ssettag $0x1  }
0x1: {  	s1 =	rddreg [dreg:$0x0]  }
0x2: {  	s0 =	rddreg [dreg:$0x1]  }
0x3: {  	s3 =	rddreg [dreg:$0x2];
	s2 =	simm.s32 $0x0;
	s4 =	srdreg.scid  }
0x4: {  	s8 =	stileid.u32;
	s10 =	simm.s32 $0x2;
	s11 =	simm.s32 $0x13D80  }
0x5: {  	s12 =	simm.s32 $0x80;
	s14 =	simm.s32 $0x14780;
	s18 =	simm.s32 $0x14F80  }
0x6: {  	s19 =	simm.s32 $0x14400;
	s20 =	simm.s32 $0x15380;
	s21 =	simm.s32 $0x14480  }
0x7: {  	s22 =	simm.s32 $0x15780;
	s23 =	simm.s32 $0x14500;
	s24 =	simm.s32 $0x15B80  }
0x8: {  	s28 =	simm.s32 $0x14600;
	s29 =	simm.s32 $0x16380;
	s30 =	simm.s32 $0x14680  }
0x9: {  	s31 =	simm.s32 $0x16780;
	s9 =	simm.s32 $0x0;
	s4 =	sand.u32 $0x1, s4  }
0xa: {  	[smem:$0x7FF] =	sst s2;
	s5 =	sadd.s32 $0x6400, s0;
	s6 =	ssub.s32 $0x2, s4  }
0xb: {  	s3 =	sadd.s32 s3, s8;
	s4 =	smul.u32 $0x27100, s4;
	s7 =	sshrl.u32 s6, $0x1  }
0xc: {  	_ =	strace $0x80000050;
	s7 =	ssub.s32 s6, s7;
	s6 =	sadd.s32 $0x10200, s0  }
0xd: {  	v3 =	vlaneseq.u32;
	s25 =	sadd.s32 s4, s3;
	s0 =	simm.s32 $0x14700;
	s3 =	simm.s32 $0x16B80  }
0xe: {  	v4 =	vimm.f32 $0.0e+00;
	vm0 =	vcmask $0x3F20;
	v0 =	vshrl.u32 v3, $0x3;
	[dreg:$0x4] =	wrdreg s25;
	s26 =	smax.u32 s7, $0x1;
	s25 =	simm.s32 $0x14580  }
0xf: {  	v1 =	vmov s8;
	v3 =	vand.u32 $0x7, v3;
	v2 =	vmul.u32 $0x8, v0;
	s7 =	simm.s32 $0x1;
	[dreg:$0x5] =	wrdreg s26;
	s26 =	simm.s32 $0x15F80  }
.LBB2_1:
0x10: {  	s8 =	simm.s32 $0x0  }
0x11: {  	s13 =	simm.s32 $0x2;
	s15 =	simm.s32 $0x4;
	v5 =	vmov s8  }
0x12: {  	v6 =	vmov s13;
	v7 =	vmov s15;
	s13 =	simm.s32 $0x6;
	v5 =	vshll.u32 v5, $0x3  }
0x13: {  	v6 =	vshll.u32 v6, $0x3;
	v7 =	vshll.u32 v7, $0x3;
	v9 =	vmov s13  }
0x14: {  	[dreg:$0x6] =	wrdreg s9;
	s9 =	simm.s32 $0xC;
	s13 =	simm.s32 $0xE;
	v5 =	vor.u32 v2, v5;
	v6 =	vor.u32 v2, v6;
	v8 =	vor.u32 v2, v7  }
0x15: {  	s16 =	simm.s32 $0x8;
	v7 =	vmov s9;
	v9 =	vshll.u32 v9, $0x3;
	v13 =	vmov s13  }
0x16: {  	s17 =	simm.s32 $0xA;
	v10 =	vor.u32 v3, v5;
	v14 =	vor.u32 v3, v6;
	v5 =	vmov s16  }
0x17: {  	v6 =	vmov s17;
	v7 =	vshll.u32 v7, $0x3;
	v8 =	vor.u32 v3, v8  }
0x18: {  	s16 =	simm.s32 $0x12;
	v9 =	vor.u32 v2, v9;
	v5 =	vshll.u32 v5, $0x3;
	v6 =	vshll.u32 v6, $0x3  }
0x19: {  	s15 =	simm.s32 $0x10;
	v12 =	vmov s16;
	v5 =	vor.u32 v2, v5;
	v11 =	vor.u32 v2, v6  }
0x1a: {  	v6 =	vor.u32 v3, v5;
	v5 =	vor.u32 v3, v11;
	v11 =	vmov s15  }
0x1b: {  	s17 =	simm.s32 $0x14;
	v7 =	vor.u32 v2, v7;
	v12 =	vshll.u32 v12, $0x3;
	v11 =	vshll.u32 v11, $0x3  }
0x1c: {  	v15 =	vmov s17;
	v12 =	vor.u32 v2, v12;
	v16 =	vor.u32 v2, v11  }
0x1d: {  	v15 =	vshll.u32 v15, $0x3;
	v11 =	vor.u32 v3, v9;
	[tilespmem:v10+s2+$0x0] =	vst.idx.msk $0xffff, v4;
	v10 =	vor.u32 v3, v12  }
0x1e: {  	s8 =	simm.s32 $0x8;
	s13 =	simm.s32 $0x16;
	s9 =	simm.s32 $0x1E;
	v13 =	vshll.u32 v13, $0x3;
	v12 =	vor.u32 v2, v15;
	v9 =	vor.u32 v3, v16;
	[tilespmem:v14+s2+$0x0] =	vst.idx.msk $0xffff, v4  }
.LBB2_2:
0x1f: {  	s15 =	sadd.s32 $0xFFFFFFFA, s9;
	s8 =	sadd.s32 $0x4, s8  }
0x20: {  	s16 =	sadd.s32 $0xFFFFFFFC, s9;
	s17 =	sadd.s32 $0xFFFFFFFE, s9;
	v14 =	vmov s13;
	v13 =	vor.u32 v2, v13;
	[tilespmem:v8+s2+$0x0] =	vst.idx.msk $0xffff, v4;
	v8 =	vor.u32 v3, v7;
	v7 =	vmovc v12;
	p0 =	slt.u32 s8, $0x1384  }
.Ltmp0:
0x21: {  	s13 =	smov.u32 s9;
	v12 =	vmov s15;
	v15 =	vmov s16;
	v16 =	vmov s17;
	(pc) =	sbr.rel @p0 .LBB2_2-.Ltmp0, $4  }
0x22: {  	v12 =	vshll.u32 v12, $0x3;
	v15 =	vshll.u32 v15, $0x3;
	v16 =	vshll.u32 v16, $0x3;
	[tilespmem:v11+s2+$0x0] =	vst.idx.msk $0xffff, v4  }
0x23: {  	v11 =	vor.u32 v3, v13;
	v12 =	vor.u32 v2, v12;
	v15 =	vor.u32 v2, v15  }
0x24: {  	v15 =	vor.u32 v3, v15;
	[tilespmem:v6+s2+$0x0] =	vst.idx.msk $0xffff, v4;
	v6 =	vmov v9;
	v9 =	vor.u32 v3, v12  }
0x25: {  	s9 =	sadd.s32 $0x8, s9;
	v13 =	vshll.u32 v14, $0x3;
	v12 =	vor.u32 v2, v16;
	[tilespmem:v5+s2+$0x0] =	vst.idx.msk $0xffff, v4;
	v5 =	vmovc v10;
	v10 =	vmov v15  }
0x26: {  	_ =	sdelay $0x2  }
0x27: {  	v7 =	vor.u32 v3, v7;
	v13 =	vor.u32 v2, v13  }
0x28: {  	[tilespmem:v8+s2+$0x0] =	vst.idx.msk $0xffff, v4;
	v62 =	vor.u32 v3, v13  }
0x29: {  	v63 =	vmov s13;
	[tilespmem:v11+s2+$0x0] =	vst.idx.msk $0xffff, v4  }
0x2a: {  	[tilespmem:v6+s2+$0x0] =	vst.idx.msk $0xffff, v4;
	v6 =	vshll.u32 v63, $0x3  }
0x2b: {  	[tilespmem:v5+s2+$0x0] =	vst.idx.msk $0xffff, v4;
	v5 =	vor.u32 v3, v12;
	v6 =	vor.u32 v2, v6  }
0x2c: {  	v6 =	vor.u32 v3, v6;
	[tilespmem:v7+s2+$0x0] =	vst.idx.msk $0xffff, v4  }
0x2d: {  	[tilespmem:v62+s2+$0x0] =	vst.idx.msk $0xffff, v4  }
0x2e: {  	[tilespmem:v9+s2+$0x0] =	vst.idx.msk $0xffff, v4  }
0x2f: {  	[tilespmem:v10+s2+$0x0] =	vst.idx.msk $0xffff, v4  }
0x30: {  	[tilespmem:v5+s2+$0x0] =	vst.idx.msk $0xffff, v4  }
0x31: {  	s8 =	simm.s32 $0x0;
	s16 =	simm.s32 $0x13880;
	s17 =	simm.s32 $0x14280;
	[tilespmem:v6+s2+$0x0] =	vst.idx.msk $0xffff, v4  }
.LBB2_4:
0x32: {  	s9 =	smul.u32 $0x500, s8;
	_ =	sdelay $0x1  }
0x33: {  	s9 =	sadd.s32 s4, s9  }
0x34: {  	s9 =	sshrl.u32 s9, $0x3  }
0x35: {  	s13 =	sadd.s32 s5, s9  }
0x36: {  	[tilespmem:s16], [sflag:$0x2] =	stream.linear.gather [hbm4b:s13+s2], $0x500, $0x38;
	[tilespmem:$0x16F80] =	vst v63  }
0x37: {  	_ =	swait.ge [sflag:s10], $0x500  }
0x38: {  	[sflag:s10] =	ssyncset.done $0x0  }
0x39: {  	s9 =	sadd.s32 s6, s9;
	[sflag:s10] =	ssyncadd.s32 $0xFFFFFB00  }
0x3a: {  	[tilespmem:s11], [sflag:$0x2] =	stream.linear.gather [hbm4b:s9+s2], $0x500, $0x38;
	[tilespmem:$0x16F80] =	vst v63  }
0x3b: {  	_ =	swait.ge [sflag:s10], $0x500  }
0x3c: {  	[sflag:s10] =	ssyncset.done $0x0  }
0x3d: {  	s15 =	simm.s32 $0x138A0;
	[sflag:s10] =	ssyncadd.s32 $0xFFFFFB00  }
0x3e: {  	v5 =	vld [tilespmem:s15+$0xFFFFFFE0];
	_ =	sdelay $0x4  }
0x3f: {  	v5 =	vshll.u32 v5, $0x4  }
0x40: {  	s9 =	simm.s32 $0x142A0;
	v5 =	vor.u32 v1, v5  }
0x41: {  	[tilespmem:s9+$0xFFFFFFE0] =	vst v5  }
0x42: {  	v5 =	vld [tilespmem:s15+$0xFFFFFFF0];
	_ =	sdelay $0x4  }
0x43: {  	v5 =	vshll.u32 v5, $0x4  }
0x44: {  	v5 =	vor.u32 v1, v5  }
0x45: {  	[tilespmem:s9+$0xFFFFFFF0] =	vst v5  }
0x46: {  	v5 =	vld [tilespmem:s15+$0x0];
	_ =	sdelay $0x4  }
0x47: {  	v5 =	vshll.u32 v5, $0x4  }
0x48: {  	v5 =	vor.u32 v1, v5  }
0x49: {  	[tilespmem:s9+$0x0] =	vst v5  }
0x4a: {  	v5 =	vld [tilespmem:s15+$0x10];
	_ =	sdelay $0x4  }
0x4b: {  	v5 =	vshll.u32 v5, $0x4  }
0x4c: {  	v5 =	vor.u32 v1, v5  }
0x4d: {  	s13 =	simm.s32 $0x0;
	s15 =	simm.s32 $0x138E0;
	[tilespmem:s9+$0x10] =	vst v5  }
.LBB2_5:
0x4e: {  	v5 =	vld [tilespmem:s15+$0xFFFFFFE0];
	s13 =	sadd.s32 $0x4, s13  }
0x4f: {  	p0 =	slt.u32 s13, $0x4C;
	_ =	sdelay $0x3  }
0x50: {  	v5 =	vshll.u32 v5, $0x4  }
0x51: {  	s9 =	sadd.s32 $0x40, s9;
	v5 =	vor.u32 v1, v5  }
0x52: {  	[tilespmem:s9+$0xFFFFFFE0] =	vst v5  }
0x53: {  	v5 =	vld [tilespmem:s15+$0xFFFFFFF0];
	_ =	sdelay $0x4  }
0x54: {  	v5 =	vshll.u32 v5, $0x4  }
0x55: {  	v5 =	vor.u32 v1, v5  }
0x56: {  	[tilespmem:s9+$0xFFFFFFF0] =	vst v5  }
0x57: {  	v5 =	vld [tilespmem:s15+$0x0];
	_ =	sdelay $0x4  }
0x58: {  	v5 =	vshll.u32 v5, $0x4  }
0x59: {  	v5 =	vor.u32 v1, v5  }
0x5a: {  	[tilespmem:s9+$0x0] =	vst v5  }
0x5b: {  	v5 =	vld [tilespmem:s15+$0x10];
	_ =	sdelay $0x2  }
.Ltmp1:
0x5c: {  	(pc) =	sbr.rel @p0 .LBB2_5-.Ltmp1, $4  }
0x5d: {  	_ = 	snop  }
0x5e: {  	v5 =	vshll.u32 v5, $0x4  }
0x5f: {  	v5 =	vor.u32 v1, v5  }
0x60: {  	s15 =	sadd.s32 $0x40, s15;
	[tilespmem:s9+$0x10] =	vst v5  }
0x61: {  	[tilespmem:s14], [sflag:$0x1] =	stream.indirect.gather [hbm4b:s1+s12], $0x8, s17, s12, $0xb8;
	[tilespmem:$0x16F80] =	vst v63  }
0x62: {  	s9 =	simm.s32 $0x14300;
	s13 =	simm.s32 $0x14B80  }
0x63: {  	[tilespmem:s13], [sflag:$0x1] =	stream.indirect.gather [hbm4b:s1+s12], $0x8, s9, s12, $0xb8;
	[tilespmem:$0x16F80] =	vst v63  }
0x64: {  	s15 =	simm.s32 $0x14380  }
0x65: {  	[tilespmem:s18], [sflag:$0x1] =	stream.indirect.gather [hbm4b:s1+s12], $0x8, s15, s12, $0xb8;
	[tilespmem:$0x16F80] =	vst v63  }
0x66: {  	_ = 	snop  }
0x67: {  	[tilespmem:s20], [sflag:$0x1] =	stream.indirect.gather [hbm4b:s1+s12], $0x8, s19, s12, $0xb8;
	[tilespmem:$0x16F80] =	vst v63  }
0x68: {  	_ = 	snop  }
0x69: {  	[tilespmem:s22], [sflag:$0x1] =	stream.indirect.gather [hbm4b:s1+s12], $0x8, s21, s12, $0xb8;
	[tilespmem:$0x16F80] =	vst v63  }
0x6a: {  	_ = 	snop  }
0x6b: {  	[tilespmem:s24], [sflag:$0x1] =	stream.indirect.gather [hbm4b:s1+s12], $0x8, s23, s12, $0xb8;
	[tilespmem:$0x16F80] =	vst v63  }
0x6c: {  	_ = 	snop  }
0x6d: {  	[tilespmem:s26], [sflag:$0x1] =	stream.indirect.gather [hbm4b:s1+s12], $0x8, s25, s12, $0xb8;
	[tilespmem:$0x16F80] =	vst v63  }
0x6e: {  	_ = 	snop  }
0x6f: {  	[tilespmem:s29], [sflag:$0x1] =	stream.indirect.gather [hbm4b:s1+s12], $0x8, s28, s12, $0xb8;
	[tilespmem:$0x16F80] =	vst v63  }
0x70: {  	_ = 	snop  }
0x71: {  	[tilespmem:s31], [sflag:$0x1] =	stream.indirect.gather [hbm4b:s1+s12], $0x8, s30, s12, $0xb8;
	[tilespmem:$0x16F80] =	vst v63  }
0x72: {  	_ = 	snop  }
0x73: {  	[tilespmem:s3], [sflag:$0x1] =	stream.indirect.gather [hbm4b:s1+s12], $0x8, s0, s12, $0xb8;
	[tilespmem:$0x16F80] =	vst v63  }
0x74: {  	_ =	swait.ge [sflag:s7], $0x400  }
0x75: {  	[sflag:s7] =	ssyncset.done $0x0  }
0x76: {  	[sflag:s7] =	ssyncadd.s32 $0xFFFFFC00  }
0x77: {  	_ =	swait.ge [sflag:s7], $0x400  }
0x78: {  	[sflag:s7] =	ssyncset.done $0x0  }
0x79: {  	[sflag:s7] =	ssyncadd.s32 $0xFFFFFC00  }
0x7a: {  	_ =	swait.ge [sflag:s7], $0x400  }
0x7b: {  	[sflag:s7] =	ssyncset.done $0x0  }
0x7c: {  	[sflag:s7] =	ssyncadd.s32 $0xFFFFFC00  }
0x7d: {  	_ =	swait.ge [sflag:s7], $0x400  }
0x7e: {  	[sflag:s7] =	ssyncset.done $0x0  }
0x7f: {  	[sflag:s7] =	ssyncadd.s32 $0xFFFFFC00  }
0x80: {  	_ =	swait.ge [sflag:s7], $0x400  }
0x81: {  	[sflag:s7] =	ssyncset.done $0x0  }
0x82: {  	[sflag:s7] =	ssyncadd.s32 $0xFFFFFC00  }
0x83: {  	_ =	swait.ge [sflag:s7], $0x400  }
0x84: {  	[sflag:s7] =	ssyncset.done $0x0  }
0x85: {  	[sflag:s7] =	ssyncadd.s32 $0xFFFFFC00  }
0x86: {  	_ =	swait.ge [sflag:s7], $0x400  }
0x87: {  	[sflag:s7] =	ssyncset.done $0x0  }
0x88: {  	[sflag:s7] =	ssyncadd.s32 $0xFFFFFC00  }
0x89: {  	_ =	swait.ge [sflag:s7], $0x400  }
0x8a: {  	[sflag:s7] =	ssyncset.done $0x0  }
0x8b: {  	[sflag:s7] =	ssyncadd.s32 $0xFFFFFC00  }
0x8c: {  	_ =	swait.ge [sflag:s7], $0x400  }
0x8d: {  	[sflag:s7] =	ssyncset.done $0x0  }
0x8e: {  	[sflag:s7] =	ssyncadd.s32 $0xFFFFFC00  }
0x8f: {  	_ =	swait.ge [sflag:s7], $0x400  }
0x90: {  	[sflag:s7] =	ssyncset.done $0x0  }
0x91: {  	s9 =	simm.s32 $0xE;
	[sflag:s7] =	ssyncadd.s32 $0xFFFFFC00  }
.LBB2_7:
0x92: {  	s13 =	sadd.s32 $0xFFFFFFF2, s9  }
0x93: {  	v5 =	vor.u32 s13, v0;
	_ =	sdelay $0x4  }
0x94: {  	v6 =	vshll.u32 v5, $0x3;
	v5 =	vld.idx.msk [tilespmem:v5+s11+$0x0], $0xffff  }
0x95: {  	v6 =	vor.u32 v3, v6;
	_ =	sdelay $0x3  }
0x96: {  	v5 =	vshll.u32 v5, $0x3  }
0x97: {  	v6 =	vld.idx.msk [tilespmem:v6+s14+$0x0], $0xffff;
	v5 =	vor.u32 v3, v5  }
0x98: {  	s15 =	sadd.s32 $0xFFFFFFF4, s9  }
0x99: {  	v7 =	vor.u32 s15, v0;
	_ =	sdelay $0x2  }
0x9a: {  	[tilespmem:v5+s2+$0x0] =	vst.idx.add.f32.msk $0xff, v6  }
0x9b: {  	[tilespmem:v5+s2+$0x0] =	vst.idx.add.f32.msk vm0, v6  }
0x9c: {  	v5 =	vshll.u32 v7, $0x3;
	v6 =	vld.idx.msk [tilespmem:v7+s11+$0x0], $0xffff  }
0x9d: {  	v5 =	vor.u32 v3, v5;
	_ =	sdelay $0x3  }
0x9e: {  	v6 =	vshll.u32 v6, $0x3  }
0x9f: {  	v5 =	vld.idx.msk [tilespmem:v5+s14+$0x0], $0xffff;
	v6 =	vor.u32 v3, v6  }
0xa0: {  	s15 =	sadd.s32 $0xFFFFFFF6, s9  }
0xa1: {  	v7 =	vor.u32 s15, v0;
	_ =	sdelay $0x2  }
0xa2: {  	[tilespmem:v6+s2+$0x0] =	vst.idx.add.f32.msk $0xff, v5  }
0xa3: {  	[tilespmem:v6+s2+$0x0] =	vst.idx.add.f32.msk vm0, v5  }
0xa4: {  	v5 =	vshll.u32 v7, $0x3;
	v6 =	vld.idx.msk [tilespmem:v7+s11+$0x0], $0xffff  }
0xa5: {  	v5 =	vor.u32 v3, v5;
	_ =	sdelay $0x3  }
0xa6: {  	v6 =	vshll.u32 v6, $0x3  }
0xa7: {  	v5 =	vld.idx.msk [tilespmem:v5+s14+$0x0], $0xffff;
	v6 =	vor.u32 v3, v6  }
0xa8: {  	s15 =	sadd.s32 $0xFFFFFFF8, s9  }
0xa9: {  	v7 =	vor.u32 s15, v0;
	_ =	sdelay $0x2  }
0xaa: {  	[tilespmem:v6+s2+$0x0] =	vst.idx.add.f32.msk $0xff, v5  }
0xab: {  	[tilespmem:v6+s2+$0x0] =	vst.idx.add.f32.msk vm0, v5  }
0xac: {  	v5 =	vshll.u32 v7, $0x3;
	v6 =	vld.idx.msk [tilespmem:v7+s11+$0x0], $0xffff  }
0xad: {  	v5 =	vor.u32 v3, v5;
	_ =	sdelay $0x3  }
0xae: {  	v6 =	vshll.u32 v6, $0x3  }
0xaf: {  	v5 =	vld.idx.msk [tilespmem:v5+s14+$0x0], $0xffff;
	v6 =	vor.u32 v3, v6  }
0xb0: {  	s15 =	sadd.s32 $0xFFFFFFFA, s9  }
0xb1: {  	v7 =	vor.u32 s15, v0;
	_ =	sdelay $0x2  }
0xb2: {  	[tilespmem:v6+s2+$0x0] =	vst.idx.add.f32.msk $0xff, v5  }
0xb3: {  	[tilespmem:v6+s2+$0x0] =	vst.idx.add.f32.msk vm0, v5  }
0xb4: {  	v5 =	vshll.u32 v7, $0x3;
	v6 =	vld.idx.msk [tilespmem:v7+s11+$0x0], $0xffff  }
0xb5: {  	v5 =	vor.u32 v3, v5;
	_ =	sdelay $0x3  }
0xb6: {  	v6 =	vshll.u32 v6, $0x3  }
0xb7: {  	v5 =	vld.idx.msk [tilespmem:v5+s14+$0x0], $0xffff;
	v6 =	vor.u32 v3, v6  }
0xb8: {  	s15 =	sadd.s32 $0xFFFFFFFC, s9  }
0xb9: {  	v7 =	vor.u32 s15, v0;
	_ =	sdelay $0x2  }
0xba: {  	[tilespmem:v6+s2+$0x0] =	vst.idx.add.f32.msk $0xff, v5  }
0xbb: {  	[tilespmem:v6+s2+$0x0] =	vst.idx.add.f32.msk vm0, v5  }
0xbc: {  	v5 =	vshll.u32 v7, $0x3;
	v6 =	vld.idx.msk [tilespmem:v7+s11+$0x0], $0xffff  }
0xbd: {  	v5 =	vor.u32 v3, v5;
	_ =	sdelay $0x3  }
0xbe: {  	v6 =	vshll.u32 v6, $0x3  }
0xbf: {  	v5 =	vld.idx.msk [tilespmem:v5+s14+$0x0], $0xffff;
	v6 =	vor.u32 v3, v6  }
0xc0: {  	s15 =	sadd.s32 $0xFFFFFFFE, s9  }
0xc1: {  	v7 =	vor.u32 s15, v0;
	_ =	sdelay $0x2  }
0xc2: {  	[tilespmem:v6+s2+$0x0] =	vst.idx.add.f32.msk $0xff, v5  }
0xc3: {  	[tilespmem:v6+s2+$0x0] =	vst.idx.add.f32.msk vm0, v5  }
0xc4: {  	v5 =	vshll.u32 v7, $0x3;
	v6 =	vld.idx.msk [tilespmem:v7+s11+$0x0], $0xffff  }
0xc5: {  	v5 =	vor.u32 v3, v5;
	_ =	sdelay $0x3  }
0xc6: {  	v6 =	vshll.u32 v6, $0x3  }
0xc7: {  	v5 =	vld.idx.msk [tilespmem:v5+s14+$0x0], $0xffff;
	v6 =	vor.u32 v3, v6;
	_ =	sdelay $0x1  }
0xc8: {  	v7 =	vor.u32 s9, v0;
	_ =	sdelay $0x2  }
0xc9: {  	[tilespmem:v6+s2+$0x0] =	vst.idx.add.f32.msk $0xff, v5  }
0xca: {  	[tilespmem:v6+s2+$0x0] =	vst.idx.add.f32.msk vm0, v5  }
0xcb: {  	v5 =	vshll.u32 v7, $0x3;
	v6 =	vld.idx.msk [tilespmem:v7+s11+$0x0], $0xffff  }
0xcc: {  	v5 =	vor.u32 v3, v5;
	_ =	sdelay $0x3  }
0xcd: {  	v6 =	vshll.u32 v6, $0x3  }
0xce: {  	v5 =	vld.idx.msk [tilespmem:v5+s14+$0x0], $0xffff;
	v6 =	vor.u32 v3, v6  }
0xcf: {  	p0 =	sne.s32 s9, $0x4FE  }
.Ltmp2:
0xd0: {  	_ = 	snop;
	(pc) =	sbr.rel @p0 .LBB2_7-.Ltmp2, $3  }
0xd1: {  	_ =	sdelay $0x1  }
0xd2: {  	[tilespmem:v6+s2+$0x0] =	vst.idx.add.f32.msk $0xff, v5  }
0xd3: {  	s9 =	sadd.s32 $0x10, s9;
	[tilespmem:v6+s2+$0x0] =	vst.idx.add.f32.msk vm0, v5  }
0xd4: {  	s8 =	sadd.s32 $0x1, s8  }
0xd5: {  	p0 =	sne.s32 s8, $0x7D  }
.Ltmp3:
0xd6: {  	_ = 	snop;
	(pc) =	sbr.rel @p0 .LBB2_4-.Ltmp3, $1  }
0xd7: {  	_ =	sdelay $0x3  }
0xd8: {  	s8 =	rddreg [dreg:$0x4];
	s9 =	simm.s32 $0x8  }
0xd9: {  	[hbm4b:s8+s9] =	stream.strided.scatter [tilespmem:s2], [sflag:$0x2], $0x13880, s12, s9, $0x38;
	[tilespmem:$0x16F80] =	vst v63  }
0xda: {  	_ =	swait.ge [sflag:s10], $0x13880  }
0xdb: {  	s16 =	rddreg [dreg:$0x6]  }
0xdc: {  	s17 =	rddreg [dreg:$0x5];
	s9 =	sadd.s32 $0x1, s16  }
0xdd: {  	p0 =	sne.s32 s9, s17  }
.Ltmp4:
0xde: {  	_ = 	snop;
	(pc) =	sbr.rel @p0 .LBB2_1-.Ltmp4, $3  }
0xdf: {  	_ =	sdelay $0x1  }
0xe0: {  	[sflag:s10] =	ssyncset.done $0x0  }
0xe1: {  	[sflag:s10] =	ssyncadd.s32 $0xFFFEC780  }
0xe2: {  	_ =	sfence.sel $0x180000  }
0xe3: {  	[bflag:$0x0] =	sbarrier.arrive $0xFFFF  }
0xe4: {  	_ =	strace $0x90000050  }
0xe5: {  	s0 =	stileid.u32;
	[bflag:$0x2] =	sbarrier.arrive $0xFFFF  }
0xe6: {  	p0 =	sne.s32 s0, $0x0;
	s0 =	rddreg [dreg:$0x3]  }
0xe7: {  	s0 =	sadd.s32 @!p0 $0x100000, s0  }
0xe8: {  	[sflag:s0] =	ssyncadd.tile.s32 @!p0 $0x1;
	_ =	shalt  }
.Lfunc_end2:
_tile_overlayer_lowered:
.L_overlay_start_2:
0xe9: {  	(tag) =	ssettag $0x2  }
0xea: {  	s0 =	rddreg [dreg:$0x0];
	s2 =	stileid.u32  }
0xeb: {  	s1 =	rddreg [dreg:$0x1];
	p0 =	sne.s32 s2, $0x0  }
0xec: {  	s3 =	rddreg [dreg:$0x2];
	[bflag:$0x3] =	sbarrier.arrive $0xFFFF;
	s2 =	simm.s32 @!p0 $0x1C02  }
0xed: {  	[timem:s3], [sflag:s2] =	dma.local @!p0 [hbm:s0], s1  }
0xee: {  	s0 =	simm.s32 @!p0 $0x2  }
0xef: {  	_ =	swait.ge @!p0 [sflag:s0], s1  }
0xf0: {  	s1 =	ssub.s32 @!p0 $0x0, s1;
	[sflag:s0] =	ssyncset.done @!p0 $0x0  }
0xf1: {  	[sflag:s0] =	ssyncadd.s32 @!p0 s1  }
0xf2: {  	[bflag:$0x3] =	sbarrier.arrive $0xFFFF  }
0xf3: {  	_ =	shalt  }

// kernel: kernel.26.cloned.1.call-start
scs
__scs_entry_jumppad:
0x0: {  	(pc) =	sbr.rel $0x88, $3  }
0x1: {  	(tag) =	ssettag $0x0;
	lr =	simm.s32 $0x1  }
0x2: {  	[smem:$0x3F8C] =	sst lr;
	_ =	strace $0xD0000000  }
0x3: {  	_ = 	snop  }
0x4: {  	_ = 	snop  }
0x5: {  	_ = 	snop  }
0x6: {  	_ = 	snop  }
0x7: {  	_ = 	snop  }
__scs_overlays_trampoline_lowered:
0x8: {  	[smem:$0x3F9B] =	sst s0  }
0x9: {  	[smem:$0x3F9C] =	sst s1  }
0xa: {  	[smem:$0x3F9D] =	sst s2  }
0xb: {  	[smem:$0x3F9E] =	sst s3  }
0xc: {  	[smem:$0x3F9F] =	sst s4  }
0xd: {  	[smem:$0x3FA0] =	sst s5  }
0xe: {  	[smem:$0x3FA1] =	sst s6  }
0xf: {  	[smem:$0x3FA2] =	sst s7  }
0x10: {  	[smem:$0x3FA3] =	sst s8  }
0x11: {  	[smem:$0x3FA4] =	sst s9;
	s0 =	simm.s32 @!p0 $0x0  }
0x12: {  	s1 =	sld [smem:$0x3F8A];
	s0 =	simm.s32 @p0 $0x1  }
0x13: {  	[smem:$0x3FA5] =	sst s0;
	s0 =	simm.s32 @!p1 $0x0  }
0x14: {  	s2 =	sld [smem:$0x3F89];
	s0 =	simm.s32 @p1 $0x1  }
0x15: {  	[smem:$0x3FA6] =	sst s0;
	s0 =	simm.s32 @!p2 $0x0  }
0x16: {  	s3 =	sld [smem:$0x3FDB];
	s0 =	simm.s32 @p2 $0x1  }
0x17: {  	s4 =	simm.s32 $0x1BF5;
	[smem:$0x3FA8] =	sst s0  }
0x18: {  	s0 =	sld [smem:$0x3F8B];
	_ =	swait.ge [sflag:s4], $0x0  }
0x19: {  	s7 =	sld [smem:$0x3F8C]  }
0x1a: {  	s8 =	sadd.s32 $0xFFFFE003, lr  }
0x1b: {  	s9 =	sadd.s32 $0xFFFFFEF7, lr;
	s5 =	simm.s32 $0xFFFFFFFF;
	p2 =	slt.u32 s8, $0xFFFFF086  }
0x1c: {  	p1 =	slt.u32 s9, $0xF7A;
	s5 =	simm.s32 @!p2 $0x0  }
0x1d: {  	s5 =	simm.s32 @p1 $0x1;
	p0 =	seq.s32 s7, s2  }
0x1e: {  	s7 =	smul.u32 @!p0 $0xF7A, s2;
	p2 =	seq.s32 @!p0 s5, $0x0  }
0x1f: {  	s9 =	smul.u32 $0xF7A, s1;
	s8 =	simm.s32 @!p0 $0x1BF5;
	p2 =	por !p2, p0  }
0x20: {  	[sflag:s8] =	ssyncset.s32 @!p0 $0xFFFFF086;
	s6 =	sadd.s32 @!p0 s3, s7;
	s7 =	simm.s32 @!p0 $0x108  }
0x21: {  	s3 =	sadd.s32 s3, s9;
	s6 =	sadd.s32 @!p0 $0x88, s6;
	s7 =	simm.s32 @p2 $0x1082  }
0x22: {  	[simem:s7], [sflag:s8] =	dma.local @!p0 [hbm:s6], $0xF7A  }
0x23: {  	s9 =	sor.u32 $0xD0000000, s2;
	s6 =	simm.s32 $0x108;
	_ =	swait.ge @!p0 [sflag:s8], $0x0  }
0x24: {  	s3 =	sadd.s32 $0x88, s3;
	s6 =	simm.s32 @!p1 $0x1082;
	[sflag:s4] =	ssyncset.s32 $0xFFFFF086  }
0x25: {  	[simem:s6], [sflag:s4] =	dma.local [hbm:s3], $0xF7A  }
0x26: {  	[smem:$0x3F8C] =	sst s1;
	(tag) =	ssettag s2;
	_ =	strace s9  }
0x27: {  	s1 =	sld [smem:$0x3F9C]  }
0x28: {  	s2 =	sld [smem:$0x3F9D]  }
0x29: {  	s4 =	sld [smem:$0x3F9F]  }
0x2a: {  	p0 =	seq.s32 s5, $0x0;
	s5 =	sld [smem:$0x3FA0]  }
0x2b: {  	s6 =	sld [smem:$0x3FA1]  }
0x2c: {  	s7 =	sld [smem:$0x3FA2]  }
0x2d: {  	s3 =	simm.s32 $0x108;
	s8 =	sld [smem:$0x3FA3]  }
0x2e: {  	s3 =	simm.s32 @!p0 $0x1082;
	s9 =	sld [smem:$0x3FA4]  }
0x2f: {  	lr =	sadd.s32 s0, s3;
	s0 =	sld [smem:$0x3F9B]  }
0x30: {  	s3 =	sld [smem:$0x3F9E]  }
0x31: {  	[smem:$0x3FA7] =	sst s10  }
0x32: {  	s10 =	sld [smem:$0x3FA5];
	_ =	sdelay $0x3  }
0x33: {  	p0 =	seq.s32 s10, $0x1;
	s10 =	sld [smem:$0x3FA7];
	_ =	sdelay $0x3  }
0x34: {  	[smem:$0x3FA7] =	sst s10  }
0x35: {  	s10 =	sld [smem:$0x3FA6];
	_ =	sdelay $0x3  }
0x36: {  	p1 =	seq.s32 s10, $0x1;
	s10 =	sld [smem:$0x3FA7];
	_ =	sdelay $0x3  }
0x37: {  	[smem:$0x3FA7] =	sst s10  }
0x38: {  	s10 =	sld [smem:$0x3FA8]  }
0x39: {  	_ = 	snop;
	(pc) =	sbr.ind lr, $3  }
0x3a: {  	_ = 	snop  }
0x3b: {  	_ = 	snop  }
0x3c: {  	p2 =	seq.s32 s10, $0x1;
	s10 =	sld [smem:$0x3FA7]  }
0x3d: {  	_ =	shalt  }
0x3e: {  	_ =	shalt  }
0x3f: {  	_ =	shalt  }
0x40: {  	_ =	shalt  }
0x41: {  	_ =	shalt  }
0x42: {  	_ =	shalt  }
0x43: {  	_ =	shalt  }
0x44: {  	_ =	shalt  }
0x45: {  	_ =	shalt  }
0x46: {  	_ =	shalt  }
0x47: {  	_ =	shalt  }
0x48: {  	_ =	shalt  }
0x49: {  	_ =	shalt  }
0x4a: {  	_ =	shalt  }
0x4b: {  	_ =	shalt  }
0x4c: {  	_ =	shalt  }
0x4d: {  	_ =	shalt  }
0x4e: {  	_ =	shalt  }
0x4f: {  	_ =	shalt  }
0x50: {  	_ =	shalt  }
0x51: {  	_ =	shalt  }
0x52: {  	_ =	shalt  }
0x53: {  	_ =	shalt  }
0x54: {  	_ =	shalt  }
0x55: {  	_ =	shalt  }
0x56: {  	_ =	shalt  }
0x57: {  	_ =	shalt  }
0x58: {  	_ =	shalt  }
0x59: {  	_ =	shalt  }
0x5a: {  	_ =	shalt  }
0x5b: {  	_ =	shalt  }
0x5c: {  	_ =	shalt  }
0x5d: {  	_ =	shalt  }
0x5e: {  	_ =	shalt  }
0x5f: {  	_ =	shalt  }
0x60: {  	_ =	shalt  }
0x61: {  	_ =	shalt  }
0x62: {  	_ =	shalt  }
0x63: {  	_ =	shalt  }
0x64: {  	_ =	shalt  }
0x65: {  	_ =	shalt  }
0x66: {  	_ =	shalt  }
0x67: {  	_ =	shalt  }
0x68: {  	_ =	shalt  }
0x69: {  	_ =	shalt  }
0x6a: {  	_ =	shalt  }
0x6b: {  	_ =	shalt  }
0x6c: {  	_ =	shalt  }
0x6d: {  	_ =	shalt  }
0x6e: {  	_ =	shalt  }
0x6f: {  	_ =	shalt  }
0x70: {  	_ =	shalt  }
0x71: {  	_ =	shalt  }
0x72: {  	_ =	shalt  }
0x73: {  	_ =	shalt  }
0x74: {  	_ =	shalt  }
0x75: {  	_ =	shalt  }
0x76: {  	_ =	shalt  }
0x77: {  	_ =	shalt  }
0x78: {  	_ =	shalt  }
0x79: {  	_ =	shalt  }
0x7a: {  	_ =	shalt  }
0x7b: {  	_ =	shalt  }
0x7c: {  	_ =	shalt  }
0x7d: {  	_ =	shalt  }
0x7e: {  	_ =	shalt  }
0x7f: {  	_ =	shalt  }
0x80: {  	_ =	shalt  }
0x81: {  	_ =	shalt  }
0x82: {  	_ =	shalt  }
0x83: {  	_ =	shalt  }
0x84: {  	_ =	shalt  }
0x85: {  	_ =	shalt  }
0x86: {  	_ =	shalt  }
0x87: {  	_ =	shalt  }
.Lfunc_end0:
.L_simem_size_0:
called_computation.4_lowered:
.L_overlay_start_0:
0x88: {  	s2 =	sld [smem:$0x3FD9]  }
0x89: {  	s3 =	sld [smem:$0x3FFE];
	_ =	sdelay $0x1  }
0x8a: {  	s1 =	srdreg.scid  }
0x8b: {  	s0 =	sand.u32 $0x1, s1  }
0x8c: {  	s14 =	sshll.u32 s0, $0xA;
	s2 =	sadd.s32 s3, s2  }
0x8d: {  	s2 =	sadd.s32 s2, s14  }
0x8e: {  	[smem:$0x3FB3] =	sst s2  }
0x8f: {  	_ = 	snop  }
0x90: {  	s2 =	sld [smem:$0x3FD0];
	_ =	sdelay $0x2  }
0x91: {  	s15 =	simm.s32 $0xA;
	s4 =	simm.s32 $0x10  }
0x92: {  	[smem:s4], [sflag:s15] =	dma.local [hbm:s2], $0x1  }
0x93: {  	_ =	swait.eq [sflag:s15], $0x1  }
0x94: {  	[sflag:s15] =	ssyncset.done $0x0  }
0x95: {  	s16 =	sld [smem:$0x10];
	[sflag:s15] =	ssyncadd.s32 $0xFFFFFFFF  }
0x96: {  	s17 =	sld [smem:$0x11];
	(tm) =	ssettm $0x1  }
0x97: {  	s18 =	sld [smem:$0x3FFB];
	_ =	sdelay $0x3  }
0x98: {  	_ =	strace s18  }
0x99: {  	s4 =	sld [smem:$0x3FFC];
	_ =	sdelay $0x3  }
0x9a: {  	_ =	strace s4  }
0x9b: {  	s4 =	sld [smem:$0x3FFD];
	_ =	sdelay $0x3  }
0x9c: {  	_ =	strace s4  }
0x9d: {  	_ =	strace $0x8FFFFFFF  }
0x9e: {  	s19 =	sld [smem:$0x3FDB];
	_ =	sdelay $0x1  }
0x9f: {  	s5 =	simm.s32 $_scs_section_size  }
0xa0: {  	s6 =	simm.s32 $_size__tile_overlayer_lowered;
	s7 =	simm.s32 $_tile_overlayer_lowered  }
0xa1: {  	s22 =	simm.s32 $0x1BFF;
	s21 =	sshll.u32 s7, $0x1;
	s4 =	sadd.s32 s5, s19  }
0xa2: {  	s8 =	simm.s32 $0x0;
	s20 =	sshll.u32 s6, $0x1;
	s6 =	sadd.s32 s21, s4  }
0xa3: {  	[timem:s8], [sflag:s22] =	dma.local [hbm:s6], s20  }
0xa4: {  	_ =	swait.ge [sflag:s22], s20  }
0xa5: {  	s5 =	ssub.s32 $0x0, s20;
	[sflag:s22] =	ssyncset.done $0x0  }
0xa6: {  	[sflag:s22] =	ssyncadd.s32 s5;
	_ =	sdelay $0x1  }
0xa7: {  	s23 =	simm.s32 $0x1B8B  }
0xa8: {  	_ =	swait.ge [sflag:s23], $0x1  }
0xa9: {  	[sflag:s23] =	ssyncset.done $0x0  }
0xaa: {  	s25 =	simm.s32 $0x1B8E;
	s24 =	sld [smem:$0x3FFE];
	[sflag:s23] =	ssyncadd.s32 $0xFFFFFFFF  }
0xab: {  	s26 =	simm.s32 $execute0_lowered;
	[smem:$0x3FD2] =	sst s25  }
0xac: {  	s6 =	sshll.u32 s26, $0x1;
	_ =	strace $0x80000052;
	[dreg:$0x1] =	wrdreg $0xFFFFFFFF  }
0xad: {  	s28 =	simm.s32 $_size_execute0_lowered;
	s4 =	sadd.s32 s4, s6;
	[dreg:$0x0] =	wrdreg $0x0  }
0xae: {  	s6 =	sshll.u32 s28, $0x1;
	[dreg:$0x2] =	wrdreg s4  }
0xaf: {  	[dreg:$0x3] =	wrdreg s6  }
0xb0: {  	[dreg:$0x4] =	wrdreg $0xC0  }
0xb1: {  	_ =	task [dreg:s8], $0x5FFFF  }
0xb2: {  	[dreg:$0x1] =	wrdreg $0xFFFFFFFF  }
0xb3: {  	[dreg:$0x0] =	wrdreg $0x60  }
0xb4: {  	[dreg:$0x2] =	wrdreg s17  }
0xb5: {  	[dreg:$0x3] =	wrdreg s24  }
0xb6: {  	[dreg:$0x4] =	wrdreg s16  }
0xb7: {  	[dreg:$0x5] =	wrdreg $0x9  }
0xb8: {  	_ =	task.clear_ibuf [dreg:s8], $0x6FFFF;
	_ =	strace $0x90000052  }
0xb9: {  	s29 =	simm.s32 $0x9;
	_ =	strace $0x80000054  }
0xba: {  	_ =	swait.ge [sflag:s29], $0x1  }
0xbb: {  	[sflag:s29] =	ssyncadd.s32 $0xFFFFFFFF  }
0xbc: {  	_ =	strace $0x90000054  }
0xbd: {  	_ =	sfence  }
0xbe: {  	s30 =	sld [smem:$0x0];
	_ =	sdelay $0x2  }
0xbf: {  	s31 =	sshll.u32 s1, $0xD;
	s1 =	sshrl.u32 s1, $0x2  }
0xc0: {  	s3 =	sand.u32 $0x4000, s31;
	s1 =	sadd.s32 s1, s30  }
0xc1: {  	s0 =	sor.u32 s3, s0;
	s1 =	sshll.u32 s1, $0x11  }
0xc2: {  	s0 =	sor.u32 s1, s0  }
0xc3: {  	s0 =	sadd.s32 $0x8F2B, s0  }
0xc4: {  	[sflag:s0] =	ssyncadd.remote.s32 $0x1  }
0xc5: {  	_ =	sfence.sel $0xFFFF  }
0xc6: {  	[dreg:$0x0] =	wrdreg $0xFFFFFFFF;
	(pc) =	sbr.abs _section_cstart, $3  }
0xc7: {  	[dreg:$0x1] =	wrdreg $0xFFFFFFFF  }
0xc8: {  	_ =	task.clear_ibuf [dreg:s8], $0x2FFFF;
	_ =	strace $0x9FFFFFFF  }
0xc9: {  	(tm) =	ssettm $0x7FFFFFFF  }
tec
execute0_lowered:
.L_overlay_start_1:
0x0: {  	(tag) =	ssettag $0x1  }
0x1: {  	s1 =	rddreg [dreg:$0x0]  }
0x2: {  	s0 =	rddreg [dreg:$0x1]  }
0x3: {  	s3 =	rddreg [dreg:$0x2];
	s2 =	simm.s32 $0x0;
	s4 =	srdreg.scid  }
0x4: {  	s8 =	stileid.u32;
	s10 =	simm.s32 $0x2;
	s11 =	simm.s32 $0x13D80  }
0x5: {  	s12 =	simm.s32 $0x80;
	s14 =	simm.s32 $0x14780;
	s18 =	simm.s32 $0x14F80  }
0x6: {  	s19 =	simm.s32 $0x14400;
	s20 =	simm.s32 $0x15380;
	s21 =	simm.s32 $0x14480  }
0x7: {  	s22 =	simm.s32 $0x15780;
	s23 =	simm.s32 $0x14500;
	s24 =	simm.s32 $0x15B80  }
0x8: {  	s28 =	simm.s32 $0x14600;
	s29 =	simm.s32 $0x16380;
	s30 =	simm.s32 $0x14680  }
0x9: {  	s31 =	simm.s32 $0x16780;
	s9 =	simm.s32 $0x0;
	s4 =	sand.u32 $0x1, s4  }
0xa: {  	[smem:$0x7FF] =	sst s2;
	s5 =	sadd.s32 $0x6400, s0;
	s6 =	ssub.s32 $0x2, s4  }
0xb: {  	s3 =	sadd.s32 s3, s8;
	s4 =	smul.u32 $0x27100, s4;
	s7 =	sshrl.u32 s6, $0x1  }
0xc: {  	_ =	strace $0x80000053;
	s7 =	ssub.s32 s6, s7;
	s6 =	sadd.s32 $0x10200, s0  }
0xd: {  	v3 =	vlaneseq.u32;
	s25 =	sadd.s32 s4, s3;
	s0 =	simm.s32 $0x14700;
	s3 =	simm.s32 $0x16B80  }
0xe: {  	v4 =	vimm.f32 $0.0e+00;
	vm0 =	vcmask $0x3F20;
	v0 =	vshrl.u32 v3, $0x3;
	[dreg:$0x4] =	wrdreg s25;
	s26 =	smax.u32 s7, $0x1;
	s25 =	simm.s32 $0x14580  }
0xf: {  	v1 =	vmov s8;
	v3 =	vand.u32 $0x7, v3;
	v2 =	vmul.u32 $0x8, v0;
	s7 =	simm.s32 $0x1;
	[dreg:$0x5] =	wrdreg s26;
	s26 =	simm.s32 $0x15F80  }
.LBB2_1:
0x10: {  	s8 =	simm.s32 $0x0  }
0x11: {  	s13 =	simm.s32 $0x2;
	s15 =	simm.s32 $0x4;
	v5 =	vmov s8  }
0x12: {  	v6 =	vmov s13;
	v7 =	vmov s15;
	s13 =	simm.s32 $0x6;
	v5 =	vshll.u32 v5, $0x3  }
0x13: {  	v6 =	vshll.u32 v6, $0x3;
	v7 =	vshll.u32 v7, $0x3;
	v9 =	vmov s13  }
0x14: {  	[dreg:$0x6] =	wrdreg s9;
	s9 =	simm.s32 $0xC;
	s13 =	simm.s32 $0xE;
	v5 =	vor.u32 v2, v5;
	v6 =	vor.u32 v2, v6;
	v8 =	vor.u32 v2, v7  }
0x15: {  	s16 =	simm.s32 $0x8;
	v7 =	vmov s9;
	v9 =	vshll.u32 v9, $0x3;
	v13 =	vmov s13  }
0x16: {  	s17 =	simm.s32 $0xA;
	v10 =	vor.u32 v3, v5;
	v14 =	vor.u32 v3, v6;
	v5 =	vmov s16  }
0x17: {  	v6 =	vmov s17;
	v7 =	vshll.u32 v7, $0x3;
	v8 =	vor.u32 v3, v8  }
0x18: {  	s16 =	simm.s32 $0x12;
	v9 =	vor.u32 v2, v9;
	v5 =	vshll.u32 v5, $0x3;
	v6 =	vshll.u32 v6, $0x3  }
0x19: {  	s15 =	simm.s32 $0x10;
	v12 =	vmov s16;
	v5 =	vor.u32 v2, v5;
	v11 =	vor.u32 v2, v6  }
0x1a: {  	v6 =	vor.u32 v3, v5;
	v5 =	vor.u32 v3, v11;
	v11 =	vmov s15  }
0x1b: {  	s17 =	simm.s32 $0x14;
	v7 =	vor.u32 v2, v7;
	v12 =	vshll.u32 v12, $0x3;
	v11 =	vshll.u32 v11, $0x3  }
0x1c: {  	v15 =	vmov s17;
	v12 =	vor.u32 v2, v12;
	v16 =	vor.u32 v2, v11  }
0x1d: {  	v15 =	vshll.u32 v15, $0x3;
	v11 =	vor.u32 v3, v9;
	[tilespmem:v10+s2+$0x0] =	vst.idx.msk $0xffff, v4;
	v10 =	vor.u32 v3, v12  }
0x1e: {  	s8 =	simm.s32 $0x8;
	s13 =	simm.s32 $0x16;
	s9 =	simm.s32 $0x1E;
	v13 =	vshll.u32 v13, $0x3;
	v12 =	vor.u32 v2, v15;
	v9 =	vor.u32 v3, v16;
	[tilespmem:v14+s2+$0x0] =	vst.idx.msk $0xffff, v4  }
.LBB2_2:
0x1f: {  	s15 =	sadd.s32 $0xFFFFFFFA, s9;
	s8 =	sadd.s32 $0x4, s8  }
0x20: {  	s16 =	sadd.s32 $0xFFFFFFFC, s9;
	s17 =	sadd.s32 $0xFFFFFFFE, s9;
	v14 =	vmov s13;
	v13 =	vor.u32 v2, v13;
	[tilespmem:v8+s2+$0x0] =	vst.idx.msk $0xffff, v4;
	v8 =	vor.u32 v3, v7;
	v7 =	vmovc v12;
	p0 =	slt.u32 s8, $0x1384  }
.Ltmp0:
0x21: {  	s13 =	smov.u32 s9;
	v12 =	vmov s15;
	v15 =	vmov s16;
	v16 =	vmov s17;
	(pc) =	sbr.rel @p0 .LBB2_2-.Ltmp0, $4  }
0x22: {  	v12 =	vshll.u32 v12, $0x3;
	v15 =	vshll.u32 v15, $0x3;
	v16 =	vshll.u32 v16, $0x3;
	[tilespmem:v11+s2+$0x0] =	vst.idx.msk $0xffff, v4  }
0x23: {  	v11 =	vor.u32 v3, v13;
	v12 =	vor.u32 v2, v12;
	v15 =	vor.u32 v2, v15  }
0x24: {  	v15 =	vor.u32 v3, v15;
	[tilespmem:v6+s2+$0x0] =	vst.idx.msk $0xffff, v4;
	v6 =	vmov v9;
	v9 =	vor.u32 v3, v12  }
0x25: {  	s9 =	sadd.s32 $0x8, s9;
	v13 =	vshll.u32 v14, $0x3;
	v12 =	vor.u32 v2, v16;
	[tilespmem:v5+s2+$0x0] =	vst.idx.msk $0xffff, v4;
	v5 =	vmovc v10;
	v10 =	vmov v15  }
0x26: {  	_ =	sdelay $0x2  }
0x27: {  	v7 =	vor.u32 v3, v7;
	v13 =	vor.u32 v2, v13  }
0x28: {  	[tilespmem:v8+s2+$0x0] =	vst.idx.msk $0xffff, v4;
	v62 =	vor.u32 v3, v13  }
0x29: {  	v63 =	vmov s13;
	[tilespmem:v11+s2+$0x0] =	vst.idx.msk $0xffff, v4  }
0x2a: {  	[tilespmem:v6+s2+$0x0] =	vst.idx.msk $0xffff, v4;
	v6 =	vshll.u32 v63, $0x3  }
0x2b: {  	[tilespmem:v5+s2+$0x0] =	vst.idx.msk $0xffff, v4;
	v5 =	vor.u32 v3, v12;
	v6 =	vor.u32 v2, v6  }
0x2c: {  	v6 =	vor.u32 v3, v6;
	[tilespmem:v7+s2+$0x0] =	vst.idx.msk $0xffff, v4  }
0x2d: {  	[tilespmem:v62+s2+$0x0] =	vst.idx.msk $0xffff, v4  }
0x2e: {  	[tilespmem:v9+s2+$0x0] =	vst.idx.msk $0xffff, v4  }
0x2f: {  	[tilespmem:v10+s2+$0x0] =	vst.idx.msk $0xffff, v4  }
0x30: {  	[tilespmem:v5+s2+$0x0] =	vst.idx.msk $0xffff, v4  }
0x31: {  	s8 =	simm.s32 $0x0;
	s16 =	simm.s32 $0x13880;
	s17 =	simm.s32 $0x14280;
	[tilespmem:v6+s2+$0x0] =	vst.idx.msk $0xffff, v4  }
.LBB2_4:
0x32: {  	s9 =	smul.u32 $0x500, s8;
	_ =	sdelay $0x1  }
0x33: {  	s9 =	sadd.s32 s4, s9  }
0x34: {  	s9 =	sshrl.u32 s9, $0x3  }
0x35: {  	s13 =	sadd.s32 s5, s9  }
0x36: {  	[tilespmem:s16], [sflag:$0x2] =	stream.linear.gather [hbm4b:s13+s2], $0x500, $0x38;
	[tilespmem:$0x16F80] =	vst v63  }
0x37: {  	_ =	swait.ge [sflag:s10], $0x500  }
0x38: {  	[sflag:s10] =	ssyncset.done $0x0  }
0x39: {  	s9 =	sadd.s32 s6, s9;
	[sflag:s10] =	ssyncadd.s32 $0xFFFFFB00  }
0x3a: {  	[tilespmem:s11], [sflag:$0x2] =	stream.linear.gather [hbm4b:s9+s2], $0x500, $0x38;
	[tilespmem:$0x16F80] =	vst v63  }
0x3b: {  	_ =	swait.ge [sflag:s10], $0x500  }
0x3c: {  	[sflag:s10] =	ssyncset.done $0x0  }
0x3d: {  	s15 =	simm.s32 $0x138A0;
	[sflag:s10] =	ssyncadd.s32 $0xFFFFFB00  }
0x3e: {  	v5 =	vld [tilespmem:s15+$0xFFFFFFE0];
	_ =	sdelay $0x4  }
0x3f: {  	v5 =	vshll.u32 v5, $0x4  }
0x40: {  	s9 =	simm.s32 $0x142A0;
	v5 =	vor.u32 v1, v5  }
0x41: {  	[tilespmem:s9+$0xFFFFFFE0] =	vst v5  }
0x42: {  	v5 =	vld [tilespmem:s15+$0xFFFFFFF0];
	_ =	sdelay $0x4  }
0x43: {  	v5 =	vshll.u32 v5, $0x4  }
0x44: {  	v5 =	vor.u32 v1, v5  }
0x45: {  	[tilespmem:s9+$0xFFFFFFF0] =	vst v5  }
0x46: {  	v5 =	vld [tilespmem:s15+$0x0];
	_ =	sdelay $0x4  }
0x47: {  	v5 =	vshll.u32 v5, $0x4  }
0x48: {  	v5 =	vor.u32 v1, v5  }
0x49: {  	[tilespmem:s9+$0x0] =	vst v5  }
0x4a: {  	v5 =	vld [tilespmem:s15+$0x10];
	_ =	sdelay $0x4  }
0x4b: {  	v5 =	vshll.u32 v5, $0x4  }
0x4c: {  	v5 =	vor.u32 v1, v5  }
0x4d: {  	s13 =	simm.s32 $0x0;
	s15 =	simm.s32 $0x138E0;
	[tilespmem:s9+$0x10] =	vst v5  }
.LBB2_5:
0x4e: {  	v5 =	vld [tilespmem:s15+$0xFFFFFFE0];
	s13 =	sadd.s32 $0x4, s13  }
0x4f: {  	p0 =	slt.u32 s13, $0x4C;
	_ =	sdelay $0x3  }
0x50: {  	v5 =	vshll.u32 v5, $0x4  }
0x51: {  	s9 =	sadd.s32 $0x40, s9;
	v5 =	vor.u32 v1, v5  }
0x52: {  	[tilespmem:s9+$0xFFFFFFE0] =	vst v5  }
0x53: {  	v5 =	vld [tilespmem:s15+$0xFFFFFFF0];
	_ =	sdelay $0x4  }
0x54: {  	v5 =	vshll.u32 v5, $0x4  }
0x55: {  	v5 =	vor.u32 v1, v5  }
0x56: {  	[tilespmem:s9+$0xFFFFFFF0] =	vst v5  }
0x57: {  	v5 =	vld [tilespmem:s15+$0x0];
	_ =	sdelay $0x4  }
0x58: {  	v5 =	vshll.u32 v5, $0x4  }
0x59: {  	v5 =	vor.u32 v1, v5  }
0x5a: {  	[tilespmem:s9+$0x0] =	vst v5  }
0x5b: {  	v5 =	vld [tilespmem:s15+$0x10];
	_ =	sdelay $0x2  }
.Ltmp1:
0x5c: {  	(pc) =	sbr.rel @p0 .LBB2_5-.Ltmp1, $4  }
0x5d: {  	_ = 	snop  }
0x5e: {  	v5 =	vshll.u32 v5, $0x4  }
0x5f: {  	v5 =	vor.u32 v1, v5  }
0x60: {  	s15 =	sadd.s32 $0x40, s15;
	[tilespmem:s9+$0x10] =	vst v5  }
0x61: {  	[tilespmem:s14], [sflag:$0x1] =	stream.indirect.gather [hbm4b:s1+s12], $0x8, s17, s12, $0xb8;
	[tilespmem:$0x16F80] =	vst v63  }
0x62: {  	s9 =	simm.s32 $0x14300;
	s13 =	simm.s32 $0x14B80  }
0x63: {  	[tilespmem:s13], [sflag:$0x1] =	stream.indirect.gather [hbm4b:s1+s12], $0x8, s9, s12, $0xb8;
	[tilespmem:$0x16F80] =	vst v63  }
0x64: {  	s15 =	simm.s32 $0x14380  }
0x65: {  	[tilespmem:s18], [sflag:$0x1] =	stream.indirect.gather [hbm4b:s1+s12], $0x8, s15, s12, $0xb8;
	[tilespmem:$0x16F80] =	vst v63  }
0x66: {  	_ = 	snop  }
0x67: {  	[tilespmem:s20], [sflag:$0x1] =	stream.indirect.gather [hbm4b:s1+s12], $0x8, s19, s12, $0xb8;
	[tilespmem:$0x16F80] =	vst v63  }
0x68: {  	_ = 	snop  }
0x69: {  	[tilespmem:s22], [sflag:$0x1] =	stream.indirect.gather [hbm4b:s1+s12], $0x8, s21, s12, $0xb8;
	[tilespmem:$0x16F80] =	vst v63  }
0x6a: {  	_ = 	snop  }
0x6b: {  	[tilespmem:s24], [sflag:$0x1] =	stream.indirect.gather [hbm4b:s1+s12], $0x8, s23, s12, $0xb8;
	[tilespmem:$0x16F80] =	vst v63  }
0x6c: {  	_ = 	snop  }
0x6d: {  	[tilespmem:s26], [sflag:$0x1] =	stream.indirect.gather [hbm4b:s1+s12], $0x8, s25, s12, $0xb8;
	[tilespmem:$0x16F80] =	vst v63  }
0x6e: {  	_ = 	snop  }
0x6f: {  	[tilespmem:s29], [sflag:$0x1] =	stream.indirect.gather [hbm4b:s1+s12], $0x8, s28, s12, $0xb8;
	[tilespmem:$0x16F80] =	vst v63  }
0x70: {  	_ = 	snop  }
0x71: {  	[tilespmem:s31], [sflag:$0x1] =	stream.indirect.gather [hbm4b:s1+s12], $0x8, s30, s12, $0xb8;
	[tilespmem:$0x16F80] =	vst v63  }
0x72: {  	_ = 	snop  }
0x73: {  	[tilespmem:s3], [sflag:$0x1] =	stream.indirect.gather [hbm4b:s1+s12], $0x8, s0, s12, $0xb8;
	[tilespmem:$0x16F80] =	vst v63  }
0x74: {  	_ =	swait.ge [sflag:s7], $0x400  }
0x75: {  	[sflag:s7] =	ssyncset.done $0x0  }
0x76: {  	[sflag:s7] =	ssyncadd.s32 $0xFFFFFC00  }
0x77: {  	_ =	swait.ge [sflag:s7], $0x400  }
0x78: {  	[sflag:s7] =	ssyncset.done $0x0  }
0x79: {  	[sflag:s7] =	ssyncadd.s32 $0xFFFFFC00  }
0x7a: {  	_ =	swait.ge [sflag:s7], $0x400  }
0x7b: {  	[sflag:s7] =	ssyncset.done $0x0  }
0x7c: {  	[sflag:s7] =	ssyncadd.s32 $0xFFFFFC00  }
0x7d: {  	_ =	swait.ge [sflag:s7], $0x400  }
0x7e: {  	[sflag:s7] =	ssyncset.done $0x0  }
0x7f: {  	[sflag:s7] =	ssyncadd.s32 $0xFFFFFC00  }
0x80: {  	_ =	swait.ge [sflag:s7], $0x400  }
0x81: {  	[sflag:s7] =	ssyncset.done $0x0  }
0x82: {  	[sflag:s7] =	ssyncadd.s32 $0xFFFFFC00  }
0x83: {  	_ =	swait.ge [sflag:s7], $0x400  }
0x84: {  	[sflag:s7] =	ssyncset.done $0x0  }
0x85: {  	[sflag:s7] =	ssyncadd.s32 $0xFFFFFC00  }
0x86: {  	_ =	swait.ge [sflag:s7], $0x400  }
0x87: {  	[sflag:s7] =	ssyncset.done $0x0  }
0x88: {  	[sflag:s7] =	ssyncadd.s32 $0xFFFFFC00  }
0x89: {  	_ =	swait.ge [sflag:s7], $0x400  }
0x8a: {  	[sflag:s7] =	ssyncset.done $0x0  }
0x8b: {  	[sflag:s7] =	ssyncadd.s32 $0xFFFFFC00  }
0x8c: {  	_ =	swait.ge [sflag:s7], $0x400  }
0x8d: {  	[sflag:s7] =	ssyncset.done $0x0  }
0x8e: {  	[sflag:s7] =	ssyncadd.s32 $0xFFFFFC00  }
0x8f: {  	_ =	swait.ge [sflag:s7], $0x400  }
0x90: {  	[sflag:s7] =	ssyncset.done $0x0  }
0x91: {  	s9 =	simm.s32 $0xE;
	[sflag:s7] =	ssyncadd.s32 $0xFFFFFC00  }
.LBB2_7:
0x92: {  	s13 =	sadd.s32 $0xFFFFFFF2, s9  }
0x93: {  	v5 =	vor.u32 s13, v0;
	_ =	sdelay $0x4  }
0x94: {  	v6 =	vshll.u32 v5, $0x3;
	v5 =	vld.idx.msk [tilespmem:v5+s11+$0x0], $0xffff  }
0x95: {  	v6 =	vor.u32 v3, v6;
	_ =	sdelay $0x3  }
0x96: {  	v5 =	vshll.u32 v5, $0x3  }
0x97: {  	v6 =	vld.idx.msk [tilespmem:v6+s14+$0x0], $0xffff;
	v5 =	vor.u32 v3, v5  }
0x98: {  	s15 =	sadd.s32 $0xFFFFFFF4, s9  }
0x99: {  	v7 =	vor.u32 s15, v0;
	_ =	sdelay $0x2  }
0x9a: {  	[tilespmem:v5+s2+$0x0] =	vst.idx.add.f32.msk $0xff, v6  }
0x9b: {  	[tilespmem:v5+s2+$0x0] =	vst.idx.add.f32.msk vm0, v6  }
0x9c: {  	v5 =	vshll.u32 v7, $0x3;
	v6 =	vld.idx.msk [tilespmem:v7+s11+$0x0], $0xffff  }
0x9d: {  	v5 =	vor.u32 v3, v5;
	_ =	sdelay $0x3  }
0x9e: {  	v6 =	vshll.u32 v6, $0x3  }
0x9f: {  	v5 =	vld.idx.msk [tilespmem:v5+s14+$0x0], $0xffff;
	v6 =	vor.u32 v3, v6  }
0xa0: {  	s15 =	sadd.s32 $0xFFFFFFF6, s9  }
0xa1: {  	v7 =	vor.u32 s15, v0;
	_ =	sdelay $0x2  }
0xa2: {  	[tilespmem:v6+s2+$0x0] =	vst.idx.add.f32.msk $0xff, v5  }
0xa3: {  	[tilespmem:v6+s2+$0x0] =	vst.idx.add.f32.msk vm0, v5  }
0xa4: {  	v5 =	vshll.u32 v7, $0x3;
	v6 =	vld.idx.msk [tilespmem:v7+s11+$0x0], $0xffff  }
0xa5: {  	v5 =	vor.u32 v3, v5;
	_ =	sdelay $0x3  }
0xa6: {  	v6 =	vshll.u32 v6, $0x3  }
0xa7: {  	v5 =	vld.idx.msk [tilespmem:v5+s14+$0x0], $0xffff;
	v6 =	vor.u32 v3, v6  }
0xa8: {  	s15 =	sadd.s32 $0xFFFFFFF8, s9  }
0xa9: {  	v7 =	vor.u32 s15, v0;
	_ =	sdelay $0x2  }
0xaa: {  	[tilespmem:v6+s2+$0x0] =	vst.idx.add.f32.msk $0xff, v5  }
0xab: {  	[tilespmem:v6+s2+$0x0] =	vst.idx.add.f32.msk vm0, v5  }
0xac: {  	v5 =	vshll.u32 v7, $0x3;
	v6 =	vld.idx.msk [tilespmem:v7+s11+$0x0], $0xffff  }
0xad: {  	v5 =	vor.u32 v3, v5;
	_ =	sdelay $0x3  }
0xae: {  	v6 =	vshll.u32 v6, $0x3  }
0xaf: {  	v5 =	vld.idx.msk [tilespmem:v5+s14+$0x0], $0xffff;
	v6 =	vor.u32 v3, v6  }
0xb0: {  	s15 =	sadd.s32 $0xFFFFFFFA, s9  }
0xb1: {  	v7 =	vor.u32 s15, v0;
	_ =	sdelay $0x2  }
0xb2: {  	[tilespmem:v6+s2+$0x0] =	vst.idx.add.f32.msk $0xff, v5  }
0xb3: {  	[tilespmem:v6+s2+$0x0] =	vst.idx.add.f32.msk vm0, v5  }
0xb4: {  	v5 =	vshll.u32 v7, $0x3;
	v6 =	vld.idx.msk [tilespmem:v7+s11+$0x0], $0xffff  }
0xb5: {  	v5 =	vor.u32 v3, v5;
	_ =	sdelay $0x3  }
0xb6: {  	v6 =	vshll.u32 v6, $0x3  }
0xb7: {  	v5 =	vld.idx.msk [tilespmem:v5+s14+$0x0], $0xffff;
	v6 =	vor.u32 v3, v6  }
0xb8: {  	s15 =	sadd.s32 $0xFFFFFFFC, s9  }
0xb9: {  	v7 =	vor.u32 s15, v0;
	_ =	sdelay $0x2  }
0xba: {  	[tilespmem:v6+s2+$0x0] =	vst.idx.add.f32.msk $0xff, v5  }
0xbb: {  	[tilespmem:v6+s2+$0x0] =	vst.idx.add.f32.msk vm0, v5  }
0xbc: {  	v5 =	vshll.u32 v7, $0x3;
	v6 =	vld.idx.msk [tilespmem:v7+s11+$0x0], $0xffff  }
0xbd: {  	v5 =	vor.u32 v3, v5;
	_ =	sdelay $0x3  }
0xbe: {  	v6 =	vshll.u32 v6, $0x3  }
0xbf: {  	v5 =	vld.idx.msk [tilespmem:v5+s14+$0x0], $0xffff;
	v6 =	vor.u32 v3, v6  }
0xc0: {  	s15 =	sadd.s32 $0xFFFFFFFE, s9  }
0xc1: {  	v7 =	vor.u32 s15, v0;
	_ =	sdelay $0x2  }
0xc2: {  	[tilespmem:v6+s2+$0x0] =	vst.idx.add.f32.msk $0xff, v5  }
0xc3: {  	[tilespmem:v6+s2+$0x0] =	vst.idx.add.f32.msk vm0, v5  }
0xc4: {  	v5 =	vshll.u32 v7, $0x3;
	v6 =	vld.idx.msk [tilespmem:v7+s11+$0x0], $0xffff  }
0xc5: {  	v5 =	vor.u32 v3, v5;
	_ =	sdelay $0x3  }
0xc6: {  	v6 =	vshll.u32 v6, $0x3  }
0xc7: {  	v5 =	vld.idx.msk [tilespmem:v5+s14+$0x0], $0xffff;
	v6 =	vor.u32 v3, v6;
	_ =	sdelay $0x1  }
0xc8: {  	v7 =	vor.u32 s9, v0;
	_ =	sdelay $0x2  }
0xc9: {  	[tilespmem:v6+s2+$0x0] =	vst.idx.add.f32.msk $0xff, v5  }
0xca: {  	[tilespmem:v6+s2+$0x0] =	vst.idx.add.f32.msk vm0, v5  }
0xcb: {  	v5 =	vshll.u32 v7, $0x3;
	v6 =	vld.idx.msk [tilespmem:v7+s11+$0x0], $0xffff  }
0xcc: {  	v5 =	vor.u32 v3, v5;
	_ =	sdelay $0x3  }
0xcd: {  	v6 =	vshll.u32 v6, $0x3  }
0xce: {  	v5 =	vld.idx.msk [tilespmem:v5+s14+$0x0], $0xffff;
	v6 =	vor.u32 v3, v6  }
0xcf: {  	p0 =	sne.s32 s9, $0x4FE  }
.Ltmp2:
0xd0: {  	_ = 	snop;
	(pc) =	sbr.rel @p0 .LBB2_7-.Ltmp2, $3  }
0xd1: {  	_ =	sdelay $0x1  }
0xd2: {  	[tilespmem:v6+s2+$0x0] =	vst.idx.add.f32.msk $0xff, v5  }
0xd3: {  	s9 =	sadd.s32 $0x10, s9;
	[tilespmem:v6+s2+$0x0] =	vst.idx.add.f32.msk vm0, v5  }
0xd4: {  	s8 =	sadd.s32 $0x1, s8  }
0xd5: {  	p0 =	sne.s32 s8, $0x7D  }
.Ltmp3:
0xd6: {  	_ = 	snop;
	(pc) =	sbr.rel @p0 .LBB2_4-.Ltmp3, $1  }
0xd7: {  	_ =	sdelay $0x3  }
0xd8: {  	s8 =	rddreg [dreg:$0x4];
	s9 =	simm.s32 $0x8  }
0xd9: {  	[hbm4b:s8+s9] =	stream.strided.scatter [tilespmem:s2], [sflag:$0x2], $0x13880, s12, s9, $0x38;
	[tilespmem:$0x16F80] =	vst v63  }
0xda: {  	_ =	swait.ge [sflag:s10], $0x13880  }
0xdb: {  	s16 =	rddreg [dreg:$0x6]  }
0xdc: {  	s17 =	rddreg [dreg:$0x5];
	s9 =	sadd.s32 $0x1, s16  }
0xdd: {  	p0 =	sne.s32 s9, s17  }
.Ltmp4:
0xde: {  	_ = 	snop;
	(pc) =	sbr.rel @p0 .LBB2_1-.Ltmp4, $3  }
0xdf: {  	_ =	sdelay $0x1  }
0xe0: {  	[sflag:s10] =	ssyncset.done $0x0  }
0xe1: {  	[sflag:s10] =	ssyncadd.s32 $0xFFFEC780  }
0xe2: {  	_ =	sfence.sel $0x180000  }
0xe3: {  	[bflag:$0x0] =	sbarrier.arrive $0xFFFF  }
0xe4: {  	_ =	strace $0x90000053  }
0xe5: {  	s0 =	stileid.u32;
	[bflag:$0x2] =	sbarrier.arrive $0xFFFF  }
0xe6: {  	p0 =	sne.s32 s0, $0x0;
	s0 =	rddreg [dreg:$0x3]  }
0xe7: {  	s0 =	sadd.s32 @!p0 $0x100000, s0  }
0xe8: {  	[sflag:s0] =	ssyncadd.tile.s32 @!p0 $0x1;
	_ =	shalt  }
.Lfunc_end2:
_tile_overlayer_lowered:
.L_overlay_start_2:
0xe9: {  	(tag) =	ssettag $0x2  }
0xea: {  	s0 =	rddreg [dreg:$0x0];
	s2 =	stileid.u32  }
0xeb: {  	s1 =	rddreg [dreg:$0x1];
	p0 =	sne.s32 s2, $0x0  }
0xec: {  	s3 =	rddreg [dreg:$0x2];
	[bflag:$0x3] =	sbarrier.arrive $0xFFFF;
	s2 =	simm.s32 @!p0 $0x1C02  }
0xed: {  	[timem:s3], [sflag:s2] =	dma.local @!p0 [hbm:s0], s1  }
0xee: {  	s0 =	simm.s32 @!p0 $0x2  }
0xef: {  	_ =	swait.ge @!p0 [sflag:s0], s1  }
0xf0: {  	s1 =	ssub.s32 @!p0 $0x0, s1;
	[sflag:s0] =	ssyncset.done @!p0 $0x0  }
0xf1: {  	[sflag:s0] =	ssyncadd.s32 @!p0 s1  }
0xf2: {  	[bflag:$0x3] =	sbarrier.arrive $0xFFFF  }
0xf3: {  	_ =	shalt  }

</sc_bundles>
